<compile_context>
chip_gen: v7x
topology: tpu7x:2x2x1
jax: 0.10.2.dev20260603
libtpu: 0.0.44.dev20260713+nightly
codegen_flags: <defaults>
</compile_context>

<pallas_src>
import dataclasses
import functools

import jax
import jax.numpy as jnp
from jax import lax
from jax.experimental import pallas as pl
from jax.experimental.pallas import tpu as pltpu
from jax.experimental.pallas import tpu_sc as plsc

N = 524288
D = 8
NUM_WORKERS = 32
Q_PER_WORKER = N // NUM_WORKERS
SB = 512
NSB = Q_PER_WORKER // SB
NJ = SB // 128
CHUNK = 8
NUM_CHUNKS = N // CHUNK
LANES = 16


FRONT_C = 16384
FRONT_G = N // FRONT_C


def _front_body(st_ref, ep_ref, on_ref, lw_ref, t_ref, s_ref, sc_ref, sg_ref,
                pm_ref, cp_ref, mc_ref, fg_ref, ns_ref, lo_ref):
    st = st_ref[...]
    ep = ep_ref[...]
    ns = st + (ep * sg_ref[...]) * sc_ref[...]
    d = ns - pm_ref[...]
    sq = cp_ref[...] * (d * d)
    x = ns[0:1]
    sp = jnp.where(x != x, x, jnp.maximum(x, 0.0) + jnp.log1p(jnp.exp(-jnp.abs(x))))
    neg_rate = -sp
    dt = jnp.maximum(t_ref[...] - on_ref[...], 0.0)
    p = jnp.exp(neg_rate * dt)
    diff = s_ref[...] - p
    sq2 = diff * diff
    s_pr = jnp.sum(sq, axis=0, keepdims=True)
    s_ll = jnp.sum(sq2, axis=0, keepdims=True)
    logw = (fg_ref[0, 0] * lw_ref[...] + s_ll * mc_ref[0, 0]) + s_pr * (-0.5)
    ns_ref[...] = ns
    lo_ref[...] = logw


def _front_tc(states_T, eps_T, on2, lw2, t32, s32, scale, sigma, pm, cp, m05c, fgt):
    blk8 = lambda i: (0, i)
    small = pl.BlockSpec((8, 1), lambda i: (0, 0))
    one = pl.BlockSpec((1, 1), lambda i: (0, 0))
    return pl.pallas_call(
        _front_body,
        grid=(FRONT_G,),
        in_specs=[
            pl.BlockSpec((8, FRONT_C), blk8),
            pl.BlockSpec((8, FRONT_C), blk8),
            pl.BlockSpec((1, FRONT_C), blk8),
            pl.BlockSpec((1, FRONT_C), blk8),
            pl.BlockSpec((32, 1), lambda i: (0, 0)),
            pl.BlockSpec((32, 1), lambda i: (0, 0)),
            small, small, small, small, one, one,
        ],
        out_specs=[
            pl.BlockSpec((8, FRONT_C), blk8),
            pl.BlockSpec((1, FRONT_C), blk8),
        ],
        out_shape=[
            jax.ShapeDtypeStruct((8, N), jnp.float32),
            jax.ShapeDtypeStruct((1, N), jnp.float32),
        ],
    )(states_T, eps_T, on2, lw2, t32, s32, scale, sigma, pm, cp, m05c, fgt)


def _sc_compiler_params():
    cp = pltpu.CompilerParams()
    fields = pltpu.CompilerParams.__dataclass_fields__
    if "needs_layout_passes" in fields:
        cp = dataclasses.replace(cp, needs_layout_passes=False)
    if "use_tc_tiling_on_sc" in fields:
        cp = dataclasses.replace(cp, use_tc_tiling_on_sc=False)
    return cp


def _resample_sc(cdf8, chunk_cdf, u_samples, new_states):
    mesh = plsc.VectorSubcoreMesh(core_axis_name="c", subcore_axis_name="s")

    @functools.partial(
        pl.kernel,
        out_type=jax.ShapeDtypeStruct((N, D), jnp.float32),
        mesh=mesh,
        compiler_params=_sc_compiler_params(),
        scratch_types=[
            pltpu.VMEM((NUM_CHUNKS,), jnp.float32),
            pltpu.VMEM((2, SB), jnp.float32),
            pltpu.VMEM((NJ, 128), jnp.int32),
            pltpu.VMEM((SB, CHUNK), jnp.float32),
            pltpu.VMEM((NJ, 128), jnp.int32),
            pltpu.VMEM((2, SB, D), jnp.float32),
            pltpu.SemaphoreType.DMA,
            pltpu.SemaphoreType.DMA,
            pltpu.SemaphoreType.DMA,
            pltpu.SemaphoreType.DMA,
            pltpu.SemaphoreType.DMA,
            pltpu.SemaphoreType.DMA,
        ],
    )
    def k(cdf8_hbm, t_hbm, u_hbm, ns_hbm, out_hbm,
          t_v, u_v, c_v, rows_v, i_v, o_v, su0, su1, sg, sn, so0, so1):
        wid = lax.axis_index("s") * 2 + lax.axis_index("c")
        base_q = wid * Q_PER_WORKER
        su = (su0, su1)
        so = (so0, so1)
        pltpu.sync_copy(t_hbm, t_v)
        pltpu.async_copy(u_hbm.at[pl.ds(base_q, SB)], u_v.at[0], su0)

        @pl.loop(0, NSB // 2)
        def _(g):
            for par in (0, 1):
                s = g * 2 + par
                qb = base_q + s * SB

                @pl.when(g >= 1)
                def _():
                    pltpu.make_async_copy(
                        o_v.at[par], out_hbm.at[pl.ds(base_q, SB)], so[par]
                    ).wait()

                pltpu.make_async_copy(
                    u_hbm.at[pl.ds(base_q, SB)], u_v.at[par], su[par]
                ).wait()

                @pl.when(s + 1 < NSB)
                def _():
                    pltpu.async_copy(
                        u_hbm.at[pl.ds(qb + SB, SB)], u_v.at[1 - par], su[1 - par]
                    )

                g_handles = []
                for j in range(NJ):
                    @pl.loop(0, 128, step=LANES)
                    def _(voff, j=j):
                        u16 = u_v[par, pl.ds(j * 128 + voff, LANES)]
                        pos = jnp.zeros((LANES,), jnp.int32)
                        for bit in [1 << b for b in range(15, -1, -1)]:
                            probe = pos + (bit - 1)
                            val = plsc.load_gather(t_v, [probe])
                            pos = pos + jnp.where(val < u16, jnp.int32(bit), jnp.int32(0))
                        c_v[j, pl.ds(voff, LANES)] = pos

                    g_handles.append(
                        pltpu.async_copy(
                            cdf8_hbm.at[c_v.at[j]],
                            rows_v.at[pl.ds(j * 128, 128)],
                            sg,
                        )
                    )

                n_handles = []
                for j in range(NJ):
                    g_handles[j].wait()

                    @pl.loop(0, 128, step=LANES)
                    def _(voff, j=j):
                        u16 = u_v[par, pl.ds(j * 128 + voff, LANES)]
                        c16 = c_v[j, pl.ds(voff, LANES)]
                        row = j * 128 + voff + lax.iota(jnp.int32, LANES)
                        cnt = jnp.zeros((LANES,), jnp.int32)
                        for kk in range(CHUNK - 1):
                            col = jnp.full((LANES,), kk, jnp.int32)
                            vals = plsc.load_gather(rows_v, [row, col])
                            cnt = cnt + jnp.where(vals < u16, jnp.int32(1), jnp.int32(0))
                        i_v[j, pl.ds(voff, LANES)] = jnp.minimum(
                            c16 * CHUNK + cnt, jnp.int32(N - 1)
                        )

                    n_handles.append(
                        pltpu.async_copy(
                            ns_hbm.at[i_v.at[j]],
                            o_v.at[par, pl.ds(j * 128, 128)],
                            sn,
                        )
                    )

                for j in range(NJ):
                    n_handles[j].wait()
                pltpu.async_copy(o_v.at[par], out_hbm.at[pl.ds(qb, SB)], so[par])

        pltpu.make_async_copy(o_v.at[0], out_hbm.at[pl.ds(base_q, SB)], so0).wait()
        pltpu.make_async_copy(o_v.at[1], out_hbm.at[pl.ds(base_q, SB)], so1).wait()

    return k(cdf8, chunk_cdf, u_samples, new_states)


def kernel(t_obs, s_obs, states, log_weights, onsets, sigma, noise_eps, u_samples, W1, b1, W2, b2, W3, b3):
    d = states.shape[1]
    Bn = t_obs.shape[0]
    mean_loglik = jnp.zeros((Bn,), dtype=t_obs.dtype)
    std_loglik = jnp.zeros((Bn,), dtype=t_obs.dtype)
    ess = jnp.ones((Bn,), dtype=t_obs.dtype)
    x = jnp.stack([t_obs / 100.0, s_obs, jnp.tanh(mean_loglik / 50.0), jnp.tanh(std_loglik / 10.0), ess], axis=-1)
    h = jax.nn.relu(x @ W1 + b1)
    h = jax.nn.relu(h @ W2 + b2)
    out = jax.nn.softplus(h @ W3 + b3)
    out_mean = out.mean(axis=0)
    noise_scale = out_mean[:d]
    correction = out_mean[d:]
    correct_prior = correction[:d]
    correct_lik = correction[-2]
    forget_lik = correction[-1]
    prior_mean = jnp.mean(states, axis=0)
    m05c = correct_lik * jnp.float32(-0.5)
    ns_t, logw2 = _front_tc(
        states.T, noise_eps.T, onsets.reshape(1, N), log_weights.reshape(1, N),
        t_obs.reshape(32, 1), s_obs.reshape(32, 1), noise_scale.reshape(8, 1),
        sigma.reshape(8, 1), prior_mean.reshape(8, 1), correct_prior.reshape(8, 1),
        m05c.reshape(1, 1), forget_lik.reshape(1, 1))
    new_states = ns_t.T
    new_logw = logw2.reshape(N)
    weights = jax.nn.softmax(new_logw)
    cdf = jnp.cumsum(weights)
    cdf8 = cdf.reshape(NUM_CHUNKS, CHUNK)
    chunk_cdf = cdf8[:, CHUNK - 1]
    return _resample_sc(cdf8, chunk_cdf, u_samples, new_states)

# --- scband reference (transcript-rebuilt; emitter-appended) ---
"""Pipeline reference for scband-particle-filter-model-67637144977535 (READ-ONLY COPY).

The authoritative reference and input builder live on the scoring server;
editing this copy changes nothing except your own understanding.
"""

import jax, jax.numpy as jnp
import numpy as np

N = 524288
D = 8
B = 32
H = 128

def setup_inputs(seed: int = 0):
    key = jax.random.key(seed)
    ks = jax.random.split(key, 11)
    return {
        "t_obs": jax.random.uniform(ks[0], (B,), dtype=jnp.float32) * 100.0,
        "s_obs": jax.random.uniform(ks[1], (B,), dtype=jnp.float32),
        "states": jax.random.normal(ks[2], (N, D), dtype=jnp.float32),
        "log_weights": jax.random.normal(ks[3], (N,), dtype=jnp.float32),
        "onsets": jax.random.uniform(ks[4], (N,), dtype=jnp.float32) * 100.0,
        "sigma": jax.random.uniform(ks[5], (D,), dtype=jnp.float32) + 0.01,
        "noise_eps": jax.random.normal(ks[6], (N, D), dtype=jnp.float32),
        "u_samples": jax.random.uniform(ks[7], (N,), dtype=jnp.float32),
        "W1": jax.random.normal(ks[8], (5, H), dtype=jnp.float32) * 0.1,
        "b1": jnp.zeros((H,), dtype=jnp.float32),
        "W2": jax.random.normal(ks[9], (H, H), dtype=jnp.float32) * 0.1,
        "b2": jnp.zeros((H,), dtype=jnp.float32),
        "W3": jax.random.normal(ks[10], (H, 2 * D + 2), dtype=jnp.float32) * 0.1,
        "b3": jnp.zeros((2 * D + 2,), dtype=jnp.float32),
    }

def reference(t_obs, s_obs, states, log_weights, onsets, sigma, noise_eps, u_samples, W1, b1, W2, b2, W3, b3):
    d = states.shape[1]
    Bn = t_obs.shape[0]
    # buffers after reset(): loglik_mean=0, loglik_std=0, ess=1, expanded to batch
    mean_loglik = jnp.zeros((Bn,), dtype=t_obs.dtype)
    std_loglik = jnp.zeros((Bn,), dtype=t_obs.dtype)
    ess = jnp.ones((Bn,), dtype=t_obs.dtype)
    # ParticleFilterMLP.tuple_in
    x = jnp.stack([t_obs / 100.0, s_obs, jnp.tanh(mean_loglik / 50.0), jnp.tanh(std_loglik / 10.0), ess], axis=-1)
    # MLP forward with softplus head (ParticleFilterMLP.forward)
    h = jax.nn.relu(x @ W1 + b1)
    h = jax.nn.relu(h @ W2 + b2)
    out = jax.nn.softplus(h @ W3 + b3)
    # tuple_forward_mean: mean over batch then split into heads
    out_mean = out.mean(axis=0)
    noise_scale = out_mean[:d]
    correction = out_mean[d:]
    correct_prior = correction[:d]
    correct_lik = correction[-2]
    forget_lik = correction[-1]
    # predict: DiagonalMahalanobisNoise roughening (states + eps * sigma * scale)
    new_states = states + noise_eps * sigma[None, :] * noise_scale[None, :]
    # correct: log-likelihood of observations under exponential degradation model
    rate = jax.nn.softplus(new_states[:, 0:1])
    dt = jnp.maximum(t_obs[None, :] - onsets[:, None], 0.0)
    s_pred = jnp.exp(-rate * dt)
    loglik = -0.5 * jnp.sum((s_obs[None, :] - s_pred) ** 2, axis=1)
    prior_mean = jnp.mean(states, axis=0)
    prior_term = -0.5 * jnp.sum(correct_prior[None, :] * (new_states - prior_mean[None, :]) ** 2, axis=1)
    new_logw = forget_lik * log_weights + correct_lik * loglik + prior_term
    weights = jax.nn.softmax(new_logw)
    # multinomial resampling via inverse-CDF (torch.multinomial with replacement)
    cdf = jnp.cumsum(weights)
    idx = jnp.clip(jnp.searchsorted(cdf, u_samples), 0, weights.shape[0] - 1)
    resampled = jnp.take(new_states, idx, axis=0)
    return resampled

if __name__ == "__main__":
    import jax
    _d = setup_inputs()
    print(jax.jit(kernel)(*tuple(_d.values())))

</pallas_src>

<mosaic_0001>
#map = affine_map<(d0, d1) -> (0, 0)>
#map1 = affine_map<(d0, d1) -> (0)>
module attributes {stable_mosaic.version = 14 : i64} {
  func.func @k(%arg0: i32, %arg1: i32, %arg2: memref<65536x8xf32, #tpu.memory_space<hbm>>, %arg3: memref<65536xf32, #tpu.memory_space<hbm>>, %arg4: memref<524288xf32, #tpu.memory_space<hbm>>, %arg5: memref<524288x8xf32, #tpu.memory_space<hbm>>, %arg6: memref<524288x8xf32, #tpu.memory_space<hbm>>, %arg7: memref<65536xf32, #tpu.memory_space<vmem>>, %arg8: memref<2x512xf32, #tpu.memory_space<vmem>>, %arg9: memref<4x128xi32, #tpu.memory_space<vmem>>, %arg10: memref<512x8xf32, #tpu.memory_space<vmem>>, %arg11: memref<4x128xi32, #tpu.memory_space<vmem>>, %arg12: memref<2x512x8xf32, #tpu.memory_space<vmem>>, %arg13: memref<!tpu.dma_semaphore, #tpu.memory_space<semaphore_mem>>, %arg14: memref<!tpu.dma_semaphore, #tpu.memory_space<semaphore_mem>>, %arg15: memref<!tpu.dma_semaphore, #tpu.memory_space<semaphore_mem>>, %arg16: memref<!tpu.dma_semaphore, #tpu.memory_space<semaphore_mem>>, %arg17: memref<!tpu.dma_semaphore, #tpu.memory_space<semaphore_mem>>, %arg18: memref<!tpu.dma_semaphore, #tpu.memory_space<semaphore_mem>>) attributes {dimension_semantics = [#tpu.dimension_semantics<core_parallel>, #tpu.dimension_semantics<subcore_parallel>], iteration_bounds = array<i64: 2, 16>, scalar_prefetch = 0 : i64, scratch_operands = 12 : i64, tpu.core_type = #tpu.core_type<sc_vector_subcore>, window_params = [{transform_indices = #map}, {transform_indices = #map1}, {transform_indices = #map1}, {transform_indices = #map}, {transform_indices = #map}]} {
    %mul3A = arith.constant 2 : i32
    %mul3A_0 = arith.muli %arg1, %mul3A : i32
    %add3A = arith.addi %mul3A_0, %arg0 : i32
    %mul3A_1 = arith.constant 16384 : i32
    %mul3A_2 = arith.muli %add3A, %mul3A_1 : i32
    "tpu.region"() ({
      %run_scoped3A = tpu.sem_alloc : memref<!tpu.dma_semaphore, #tpu.memory_space<semaphore_mem>>
      tpu.enqueue_dma source(%arg3 : memref<65536xf32, #tpu.memory_space<hbm>>) target(%arg7 : memref<65536xf32, #tpu.memory_space<vmem>>) target_semaphore(%run_scoped3A : memref<!tpu.dma_semaphore, #tpu.memory_space<semaphore_mem>>)
      tpu.wait_dma2 semaphore(%run_scoped3A : memref<!tpu.dma_semaphore, #tpu.memory_space<semaphore_mem>>) src(%arg3 : memref<65536xf32, #tpu.memory_space<hbm>>) dst(%arg7 : memref<65536xf32, #tpu.memory_space<vmem>>)
      tpu.yield
    }) : () -> ()
    %dma_start3A = arith.constant 0 : i32
    %dma_start3A_3 = arith.constant 0 : i32
    %dma_start3A_4 = tpu.memref_slice %arg8[%dma_start3A, %dma_start3A_3] : memref<2x512xf32, #tpu.memory_space<vmem>> -> memref<1x512xf32, #tpu.memory_space<vmem>>
    %dma_start3A_5 = tpu.memref_squeeze %dma_start3A_4 : memref<1x512xf32, #tpu.memory_space<vmem>> -> memref<512xf32, #tpu.memory_space<vmem>>
    %dma_start3A_6 = tpu.memref_slice %arg4[%mul3A_2] : memref<524288xf32, #tpu.memory_space<hbm>> -> memref<512xf32, #tpu.memory_space<hbm>>
    %dma_start3A_7 = arith.constant 0 : i32
    %dma_start3A_8 = tpu.memref_slice %arg8[%dma_start3A, %dma_start3A_7] : memref<2x512xf32, #tpu.memory_space<vmem>> -> memref<1x512xf32, #tpu.memory_space<vmem>>
    %dma_start3A_9 = tpu.memref_squeeze %dma_start3A_8 : memref<1x512xf32, #tpu.memory_space<vmem>> -> memref<512xf32, #tpu.memory_space<vmem>>
    %dma_start3A_10 = tpu.memref_slice %arg4[%mul3A_2] : memref<524288xf32, #tpu.memory_space<hbm>> -> memref<512xf32, #tpu.memory_space<hbm>>
    tpu.enqueue_dma source(%dma_start3A_10 : memref<512xf32, #tpu.memory_space<hbm>>) target(%dma_start3A_9 : memref<512xf32, #tpu.memory_space<vmem>>) target_semaphore(%arg13 : memref<!tpu.dma_semaphore, #tpu.memory_space<semaphore_mem>>)
    %scan3A = arith.constant 0 : i32
    %scan3A_11 = arith.constant 16 : i32
    %scan3A_12 = arith.addi %scan3A, %scan3A_11 : i32
    %scan3A_13 = arith.constant 1 : i32
    scf.for %scan3A_40 = %scan3A to %scan3A_12 step %scan3A_13  : i32 {
      %mul3A_41 = arith.constant 1 : i32
      %mul3A_42 = arith.muli %scan3A_40, %mul3A_41 : i32
      %add3A_43 = arith.constant 0 : i32
      %add3A_44 = arith.addi %add3A_43, %mul3A_42 : i32
      %mul3A_45 = arith.constant 2 : i32
      %mul3A_46 = arith.muli %add3A_44, %mul3A_45 : i32
      %add3A_47 = arith.constant 0 : i32
      %add3A_48 = arith.addi %mul3A_46, %add3A_47 : i32
      %mul3A_49 = arith.constant 512 : i32
      %mul3A_50 = arith.muli %add3A_48, %mul3A_49 : i32
      %add3A_51 = arith.addi %mul3A_2, %mul3A_50 : i32
      %ge3A = arith.constant 1 : i32
      %ge3A_52 = arith.cmpi sge, %add3A_44, %ge3A : i32
      %convert_element_type3A = arith.extui %ge3A_52 : i1 to i32
      %cond3A = arith.constant 0 : i32
      %cond3A_53 = arith.cmpi ne, %convert_element_type3A, %cond3A : i32
      scf.if %cond3A_53 {
        %dma_wait3A_555 = arith.constant 0 : i32
        %dma_wait3A_556 = arith.constant 0 : i32
        %dma_wait3A_557 = arith.constant 0 : i32
        %dma_wait3A_558 = tpu.memref_slice %arg12[%dma_wait3A_555, %dma_wait3A_556, %dma_wait3A_557] : memref<2x512x8xf32, #tpu.memory_space<vmem>> -> memref<1x512x8xf32, #tpu.memory_space<vmem>>
        %dma_wait3A_559 = tpu.memref_squeeze %dma_wait3A_558 : memref<1x512x8xf32, #tpu.memory_space<vmem>> -> memref<512x8xf32, #tpu.memory_space<vmem>>
        %dma_wait3A_560 = arith.constant 0 : i32
        %dma_wait3A_561 = tpu.memref_slice %arg6[%mul3A_2, %dma_wait3A_560] : memref<524288x8xf32, #tpu.memory_space<hbm>> -> memref<512x8xf32, #tpu.memory_space<hbm>>
        %dma_wait3A_562 = arith.constant 0 : i32
        %dma_wait3A_563 = tpu.memref_slice %arg6[%mul3A_2, %dma_wait3A_562] : memref<524288x8xf32, #tpu.memory_space<hbm>> -> memref<512x8xf32, #tpu.memory_space<hbm>>
        %dma_wait3A_564 = arith.constant 0 : i32
        %dma_wait3A_565 = arith.constant 0 : i32
        %dma_wait3A_566 = tpu.memref_slice %arg12[%dma_wait3A_555, %dma_wait3A_564, %dma_wait3A_565] : memref<2x512x8xf32, #tpu.memory_space<vmem>> -> memref<1x512x8xf32, #tpu.memory_space<vmem>>
        %dma_wait3A_567 = tpu.memref_squeeze %dma_wait3A_566 : memref<1x512x8xf32, #tpu.memory_space<vmem>> -> memref<512x8xf32, #tpu.memory_space<vmem>>
        tpu.wait_dma2 semaphore(%arg17 : memref<!tpu.dma_semaphore, #tpu.memory_space<semaphore_mem>>) src(%dma_wait3A_567 : memref<512x8xf32, #tpu.memory_space<vmem>>) dst(%dma_wait3A_563 : memref<512x8xf32, #tpu.memory_space<hbm>>)
      } else {
      }
      %dma_wait3A_54 = arith.constant 0 : i32
      %dma_wait3A_55 = arith.constant 0 : i32
      %dma_wait3A_56 = tpu.memref_slice %arg8[%dma_wait3A_54, %dma_wait3A_55] : memref<2x512xf32, #tpu.memory_space<vmem>> -> memref<1x512xf32, #tpu.memory_space<vmem>>
      %dma_wait3A_57 = tpu.memref_squeeze %dma_wait3A_56 : memref<1x512xf32, #tpu.memory_space<vmem>> -> memref<512xf32, #tpu.memory_space<vmem>>
      %dma_wait3A_58 = tpu.memref_slice %arg4[%mul3A_2] : memref<524288xf32, #tpu.memory_space<hbm>> -> memref<512xf32, #tpu.memory_space<hbm>>
      %dma_wait3A_59 = arith.constant 0 : i32
      %dma_wait3A_60 = tpu.memref_slice %arg8[%dma_wait3A_54, %dma_wait3A_59] : memref<2x512xf32, #tpu.memory_space<vmem>> -> memref<1x512xf32, #tpu.memory_space<vmem>>
      %dma_wait3A_61 = tpu.memref_squeeze %dma_wait3A_60 : memref<1x512xf32, #tpu.memory_space<vmem>> -> memref<512xf32, #tpu.memory_space<vmem>>
      %dma_wait3A_62 = tpu.memref_slice %arg4[%mul3A_2] : memref<524288xf32, #tpu.memory_space<hbm>> -> memref<512xf32, #tpu.memory_space<hbm>>
      tpu.wait_dma2 semaphore(%arg13 : memref<!tpu.dma_semaphore, #tpu.memory_space<semaphore_mem>>) src(%dma_wait3A_62 : memref<512xf32, #tpu.memory_space<hbm>>) dst(%dma_wait3A_61 : memref<512xf32, #tpu.memory_space<vmem>>)
      %add3A_63 = arith.constant 1 : i32
      %add3A_64 = arith.addi %add3A_48, %add3A_63 : i32
      %lt3A = arith.constant 32 : i32
      %lt3A_65 = arith.cmpi slt, %add3A_64, %lt3A : i32
      %convert_element_type3A_66 = arith.extui %lt3A_65 : i1 to i32
      %cond3A_67 = arith.constant 0 : i32
      %cond3A_68 = arith.cmpi ne, %convert_element_type3A_66, %cond3A_67 : i32
      scf.if %cond3A_68 {
        %add3A_555 = arith.constant 512 : i32
        %add3A_556 = arith.addi %add3A_51, %add3A_555 : i32
        %dma_start3A_557 = arith.constant 1 : i32
        %dma_start3A_558 = arith.constant 0 : i32
        %dma_start3A_559 = tpu.memref_slice %arg8[%dma_start3A_557, %dma_start3A_558] : memref<2x512xf32, #tpu.memory_space<vmem>> -> memref<1x512xf32, #tpu.memory_space<vmem>>
        %dma_start3A_560 = tpu.memref_squeeze %dma_start3A_559 : memref<1x512xf32, #tpu.memory_space<vmem>> -> memref<512xf32, #tpu.memory_space<vmem>>
        %dma_start3A_561 = tpu.memref_slice %arg4[%add3A_556] : memref<524288xf32, #tpu.memory_space<hbm>> -> memref<512xf32, #tpu.memory_space<hbm>>
        %dma_start3A_562 = arith.constant 0 : i32
        %dma_start3A_563 = tpu.memref_slice %arg8[%dma_start3A_557, %dma_start3A_562] : memref<2x512xf32, #tpu.memory_space<vmem>> -> memref<1x512xf32, #tpu.memory_space<vmem>>
        %dma_start3A_564 = tpu.memref_squeeze %dma_start3A_563 : memref<1x512xf32, #tpu.memory_space<vmem>> -> memref<512xf32, #tpu.memory_space<vmem>>
        %dma_start3A_565 = tpu.memref_slice %arg4[%add3A_556] : memref<524288xf32, #tpu.memory_space<hbm>> -> memref<512xf32, #tpu.memory_space<hbm>>
        tpu.enqueue_dma source(%dma_start3A_565 : memref<512xf32, #tpu.memory_space<hbm>>) target(%dma_start3A_564 : memref<512xf32, #tpu.memory_space<vmem>>) target_semaphore(%arg14 : memref<!tpu.dma_semaphore, #tpu.memory_space<semaphore_mem>>)
      } else {
      }
      %scan3A_69 = arith.constant 0 : i32
      %scan3A_70 = arith.constant 8 : i32
      %scan3A_71 = arith.addi %scan3A_69, %scan3A_70 : i32
      %scan3A_72 = arith.constant 1 : i32
      scf.for %scan3A_555 = %scan3A_69 to %scan3A_71 step %scan3A_72  : i32 {
        %mul3A_556 = arith.constant 16 : i32
        %mul3A_557 = arith.muli %scan3A_555, %mul3A_556 : i32
        %add3A_558 = arith.constant 0 : i32
        %add3A_559 = arith.addi %add3A_558, %mul3A_557 : i32
        %add3A_560 = arith.constant 0 : i32
        %add3A_561 = arith.addi %add3A_560, %add3A_559 : i32
        %get3A = arith.constant 0 : i32
        %get3A_562 = arith.index_cast %get3A : i32 to index
        %get3A_563 = arith.index_cast %add3A_561 : i32 to index
        %get3A_564 = tpu.vector_load %arg8[%get3A_562, %get3A_563] {strides = array<i32>} : memref<2x512xf32, #tpu.memory_space<vmem>>, vector<16xf32>,
        %broadcast_in_dim3A = arith.constant 0 : i32
        %broadcast_in_dim3A_565 = vector.broadcast %broadcast_in_dim3A : i32 to vector<16xi32>
        %add3A_566 = arith.constant 32767 : i32
        %add3A_567 = vector.broadcast %add3A_566 : i32 to vector<16xi32>
        %add3A_568 = arith.addi %broadcast_in_dim3A_565, %add3A_567 : vector<16xi32>
        %gather3A = tpu.vector_load_idx %arg7[%add3A_568] : memref<65536xf32, #tpu.memory_space<vmem>>[vector<16xi32>], vector<16xf32>,
        %lt3A_569 = arith.cmpf olt, %gather3A, %get3A_564 : vector<16xf32>
        %jit3A = arith.constant 32768 : i32
        %jit3A_570 = arith.constant 0 : i32
        %broadcast_in_dim3A_571 = vector.broadcast %jit3A : i32 to vector<16xi32>
        %broadcast_in_dim3A_572 = vector.broadcast %jit3A_570 : i32 to vector<16xi32>
        %select_n3A = arith.select %lt3A_569, %broadcast_in_dim3A_571, %broadcast_in_dim3A_572 : vector<16xi1>, vector<16xi32>
        %add3A_573 = arith.addi %broadcast_in_dim3A_565, %select_n3A : vector<16xi32>
        %add3A_574 = arith.constant 16383 : i32
        %add3A_575 = vector.broadcast %add3A_574 : i32 to vector<16xi32>
        %add3A_576 = arith.addi %add3A_573, %add3A_575 : vector<16xi32>
        %gather3A_577 = tpu.vector_load_idx %arg7[%add3A_576] : memref<65536xf32, #tpu.memory_space<vmem>>[vector<16xi32>], vector<16xf32>,
        %lt3A_578 = arith.cmpf olt, %gather3A_577, %get3A_564 : vector<16xf32>
        %jit3A_579 = arith.constant 16384 : i32
        %jit3A_580 = arith.constant 0 : i32
        %broadcast_in_dim3A_581 = vector.broadcast %jit3A_579 : i32 to vector<16xi32>
        %broadcast_in_dim3A_582 = vector.broadcast %jit3A_580 : i32 to vector<16xi32>
        %select_n3A_583 = arith.select %lt3A_578, %broadcast_in_dim3A_581, %broadcast_in_dim3A_582 : vector<16xi1>, vector<16xi32>
        %add3A_584 = arith.addi %add3A_573, %select_n3A_583 : vector<16xi32>
        %add3A_585 = arith.constant 8191 : i32
        %add3A_586 = vector.broadcast %add3A_585 : i32 to vector<16xi32>
        %add3A_587 = arith.addi %add3A_584, %add3A_586 : vector<16xi32>
        %gather3A_588 = tpu.vector_load_idx %arg7[%add3A_587] : memref<65536xf32, #tpu.memory_space<vmem>>[vector<16xi32>], vector<16xf32>,
        %lt3A_589 = arith.cmpf olt, %gather3A_588, %get3A_564 : vector<16xf32>
        %jit3A_590 = arith.constant 8192 : i32
        %jit3A_591 = arith.constant 0 : i32
        %broadcast_in_dim3A_592 = vector.broadcast %jit3A_590 : i32 to vector<16xi32>
        %broadcast_in_dim3A_593 = vector.broadcast %jit3A_591 : i32 to vector<16xi32>
        %select_n3A_594 = arith.select %lt3A_589, %broadcast_in_dim3A_592, %broadcast_in_dim3A_593 : vector<16xi1>, vector<16xi32>
        %add3A_595 = arith.addi %add3A_584, %select_n3A_594 : vector<16xi32>
        %add3A_596 = arith.constant 4095 : i32
        %add3A_597 = vector.broadcast %add3A_596 : i32 to vector<16xi32>
        %add3A_598 = arith.addi %add3A_595, %add3A_597 : vector<16xi32>
        %gather3A_599 = tpu.vector_load_idx %arg7[%add3A_598] : memref<65536xf32, #tpu.memory_space<vmem>>[vector<16xi32>], vector<16xf32>,
        %lt3A_600 = arith.cmpf olt, %gather3A_599, %get3A_564 : vector<16xf32>
        %jit3A_601 = arith.constant 4096 : i32
        %jit3A_602 = arith.constant 0 : i32
        %broadcast_in_dim3A_603 = vector.broadcast %jit3A_601 : i32 to vector<16xi32>
        %broadcast_in_dim3A_604 = vector.broadcast %jit3A_602 : i32 to vector<16xi32>
        %select_n3A_605 = arith.select %lt3A_600, %broadcast_in_dim3A_603, %broadcast_in_dim3A_604 : vector<16xi1>, vector<16xi32>
        %add3A_606 = arith.addi %add3A_595, %select_n3A_605 : vector<16xi32>
        %add3A_607 = arith.constant 2047 : i32
        %add3A_608 = vector.broadcast %add3A_607 : i32 to vector<16xi32>
        %add3A_609 = arith.addi %add3A_606, %add3A_608 : vector<16xi32>
        %gather3A_610 = tpu.vector_load_idx %arg7[%add3A_609] : memref<65536xf32, #tpu.memory_space<vmem>>[vector<16xi32>], vector<16xf32>,
        %lt3A_611 = arith.cmpf olt, %gather3A_610, %get3A_564 : vector<16xf32>
        %jit3A_612 = arith.constant 2048 : i32
        %jit3A_613 = arith.constant 0 : i32
        %broadcast_in_dim3A_614 = vector.broadcast %jit3A_612 : i32 to vector<16xi32>
        %broadcast_in_dim3A_615 = vector.broadcast %jit3A_613 : i32 to vector<16xi32>
        %select_n3A_616 = arith.select %lt3A_611, %broadcast_in_dim3A_614, %broadcast_in_dim3A_615 : vector<16xi1>, vector<16xi32>
        %add3A_617 = arith.addi %add3A_606, %select_n3A_616 : vector<16xi32>
        %add3A_618 = arith.constant 1023 : i32
        %add3A_619 = vector.broadcast %add3A_618 : i32 to vector<16xi32>
        %add3A_620 = arith.addi %add3A_617, %add3A_619 : vector<16xi32>
        %gather3A_621 = tpu.vector_load_idx %arg7[%add3A_620] : memref<65536xf32, #tpu.memory_space<vmem>>[vector<16xi32>], vector<16xf32>,
        %lt3A_622 = arith.cmpf olt, %gather3A_621, %get3A_564 : vector<16xf32>
        %jit3A_623 = arith.constant 1024 : i32
        %jit3A_624 = arith.constant 0 : i32
        %broadcast_in_dim3A_625 = vector.broadcast %jit3A_623 : i32 to vector<16xi32>
        %broadcast_in_dim3A_626 = vector.broadcast %jit3A_624 : i32 to vector<16xi32>
        %select_n3A_627 = arith.select %lt3A_622, %broadcast_in_dim3A_625, %broadcast_in_dim3A_626 : vector<16xi1>, vector<16xi32>
        %add3A_628 = arith.addi %add3A_617, %select_n3A_627 : vector<16xi32>
        %add3A_629 = arith.constant 511 : i32
        %add3A_630 = vector.broadcast %add3A_629 : i32 to vector<16xi32>
        %add3A_631 = arith.addi %add3A_628, %add3A_630 : vector<16xi32>
        %gather3A_632 = tpu.vector_load_idx %arg7[%add3A_631] : memref<65536xf32, #tpu.memory_space<vmem>>[vector<16xi32>], vector<16xf32>,
        %lt3A_633 = arith.cmpf olt, %gather3A_632, %get3A_564 : vector<16xf32>
        %jit3A_634 = arith.constant 512 : i32
        %jit3A_635 = arith.constant 0 : i32
        %broadcast_in_dim3A_636 = vector.broadcast %jit3A_634 : i32 to vector<16xi32>
        %broadcast_in_dim3A_637 = vector.broadcast %jit3A_635 : i32 to vector<16xi32>
        %select_n3A_638 = arith.select %lt3A_633, %broadcast_in_dim3A_636, %broadcast_in_dim3A_637 : vector<16xi1>, vector<16xi32>
        %add3A_639 = arith.addi %add3A_628, %select_n3A_638 : vector<16xi32>
        %add3A_640 = arith.constant 255 : i32
        %add3A_641 = vector.broadcast %add3A_640 : i32 to vector<16xi32>
        %add3A_642 = arith.addi %add3A_639, %add3A_641 : vector<16xi32>
        %gather3A_643 = tpu.vector_load_idx %arg7[%add3A_642] : memref<65536xf32, #tpu.memory_space<vmem>>[vector<16xi32>], vector<16xf32>,
        %lt3A_644 = arith.cmpf olt, %gather3A_643, %get3A_564 : vector<16xf32>
        %jit3A_645 = arith.constant 256 : i32
        %jit3A_646 = arith.constant 0 : i32
        %broadcast_in_dim3A_647 = vector.broadcast %jit3A_645 : i32 to vector<16xi32>
        %broadcast_in_dim3A_648 = vector.broadcast %jit3A_646 : i32 to vector<16xi32>
        %select_n3A_649 = arith.select %lt3A_644, %broadcast_in_dim3A_647, %broadcast_in_dim3A_648 : vector<16xi1>, vector<16xi32>
        %add3A_650 = arith.addi %add3A_639, %select_n3A_649 : vector<16xi32>
        %add3A_651 = arith.constant 127 : i32
        %add3A_652 = vector.broadcast %add3A_651 : i32 to vector<16xi32>
        %add3A_653 = arith.addi %add3A_650, %add3A_652 : vector<16xi32>
        %gather3A_654 = tpu.vector_load_idx %arg7[%add3A_653] : memref<65536xf32, #tpu.memory_space<vmem>>[vector<16xi32>], vector<16xf32>,
        %lt3A_655 = arith.cmpf olt, %gather3A_654, %get3A_564 : vector<16xf32>
        %jit3A_656 = arith.constant 128 : i32
        %jit3A_657 = arith.constant 0 : i32
        %broadcast_in_dim3A_658 = vector.broadcast %jit3A_656 : i32 to vector<16xi32>
        %broadcast_in_dim3A_659 = vector.broadcast %jit3A_657 : i32 to vector<16xi32>
        %select_n3A_660 = arith.select %lt3A_655, %broadcast_in_dim3A_658, %broadcast_in_dim3A_659 : vector<16xi1>, vector<16xi32>
        %add3A_661 = arith.addi %add3A_650, %select_n3A_660 : vector<16xi32>
        %add3A_662 = arith.constant 63 : i32
        %add3A_663 = vector.broadcast %add3A_662 : i32 to vector<16xi32>
        %add3A_664 = arith.addi %add3A_661, %add3A_663 : vector<16xi32>
        %gather3A_665 = tpu.vector_load_idx %arg7[%add3A_664] : memref<65536xf32, #tpu.memory_space<vmem>>[vector<16xi32>], vector<16xf32>,
        %lt3A_666 = arith.cmpf olt, %gather3A_665, %get3A_564 : vector<16xf32>
        %jit3A_667 = arith.constant 64 : i32
        %jit3A_668 = arith.constant 0 : i32
        %broadcast_in_dim3A_669 = vector.broadcast %jit3A_667 : i32 to vector<16xi32>
        %broadcast_in_dim3A_670 = vector.broadcast %jit3A_668 : i32 to vector<16xi32>
        %select_n3A_671 = arith.select %lt3A_666, %broadcast_in_dim3A_669, %broadcast_in_dim3A_670 : vector<16xi1>, vector<16xi32>
        %add3A_672 = arith.addi %add3A_661, %select_n3A_671 : vector<16xi32>
        %add3A_673 = arith.constant 31 : i32
        %add3A_674 = vector.broadcast %add3A_673 : i32 to vector<16xi32>
        %add3A_675 = arith.addi %add3A_672, %add3A_674 : vector<16xi32>
        %gather3A_676 = tpu.vector_load_idx %arg7[%add3A_675] : memref<65536xf32, #tpu.memory_space<vmem>>[vector<16xi32>], vector<16xf32>,
        %lt3A_677 = arith.cmpf olt, %gather3A_676, %get3A_564 : vector<16xf32>
        %jit3A_678 = arith.constant 32 : i32
        %jit3A_679 = arith.constant 0 : i32
        %broadcast_in_dim3A_680 = vector.broadcast %jit3A_678 : i32 to vector<16xi32>
        %broadcast_in_dim3A_681 = vector.broadcast %jit3A_679 : i32 to vector<16xi32>
        %select_n3A_682 = arith.select %lt3A_677, %broadcast_in_dim3A_680, %broadcast_in_dim3A_681 : vector<16xi1>, vector<16xi32>
        %add3A_683 = arith.addi %add3A_672, %select_n3A_682 : vector<16xi32>
        %add3A_684 = arith.constant 15 : i32
        %add3A_685 = vector.broadcast %add3A_684 : i32 to vector<16xi32>
        %add3A_686 = arith.addi %add3A_683, %add3A_685 : vector<16xi32>
        %gather3A_687 = tpu.vector_load_idx %arg7[%add3A_686] : memref<65536xf32, #tpu.memory_space<vmem>>[vector<16xi32>], vector<16xf32>,
        %lt3A_688 = arith.cmpf olt, %gather3A_687, %get3A_564 : vector<16xf32>
        %jit3A_689 = arith.constant 16 : i32
        %jit3A_690 = arith.constant 0 : i32
        %broadcast_in_dim3A_691 = vector.broadcast %jit3A_689 : i32 to vector<16xi32>
        %broadcast_in_dim3A_692 = vector.broadcast %jit3A_690 : i32 to vector<16xi32>
        %select_n3A_693 = arith.select %lt3A_688, %broadcast_in_dim3A_691, %broadcast_in_dim3A_692 : vector<16xi1>, vector<16xi32>
        %add3A_694 = arith.addi %add3A_683, %select_n3A_693 : vector<16xi32>
        %add3A_695 = arith.constant 7 : i32
        %add3A_696 = vector.broadcast %add3A_695 : i32 to vector<16xi32>
        %add3A_697 = arith.addi %add3A_694, %add3A_696 : vector<16xi32>
        %gather3A_698 = tpu.vector_load_idx %arg7[%add3A_697] : memref<65536xf32, #tpu.memory_space<vmem>>[vector<16xi32>], vector<16xf32>,
        %lt3A_699 = arith.cmpf olt, %gather3A_698, %get3A_564 : vector<16xf32>
        %jit3A_700 = arith.constant 8 : i32
        %jit3A_701 = arith.constant 0 : i32
        %broadcast_in_dim3A_702 = vector.broadcast %jit3A_700 : i32 to vector<16xi32>
        %broadcast_in_dim3A_703 = vector.broadcast %jit3A_701 : i32 to vector<16xi32>
        %select_n3A_704 = arith.select %lt3A_699, %broadcast_in_dim3A_702, %broadcast_in_dim3A_703 : vector<16xi1>, vector<16xi32>
        %add3A_705 = arith.addi %add3A_694, %select_n3A_704 : vector<16xi32>
        %add3A_706 = arith.constant 3 : i32
        %add3A_707 = vector.broadcast %add3A_706 : i32 to vector<16xi32>
        %add3A_708 = arith.addi %add3A_705, %add3A_707 : vector<16xi32>
        %gather3A_709 = tpu.vector_load_idx %arg7[%add3A_708] : memref<65536xf32, #tpu.memory_space<vmem>>[vector<16xi32>], vector<16xf32>,
        %lt3A_710 = arith.cmpf olt, %gather3A_709, %get3A_564 : vector<16xf32>
        %jit3A_711 = arith.constant 4 : i32
        %jit3A_712 = arith.constant 0 : i32
        %broadcast_in_dim3A_713 = vector.broadcast %jit3A_711 : i32 to vector<16xi32>
        %broadcast_in_dim3A_714 = vector.broadcast %jit3A_712 : i32 to vector<16xi32>
        %select_n3A_715 = arith.select %lt3A_710, %broadcast_in_dim3A_713, %broadcast_in_dim3A_714 : vector<16xi1>, vector<16xi32>
        %add3A_716 = arith.addi %add3A_705, %select_n3A_715 : vector<16xi32>
        %add3A_717 = arith.constant 1 : i32
        %add3A_718 = vector.broadcast %add3A_717 : i32 to vector<16xi32>
        %add3A_719 = arith.addi %add3A_716, %add3A_718 : vector<16xi32>
        %gather3A_720 = tpu.vector_load_idx %arg7[%add3A_719] : memref<65536xf32, #tpu.memory_space<vmem>>[vector<16xi32>], vector<16xf32>,
        %lt3A_721 = arith.cmpf olt, %gather3A_720, %get3A_564 : vector<16xf32>
        %jit3A_722 = arith.constant 2 : i32
        %jit3A_723 = arith.constant 0 : i32
        %broadcast_in_dim3A_724 = vector.broadcast %jit3A_722 : i32 to vector<16xi32>
        %broadcast_in_dim3A_725 = vector.broadcast %jit3A_723 : i32 to vector<16xi32>
        %select_n3A_726 = arith.select %lt3A_721, %broadcast_in_dim3A_724, %broadcast_in_dim3A_725 : vector<16xi1>, vector<16xi32>
        %add3A_727 = arith.addi %add3A_716, %select_n3A_726 : vector<16xi32>
        %add3A_728 = arith.constant 0 : i32
        %add3A_729 = vector.broadcast %add3A_728 : i32 to vector<16xi32>
        %add3A_730 = arith.addi %add3A_727, %add3A_729 : vector<16xi32>
        %gather3A_731 = tpu.vector_load_idx %arg7[%add3A_730] : memref<65536xf32, #tpu.memory_space<vmem>>[vector<16xi32>], vector<16xf32>,
        %lt3A_732 = arith.cmpf olt, %gather3A_731, %get3A_564 : vector<16xf32>
        %jit3A_733 = arith.constant 1 : i32
        %jit3A_734 = arith.constant 0 : i32
        %broadcast_in_dim3A_735 = vector.broadcast %jit3A_733 : i32 to vector<16xi32>
        %broadcast_in_dim3A_736 = vector.broadcast %jit3A_734 : i32 to vector<16xi32>
        %select_n3A_737 = arith.select %lt3A_732, %broadcast_in_dim3A_735, %broadcast_in_dim3A_736 : vector<16xi1>, vector<16xi32>
        %add3A_738 = arith.addi %add3A_727, %select_n3A_737 : vector<16xi32>
        %swap3A = arith.constant 0 : i32
        %swap3A_739 = arith.index_cast %swap3A : i32 to index
        %swap3A_740 = arith.index_cast %add3A_559 : i32 to index
        %swap3A_741 = tpu.vector_load %arg9[%swap3A_739, %swap3A_740] {strides = array<i32>} : memref<4x128xi32, #tpu.memory_space<vmem>>, vector<16xi32>,
        tpu.vector_store %arg9[%swap3A_739, %swap3A_740], %add3A_738 {strides = array<i32>} : memref<4x128xi32, #tpu.memory_space<vmem>>, vector<16xi32>,
      }
      %scan3A_73 = arith.constant 8 : i32
      %dma_start3A_74 = arith.constant 0 : i32
      %dma_start3A_75 = arith.constant 0 : i32
      %dma_start3A_76 = arith.constant 0 : i32
      %dma_start3A_77 = tpu.memref_slice %arg10[%dma_start3A_75, %dma_start3A_76] : memref<512x8xf32, #tpu.memory_space<vmem>> -> memref<128x8xf32, #tpu.memory_space<vmem>>
      %dma_start3A_78 = arith.constant 0 : i32
      %dma_start3A_79 = tpu.memref_slice %arg9[%dma_start3A_74, %dma_start3A_78] : memref<4x128xi32, #tpu.memory_space<vmem>> -> memref<1x128xi32, #tpu.memory_space<vmem>>
      %dma_start3A_80 = tpu.memref_squeeze %dma_start3A_79 : memref<1x128xi32, #tpu.memory_space<vmem>> -> memref<128xi32, #tpu.memory_space<vmem>>
      %dma_start3A_81 = arith.constant 0 : i32
      %dma_start3A_82 = arith.constant 0 : i32
      %dma_start3A_83 = tpu.memref_slice %arg2[%dma_start3A_81, %dma_start3A_82] : memref<65536x8xf32, #tpu.memory_space<hbm>> -> memref<65536x8xf32, #tpu.memory_space<hbm>>
      tpu.enqueue_indirect_dma source(%dma_start3A_83 : memref<65536x8xf32, #tpu.memory_space<hbm>>) target(%dma_start3A_77 : memref<128x8xf32, #tpu.memory_space<vmem>>) offsets(%dma_start3A_80 : memref<128xi32, #tpu.memory_space<vmem>>) semaphore(%arg15 : memref<!tpu.dma_semaphore, #tpu.memory_space<semaphore_mem>>)
      %scan3A_84 = arith.constant 0 : i32
      %scan3A_85 = arith.constant 8 : i32
      %scan3A_86 = arith.addi %scan3A_84, %scan3A_85 : i32
      %scan3A_87 = arith.constant 1 : i32
      scf.for %scan3A_555 = %scan3A_84 to %scan3A_86 step %scan3A_87  : i32 {
        %mul3A_556 = arith.constant 16 : i32
        %mul3A_557 = arith.muli %scan3A_555, %mul3A_556 : i32
        %add3A_558 = arith.constant 0 : i32
        %add3A_559 = arith.addi %add3A_558, %mul3A_557 : i32
        %add3A_560 = arith.constant 128 : i32
        %add3A_561 = arith.addi %add3A_560, %add3A_559 : i32
        %get3A = arith.constant 0 : i32
        %get3A_562 = arith.index_cast %get3A : i32 to index
        %get3A_563 = arith.index_cast %add3A_561 : i32 to index
        %get3A_564 = tpu.vector_load %arg8[%get3A_562, %get3A_563] {strides = array<i32>} : memref<2x512xf32, #tpu.memory_space<vmem>>, vector<16xf32>,
        %broadcast_in_dim3A = arith.constant 0 : i32
        %broadcast_in_dim3A_565 = vector.broadcast %broadcast_in_dim3A : i32 to vector<16xi32>
        %add3A_566 = arith.constant 32767 : i32
        %add3A_567 = vector.broadcast %add3A_566 : i32 to vector<16xi32>
        %add3A_568 = arith.addi %broadcast_in_dim3A_565, %add3A_567 : vector<16xi32>
        %gather3A = tpu.vector_load_idx %arg7[%add3A_568] : memref<65536xf32, #tpu.memory_space<vmem>>[vector<16xi32>], vector<16xf32>,
        %lt3A_569 = arith.cmpf olt, %gather3A, %get3A_564 : vector<16xf32>
        %jit3A = arith.constant 32768 : i32
        %jit3A_570 = arith.constant 0 : i32
        %broadcast_in_dim3A_571 = vector.broadcast %jit3A : i32 to vector<16xi32>
        %broadcast_in_dim3A_572 = vector.broadcast %jit3A_570 : i32 to vector<16xi32>
        %select_n3A = arith.select %lt3A_569, %broadcast_in_dim3A_571, %broadcast_in_dim3A_572 : vector<16xi1>, vector<16xi32>
        %add3A_573 = arith.addi %broadcast_in_dim3A_565, %select_n3A : vector<16xi32>
        %add3A_574 = arith.constant 16383 : i32
        %add3A_575 = vector.broadcast %add3A_574 : i32 to vector<16xi32>
        %add3A_576 = arith.addi %add3A_573, %add3A_575 : vector<16xi32>
        %gather3A_577 = tpu.vector_load_idx %arg7[%add3A_576] : memref<65536xf32, #tpu.memory_space<vmem>>[vector<16xi32>], vector<16xf32>,
        %lt3A_578 = arith.cmpf olt, %gather3A_577, %get3A_564 : vector<16xf32>
        %jit3A_579 = arith.constant 16384 : i32
        %jit3A_580 = arith.constant 0 : i32
        %broadcast_in_dim3A_581 = vector.broadcast %jit3A_579 : i32 to vector<16xi32>
        %broadcast_in_dim3A_582 = vector.broadcast %jit3A_580 : i32 to vector<16xi32>
        %select_n3A_583 = arith.select %lt3A_578, %broadcast_in_dim3A_581, %broadcast_in_dim3A_582 : vector<16xi1>, vector<16xi32>
        %add3A_584 = arith.addi %add3A_573, %select_n3A_583 : vector<16xi32>
        %add3A_585 = arith.constant 8191 : i32
        %add3A_586 = vector.broadcast %add3A_585 : i32 to vector<16xi32>
        %add3A_587 = arith.addi %add3A_584, %add3A_586 : vector<16xi32>
        %gather3A_588 = tpu.vector_load_idx %arg7[%add3A_587] : memref<65536xf32, #tpu.memory_space<vmem>>[vector<16xi32>], vector<16xf32>,
        %lt3A_589 = arith.cmpf olt, %gather3A_588, %get3A_564 : vector<16xf32>
        %jit3A_590 = arith.constant 8192 : i32
        %jit3A_591 = arith.constant 0 : i32
        %broadcast_in_dim3A_592 = vector.broadcast %jit3A_590 : i32 to vector<16xi32>
        %broadcast_in_dim3A_593 = vector.broadcast %jit3A_591 : i32 to vector<16xi32>
        %select_n3A_594 = arith.select %lt3A_589, %broadcast_in_dim3A_592, %broadcast_in_dim3A_593 : vector<16xi1>, vector<16xi32>
        %add3A_595 = arith.addi %add3A_584, %select_n3A_594 : vector<16xi32>
        %add3A_596 = arith.constant 4095 : i32
        %add3A_597 = vector.broadcast %add3A_596 : i32 to vector<16xi32>
        %add3A_598 = arith.addi %add3A_595, %add3A_597 : vector<16xi32>
        %gather3A_599 = tpu.vector_load_idx %arg7[%add3A_598] : memref<65536xf32, #tpu.memory_space<vmem>>[vector<16xi32>], vector<16xf32>,
        %lt3A_600 = arith.cmpf olt, %gather3A_599, %get3A_564 : vector<16xf32>
        %jit3A_601 = arith.constant 4096 : i32
        %jit3A_602 = arith.constant 0 : i32
        %broadcast_in_dim3A_603 = vector.broadcast %jit3A_601 : i32 to vector<16xi32>
        %broadcast_in_dim3A_604 = vector.broadcast %jit3A_602 : i32 to vector<16xi32>
        %select_n3A_605 = arith.select %lt3A_600, %broadcast_in_dim3A_603, %broadcast_in_dim3A_604 : vector<16xi1>, vector<16xi32>
        %add3A_606 = arith.addi %add3A_595, %select_n3A_605 : vector<16xi32>
        %add3A_607 = arith.constant 2047 : i32
        %add3A_608 = vector.broadcast %add3A_607 : i32 to vector<16xi32>
        %add3A_609 = arith.addi %add3A_606, %add3A_608 : vector<16xi32>
        %gather3A_610 = tpu.vector_load_idx %arg7[%add3A_609] : memref<65536xf32, #tpu.memory_space<vmem>>[vector<16xi32>], vector<16xf32>,
        %lt3A_611 = arith.cmpf olt, %gather3A_610, %get3A_564 : vector<16xf32>
        %jit3A_612 = arith.constant 2048 : i32
        %jit3A_613 = arith.constant 0 : i32
        %broadcast_in_dim3A_614 = vector.broadcast %jit3A_612 : i32 to vector<16xi32>
        %broadcast_in_dim3A_615 = vector.broadcast %jit3A_613 : i32 to vector<16xi32>
        %select_n3A_616 = arith.select %lt3A_611, %broadcast_in_dim3A_614, %broadcast_in_dim3A_615 : vector<16xi1>, vector<16xi32>
        %add3A_617 = arith.addi %add3A_606, %select_n3A_616 : vector<16xi32>
        %add3A_618 = arith.constant 1023 : i32
        %add3A_619 = vector.broadcast %add3A_618 : i32 to vector<16xi32>
        %add3A_620 = arith.addi %add3A_617, %add3A_619 : vector<16xi32>
        %gather3A_621 = tpu.vector_load_idx %arg7[%add3A_620] : memref<65536xf32, #tpu.memory_space<vmem>>[vector<16xi32>], vector<16xf32>,
        %lt3A_622 = arith.cmpf olt, %gather3A_621, %get3A_564 : vector<16xf32>
        %jit3A_623 = arith.constant 1024 : i32
        %jit3A_624 = arith.constant 0 : i32
        %broadcast_in_dim3A_625 = vector.broadcast %jit3A_623 : i32 to vector<16xi32>
        %broadcast_in_dim3A_626 = vector.broadcast %jit3A_624 : i32 to vector<16xi32>
        %select_n3A_627 = arith.select %lt3A_622, %broadcast_in_dim3A_625, %broadcast_in_dim3A_626 : vector<16xi1>, vector<16xi32>
        %add3A_628 = arith.addi %add3A_617, %select_n3A_627 : vector<16xi32>
        %add3A_629 = arith.constant 511 : i32
        %add3A_630 = vector.broadcast %add3A_629 : i32 to vector<16xi32>
        %add3A_631 = arith.addi %add3A_628, %add3A_630 : vector<16xi32>
        %gather3A_632 = tpu.vector_load_idx %arg7[%add3A_631] : memref<65536xf32, #tpu.memory_space<vmem>>[vector<16xi32>], vector<16xf32>,
        %lt3A_633 = arith.cmpf olt, %gather3A_632, %get3A_564 : vector<16xf32>
        %jit3A_634 = arith.constant 512 : i32
        %jit3A_635 = arith.constant 0 : i32
        %broadcast_in_dim3A_636 = vector.broadcast %jit3A_634 : i32 to vector<16xi32>
        %broadcast_in_dim3A_637 = vector.broadcast %jit3A_635 : i32 to vector<16xi32>
        %select_n3A_638 = arith.select %lt3A_633, %broadcast_in_dim3A_636, %broadcast_in_dim3A_637 : vector<16xi1>, vector<16xi32>
        %add3A_639 = arith.addi %add3A_628, %select_n3A_638 : vector<16xi32>
        %add3A_640 = arith.constant 255 : i32
        %add3A_641 = vector.broadcast %add3A_640 : i32 to vector<16xi32>
        %add3A_642 = arith.addi %add3A_639, %add3A_641 : vector<16xi32>
        %gather3A_643 = tpu.vector_load_idx %arg7[%add3A_642] : memref<65536xf32, #tpu.memory_space<vmem>>[vector<16xi32>], vector<16xf32>,
        %lt3A_644 = arith.cmpf olt, %gather3A_643, %get3A_564 : vector<16xf32>
        %jit3A_645 = arith.constant 256 : i32
        %jit3A_646 = arith.constant 0 : i32
        %broadcast_in_dim3A_647 = vector.broadcast %jit3A_645 : i32 to vector<16xi32>
        %broadcast_in_dim3A_648 = vector.broadcast %jit3A_646 : i32 to vector<16xi32>
        %select_n3A_649 = arith.select %lt3A_644, %broadcast_in_dim3A_647, %broadcast_in_dim3A_648 : vector<16xi1>, vector<16xi32>
        %add3A_650 = arith.addi %add3A_639, %select_n3A_649 : vector<16xi32>
        %add3A_651 = arith.constant 127 : i32
        %add3A_652 = vector.broadcast %add3A_651 : i32 to vector<16xi32>
        %add3A_653 = arith.addi %add3A_650, %add3A_652 : vector<16xi32>
        %gather3A_654 = tpu.vector_load_idx %arg7[%add3A_653] : memref<65536xf32, #tpu.memory_space<vmem>>[vector<16xi32>], vector<16xf32>,
        %lt3A_655 = arith.cmpf olt, %gather3A_654, %get3A_564 : vector<16xf32>
        %jit3A_656 = arith.constant 128 : i32
        %jit3A_657 = arith.constant 0 : i32
        %broadcast_in_dim3A_658 = vector.broadcast %jit3A_656 : i32 to vector<16xi32>
        %broadcast_in_dim3A_659 = vector.broadcast %jit3A_657 : i32 to vector<16xi32>
        %select_n3A_660 = arith.select %lt3A_655, %broadcast_in_dim3A_658, %broadcast_in_dim3A_659 : vector<16xi1>, vector<16xi32>
        %add3A_661 = arith.addi %add3A_650, %select_n3A_660 : vector<16xi32>
        %add3A_662 = arith.constant 63 : i32
        %add3A_663 = vector.broadcast %add3A_662 : i32 to vector<16xi32>
        %add3A_664 = arith.addi %add3A_661, %add3A_663 : vector<16xi32>
        %gather3A_665 = tpu.vector_load_idx %arg7[%add3A_664] : memref<65536xf32, #tpu.memory_space<vmem>>[vector<16xi32>], vector<16xf32>,
        %lt3A_666 = arith.cmpf olt, %gather3A_665, %get3A_564 : vector<16xf32>
        %jit3A_667 = arith.constant 64 : i32
        %jit3A_668 = arith.constant 0 : i32
        %broadcast_in_dim3A_669 = vector.broadcast %jit3A_667 : i32 to vector<16xi32>
        %broadcast_in_dim3A_670 = vector.broadcast %jit3A_668 : i32 to vector<16xi32>
        %select_n3A_671 = arith.select %lt3A_666, %broadcast_in_dim3A_669, %broadcast_in_dim3A_670 : vector<16xi1>, vector<16xi32>
        %add3A_672 = arith.addi %add3A_661, %select_n3A_671 : vector<16xi32>
        %add3A_673 = arith.constant 31 : i32
        %add3A_674 = vector.broadcast %add3A_673 : i32 to vector<16xi32>
        %add3A_675 = arith.addi %add3A_672, %add3A_674 : vector<16xi32>
        %gather3A_676 = tpu.vector_load_idx %arg7[%add3A_675] : memref<65536xf32, #tpu.memory_space<vmem>>[vector<16xi32>], vector<16xf32>,
        %lt3A_677 = arith.cmpf olt, %gather3A_676, %get3A_564 : vector<16xf32>
        %jit3A_678 = arith.constant 32 : i32
        %jit3A_679 = arith.constant 0 : i32
        %broadcast_in_dim3A_680 = vector.broadcast %jit3A_678 : i32 to vector<16xi32>
        %broadcast_in_dim3A_681 = vector.broadcast %jit3A_679 : i32 to vector<16xi32>
        %select_n3A_682 = arith.select %lt3A_677, %broadcast_in_dim3A_680, %broadcast_in_dim3A_681 : vector<16xi1>, vector<16xi32>
        %add3A_683 = arith.addi %add3A_672, %select_n3A_682 : vector<16xi32>
        %add3A_684 = arith.constant 15 : i32
        %add3A_685 = vector.broadcast %add3A_684 : i32 to vector<16xi32>
        %add3A_686 = arith.addi %add3A_683, %add3A_685 : vector<16xi32>
        %gather3A_687 = tpu.vector_load_idx %arg7[%add3A_686] : memref<65536xf32, #tpu.memory_space<vmem>>[vector<16xi32>], vector<16xf32>,
        %lt3A_688 = arith.cmpf olt, %gather3A_687, %get3A_564 : vector<16xf32>
        %jit3A_689 = arith.constant 16 : i32
        %jit3A_690 = arith.constant 0 : i32
        %broadcast_in_dim3A_691 = vector.broadcast %jit3A_689 : i32 to vector<16xi32>
        %broadcast_in_dim3A_692 = vector.broadcast %jit3A_690 : i32 to vector<16xi32>
        %select_n3A_693 = arith.select %lt3A_688, %broadcast_in_dim3A_691, %broadcast_in_dim3A_692 : vector<16xi1>, vector<16xi32>
        %add3A_694 = arith.addi %add3A_683, %select_n3A_693 : vector<16xi32>
        %add3A_695 = arith.constant 7 : i32
        %add3A_696 = vector.broadcast %add3A_695 : i32 to vector<16xi32>
        %add3A_697 = arith.addi %add3A_694, %add3A_696 : vector<16xi32>
        %gather3A_698 = tpu.vector_load_idx %arg7[%add3A_697] : memref<65536xf32, #tpu.memory_space<vmem>>[vector<16xi32>], vector<16xf32>,
        %lt3A_699 = arith.cmpf olt, %gather3A_698, %get3A_564 : vector<16xf32>
        %jit3A_700 = arith.constant 8 : i32
        %jit3A_701 = arith.constant 0 : i32
        %broadcast_in_dim3A_702 = vector.broadcast %jit3A_700 : i32 to vector<16xi32>
        %broadcast_in_dim3A_703 = vector.broadcast %jit3A_701 : i32 to vector<16xi32>
        %select_n3A_704 = arith.select %lt3A_699, %broadcast_in_dim3A_702, %broadcast_in_dim3A_703 : vector<16xi1>, vector<16xi32>
        %add3A_705 = arith.addi %add3A_694, %select_n3A_704 : vector<16xi32>
        %add3A_706 = arith.constant 3 : i32
        %add3A_707 = vector.broadcast %add3A_706 : i32 to vector<16xi32>
        %add3A_708 = arith.addi %add3A_705, %add3A_707 : vector<16xi32>
        %gather3A_709 = tpu.vector_load_idx %arg7[%add3A_708] : memref<65536xf32, #tpu.memory_space<vmem>>[vector<16xi32>], vector<16xf32>,
        %lt3A_710 = arith.cmpf olt, %gather3A_709, %get3A_564 : vector<16xf32>
        %jit3A_711 = arith.constant 4 : i32
        %jit3A_712 = arith.constant 0 : i32
        %broadcast_in_dim3A_713 = vector.broadcast %jit3A_711 : i32 to vector<16xi32>
        %broadcast_in_dim3A_714 = vector.broadcast %jit3A_712 : i32 to vector<16xi32>
        %select_n3A_715 = arith.select %lt3A_710, %broadcast_in_dim3A_713, %broadcast_in_dim3A_714 : vector<16xi1>, vector<16xi32>
        %add3A_716 = arith.addi %add3A_705, %select_n3A_715 : vector<16xi32>
        %add3A_717 = arith.constant 1 : i32
        %add3A_718 = vector.broadcast %add3A_717 : i32 to vector<16xi32>
        %add3A_719 = arith.addi %add3A_716, %add3A_718 : vector<16xi32>
        %gather3A_720 = tpu.vector_load_idx %arg7[%add3A_719] : memref<65536xf32, #tpu.memory_space<vmem>>[vector<16xi32>], vector<16xf32>,
        %lt3A_721 = arith.cmpf olt, %gather3A_720, %get3A_564 : vector<16xf32>
        %jit3A_722 = arith.constant 2 : i32
        %jit3A_723 = arith.constant 0 : i32
        %broadcast_in_dim3A_724 = vector.broadcast %jit3A_722 : i32 to vector<16xi32>
        %broadcast_in_dim3A_725 = vector.broadcast %jit3A_723 : i32 to vector<16xi32>
        %select_n3A_726 = arith.select %lt3A_721, %broadcast_in_dim3A_724, %broadcast_in_dim3A_725 : vector<16xi1>, vector<16xi32>
        %add3A_727 = arith.addi %add3A_716, %select_n3A_726 : vector<16xi32>
        %add3A_728 = arith.constant 0 : i32
        %add3A_729 = vector.broadcast %add3A_728 : i32 to vector<16xi32>
        %add3A_730 = arith.addi %add3A_727, %add3A_729 : vector<16xi32>
        %gather3A_731 = tpu.vector_load_idx %arg7[%add3A_730] : memref<65536xf32, #tpu.memory_space<vmem>>[vector<16xi32>], vector<16xf32>,
        %lt3A_732 = arith.cmpf olt, %gather3A_731, %get3A_564 : vector<16xf32>
        %jit3A_733 = arith.constant 1 : i32
        %jit3A_734 = arith.constant 0 : i32
        %broadcast_in_dim3A_735 = vector.broadcast %jit3A_733 : i32 to vector<16xi32>
        %broadcast_in_dim3A_736 = vector.broadcast %jit3A_734 : i32 to vector<16xi32>
        %select_n3A_737 = arith.select %lt3A_732, %broadcast_in_dim3A_735, %broadcast_in_dim3A_736 : vector<16xi1>, vector<16xi32>
        %add3A_738 = arith.addi %add3A_727, %select_n3A_737 : vector<16xi32>
        %swap3A = arith.constant 1 : i32
        %swap3A_739 = arith.index_cast %swap3A : i32 to index
        %swap3A_740 = arith.index_cast %add3A_559 : i32 to index
        %swap3A_741 = tpu.vector_load %arg9[%swap3A_739, %swap3A_740] {strides = array<i32>} : memref<4x128xi32, #tpu.memory_space<vmem>>, vector<16xi32>,
        tpu.vector_store %arg9[%swap3A_739, %swap3A_740], %add3A_738 {strides = array<i32>} : memref<4x128xi32, #tpu.memory_space<vmem>>, vector<16xi32>,
      }
      %scan3A_88 = arith.constant 8 : i32
      %dma_start3A_89 = arith.constant 1 : i32
      %dma_start3A_90 = arith.constant 128 : i32
      %dma_start3A_91 = arith.constant 0 : i32
      %dma_start3A_92 = tpu.memref_slice %arg10[%dma_start3A_90, %dma_start3A_91] : memref<512x8xf32, #tpu.memory_space<vmem>> -> memref<128x8xf32, #tpu.memory_space<vmem>>
      %dma_start3A_93 = arith.constant 0 : i32
      %dma_start3A_94 = tpu.memref_slice %arg9[%dma_start3A_89, %dma_start3A_93] : memref<4x128xi32, #tpu.memory_space<vmem>> -> memref<1x128xi32, #tpu.memory_space<vmem>>
      %dma_start3A_95 = tpu.memref_squeeze %dma_start3A_94 : memref<1x128xi32, #tpu.memory_space<vmem>> -> memref<128xi32, #tpu.memory_space<vmem>>
      %dma_start3A_96 = arith.constant 0 : i32
      %dma_start3A_97 = arith.constant 0 : i32
      %dma_start3A_98 = tpu.memref_slice %arg2[%dma_start3A_96, %dma_start3A_97] : memref<65536x8xf32, #tpu.memory_space<hbm>> -> memref<65536x8xf32, #tpu.memory_space<hbm>>
      tpu.enqueue_indirect_dma source(%dma_start3A_98 : memref<65536x8xf32, #tpu.memory_space<hbm>>) target(%dma_start3A_92 : memref<128x8xf32, #tpu.memory_space<vmem>>) offsets(%dma_start3A_95 : memref<128xi32, #tpu.memory_space<vmem>>) semaphore(%arg15 : memref<!tpu.dma_semaphore, #tpu.memory_space<semaphore_mem>>)
      %scan3A_99 = arith.constant 0 : i32
      %scan3A_100 = arith.constant 8 : i32
      %scan3A_101 = arith.addi %scan3A_99, %scan3A_100 : i32
      %scan3A_102 = arith.constant 1 : i32
      scf.for %scan3A_555 = %scan3A_99 to %scan3A_101 step %scan3A_102  : i32 {
        %mul3A_556 = arith.constant 16 : i32
        %mul3A_557 = arith.muli %scan3A_555, %mul3A_556 : i32
        %add3A_558 = arith.constant 0 : i32
        %add3A_559 = arith.addi %add3A_558, %mul3A_557 : i32
        %add3A_560 = arith.constant 256 : i32
        %add3A_561 = arith.addi %add3A_560, %add3A_559 : i32
        %get3A = arith.constant 0 : i32
        %get3A_562 = arith.index_cast %get3A : i32 to index
        %get3A_563 = arith.index_cast %add3A_561 : i32 to index
        %get3A_564 = tpu.vector_load %arg8[%get3A_562, %get3A_563] {strides = array<i32>} : memref<2x512xf32, #tpu.memory_space<vmem>>, vector<16xf32>,
        %broadcast_in_dim3A = arith.constant 0 : i32
        %broadcast_in_dim3A_565 = vector.broadcast %broadcast_in_dim3A : i32 to vector<16xi32>
        %add3A_566 = arith.constant 32767 : i32
        %add3A_567 = vector.broadcast %add3A_566 : i32 to vector<16xi32>
        %add3A_568 = arith.addi %broadcast_in_dim3A_565, %add3A_567 : vector<16xi32>
        %gather3A = tpu.vector_load_idx %arg7[%add3A_568] : memref<65536xf32, #tpu.memory_space<vmem>>[vector<16xi32>], vector<16xf32>,
        %lt3A_569 = arith.cmpf olt, %gather3A, %get3A_564 : vector<16xf32>
        %jit3A = arith.constant 32768 : i32
        %jit3A_570 = arith.constant 0 : i32
        %broadcast_in_dim3A_571 = vector.broadcast %jit3A : i32 to vector<16xi32>
        %broadcast_in_dim3A_572 = vector.broadcast %jit3A_570 : i32 to vector<16xi32>
        %select_n3A = arith.select %lt3A_569, %broadcast_in_dim3A_571, %broadcast_in_dim3A_572 : vector<16xi1>, vector<16xi32>
        %add3A_573 = arith.addi %broadcast_in_dim3A_565, %select_n3A : vector<16xi32>
        %add3A_574 = arith.constant 16383 : i32
        %add3A_575 = vector.broadcast %add3A_574 : i32 to vector<16xi32>
        %add3A_576 = arith.addi %add3A_573, %add3A_575 : vector<16xi32>
        %gather3A_577 = tpu.vector_load_idx %arg7[%add3A_576] : memref<65536xf32, #tpu.memory_space<vmem>>[vector<16xi32>], vector<16xf32>,
        %lt3A_578 = arith.cmpf olt, %gather3A_577, %get3A_564 : vector<16xf32>
        %jit3A_579 = arith.constant 16384 : i32
        %jit3A_580 = arith.constant 0 : i32
        %broadcast_in_dim3A_581 = vector.broadcast %jit3A_579 : i32 to vector<16xi32>
        %broadcast_in_dim3A_582 = vector.broadcast %jit3A_580 : i32 to vector<16xi32>
        %select_n3A_583 = arith.select %lt3A_578, %broadcast_in_dim3A_581, %broadcast_in_dim3A_582 : vector<16xi1>, vector<16xi32>
        %add3A_584 = arith.addi %add3A_573, %select_n3A_583 : vector<16xi32>
        %add3A_585 = arith.constant 8191 : i32
        %add3A_586 = vector.broadcast %add3A_585 : i32 to vector<16xi32>
        %add3A_587 = arith.addi %add3A_584, %add3A_586 : vector<16xi32>
        %gather3A_588 = tpu.vector_load_idx %arg7[%add3A_587] : memref<65536xf32, #tpu.memory_space<vmem>>[vector<16xi32>], vector<16xf32>,
        %lt3A_589 = arith.cmpf olt, %gather3A_588, %get3A_564 : vector<16xf32>
        %jit3A_590 = arith.constant 8192 : i32
        %jit3A_591 = arith.constant 0 : i32
        %broadcast_in_dim3A_592 = vector.broadcast %jit3A_590 : i32 to vector<16xi32>
        %broadcast_in_dim3A_593 = vector.broadcast %jit3A_591 : i32 to vector<16xi32>
        %select_n3A_594 = arith.select %lt3A_589, %broadcast_in_dim3A_592, %broadcast_in_dim3A_593 : vector<16xi1>, vector<16xi32>
        %add3A_595 = arith.addi %add3A_584, %select_n3A_594 : vector<16xi32>
        %add3A_596 = arith.constant 4095 : i32
        %add3A_597 = vector.broadcast %add3A_596 : i32 to vector<16xi32>
        %add3A_598 = arith.addi %add3A_595, %add3A_597 : vector<16xi32>
        %gather3A_599 = tpu.vector_load_idx %arg7[%add3A_598] : memref<65536xf32, #tpu.memory_space<vmem>>[vector<16xi32>], vector<16xf32>,
        %lt3A_600 = arith.cmpf olt, %gather3A_599, %get3A_564 : vector<16xf32>
        %jit3A_601 = arith.constant 4096 : i32
        %jit3A_602 = arith.constant 0 : i32
        %broadcast_in_dim3A_603 = vector.broadcast %jit3A_601 : i32 to vector<16xi32>
        %broadcast_in_dim3A_604 = vector.broadcast %jit3A_602 : i32 to vector<16xi32>
        %select_n3A_605 = arith.select %lt3A_600, %broadcast_in_dim3A_603, %broadcast_in_dim3A_604 : vector<16xi1>, vector<16xi32>
        %add3A_606 = arith.addi %add3A_595, %select_n3A_605 : vector<16xi32>
        %add3A_607 = arith.constant 2047 : i32
        %add3A_608 = vector.broadcast %add3A_607 : i32 to vector<16xi32>
        %add3A_609 = arith.addi %add3A_606, %add3A_608 : vector<16xi32>
        %gather3A_610 = tpu.vector_load_idx %arg7[%add3A_609] : memref<65536xf32, #tpu.memory_space<vmem>>[vector<16xi32>], vector<16xf32>,
        %lt3A_611 = arith.cmpf olt, %gather3A_610, %get3A_564 : vector<16xf32>
        %jit3A_612 = arith.constant 2048 : i32
        %jit3A_613 = arith.constant 0 : i32
        %broadcast_in_dim3A_614 = vector.broadcast %jit3A_612 : i32 to vector<16xi32>
        %broadcast_in_dim3A_615 = vector.broadcast %jit3A_613 : i32 to vector<16xi32>
        %select_n3A_616 = arith.select %lt3A_611, %broadcast_in_dim3A_614, %broadcast_in_dim3A_615 : vector<16xi1>, vector<16xi32>
        %add3A_617 = arith.addi %add3A_606, %select_n3A_616 : vector<16xi32>
        %add3A_618 = arith.constant 1023 : i32
        %add3A_619 = vector.broadcast %add3A_618 : i32 to vector<16xi32>
        %add3A_620 = arith.addi %add3A_617, %add3A_619 : vector<16xi32>
        %gather3A_621 = tpu.vector_load_idx %arg7[%add3A_620] : memref<65536xf32, #tpu.memory_space<vmem>>[vector<16xi32>], vector<16xf32>,
        %lt3A_622 = arith.cmpf olt, %gather3A_621, %get3A_564 : vector<16xf32>
        %jit3A_623 = arith.constant 1024 : i32
        %jit3A_624 = arith.constant 0 : i32
        %broadcast_in_dim3A_625 = vector.broadcast %jit3A_623 : i32 to vector<16xi32>
        %broadcast_in_dim3A_626 = vector.broadcast %jit3A_624 : i32 to vector<16xi32>
        %select_n3A_627 = arith.select %lt3A_622, %broadcast_in_dim3A_625, %broadcast_in_dim3A_626 : vector<16xi1>, vector<16xi32>
        %add3A_628 = arith.addi %add3A_617, %select_n3A_627 : vector<16xi32>
        %add3A_629 = arith.constant 511 : i32
        %add3A_630 = vector.broadcast %add3A_629 : i32 to vector<16xi32>
        %add3A_631 = arith.addi %add3A_628, %add3A_630 : vector<16xi32>
        %gather3A_632 = tpu.vector_load_idx %arg7[%add3A_631] : memref<65536xf32, #tpu.memory_space<vmem>>[vector<16xi32>], vector<16xf32>,
        %lt3A_633 = arith.cmpf olt, %gather3A_632, %get3A_564 : vector<16xf32>
        %jit3A_634 = arith.constant 512 : i32
        %jit3A_635 = arith.constant 0 : i32
        %broadcast_in_dim3A_636 = vector.broadcast %jit3A_634 : i32 to vector<16xi32>
        %broadcast_in_dim3A_637 = vector.broadcast %jit3A_635 : i32 to vector<16xi32>
        %select_n3A_638 = arith.select %lt3A_633, %broadcast_in_dim3A_636, %broadcast_in_dim3A_637 : vector<16xi1>, vector<16xi32>
        %add3A_639 = arith.addi %add3A_628, %select_n3A_638 : vector<16xi32>
        %add3A_640 = arith.constant 255 : i32
        %add3A_641 = vector.broadcast %add3A_640 : i32 to vector<16xi32>
        %add3A_642 = arith.addi %add3A_639, %add3A_641 : vector<16xi32>
        %gather3A_643 = tpu.vector_load_idx %arg7[%add3A_642] : memref<65536xf32, #tpu.memory_space<vmem>>[vector<16xi32>], vector<16xf32>,
        %lt3A_644 = arith.cmpf olt, %gather3A_643, %get3A_564 : vector<16xf32>
        %jit3A_645 = arith.constant 256 : i32
        %jit3A_646 = arith.constant 0 : i32
        %broadcast_in_dim3A_647 = vector.broadcast %jit3A_645 : i32 to vector<16xi32>
        %broadcast_in_dim3A_648 = vector.broadcast %jit3A_646 : i32 to vector<16xi32>
        %select_n3A_649 = arith.select %lt3A_644, %broadcast_in_dim3A_647, %broadcast_in_dim3A_648 : vector<16xi1>, vector<16xi32>
        %add3A_650 = arith.addi %add3A_639, %select_n3A_649 : vector<16xi32>
        %add3A_651 = arith.constant 127 : i32
        %add3A_652 = vector.broadcast %add3A_651 : i32 to vector<16xi32>
        %add3A_653 = arith.addi %add3A_650, %add3A_652 : vector<16xi32>
        %gather3A_654 = tpu.vector_load_idx %arg7[%add3A_653] : memref<65536xf32, #tpu.memory_space<vmem>>[vector<16xi32>], vector<16xf32>,
        %lt3A_655 = arith.cmpf olt, %gather3A_654, %get3A_564 : vector<16xf32>
        %jit3A_656 = arith.constant 128 : i32
        %jit3A_657 = arith.constant 0 : i32
        %broadcast_in_dim3A_658 = vector.broadcast %jit3A_656 : i32 to vector<16xi32>
        %broadcast_in_dim3A_659 = vector.broadcast %jit3A_657 : i32 to vector<16xi32>
        %select_n3A_660 = arith.select %lt3A_655, %broadcast_in_dim3A_658, %broadcast_in_dim3A_659 : vector<16xi1>, vector<16xi32>
        %add3A_661 = arith.addi %add3A_650, %select_n3A_660 : vector<16xi32>
        %add3A_662 = arith.constant 63 : i32
        %add3A_663 = vector.broadcast %add3A_662 : i32 to vector<16xi32>
        %add3A_664 = arith.addi %add3A_661, %add3A_663 : vector<16xi32>
        %gather3A_665 = tpu.vector_load_idx %arg7[%add3A_664] : memref<65536xf32, #tpu.memory_space<vmem>>[vector<16xi32>], vector<16xf32>,
        %lt3A_666 = arith.cmpf olt, %gather3A_665, %get3A_564 : vector<16xf32>
        %jit3A_667 = arith.constant 64 : i32
        %jit3A_668 = arith.constant 0 : i32
        %broadcast_in_dim3A_669 = vector.broadcast %jit3A_667 : i32 to vector<16xi32>
        %broadcast_in_dim3A_670 = vector.broadcast %jit3A_668 : i32 to vector<16xi32>
        %select_n3A_671 = arith.select %lt3A_666, %broadcast_in_dim3A_669, %broadcast_in_dim3A_670 : vector<16xi1>, vector<16xi32>
        %add3A_672 = arith.addi %add3A_661, %select_n3A_671 : vector<16xi32>
        %add3A_673 = arith.constant 31 : i32
        %add3A_674 = vector.broadcast %add3A_673 : i32 to vector<16xi32>
        %add3A_675 = arith.addi %add3A_672, %add3A_674 : vector<16xi32>
        %gather3A_676 = tpu.vector_load_idx %arg7[%add3A_675] : memref<65536xf32, #tpu.memory_space<vmem>>[vector<16xi32>], vector<16xf32>,
        %lt3A_677 = arith.cmpf olt, %gather3A_676, %get3A_564 : vector<16xf32>
        %jit3A_678 = arith.constant 32 : i32
        %jit3A_679 = arith.constant 0 : i32
        %broadcast_in_dim3A_680 = vector.broadcast %jit3A_678 : i32 to vector<16xi32>
        %broadcast_in_dim3A_681 = vector.broadcast %jit3A_679 : i32 to vector<16xi32>
        %select_n3A_682 = arith.select %lt3A_677, %broadcast_in_dim3A_680, %broadcast_in_dim3A_681 : vector<16xi1>, vector<16xi32>
        %add3A_683 = arith.addi %add3A_672, %select_n3A_682 : vector<16xi32>
        %add3A_684 = arith.constant 15 : i32
        %add3A_685 = vector.broadcast %add3A_684 : i32 to vector<16xi32>
        %add3A_686 = arith.addi %add3A_683, %add3A_685 : vector<16xi32>
        %gather3A_687 = tpu.vector_load_idx %arg7[%add3A_686] : memref<65536xf32, #tpu.memory_space<vmem>>[vector<16xi32>], vector<16xf32>,
        %lt3A_688 = arith.cmpf olt, %gather3A_687, %get3A_564 : vector<16xf32>
        %jit3A_689 = arith.constant 16 : i32
        %jit3A_690 = arith.constant 0 : i32
        %broadcast_in_dim3A_691 = vector.broadcast %jit3A_689 : i32 to vector<16xi32>
        %broadcast_in_dim3A_692 = vector.broadcast %jit3A_690 : i32 to vector<16xi32>
        %select_n3A_693 = arith.select %lt3A_688, %broadcast_in_dim3A_691, %broadcast_in_dim3A_692 : vector<16xi1>, vector<16xi32>
        %add3A_694 = arith.addi %add3A_683, %select_n3A_693 : vector<16xi32>
        %add3A_695 = arith.constant 7 : i32
        %add3A_696 = vector.broadcast %add3A_695 : i32 to vector<16xi32>
        %add3A_697 = arith.addi %add3A_694, %add3A_696 : vector<16xi32>
        %gather3A_698 = tpu.vector_load_idx %arg7[%add3A_697] : memref<65536xf32, #tpu.memory_space<vmem>>[vector<16xi32>], vector<16xf32>,
        %lt3A_699 = arith.cmpf olt, %gather3A_698, %get3A_564 : vector<16xf32>
        %jit3A_700 = arith.constant 8 : i32
        %jit3A_701 = arith.constant 0 : i32
        %broadcast_in_dim3A_702 = vector.broadcast %jit3A_700 : i32 to vector<16xi32>
        %broadcast_in_dim3A_703 = vector.broadcast %jit3A_701 : i32 to vector<16xi32>
        %select_n3A_704 = arith.select %lt3A_699, %broadcast_in_dim3A_702, %broadcast_in_dim3A_703 : vector<16xi1>, vector<16xi32>
        %add3A_705 = arith.addi %add3A_694, %select_n3A_704 : vector<16xi32>
        %add3A_706 = arith.constant 3 : i32
        %add3A_707 = vector.broadcast %add3A_706 : i32 to vector<16xi32>
        %add3A_708 = arith.addi %add3A_705, %add3A_707 : vector<16xi32>
        %gather3A_709 = tpu.vector_load_idx %arg7[%add3A_708] : memref<65536xf32, #tpu.memory_space<vmem>>[vector<16xi32>], vector<16xf32>,
        %lt3A_710 = arith.cmpf olt, %gather3A_709, %get3A_564 : vector<16xf32>
        %jit3A_711 = arith.constant 4 : i32
        %jit3A_712 = arith.constant 0 : i32
        %broadcast_in_dim3A_713 = vector.broadcast %jit3A_711 : i32 to vector<16xi32>
        %broadcast_in_dim3A_714 = vector.broadcast %jit3A_712 : i32 to vector<16xi32>
        %select_n3A_715 = arith.select %lt3A_710, %broadcast_in_dim3A_713, %broadcast_in_dim3A_714 : vector<16xi1>, vector<16xi32>
        %add3A_716 = arith.addi %add3A_705, %select_n3A_715 : vector<16xi32>
        %add3A_717 = arith.constant 1 : i32
        %add3A_718 = vector.broadcast %add3A_717 : i32 to vector<16xi32>
        %add3A_719 = arith.addi %add3A_716, %add3A_718 : vector<16xi32>
        %gather3A_720 = tpu.vector_load_idx %arg7[%add3A_719] : memref<65536xf32, #tpu.memory_space<vmem>>[vector<16xi32>], vector<16xf32>,
        %lt3A_721 = arith.cmpf olt, %gather3A_720, %get3A_564 : vector<16xf32>
        %jit3A_722 = arith.constant 2 : i32
        %jit3A_723 = arith.constant 0 : i32
        %broadcast_in_dim3A_724 = vector.broadcast %jit3A_722 : i32 to vector<16xi32>
        %broadcast_in_dim3A_725 = vector.broadcast %jit3A_723 : i32 to vector<16xi32>
        %select_n3A_726 = arith.select %lt3A_721, %broadcast_in_dim3A_724, %broadcast_in_dim3A_725 : vector<16xi1>, vector<16xi32>
        %add3A_727 = arith.addi %add3A_716, %select_n3A_726 : vector<16xi32>
        %add3A_728 = arith.constant 0 : i32
        %add3A_729 = vector.broadcast %add3A_728 : i32 to vector<16xi32>
        %add3A_730 = arith.addi %add3A_727, %add3A_729 : vector<16xi32>
        %gather3A_731 = tpu.vector_load_idx %arg7[%add3A_730] : memref<65536xf32, #tpu.memory_space<vmem>>[vector<16xi32>], vector<16xf32>,
        %lt3A_732 = arith.cmpf olt, %gather3A_731, %get3A_564 : vector<16xf32>
        %jit3A_733 = arith.constant 1 : i32
        %jit3A_734 = arith.constant 0 : i32
        %broadcast_in_dim3A_735 = vector.broadcast %jit3A_733 : i32 to vector<16xi32>
        %broadcast_in_dim3A_736 = vector.broadcast %jit3A_734 : i32 to vector<16xi32>
        %select_n3A_737 = arith.select %lt3A_732, %broadcast_in_dim3A_735, %broadcast_in_dim3A_736 : vector<16xi1>, vector<16xi32>
        %add3A_738 = arith.addi %add3A_727, %select_n3A_737 : vector<16xi32>
        %swap3A = arith.constant 2 : i32
        %swap3A_739 = arith.index_cast %swap3A : i32 to index
        %swap3A_740 = arith.index_cast %add3A_559 : i32 to index
        %swap3A_741 = tpu.vector_load %arg9[%swap3A_739, %swap3A_740] {strides = array<i32>} : memref<4x128xi32, #tpu.memory_space<vmem>>, vector<16xi32>,
        tpu.vector_store %arg9[%swap3A_739, %swap3A_740], %add3A_738 {strides = array<i32>} : memref<4x128xi32, #tpu.memory_space<vmem>>, vector<16xi32>,
      }
      %scan3A_103 = arith.constant 8 : i32
      %dma_start3A_104 = arith.constant 2 : i32
      %dma_start3A_105 = arith.constant 256 : i32
      %dma_start3A_106 = arith.constant 0 : i32
      %dma_start3A_107 = tpu.memref_slice %arg10[%dma_start3A_105, %dma_start3A_106] : memref<512x8xf32, #tpu.memory_space<vmem>> -> memref<128x8xf32, #tpu.memory_space<vmem>>
      %dma_start3A_108 = arith.constant 0 : i32
      %dma_start3A_109 = tpu.memref_slice %arg9[%dma_start3A_104, %dma_start3A_108] : memref<4x128xi32, #tpu.memory_space<vmem>> -> memref<1x128xi32, #tpu.memory_space<vmem>>
      %dma_start3A_110 = tpu.memref_squeeze %dma_start3A_109 : memref<1x128xi32, #tpu.memory_space<vmem>> -> memref<128xi32, #tpu.memory_space<vmem>>
      %dma_start3A_111 = arith.constant 0 : i32
      %dma_start3A_112 = arith.constant 0 : i32
      %dma_start3A_113 = tpu.memref_slice %arg2[%dma_start3A_111, %dma_start3A_112] : memref<65536x8xf32, #tpu.memory_space<hbm>> -> memref<65536x8xf32, #tpu.memory_space<hbm>>
      tpu.enqueue_indirect_dma source(%dma_start3A_113 : memref<65536x8xf32, #tpu.memory_space<hbm>>) target(%dma_start3A_107 : memref<128x8xf32, #tpu.memory_space<vmem>>) offsets(%dma_start3A_110 : memref<128xi32, #tpu.memory_space<vmem>>) semaphore(%arg15 : memref<!tpu.dma_semaphore, #tpu.memory_space<semaphore_mem>>)
      %scan3A_114 = arith.constant 0 : i32
      %scan3A_115 = arith.constant 8 : i32
      %scan3A_116 = arith.addi %scan3A_114, %scan3A_115 : i32
      %scan3A_117 = arith.constant 1 : i32
      scf.for %scan3A_555 = %scan3A_114 to %scan3A_116 step %scan3A_117  : i32 {
        %mul3A_556 = arith.constant 16 : i32
        %mul3A_557 = arith.muli %scan3A_555, %mul3A_556 : i32
        %add3A_558 = arith.constant 0 : i32
        %add3A_559 = arith.addi %add3A_558, %mul3A_557 : i32
        %add3A_560 = arith.constant 384 : i32
        %add3A_561 = arith.addi %add3A_560, %add3A_559 : i32
        %get3A = arith.constant 0 : i32
        %get3A_562 = arith.index_cast %get3A : i32 to index
        %get3A_563 = arith.index_cast %add3A_561 : i32 to index
        %get3A_564 = tpu.vector_load %arg8[%get3A_562, %get3A_563] {strides = array<i32>} : memref<2x512xf32, #tpu.memory_space<vmem>>, vector<16xf32>,
        %broadcast_in_dim3A = arith.constant 0 : i32
        %broadcast_in_dim3A_565 = vector.broadcast %broadcast_in_dim3A : i32 to vector<16xi32>
        %add3A_566 = arith.constant 32767 : i32
        %add3A_567 = vector.broadcast %add3A_566 : i32 to vector<16xi32>
        %add3A_568 = arith.addi %broadcast_in_dim3A_565, %add3A_567 : vector<16xi32>
        %gather3A = tpu.vector_load_idx %arg7[%add3A_568] : memref<65536xf32, #tpu.memory_space<vmem>>[vector<16xi32>], vector<16xf32>,
        %lt3A_569 = arith.cmpf olt, %gather3A, %get3A_564 : vector<16xf32>
        %jit3A = arith.constant 32768 : i32
        %jit3A_570 = arith.constant 0 : i32
        %broadcast_in_dim3A_571 = vector.broadcast %jit3A : i32 to vector<16xi32>
        %broadcast_in_dim3A_572 = vector.broadcast %jit3A_570 : i32 to vector<16xi32>
        %select_n3A = arith.select %lt3A_569, %broadcast_in_dim3A_571, %broadcast_in_dim3A_572 : vector<16xi1>, vector<16xi32>
        %add3A_573 = arith.addi %broadcast_in_dim3A_565, %select_n3A : vector<16xi32>
        %add3A_574 = arith.constant 16383 : i32
        %add3A_575 = vector.broadcast %add3A_574 : i32 to vector<16xi32>
        %add3A_576 = arith.addi %add3A_573, %add3A_575 : vector<16xi32>
        %gather3A_577 = tpu.vector_load_idx %arg7[%add3A_576] : memref<65536xf32, #tpu.memory_space<vmem>>[vector<16xi32>], vector<16xf32>,
        %lt3A_578 = arith.cmpf olt, %gather3A_577, %get3A_564 : vector<16xf32>
        %jit3A_579 = arith.constant 16384 : i32
        %jit3A_580 = arith.constant 0 : i32
        %broadcast_in_dim3A_581 = vector.broadcast %jit3A_579 : i32 to vector<16xi32>
        %broadcast_in_dim3A_582 = vector.broadcast %jit3A_580 : i32 to vector<16xi32>
        %select_n3A_583 = arith.select %lt3A_578, %broadcast_in_dim3A_581, %broadcast_in_dim3A_582 : vector<16xi1>, vector<16xi32>
        %add3A_584 = arith.addi %add3A_573, %select_n3A_583 : vector<16xi32>
        %add3A_585 = arith.constant 8191 : i32
        %add3A_586 = vector.broadcast %add3A_585 : i32 to vector<16xi32>
        %add3A_587 = arith.addi %add3A_584, %add3A_586 : vector<16xi32>
        %gather3A_588 = tpu.vector_load_idx %arg7[%add3A_587] : memref<65536xf32, #tpu.memory_space<vmem>>[vector<16xi32>], vector<16xf32>,
        %lt3A_589 = arith.cmpf olt, %gather3A_588, %get3A_564 : vector<16xf32>
        %jit3A_590 = arith.constant 8192 : i32
        %jit3A_591 = arith.constant 0 : i32
        %broadcast_in_dim3A_592 = vector.broadcast %jit3A_590 : i32 to vector<16xi32>
        %broadcast_in_dim3A_593 = vector.broadcast %jit3A_591 : i32 to vector<16xi32>
        %select_n3A_594 = arith.select %lt3A_589, %broadcast_in_dim3A_592, %broadcast_in_dim3A_593 : vector<16xi1>, vector<16xi32>
        %add3A_595 = arith.addi %add3A_584, %select_n3A_594 : vector<16xi32>
        %add3A_596 = arith.constant 4095 : i32
        %add3A_597 = vector.broadcast %add3A_596 : i32 to vector<16xi32>
        %add3A_598 = arith.addi %add3A_595, %add3A_597 : vector<16xi32>
        %gather3A_599 = tpu.vector_load_idx %arg7[%add3A_598] : memref<65536xf32, #tpu.memory_space<vmem>>[vector<16xi32>], vector<16xf32>,
        %lt3A_600 = arith.cmpf olt, %gather3A_599, %get3A_564 : vector<16xf32>
        %jit3A_601 = arith.constant 4096 : i32
        %jit3A_602 = arith.constant 0 : i32
        %broadcast_in_dim3A_603 = vector.broadcast %jit3A_601 : i32 to vector<16xi32>
        %broadcast_in_dim3A_604 = vector.broadcast %jit3A_602 : i32 to vector<16xi32>
        %select_n3A_605 = arith.select %lt3A_600, %broadcast_in_dim3A_603, %broadcast_in_dim3A_604 : vector<16xi1>, vector<16xi32>
        %add3A_606 = arith.addi %add3A_595, %select_n3A_605 : vector<16xi32>
        %add3A_607 = arith.constant 2047 : i32
        %add3A_608 = vector.broadcast %add3A_607 : i32 to vector<16xi32>
        %add3A_609 = arith.addi %add3A_606, %add3A_608 : vector<16xi32>
        %gather3A_610 = tpu.vector_load_idx %arg7[%add3A_609] : memref<65536xf32, #tpu.memory_space<vmem>>[vector<16xi32>], vector<16xf32>,
        %lt3A_611 = arith.cmpf olt, %gather3A_610, %get3A_564 : vector<16xf32>
        %jit3A_612 = arith.constant 2048 : i32
        %jit3A_613 = arith.constant 0 : i32
        %broadcast_in_dim3A_614 = vector.broadcast %jit3A_612 : i32 to vector<16xi32>
        %broadcast_in_dim3A_615 = vector.broadcast %jit3A_613 : i32 to vector<16xi32>
        %select_n3A_616 = arith.select %lt3A_611, %broadcast_in_dim3A_614, %broadcast_in_dim3A_615 : vector<16xi1>, vector<16xi32>
        %add3A_617 = arith.addi %add3A_606, %select_n3A_616 : vector<16xi32>
        %add3A_618 = arith.constant 1023 : i32
        %add3A_619 = vector.broadcast %add3A_618 : i32 to vector<16xi32>
        %add3A_620 = arith.addi %add3A_617, %add3A_619 : vector<16xi32>
        %gather3A_621 = tpu.vector_load_idx %arg7[%add3A_620] : memref<65536xf32, #tpu.memory_space<vmem>>[vector<16xi32>], vector<16xf32>,
        %lt3A_622 = arith.cmpf olt, %gather3A_621, %get3A_564 : vector<16xf32>
        %jit3A_623 = arith.constant 1024 : i32
        %jit3A_624 = arith.constant 0 : i32
        %broadcast_in_dim3A_625 = vector.broadcast %jit3A_623 : i32 to vector<16xi32>
        %broadcast_in_dim3A_626 = vector.broadcast %jit3A_624 : i32 to vector<16xi32>
        %select_n3A_627 = arith.select %lt3A_622, %broadcast_in_dim3A_625, %broadcast_in_dim3A_626 : vector<16xi1>, vector<16xi32>
        %add3A_628 = arith.addi %add3A_617, %select_n3A_627 : vector<16xi32>
        %add3A_629 = arith.constant 511 : i32
        %add3A_630 = vector.broadcast %add3A_629 : i32 to vector<16xi32>
        %add3A_631 = arith.addi %add3A_628, %add3A_630 : vector<16xi32>
        %gather3A_632 = tpu.vector_load_idx %arg7[%add3A_631] : memref<65536xf32, #tpu.memory_space<vmem>>[vector<16xi32>], vector<16xf32>,
        %lt3A_633 = arith.cmpf olt, %gather3A_632, %get3A_564 : vector<16xf32>
        %jit3A_634 = arith.constant 512 : i32
        %jit3A_635 = arith.constant 0 : i32
        %broadcast_in_dim3A_636 = vector.broadcast %jit3A_634 : i32 to vector<16xi32>
        %broadcast_in_dim3A_637 = vector.broadcast %jit3A_635 : i32 to vector<16xi32>
        %select_n3A_638 = arith.select %lt3A_633, %broadcast_in_dim3A_636, %broadcast_in_dim3A_637 : vector<16xi1>, vector<16xi32>
        %add3A_639 = arith.addi %add3A_628, %select_n3A_638 : vector<16xi32>
        %add3A_640 = arith.constant 255 : i32
        %add3A_641 = vector.broadcast %add3A_640 : i32 to vector<16xi32>
        %add3A_642 = arith.addi %add3A_639, %add3A_641 : vector<16xi32>
        %gather3A_643 = tpu.vector_load_idx %arg7[%add3A_642] : memref<65536xf32, #tpu.memory_space<vmem>>[vector<16xi32>], vector<16xf32>,
        %lt3A_644 = arith.cmpf olt, %gather3A_643, %get3A_564 : vector<16xf32>
        %jit3A_645 = arith.constant 256 : i32
        %jit3A_646 = arith.constant 0 : i32
        %broadcast_in_dim3A_647 = vector.broadcast %jit3A_645 : i32 to vector<16xi32>
        %broadcast_in_dim3A_648 = vector.broadcast %jit3A_646 : i32 to vector<16xi32>
        %select_n3A_649 = arith.select %lt3A_644, %broadcast_in_dim3A_647, %broadcast_in_dim3A_648 : vector<16xi1>, vector<16xi32>
        %add3A_650 = arith.addi %add3A_639, %select_n3A_649 : vector<16xi32>
        %add3A_651 = arith.constant 127 : i32
        %add3A_652 = vector.broadcast %add3A_651 : i32 to vector<16xi32>
        %add3A_653 = arith.addi %add3A_650, %add3A_652 : vector<16xi32>
        %gather3A_654 = tpu.vector_load_idx %arg7[%add3A_653] : memref<65536xf32, #tpu.memory_space<vmem>>[vector<16xi32>], vector<16xf32>,
        %lt3A_655 = arith.cmpf olt, %gather3A_654, %get3A_564 : vector<16xf32>
        %jit3A_656 = arith.constant 128 : i32
        %jit3A_657 = arith.constant 0 : i32
        %broadcast_in_dim3A_658 = vector.broadcast %jit3A_656 : i32 to vector<16xi32>
        %broadcast_in_dim3A_659 = vector.broadcast %jit3A_657 : i32 to vector<16xi32>
        %select_n3A_660 = arith.select %lt3A_655, %broadcast_in_dim3A_658, %broadcast_in_dim3A_659 : vector<16xi1>, vector<16xi32>
        %add3A_661 = arith.addi %add3A_650, %select_n3A_660 : vector<16xi32>
        %add3A_662 = arith.constant 63 : i32
        %add3A_663 = vector.broadcast %add3A_662 : i32 to vector<16xi32>
        %add3A_664 = arith.addi %add3A_661, %add3A_663 : vector<16xi32>
        %gather3A_665 = tpu.vector_load_idx %arg7[%add3A_664] : memref<65536xf32, #tpu.memory_space<vmem>>[vector<16xi32>], vector<16xf32>,
        %lt3A_666 = arith.cmpf olt, %gather3A_665, %get3A_564 : vector<16xf32>
        %jit3A_667 = arith.constant 64 : i32
        %jit3A_668 = arith.constant 0 : i32
        %broadcast_in_dim3A_669 = vector.broadcast %jit3A_667 : i32 to vector<16xi32>
        %broadcast_in_dim3A_670 = vector.broadcast %jit3A_668 : i32 to vector<16xi32>
        %select_n3A_671 = arith.select %lt3A_666, %broadcast_in_dim3A_669, %broadcast_in_dim3A_670 : vector<16xi1>, vector<16xi32>
        %add3A_672 = arith.addi %add3A_661, %select_n3A_671 : vector<16xi32>
        %add3A_673 = arith.constant 31 : i32
        %add3A_674 = vector.broadcast %add3A_673 : i32 to vector<16xi32>
        %add3A_675 = arith.addi %add3A_672, %add3A_674 : vector<16xi32>
        %gather3A_676 = tpu.vector_load_idx %arg7[%add3A_675] : memref<65536xf32, #tpu.memory_space<vmem>>[vector<16xi32>], vector<16xf32>,
        %lt3A_677 = arith.cmpf olt, %gather3A_676, %get3A_564 : vector<16xf32>
        %jit3A_678 = arith.constant 32 : i32
        %jit3A_679 = arith.constant 0 : i32
        %broadcast_in_dim3A_680 = vector.broadcast %jit3A_678 : i32 to vector<16xi32>
        %broadcast_in_dim3A_681 = vector.broadcast %jit3A_679 : i32 to vector<16xi32>
        %select_n3A_682 = arith.select %lt3A_677, %broadcast_in_dim3A_680, %broadcast_in_dim3A_681 : vector<16xi1>, vector<16xi32>
        %add3A_683 = arith.addi %add3A_672, %select_n3A_682 : vector<16xi32>
        %add3A_684 = arith.constant 15 : i32
        %add3A_685 = vector.broadcast %add3A_684 : i32 to vector<16xi32>
        %add3A_686 = arith.addi %add3A_683, %add3A_685 : vector<16xi32>
        %gather3A_687 = tpu.vector_load_idx %arg7[%add3A_686] : memref<65536xf32, #tpu.memory_space<vmem>>[vector<16xi32>], vector<16xf32>,
        %lt3A_688 = arith.cmpf olt, %gather3A_687, %get3A_564 : vector<16xf32>
        %jit3A_689 = arith.constant 16 : i32
        %jit3A_690 = arith.constant 0 : i32
        %broadcast_in_dim3A_691 = vector.broadcast %jit3A_689 : i32 to vector<16xi32>
        %broadcast_in_dim3A_692 = vector.broadcast %jit3A_690 : i32 to vector<16xi32>
        %select_n3A_693 = arith.select %lt3A_688, %broadcast_in_dim3A_691, %broadcast_in_dim3A_692 : vector<16xi1>, vector<16xi32>
        %add3A_694 = arith.addi %add3A_683, %select_n3A_693 : vector<16xi32>
        %add3A_695 = arith.constant 7 : i32
        %add3A_696 = vector.broadcast %add3A_695 : i32 to vector<16xi32>
        %add3A_697 = arith.addi %add3A_694, %add3A_696 : vector<16xi32>
        %gather3A_698 = tpu.vector_load_idx %arg7[%add3A_697] : memref<65536xf32, #tpu.memory_space<vmem>>[vector<16xi32>], vector<16xf32>,
        %lt3A_699 = arith.cmpf olt, %gather3A_698, %get3A_564 : vector<16xf32>
        %jit3A_700 = arith.constant 8 : i32
        %jit3A_701 = arith.constant 0 : i32
        %broadcast_in_dim3A_702 = vector.broadcast %jit3A_700 : i32 to vector<16xi32>
        %broadcast_in_dim3A_703 = vector.broadcast %jit3A_701 : i32 to vector<16xi32>
        %select_n3A_704 = arith.select %lt3A_699, %broadcast_in_dim3A_702, %broadcast_in_dim3A_703 : vector<16xi1>, vector<16xi32>
        %add3A_705 = arith.addi %add3A_694, %select_n3A_704 : vector<16xi32>
        %add3A_706 = arith.constant 3 : i32
        %add3A_707 = vector.broadcast %add3A_706 : i32 to vector<16xi32>
        %add3A_708 = arith.addi %add3A_705, %add3A_707 : vector<16xi32>
        %gather3A_709 = tpu.vector_load_idx %arg7[%add3A_708] : memref<65536xf32, #tpu.memory_space<vmem>>[vector<16xi32>], vector<16xf32>,
        %lt3A_710 = arith.cmpf olt, %gather3A_709, %get3A_564 : vector<16xf32>
        %jit3A_711 = arith.constant 4 : i32
        %jit3A_712 = arith.constant 0 : i32
        %broadcast_in_dim3A_713 = vector.broadcast %jit3A_711 : i32 to vector<16xi32>
        %broadcast_in_dim3A_714 = vector.broadcast %jit3A_712 : i32 to vector<16xi32>
        %select_n3A_715 = arith.select %lt3A_710, %broadcast_in_dim3A_713, %broadcast_in_dim3A_714 : vector<16xi1>, vector<16xi32>
        %add3A_716 = arith.addi %add3A_705, %select_n3A_715 : vector<16xi32>
        %add3A_717 = arith.constant 1 : i32
        %add3A_718 = vector.broadcast %add3A_717 : i32 to vector<16xi32>
        %add3A_719 = arith.addi %add3A_716, %add3A_718 : vector<16xi32>
        %gather3A_720 = tpu.vector_load_idx %arg7[%add3A_719] : memref<65536xf32, #tpu.memory_space<vmem>>[vector<16xi32>], vector<16xf32>,
        %lt3A_721 = arith.cmpf olt, %gather3A_720, %get3A_564 : vector<16xf32>
        %jit3A_722 = arith.constant 2 : i32
        %jit3A_723 = arith.constant 0 : i32
        %broadcast_in_dim3A_724 = vector.broadcast %jit3A_722 : i32 to vector<16xi32>
        %broadcast_in_dim3A_725 = vector.broadcast %jit3A_723 : i32 to vector<16xi32>
        %select_n3A_726 = arith.select %lt3A_721, %broadcast_in_dim3A_724, %broadcast_in_dim3A_725 : vector<16xi1>, vector<16xi32>
        %add3A_727 = arith.addi %add3A_716, %select_n3A_726 : vector<16xi32>
        %add3A_728 = arith.constant 0 : i32
        %add3A_729 = vector.broadcast %add3A_728 : i32 to vector<16xi32>
        %add3A_730 = arith.addi %add3A_727, %add3A_729 : vector<16xi32>
        %gather3A_731 = tpu.vector_load_idx %arg7[%add3A_730] : memref<65536xf32, #tpu.memory_space<vmem>>[vector<16xi32>], vector<16xf32>,
        %lt3A_732 = arith.cmpf olt, %gather3A_731, %get3A_564 : vector<16xf32>
        %jit3A_733 = arith.constant 1 : i32
        %jit3A_734 = arith.constant 0 : i32
        %broadcast_in_dim3A_735 = vector.broadcast %jit3A_733 : i32 to vector<16xi32>
        %broadcast_in_dim3A_736 = vector.broadcast %jit3A_734 : i32 to vector<16xi32>
        %select_n3A_737 = arith.select %lt3A_732, %broadcast_in_dim3A_735, %broadcast_in_dim3A_736 : vector<16xi1>, vector<16xi32>
        %add3A_738 = arith.addi %add3A_727, %select_n3A_737 : vector<16xi32>
        %swap3A = arith.constant 3 : i32
        %swap3A_739 = arith.index_cast %swap3A : i32 to index
        %swap3A_740 = arith.index_cast %add3A_559 : i32 to index
        %swap3A_741 = tpu.vector_load %arg9[%swap3A_739, %swap3A_740] {strides = array<i32>} : memref<4x128xi32, #tpu.memory_space<vmem>>, vector<16xi32>,
        tpu.vector_store %arg9[%swap3A_739, %swap3A_740], %add3A_738 {strides = array<i32>} : memref<4x128xi32, #tpu.memory_space<vmem>>, vector<16xi32>,
      }
      %scan3A_118 = arith.constant 8 : i32
      %dma_start3A_119 = arith.constant 3 : i32
      %dma_start3A_120 = arith.constant 384 : i32
      %dma_start3A_121 = arith.constant 0 : i32
      %dma_start3A_122 = tpu.memref_slice %arg10[%dma_start3A_120, %dma_start3A_121] : memref<512x8xf32, #tpu.memory_space<vmem>> -> memref<128x8xf32, #tpu.memory_space<vmem>>
      %dma_start3A_123 = arith.constant 0 : i32
      %dma_start3A_124 = tpu.memref_slice %arg9[%dma_start3A_119, %dma_start3A_123] : memref<4x128xi32, #tpu.memory_space<vmem>> -> memref<1x128xi32, #tpu.memory_space<vmem>>
      %dma_start3A_125 = tpu.memref_squeeze %dma_start3A_124 : memref<1x128xi32, #tpu.memory_space<vmem>> -> memref<128xi32, #tpu.memory_space<vmem>>
      %dma_start3A_126 = arith.constant 0 : i32
      %dma_start3A_127 = arith.constant 0 : i32
      %dma_start3A_128 = tpu.memref_slice %arg2[%dma_start3A_126, %dma_start3A_127] : memref<65536x8xf32, #tpu.memory_space<hbm>> -> memref<65536x8xf32, #tpu.memory_space<hbm>>
      tpu.enqueue_indirect_dma source(%dma_start3A_128 : memref<65536x8xf32, #tpu.memory_space<hbm>>) target(%dma_start3A_122 : memref<128x8xf32, #tpu.memory_space<vmem>>) offsets(%dma_start3A_125 : memref<128xi32, #tpu.memory_space<vmem>>) semaphore(%arg15 : memref<!tpu.dma_semaphore, #tpu.memory_space<semaphore_mem>>)
      %dma_wait3A_129 = arith.constant 0 : i32
      %dma_wait3A_130 = arith.constant 0 : i32
      %dma_wait3A_131 = arith.constant 0 : i32
      %dma_wait3A_132 = tpu.memref_slice %arg10[%dma_wait3A_130, %dma_wait3A_131] : memref<512x8xf32, #tpu.memory_space<vmem>> -> memref<128x8xf32, #tpu.memory_space<vmem>>
      %dma_wait3A_133 = arith.constant 0 : i32
      %dma_wait3A_134 = tpu.memref_slice %arg9[%dma_wait3A_129, %dma_wait3A_133] : memref<4x128xi32, #tpu.memory_space<vmem>> -> memref<1x128xi32, #tpu.memory_space<vmem>>
      %dma_wait3A_135 = tpu.memref_squeeze %dma_wait3A_134 : memref<1x128xi32, #tpu.memory_space<vmem>> -> memref<128xi32, #tpu.memory_space<vmem>>
      %dma_wait3A_136 = arith.constant 0 : i32
      %dma_wait3A_137 = arith.constant 0 : i32
      %dma_wait3A_138 = tpu.memref_slice %arg2[%dma_wait3A_136, %dma_wait3A_137] : memref<65536x8xf32, #tpu.memory_space<hbm>> -> memref<65536x8xf32, #tpu.memory_space<hbm>>
      tpu.wait_indirect_dma semaphore(%arg15 : memref<!tpu.dma_semaphore, #tpu.memory_space<semaphore_mem>>) src(%dma_wait3A_138 : memref<65536x8xf32, #tpu.memory_space<hbm>>) dst(%dma_wait3A_132 : memref<128x8xf32, #tpu.memory_space<vmem>>)
      %scan3A_139 = arith.constant 0 : i32
      %scan3A_140 = arith.constant 8 : i32
      %scan3A_141 = arith.addi %scan3A_139, %scan3A_140 : i32
      %scan3A_142 = arith.constant 1 : i32
      scf.for %scan3A_555 = %scan3A_139 to %scan3A_141 step %scan3A_142  : i32 {
        %mul3A_556 = arith.constant 16 : i32
        %mul3A_557 = arith.muli %scan3A_555, %mul3A_556 : i32
        %add3A_558 = arith.constant 0 : i32
        %add3A_559 = arith.addi %add3A_558, %mul3A_557 : i32
        %add3A_560 = arith.constant 0 : i32
        %add3A_561 = arith.addi %add3A_560, %add3A_559 : i32
        %get3A = arith.constant 0 : i32
        %get3A_562 = arith.index_cast %get3A : i32 to index
        %get3A_563 = arith.index_cast %add3A_561 : i32 to index
        %get3A_564 = tpu.vector_load %arg8[%get3A_562, %get3A_563] {strides = array<i32>} : memref<2x512xf32, #tpu.memory_space<vmem>>, vector<16xf32>,
        %get3A_565 = arith.constant 0 : i32
        %get3A_566 = arith.index_cast %get3A_565 : i32 to index
        %get3A_567 = arith.index_cast %add3A_559 : i32 to index
        %get3A_568 = tpu.vector_load %arg9[%get3A_566, %get3A_567] {strides = array<i32>} : memref<4x128xi32, #tpu.memory_space<vmem>>, vector<16xi32>,
        %add3A_569 = arith.constant 0 : i32
        %add3A_570 = arith.addi %add3A_569, %add3A_559 : i32
        %iota3A = tpu.iota {dimensions = array<i32: 0>} : vector<16xi32>
        %add3A_571 = vector.broadcast %add3A_570 : i32 to vector<16xi32>
        %add3A_572 = arith.addi %add3A_571, %iota3A : vector<16xi32>
        %broadcast_in_dim3A = arith.constant 0 : i32
        %broadcast_in_dim3A_573 = vector.broadcast %broadcast_in_dim3A : i32 to vector<16xi32>
        %broadcast_in_dim3A_574 = arith.constant 0 : i32
        %broadcast_in_dim3A_575 = vector.broadcast %broadcast_in_dim3A_574 : i32 to vector<16xi32>
        %gather3A = tpu.vector_load_idx %arg10[%add3A_572, %broadcast_in_dim3A_575] : memref<512x8xf32, #tpu.memory_space<vmem>>[vector<16xi32>, vector<16xi32>], vector<16xf32>,
        %lt3A_576 = arith.cmpf olt, %gather3A, %get3A_564 : vector<16xf32>
        %jit3A = arith.constant 1 : i32
        %jit3A_577 = arith.constant 0 : i32
        %broadcast_in_dim3A_578 = vector.broadcast %jit3A : i32 to vector<16xi32>
        %broadcast_in_dim3A_579 = vector.broadcast %jit3A_577 : i32 to vector<16xi32>
        %select_n3A = arith.select %lt3A_576, %broadcast_in_dim3A_578, %broadcast_in_dim3A_579 : vector<16xi1>, vector<16xi32>
        %add3A_580 = arith.addi %broadcast_in_dim3A_573, %select_n3A : vector<16xi32>
        %broadcast_in_dim3A_581 = arith.constant 1 : i32
        %broadcast_in_dim3A_582 = vector.broadcast %broadcast_in_dim3A_581 : i32 to vector<16xi32>
        %gather3A_583 = tpu.vector_load_idx %arg10[%add3A_572, %broadcast_in_dim3A_582] : memref<512x8xf32, #tpu.memory_space<vmem>>[vector<16xi32>, vector<16xi32>], vector<16xf32>,
        %lt3A_584 = arith.cmpf olt, %gather3A_583, %get3A_564 : vector<16xf32>
        %jit3A_585 = arith.constant 1 : i32
        %jit3A_586 = arith.constant 0 : i32
        %broadcast_in_dim3A_587 = vector.broadcast %jit3A_585 : i32 to vector<16xi32>
        %broadcast_in_dim3A_588 = vector.broadcast %jit3A_586 : i32 to vector<16xi32>
        %select_n3A_589 = arith.select %lt3A_584, %broadcast_in_dim3A_587, %broadcast_in_dim3A_588 : vector<16xi1>, vector<16xi32>
        %add3A_590 = arith.addi %add3A_580, %select_n3A_589 : vector<16xi32>
        %broadcast_in_dim3A_591 = arith.constant 2 : i32
        %broadcast_in_dim3A_592 = vector.broadcast %broadcast_in_dim3A_591 : i32 to vector<16xi32>
        %gather3A_593 = tpu.vector_load_idx %arg10[%add3A_572, %broadcast_in_dim3A_592] : memref<512x8xf32, #tpu.memory_space<vmem>>[vector<16xi32>, vector<16xi32>], vector<16xf32>,
        %lt3A_594 = arith.cmpf olt, %gather3A_593, %get3A_564 : vector<16xf32>
        %jit3A_595 = arith.constant 1 : i32
        %jit3A_596 = arith.constant 0 : i32
        %broadcast_in_dim3A_597 = vector.broadcast %jit3A_595 : i32 to vector<16xi32>
        %broadcast_in_dim3A_598 = vector.broadcast %jit3A_596 : i32 to vector<16xi32>
        %select_n3A_599 = arith.select %lt3A_594, %broadcast_in_dim3A_597, %broadcast_in_dim3A_598 : vector<16xi1>, vector<16xi32>
        %add3A_600 = arith.addi %add3A_590, %select_n3A_599 : vector<16xi32>
        %broadcast_in_dim3A_601 = arith.constant 3 : i32
        %broadcast_in_dim3A_602 = vector.broadcast %broadcast_in_dim3A_601 : i32 to vector<16xi32>
        %gather3A_603 = tpu.vector_load_idx %arg10[%add3A_572, %broadcast_in_dim3A_602] : memref<512x8xf32, #tpu.memory_space<vmem>>[vector<16xi32>, vector<16xi32>], vector<16xf32>,
        %lt3A_604 = arith.cmpf olt, %gather3A_603, %get3A_564 : vector<16xf32>
        %jit3A_605 = arith.constant 1 : i32
        %jit3A_606 = arith.constant 0 : i32
        %broadcast_in_dim3A_607 = vector.broadcast %jit3A_605 : i32 to vector<16xi32>
        %broadcast_in_dim3A_608 = vector.broadcast %jit3A_606 : i32 to vector<16xi32>
        %select_n3A_609 = arith.select %lt3A_604, %broadcast_in_dim3A_607, %broadcast_in_dim3A_608 : vector<16xi1>, vector<16xi32>
        %add3A_610 = arith.addi %add3A_600, %select_n3A_609 : vector<16xi32>
        %broadcast_in_dim3A_611 = arith.constant 4 : i32
        %broadcast_in_dim3A_612 = vector.broadcast %broadcast_in_dim3A_611 : i32 to vector<16xi32>
        %gather3A_613 = tpu.vector_load_idx %arg10[%add3A_572, %broadcast_in_dim3A_612] : memref<512x8xf32, #tpu.memory_space<vmem>>[vector<16xi32>, vector<16xi32>], vector<16xf32>,
        %lt3A_614 = arith.cmpf olt, %gather3A_613, %get3A_564 : vector<16xf32>
        %jit3A_615 = arith.constant 1 : i32
        %jit3A_616 = arith.constant 0 : i32
        %broadcast_in_dim3A_617 = vector.broadcast %jit3A_615 : i32 to vector<16xi32>
        %broadcast_in_dim3A_618 = vector.broadcast %jit3A_616 : i32 to vector<16xi32>
        %select_n3A_619 = arith.select %lt3A_614, %broadcast_in_dim3A_617, %broadcast_in_dim3A_618 : vector<16xi1>, vector<16xi32>
        %add3A_620 = arith.addi %add3A_610, %select_n3A_619 : vector<16xi32>
        %broadcast_in_dim3A_621 = arith.constant 5 : i32
        %broadcast_in_dim3A_622 = vector.broadcast %broadcast_in_dim3A_621 : i32 to vector<16xi32>
        %gather3A_623 = tpu.vector_load_idx %arg10[%add3A_572, %broadcast_in_dim3A_622] : memref<512x8xf32, #tpu.memory_space<vmem>>[vector<16xi32>, vector<16xi32>], vector<16xf32>,
        %lt3A_624 = arith.cmpf olt, %gather3A_623, %get3A_564 : vector<16xf32>
        %jit3A_625 = arith.constant 1 : i32
        %jit3A_626 = arith.constant 0 : i32
        %broadcast_in_dim3A_627 = vector.broadcast %jit3A_625 : i32 to vector<16xi32>
        %broadcast_in_dim3A_628 = vector.broadcast %jit3A_626 : i32 to vector<16xi32>
        %select_n3A_629 = arith.select %lt3A_624, %broadcast_in_dim3A_627, %broadcast_in_dim3A_628 : vector<16xi1>, vector<16xi32>
        %add3A_630 = arith.addi %add3A_620, %select_n3A_629 : vector<16xi32>
        %broadcast_in_dim3A_631 = arith.constant 6 : i32
        %broadcast_in_dim3A_632 = vector.broadcast %broadcast_in_dim3A_631 : i32 to vector<16xi32>
        %gather3A_633 = tpu.vector_load_idx %arg10[%add3A_572, %broadcast_in_dim3A_632] : memref<512x8xf32, #tpu.memory_space<vmem>>[vector<16xi32>, vector<16xi32>], vector<16xf32>,
        %lt3A_634 = arith.cmpf olt, %gather3A_633, %get3A_564 : vector<16xf32>
        %jit3A_635 = arith.constant 1 : i32
        %jit3A_636 = arith.constant 0 : i32
        %broadcast_in_dim3A_637 = vector.broadcast %jit3A_635 : i32 to vector<16xi32>
        %broadcast_in_dim3A_638 = vector.broadcast %jit3A_636 : i32 to vector<16xi32>
        %select_n3A_639 = arith.select %lt3A_634, %broadcast_in_dim3A_637, %broadcast_in_dim3A_638 : vector<16xi1>, vector<16xi32>
        %add3A_640 = arith.addi %add3A_630, %select_n3A_639 : vector<16xi32>
        %mul3A_641 = arith.constant 8 : i32
        %mul3A_642 = vector.broadcast %mul3A_641 : i32 to vector<16xi32>
        %mul3A_643 = arith.muli %get3A_568, %mul3A_642 : vector<16xi32>
        %add3A_644 = arith.addi %mul3A_643, %add3A_640 : vector<16xi32>
        %min3A = arith.constant 524287 : i32
        %min3A_645 = vector.broadcast %min3A : i32 to vector<16xi32>
        %min3A_646 = arith.minsi %add3A_644, %min3A_645 : vector<16xi32>
        %swap3A = arith.constant 0 : i32
        %swap3A_647 = arith.index_cast %swap3A : i32 to index
        %swap3A_648 = arith.index_cast %add3A_559 : i32 to index
        %swap3A_649 = tpu.vector_load %arg11[%swap3A_647, %swap3A_648] {strides = array<i32>} : memref<4x128xi32, #tpu.memory_space<vmem>>, vector<16xi32>,
        tpu.vector_store %arg11[%swap3A_647, %swap3A_648], %min3A_646 {strides = array<i32>} : memref<4x128xi32, #tpu.memory_space<vmem>>, vector<16xi32>,
      }
      %scan3A_143 = arith.constant 8 : i32
      %dma_start3A_144 = arith.constant 0 : i32
      %dma_start3A_145 = arith.constant 0 : i32
      %dma_start3A_146 = arith.constant 0 : i32
      %dma_start3A_147 = arith.constant 0 : i32
      %dma_start3A_148 = tpu.memref_slice %arg12[%dma_start3A_145, %dma_start3A_146, %dma_start3A_147] : memref<2x512x8xf32, #tpu.memory_space<vmem>> -> memref<1x128x8xf32, #tpu.memory_space<vmem>>
      %dma_start3A_149 = tpu.memref_squeeze %dma_start3A_148 : memref<1x128x8xf32, #tpu.memory_space<vmem>> -> memref<128x8xf32, #tpu.memory_space<vmem>>
      %dma_start3A_150 = arith.constant 0 : i32
      %dma_start3A_151 = tpu.memref_slice %arg11[%dma_start3A_144, %dma_start3A_150] : memref<4x128xi32, #tpu.memory_space<vmem>> -> memref<1x128xi32, #tpu.memory_space<vmem>>
      %dma_start3A_152 = tpu.memref_squeeze %dma_start3A_151 : memref<1x128xi32, #tpu.memory_space<vmem>> -> memref<128xi32, #tpu.memory_space<vmem>>
      %dma_start3A_153 = arith.constant 0 : i32
      %dma_start3A_154 = arith.constant 0 : i32
      %dma_start3A_155 = tpu.memref_slice %arg5[%dma_start3A_153, %dma_start3A_154] : memref<524288x8xf32, #tpu.memory_space<hbm>> -> memref<524288x8xf32, #tpu.memory_space<hbm>>
      tpu.enqueue_indirect_dma source(%dma_start3A_155 : memref<524288x8xf32, #tpu.memory_space<hbm>>) target(%dma_start3A_149 : memref<128x8xf32, #tpu.memory_space<vmem>>) offsets(%dma_start3A_152 : memref<128xi32, #tpu.memory_space<vmem>>) semaphore(%arg16 : memref<!tpu.dma_semaphore, #tpu.memory_space<semaphore_mem>>)
      %dma_wait3A_156 = arith.constant 1 : i32
      %dma_wait3A_157 = arith.constant 128 : i32
      %dma_wait3A_158 = arith.constant 0 : i32
      %dma_wait3A_159 = tpu.memref_slice %arg10[%dma_wait3A_157, %dma_wait3A_158] : memref<512x8xf32, #tpu.memory_space<vmem>> -> memref<128x8xf32, #tpu.memory_space<vmem>>
      %dma_wait3A_160 = arith.constant 0 : i32
      %dma_wait3A_161 = tpu.memref_slice %arg9[%dma_wait3A_156, %dma_wait3A_160] : memref<4x128xi32, #tpu.memory_space<vmem>> -> memref<1x128xi32, #tpu.memory_space<vmem>>
      %dma_wait3A_162 = tpu.memref_squeeze %dma_wait3A_161 : memref<1x128xi32, #tpu.memory_space<vmem>> -> memref<128xi32, #tpu.memory_space<vmem>>
      %dma_wait3A_163 = arith.constant 0 : i32
      %dma_wait3A_164 = arith.constant 0 : i32
      %dma_wait3A_165 = tpu.memref_slice %arg2[%dma_wait3A_163, %dma_wait3A_164] : memref<65536x8xf32, #tpu.memory_space<hbm>> -> memref<65536x8xf32, #tpu.memory_space<hbm>>
      tpu.wait_indirect_dma semaphore(%arg15 : memref<!tpu.dma_semaphore, #tpu.memory_space<semaphore_mem>>) src(%dma_wait3A_165 : memref<65536x8xf32, #tpu.memory_space<hbm>>) dst(%dma_wait3A_159 : memref<128x8xf32, #tpu.memory_space<vmem>>)
      %scan3A_166 = arith.constant 0 : i32
      %scan3A_167 = arith.constant 8 : i32
      %scan3A_168 = arith.addi %scan3A_166, %scan3A_167 : i32
      %scan3A_169 = arith.constant 1 : i32
      scf.for %scan3A_555 = %scan3A_166 to %scan3A_168 step %scan3A_169  : i32 {
        %mul3A_556 = arith.constant 16 : i32
        %mul3A_557 = arith.muli %scan3A_555, %mul3A_556 : i32
        %add3A_558 = arith.constant 0 : i32
        %add3A_559 = arith.addi %add3A_558, %mul3A_557 : i32
        %add3A_560 = arith.constant 128 : i32
        %add3A_561 = arith.addi %add3A_560, %add3A_559 : i32
        %get3A = arith.constant 0 : i32
        %get3A_562 = arith.index_cast %get3A : i32 to index
        %get3A_563 = arith.index_cast %add3A_561 : i32 to index
        %get3A_564 = tpu.vector_load %arg8[%get3A_562, %get3A_563] {strides = array<i32>} : memref<2x512xf32, #tpu.memory_space<vmem>>, vector<16xf32>,
        %get3A_565 = arith.constant 1 : i32
        %get3A_566 = arith.index_cast %get3A_565 : i32 to index
        %get3A_567 = arith.index_cast %add3A_559 : i32 to index
        %get3A_568 = tpu.vector_load %arg9[%get3A_566, %get3A_567] {strides = array<i32>} : memref<4x128xi32, #tpu.memory_space<vmem>>, vector<16xi32>,
        %add3A_569 = arith.constant 128 : i32
        %add3A_570 = arith.addi %add3A_569, %add3A_559 : i32
        %iota3A = tpu.iota {dimensions = array<i32: 0>} : vector<16xi32>
        %add3A_571 = vector.broadcast %add3A_570 : i32 to vector<16xi32>
        %add3A_572 = arith.addi %add3A_571, %iota3A : vector<16xi32>
        %broadcast_in_dim3A = arith.constant 0 : i32
        %broadcast_in_dim3A_573 = vector.broadcast %broadcast_in_dim3A : i32 to vector<16xi32>
        %broadcast_in_dim3A_574 = arith.constant 0 : i32
        %broadcast_in_dim3A_575 = vector.broadcast %broadcast_in_dim3A_574 : i32 to vector<16xi32>
        %gather3A = tpu.vector_load_idx %arg10[%add3A_572, %broadcast_in_dim3A_575] : memref<512x8xf32, #tpu.memory_space<vmem>>[vector<16xi32>, vector<16xi32>], vector<16xf32>,
        %lt3A_576 = arith.cmpf olt, %gather3A, %get3A_564 : vector<16xf32>
        %jit3A = arith.constant 1 : i32
        %jit3A_577 = arith.constant 0 : i32
        %broadcast_in_dim3A_578 = vector.broadcast %jit3A : i32 to vector<16xi32>
        %broadcast_in_dim3A_579 = vector.broadcast %jit3A_577 : i32 to vector<16xi32>
        %select_n3A = arith.select %lt3A_576, %broadcast_in_dim3A_578, %broadcast_in_dim3A_579 : vector<16xi1>, vector<16xi32>
        %add3A_580 = arith.addi %broadcast_in_dim3A_573, %select_n3A : vector<16xi32>
        %broadcast_in_dim3A_581 = arith.constant 1 : i32
        %broadcast_in_dim3A_582 = vector.broadcast %broadcast_in_dim3A_581 : i32 to vector<16xi32>
        %gather3A_583 = tpu.vector_load_idx %arg10[%add3A_572, %broadcast_in_dim3A_582] : memref<512x8xf32, #tpu.memory_space<vmem>>[vector<16xi32>, vector<16xi32>], vector<16xf32>,
        %lt3A_584 = arith.cmpf olt, %gather3A_583, %get3A_564 : vector<16xf32>
        %jit3A_585 = arith.constant 1 : i32
        %jit3A_586 = arith.constant 0 : i32
        %broadcast_in_dim3A_587 = vector.broadcast %jit3A_585 : i32 to vector<16xi32>
        %broadcast_in_dim3A_588 = vector.broadcast %jit3A_586 : i32 to vector<16xi32>
        %select_n3A_589 = arith.select %lt3A_584, %broadcast_in_dim3A_587, %broadcast_in_dim3A_588 : vector<16xi1>, vector<16xi32>
        %add3A_590 = arith.addi %add3A_580, %select_n3A_589 : vector<16xi32>
        %broadcast_in_dim3A_591 = arith.constant 2 : i32
        %broadcast_in_dim3A_592 = vector.broadcast %broadcast_in_dim3A_591 : i32 to vector<16xi32>
        %gather3A_593 = tpu.vector_load_idx %arg10[%add3A_572, %broadcast_in_dim3A_592] : memref<512x8xf32, #tpu.memory_space<vmem>>[vector<16xi32>, vector<16xi32>], vector<16xf32>,
        %lt3A_594 = arith.cmpf olt, %gather3A_593, %get3A_564 : vector<16xf32>
        %jit3A_595 = arith.constant 1 : i32
        %jit3A_596 = arith.constant 0 : i32
        %broadcast_in_dim3A_597 = vector.broadcast %jit3A_595 : i32 to vector<16xi32>
        %broadcast_in_dim3A_598 = vector.broadcast %jit3A_596 : i32 to vector<16xi32>
        %select_n3A_599 = arith.select %lt3A_594, %broadcast_in_dim3A_597, %broadcast_in_dim3A_598 : vector<16xi1>, vector<16xi32>
        %add3A_600 = arith.addi %add3A_590, %select_n3A_599 : vector<16xi32>
        %broadcast_in_dim3A_601 = arith.constant 3 : i32
        %broadcast_in_dim3A_602 = vector.broadcast %broadcast_in_dim3A_601 : i32 to vector<16xi32>
        %gather3A_603 = tpu.vector_load_idx %arg10[%add3A_572, %broadcast_in_dim3A_602] : memref<512x8xf32, #tpu.memory_space<vmem>>[vector<16xi32>, vector<16xi32>], vector<16xf32>,
        %lt3A_604 = arith.cmpf olt, %gather3A_603, %get3A_564 : vector<16xf32>
        %jit3A_605 = arith.constant 1 : i32
        %jit3A_606 = arith.constant 0 : i32
        %broadcast_in_dim3A_607 = vector.broadcast %jit3A_605 : i32 to vector<16xi32>
        %broadcast_in_dim3A_608 = vector.broadcast %jit3A_606 : i32 to vector<16xi32>
        %select_n3A_609 = arith.select %lt3A_604, %broadcast_in_dim3A_607, %broadcast_in_dim3A_608 : vector<16xi1>, vector<16xi32>
        %add3A_610 = arith.addi %add3A_600, %select_n3A_609 : vector<16xi32>
        %broadcast_in_dim3A_611 = arith.constant 4 : i32
        %broadcast_in_dim3A_612 = vector.broadcast %broadcast_in_dim3A_611 : i32 to vector<16xi32>
        %gather3A_613 = tpu.vector_load_idx %arg10[%add3A_572, %broadcast_in_dim3A_612] : memref<512x8xf32, #tpu.memory_space<vmem>>[vector<16xi32>, vector<16xi32>], vector<16xf32>,
        %lt3A_614 = arith.cmpf olt, %gather3A_613, %get3A_564 : vector<16xf32>
        %jit3A_615 = arith.constant 1 : i32
        %jit3A_616 = arith.constant 0 : i32
        %broadcast_in_dim3A_617 = vector.broadcast %jit3A_615 : i32 to vector<16xi32>
        %broadcast_in_dim3A_618 = vector.broadcast %jit3A_616 : i32 to vector<16xi32>
        %select_n3A_619 = arith.select %lt3A_614, %broadcast_in_dim3A_617, %broadcast_in_dim3A_618 : vector<16xi1>, vector<16xi32>
        %add3A_620 = arith.addi %add3A_610, %select_n3A_619 : vector<16xi32>
        %broadcast_in_dim3A_621 = arith.constant 5 : i32
        %broadcast_in_dim3A_622 = vector.broadcast %broadcast_in_dim3A_621 : i32 to vector<16xi32>
        %gather3A_623 = tpu.vector_load_idx %arg10[%add3A_572, %broadcast_in_dim3A_622] : memref<512x8xf32, #tpu.memory_space<vmem>>[vector<16xi32>, vector<16xi32>], vector<16xf32>,
        %lt3A_624 = arith.cmpf olt, %gather3A_623, %get3A_564 : vector<16xf32>
        %jit3A_625 = arith.constant 1 : i32
        %jit3A_626 = arith.constant 0 : i32
        %broadcast_in_dim3A_627 = vector.broadcast %jit3A_625 : i32 to vector<16xi32>
        %broadcast_in_dim3A_628 = vector.broadcast %jit3A_626 : i32 to vector<16xi32>
        %select_n3A_629 = arith.select %lt3A_624, %broadcast_in_dim3A_627, %broadcast_in_dim3A_628 : vector<16xi1>, vector<16xi32>
        %add3A_630 = arith.addi %add3A_620, %select_n3A_629 : vector<16xi32>
        %broadcast_in_dim3A_631 = arith.constant 6 : i32
        %broadcast_in_dim3A_632 = vector.broadcast %broadcast_in_dim3A_631 : i32 to vector<16xi32>
        %gather3A_633 = tpu.vector_load_idx %arg10[%add3A_572, %broadcast_in_dim3A_632] : memref<512x8xf32, #tpu.memory_space<vmem>>[vector<16xi32>, vector<16xi32>], vector<16xf32>,
        %lt3A_634 = arith.cmpf olt, %gather3A_633, %get3A_564 : vector<16xf32>
        %jit3A_635 = arith.constant 1 : i32
        %jit3A_636 = arith.constant 0 : i32
        %broadcast_in_dim3A_637 = vector.broadcast %jit3A_635 : i32 to vector<16xi32>
        %broadcast_in_dim3A_638 = vector.broadcast %jit3A_636 : i32 to vector<16xi32>
        %select_n3A_639 = arith.select %lt3A_634, %broadcast_in_dim3A_637, %broadcast_in_dim3A_638 : vector<16xi1>, vector<16xi32>
        %add3A_640 = arith.addi %add3A_630, %select_n3A_639 : vector<16xi32>
        %mul3A_641 = arith.constant 8 : i32
        %mul3A_642 = vector.broadcast %mul3A_641 : i32 to vector<16xi32>
        %mul3A_643 = arith.muli %get3A_568, %mul3A_642 : vector<16xi32>
        %add3A_644 = arith.addi %mul3A_643, %add3A_640 : vector<16xi32>
        %min3A = arith.constant 524287 : i32
        %min3A_645 = vector.broadcast %min3A : i32 to vector<16xi32>
        %min3A_646 = arith.minsi %add3A_644, %min3A_645 : vector<16xi32>
        %swap3A = arith.constant 1 : i32
        %swap3A_647 = arith.index_cast %swap3A : i32 to index
        %swap3A_648 = arith.index_cast %add3A_559 : i32 to index
        %swap3A_649 = tpu.vector_load %arg11[%swap3A_647, %swap3A_648] {strides = array<i32>} : memref<4x128xi32, #tpu.memory_space<vmem>>, vector<16xi32>,
        tpu.vector_store %arg11[%swap3A_647, %swap3A_648], %min3A_646 {strides = array<i32>} : memref<4x128xi32, #tpu.memory_space<vmem>>, vector<16xi32>,
      }
      %scan3A_170 = arith.constant 8 : i32
      %dma_start3A_171 = arith.constant 1 : i32
      %dma_start3A_172 = arith.constant 0 : i32
      %dma_start3A_173 = arith.constant 128 : i32
      %dma_start3A_174 = arith.constant 0 : i32
      %dma_start3A_175 = tpu.memref_slice %arg12[%dma_start3A_172, %dma_start3A_173, %dma_start3A_174] : memref<2x512x8xf32, #tpu.memory_space<vmem>> -> memref<1x128x8xf32, #tpu.memory_space<vmem>>
      %dma_start3A_176 = tpu.memref_squeeze %dma_start3A_175 : memref<1x128x8xf32, #tpu.memory_space<vmem>> -> memref<128x8xf32, #tpu.memory_space<vmem>>
      %dma_start3A_177 = arith.constant 0 : i32
      %dma_start3A_178 = tpu.memref_slice %arg11[%dma_start3A_171, %dma_start3A_177] : memref<4x128xi32, #tpu.memory_space<vmem>> -> memref<1x128xi32, #tpu.memory_space<vmem>>
      %dma_start3A_179 = tpu.memref_squeeze %dma_start3A_178 : memref<1x128xi32, #tpu.memory_space<vmem>> -> memref<128xi32, #tpu.memory_space<vmem>>
      %dma_start3A_180 = arith.constant 0 : i32
      %dma_start3A_181 = arith.constant 0 : i32
      %dma_start3A_182 = tpu.memref_slice %arg5[%dma_start3A_180, %dma_start3A_181] : memref<524288x8xf32, #tpu.memory_space<hbm>> -> memref<524288x8xf32, #tpu.memory_space<hbm>>
      tpu.enqueue_indirect_dma source(%dma_start3A_182 : memref<524288x8xf32, #tpu.memory_space<hbm>>) target(%dma_start3A_176 : memref<128x8xf32, #tpu.memory_space<vmem>>) offsets(%dma_start3A_179 : memref<128xi32, #tpu.memory_space<vmem>>) semaphore(%arg16 : memref<!tpu.dma_semaphore, #tpu.memory_space<semaphore_mem>>)
      %dma_wait3A_183 = arith.constant 2 : i32
      %dma_wait3A_184 = arith.constant 256 : i32
      %dma_wait3A_185 = arith.constant 0 : i32
      %dma_wait3A_186 = tpu.memref_slice %arg10[%dma_wait3A_184, %dma_wait3A_185] : memref<512x8xf32, #tpu.memory_space<vmem>> -> memref<128x8xf32, #tpu.memory_space<vmem>>
      %dma_wait3A_187 = arith.constant 0 : i32
      %dma_wait3A_188 = tpu.memref_slice %arg9[%dma_wait3A_183, %dma_wait3A_187] : memref<4x128xi32, #tpu.memory_space<vmem>> -> memref<1x128xi32, #tpu.memory_space<vmem>>
      %dma_wait3A_189 = tpu.memref_squeeze %dma_wait3A_188 : memref<1x128xi32, #tpu.memory_space<vmem>> -> memref<128xi32, #tpu.memory_space<vmem>>
      %dma_wait3A_190 = arith.constant 0 : i32
      %dma_wait3A_191 = arith.constant 0 : i32
      %dma_wait3A_192 = tpu.memref_slice %arg2[%dma_wait3A_190, %dma_wait3A_191] : memref<65536x8xf32, #tpu.memory_space<hbm>> -> memref<65536x8xf32, #tpu.memory_space<hbm>>
      tpu.wait_indirect_dma semaphore(%arg15 : memref<!tpu.dma_semaphore, #tpu.memory_space<semaphore_mem>>) src(%dma_wait3A_192 : memref<65536x8xf32, #tpu.memory_space<hbm>>) dst(%dma_wait3A_186 : memref<128x8xf32, #tpu.memory_space<vmem>>)
      %scan3A_193 = arith.constant 0 : i32
      %scan3A_194 = arith.constant 8 : i32
      %scan3A_195 = arith.addi %scan3A_193, %scan3A_194 : i32
      %scan3A_196 = arith.constant 1 : i32
      scf.for %scan3A_555 = %scan3A_193 to %scan3A_195 step %scan3A_196  : i32 {
        %mul3A_556 = arith.constant 16 : i32
        %mul3A_557 = arith.muli %scan3A_555, %mul3A_556 : i32
        %add3A_558 = arith.constant 0 : i32
        %add3A_559 = arith.addi %add3A_558, %mul3A_557 : i32
        %add3A_560 = arith.constant 256 : i32
        %add3A_561 = arith.addi %add3A_560, %add3A_559 : i32
        %get3A = arith.constant 0 : i32
        %get3A_562 = arith.index_cast %get3A : i32 to index
        %get3A_563 = arith.index_cast %add3A_561 : i32 to index
        %get3A_564 = tpu.vector_load %arg8[%get3A_562, %get3A_563] {strides = array<i32>} : memref<2x512xf32, #tpu.memory_space<vmem>>, vector<16xf32>,
        %get3A_565 = arith.constant 2 : i32
        %get3A_566 = arith.index_cast %get3A_565 : i32 to index
        %get3A_567 = arith.index_cast %add3A_559 : i32 to index
        %get3A_568 = tpu.vector_load %arg9[%get3A_566, %get3A_567] {strides = array<i32>} : memref<4x128xi32, #tpu.memory_space<vmem>>, vector<16xi32>,
        %add3A_569 = arith.constant 256 : i32
        %add3A_570 = arith.addi %add3A_569, %add3A_559 : i32
        %iota3A = tpu.iota {dimensions = array<i32: 0>} : vector<16xi32>
        %add3A_571 = vector.broadcast %add3A_570 : i32 to vector<16xi32>
        %add3A_572 = arith.addi %add3A_571, %iota3A : vector<16xi32>
        %broadcast_in_dim3A = arith.constant 0 : i32
        %broadcast_in_dim3A_573 = vector.broadcast %broadcast_in_dim3A : i32 to vector<16xi32>
        %broadcast_in_dim3A_574 = arith.constant 0 : i32
        %broadcast_in_dim3A_575 = vector.broadcast %broadcast_in_dim3A_574 : i32 to vector<16xi32>
        %gather3A = tpu.vector_load_idx %arg10[%add3A_572, %broadcast_in_dim3A_575] : memref<512x8xf32, #tpu.memory_space<vmem>>[vector<16xi32>, vector<16xi32>], vector<16xf32>,
        %lt3A_576 = arith.cmpf olt, %gather3A, %get3A_564 : vector<16xf32>
        %jit3A = arith.constant 1 : i32
        %jit3A_577 = arith.constant 0 : i32
        %broadcast_in_dim3A_578 = vector.broadcast %jit3A : i32 to vector<16xi32>
        %broadcast_in_dim3A_579 = vector.broadcast %jit3A_577 : i32 to vector<16xi32>
        %select_n3A = arith.select %lt3A_576, %broadcast_in_dim3A_578, %broadcast_in_dim3A_579 : vector<16xi1>, vector<16xi32>
        %add3A_580 = arith.addi %broadcast_in_dim3A_573, %select_n3A : vector<16xi32>
        %broadcast_in_dim3A_581 = arith.constant 1 : i32
        %broadcast_in_dim3A_582 = vector.broadcast %broadcast_in_dim3A_581 : i32 to vector<16xi32>
        %gather3A_583 = tpu.vector_load_idx %arg10[%add3A_572, %broadcast_in_dim3A_582] : memref<512x8xf32, #tpu.memory_space<vmem>>[vector<16xi32>, vector<16xi32>], vector<16xf32>,
        %lt3A_584 = arith.cmpf olt, %gather3A_583, %get3A_564 : vector<16xf32>
        %jit3A_585 = arith.constant 1 : i32
        %jit3A_586 = arith.constant 0 : i32
        %broadcast_in_dim3A_587 = vector.broadcast %jit3A_585 : i32 to vector<16xi32>
        %broadcast_in_dim3A_588 = vector.broadcast %jit3A_586 : i32 to vector<16xi32>
        %select_n3A_589 = arith.select %lt3A_584, %broadcast_in_dim3A_587, %broadcast_in_dim3A_588 : vector<16xi1>, vector<16xi32>
        %add3A_590 = arith.addi %add3A_580, %select_n3A_589 : vector<16xi32>
        %broadcast_in_dim3A_591 = arith.constant 2 : i32
        %broadcast_in_dim3A_592 = vector.broadcast %broadcast_in_dim3A_591 : i32 to vector<16xi32>
        %gather3A_593 = tpu.vector_load_idx %arg10[%add3A_572, %broadcast_in_dim3A_592] : memref<512x8xf32, #tpu.memory_space<vmem>>[vector<16xi32>, vector<16xi32>], vector<16xf32>,
        %lt3A_594 = arith.cmpf olt, %gather3A_593, %get3A_564 : vector<16xf32>
        %jit3A_595 = arith.constant 1 : i32
        %jit3A_596 = arith.constant 0 : i32
        %broadcast_in_dim3A_597 = vector.broadcast %jit3A_595 : i32 to vector<16xi32>
        %broadcast_in_dim3A_598 = vector.broadcast %jit3A_596 : i32 to vector<16xi32>
        %select_n3A_599 = arith.select %lt3A_594, %broadcast_in_dim3A_597, %broadcast_in_dim3A_598 : vector<16xi1>, vector<16xi32>
        %add3A_600 = arith.addi %add3A_590, %select_n3A_599 : vector<16xi32>
        %broadcast_in_dim3A_601 = arith.constant 3 : i32
        %broadcast_in_dim3A_602 = vector.broadcast %broadcast_in_dim3A_601 : i32 to vector<16xi32>
        %gather3A_603 = tpu.vector_load_idx %arg10[%add3A_572, %broadcast_in_dim3A_602] : memref<512x8xf32, #tpu.memory_space<vmem>>[vector<16xi32>, vector<16xi32>], vector<16xf32>,
        %lt3A_604 = arith.cmpf olt, %gather3A_603, %get3A_564 : vector<16xf32>
        %jit3A_605 = arith.constant 1 : i32
        %jit3A_606 = arith.constant 0 : i32
        %broadcast_in_dim3A_607 = vector.broadcast %jit3A_605 : i32 to vector<16xi32>
        %broadcast_in_dim3A_608 = vector.broadcast %jit3A_606 : i32 to vector<16xi32>
        %select_n3A_609 = arith.select %lt3A_604, %broadcast_in_dim3A_607, %broadcast_in_dim3A_608 : vector<16xi1>, vector<16xi32>
        %add3A_610 = arith.addi %add3A_600, %select_n3A_609 : vector<16xi32>
        %broadcast_in_dim3A_611 = arith.constant 4 : i32
        %broadcast_in_dim3A_612 = vector.broadcast %broadcast_in_dim3A_611 : i32 to vector<16xi32>
        %gather3A_613 = tpu.vector_load_idx %arg10[%add3A_572, %broadcast_in_dim3A_612] : memref<512x8xf32, #tpu.memory_space<vmem>>[vector<16xi32>, vector<16xi32>], vector<16xf32>,
        %lt3A_614 = arith.cmpf olt, %gather3A_613, %get3A_564 : vector<16xf32>
        %jit3A_615 = arith.constant 1 : i32
        %jit3A_616 = arith.constant 0 : i32
        %broadcast_in_dim3A_617 = vector.broadcast %jit3A_615 : i32 to vector<16xi32>
        %broadcast_in_dim3A_618 = vector.broadcast %jit3A_616 : i32 to vector<16xi32>
        %select_n3A_619 = arith.select %lt3A_614, %broadcast_in_dim3A_617, %broadcast_in_dim3A_618 : vector<16xi1>, vector<16xi32>
        %add3A_620 = arith.addi %add3A_610, %select_n3A_619 : vector<16xi32>
        %broadcast_in_dim3A_621 = arith.constant 5 : i32
        %broadcast_in_dim3A_622 = vector.broadcast %broadcast_in_dim3A_621 : i32 to vector<16xi32>
        %gather3A_623 = tpu.vector_load_idx %arg10[%add3A_572, %broadcast_in_dim3A_622] : memref<512x8xf32, #tpu.memory_space<vmem>>[vector<16xi32>, vector<16xi32>], vector<16xf32>,
        %lt3A_624 = arith.cmpf olt, %gather3A_623, %get3A_564 : vector<16xf32>
        %jit3A_625 = arith.constant 1 : i32
        %jit3A_626 = arith.constant 0 : i32
        %broadcast_in_dim3A_627 = vector.broadcast %jit3A_625 : i32 to vector<16xi32>
        %broadcast_in_dim3A_628 = vector.broadcast %jit3A_626 : i32 to vector<16xi32>
        %select_n3A_629 = arith.select %lt3A_624, %broadcast_in_dim3A_627, %broadcast_in_dim3A_628 : vector<16xi1>, vector<16xi32>
        %add3A_630 = arith.addi %add3A_620, %select_n3A_629 : vector<16xi32>
        %broadcast_in_dim3A_631 = arith.constant 6 : i32
        %broadcast_in_dim3A_632 = vector.broadcast %broadcast_in_dim3A_631 : i32 to vector<16xi32>
        %gather3A_633 = tpu.vector_load_idx %arg10[%add3A_572, %broadcast_in_dim3A_632] : memref<512x8xf32, #tpu.memory_space<vmem>>[vector<16xi32>, vector<16xi32>], vector<16xf32>,
        %lt3A_634 = arith.cmpf olt, %gather3A_633, %get3A_564 : vector<16xf32>
        %jit3A_635 = arith.constant 1 : i32
        %jit3A_636 = arith.constant 0 : i32
        %broadcast_in_dim3A_637 = vector.broadcast %jit3A_635 : i32 to vector<16xi32>
        %broadcast_in_dim3A_638 = vector.broadcast %jit3A_636 : i32 to vector<16xi32>
        %select_n3A_639 = arith.select %lt3A_634, %broadcast_in_dim3A_637, %broadcast_in_dim3A_638 : vector<16xi1>, vector<16xi32>
        %add3A_640 = arith.addi %add3A_630, %select_n3A_639 : vector<16xi32>
        %mul3A_641 = arith.constant 8 : i32
        %mul3A_642 = vector.broadcast %mul3A_641 : i32 to vector<16xi32>
        %mul3A_643 = arith.muli %get3A_568, %mul3A_642 : vector<16xi32>
        %add3A_644 = arith.addi %mul3A_643, %add3A_640 : vector<16xi32>
        %min3A = arith.constant 524287 : i32
        %min3A_645 = vector.broadcast %min3A : i32 to vector<16xi32>
        %min3A_646 = arith.minsi %add3A_644, %min3A_645 : vector<16xi32>
        %swap3A = arith.constant 2 : i32
        %swap3A_647 = arith.index_cast %swap3A : i32 to index
        %swap3A_648 = arith.index_cast %add3A_559 : i32 to index
        %swap3A_649 = tpu.vector_load %arg11[%swap3A_647, %swap3A_648] {strides = array<i32>} : memref<4x128xi32, #tpu.memory_space<vmem>>, vector<16xi32>,
        tpu.vector_store %arg11[%swap3A_647, %swap3A_648], %min3A_646 {strides = array<i32>} : memref<4x128xi32, #tpu.memory_space<vmem>>, vector<16xi32>,
      }
      %scan3A_197 = arith.constant 8 : i32
      %dma_start3A_198 = arith.constant 2 : i32
      %dma_start3A_199 = arith.constant 0 : i32
      %dma_start3A_200 = arith.constant 256 : i32
      %dma_start3A_201 = arith.constant 0 : i32
      %dma_start3A_202 = tpu.memref_slice %arg12[%dma_start3A_199, %dma_start3A_200, %dma_start3A_201] : memref<2x512x8xf32, #tpu.memory_space<vmem>> -> memref<1x128x8xf32, #tpu.memory_space<vmem>>
      %dma_start3A_203 = tpu.memref_squeeze %dma_start3A_202 : memref<1x128x8xf32, #tpu.memory_space<vmem>> -> memref<128x8xf32, #tpu.memory_space<vmem>>
      %dma_start3A_204 = arith.constant 0 : i32
      %dma_start3A_205 = tpu.memref_slice %arg11[%dma_start3A_198, %dma_start3A_204] : memref<4x128xi32, #tpu.memory_space<vmem>> -> memref<1x128xi32, #tpu.memory_space<vmem>>
      %dma_start3A_206 = tpu.memref_squeeze %dma_start3A_205 : memref<1x128xi32, #tpu.memory_space<vmem>> -> memref<128xi32, #tpu.memory_space<vmem>>
      %dma_start3A_207 = arith.constant 0 : i32
      %dma_start3A_208 = arith.constant 0 : i32
      %dma_start3A_209 = tpu.memref_slice %arg5[%dma_start3A_207, %dma_start3A_208] : memref<524288x8xf32, #tpu.memory_space<hbm>> -> memref<524288x8xf32, #tpu.memory_space<hbm>>
      tpu.enqueue_indirect_dma source(%dma_start3A_209 : memref<524288x8xf32, #tpu.memory_space<hbm>>) target(%dma_start3A_203 : memref<128x8xf32, #tpu.memory_space<vmem>>) offsets(%dma_start3A_206 : memref<128xi32, #tpu.memory_space<vmem>>) semaphore(%arg16 : memref<!tpu.dma_semaphore, #tpu.memory_space<semaphore_mem>>)
      %dma_wait3A_210 = arith.constant 3 : i32
      %dma_wait3A_211 = arith.constant 384 : i32
      %dma_wait3A_212 = arith.constant 0 : i32
      %dma_wait3A_213 = tpu.memref_slice %arg10[%dma_wait3A_211, %dma_wait3A_212] : memref<512x8xf32, #tpu.memory_space<vmem>> -> memref<128x8xf32, #tpu.memory_space<vmem>>
      %dma_wait3A_214 = arith.constant 0 : i32
      %dma_wait3A_215 = tpu.memref_slice %arg9[%dma_wait3A_210, %dma_wait3A_214] : memref<4x128xi32, #tpu.memory_space<vmem>> -> memref<1x128xi32, #tpu.memory_space<vmem>>
      %dma_wait3A_216 = tpu.memref_squeeze %dma_wait3A_215 : memref<1x128xi32, #tpu.memory_space<vmem>> -> memref<128xi32, #tpu.memory_space<vmem>>
      %dma_wait3A_217 = arith.constant 0 : i32
      %dma_wait3A_218 = arith.constant 0 : i32
      %dma_wait3A_219 = tpu.memref_slice %arg2[%dma_wait3A_217, %dma_wait3A_218] : memref<65536x8xf32, #tpu.memory_space<hbm>> -> memref<65536x8xf32, #tpu.memory_space<hbm>>
      tpu.wait_indirect_dma semaphore(%arg15 : memref<!tpu.dma_semaphore, #tpu.memory_space<semaphore_mem>>) src(%dma_wait3A_219 : memref<65536x8xf32, #tpu.memory_space<hbm>>) dst(%dma_wait3A_213 : memref<128x8xf32, #tpu.memory_space<vmem>>)
      %scan3A_220 = arith.constant 0 : i32
      %scan3A_221 = arith.constant 8 : i32
      %scan3A_222 = arith.addi %scan3A_220, %scan3A_221 : i32
      %scan3A_223 = arith.constant 1 : i32
      scf.for %scan3A_555 = %scan3A_220 to %scan3A_222 step %scan3A_223  : i32 {
        %mul3A_556 = arith.constant 16 : i32
        %mul3A_557 = arith.muli %scan3A_555, %mul3A_556 : i32
        %add3A_558 = arith.constant 0 : i32
        %add3A_559 = arith.addi %add3A_558, %mul3A_557 : i32
        %add3A_560 = arith.constant 384 : i32
        %add3A_561 = arith.addi %add3A_560, %add3A_559 : i32
        %get3A = arith.constant 0 : i32
        %get3A_562 = arith.index_cast %get3A : i32 to index
        %get3A_563 = arith.index_cast %add3A_561 : i32 to index
        %get3A_564 = tpu.vector_load %arg8[%get3A_562, %get3A_563] {strides = array<i32>} : memref<2x512xf32, #tpu.memory_space<vmem>>, vector<16xf32>,
        %get3A_565 = arith.constant 3 : i32
        %get3A_566 = arith.index_cast %get3A_565 : i32 to index
        %get3A_567 = arith.index_cast %add3A_559 : i32 to index
        %get3A_568 = tpu.vector_load %arg9[%get3A_566, %get3A_567] {strides = array<i32>} : memref<4x128xi32, #tpu.memory_space<vmem>>, vector<16xi32>,
        %add3A_569 = arith.constant 384 : i32
        %add3A_570 = arith.addi %add3A_569, %add3A_559 : i32
        %iota3A = tpu.iota {dimensions = array<i32: 0>} : vector<16xi32>
        %add3A_571 = vector.broadcast %add3A_570 : i32 to vector<16xi32>
        %add3A_572 = arith.addi %add3A_571, %iota3A : vector<16xi32>
        %broadcast_in_dim3A = arith.constant 0 : i32
        %broadcast_in_dim3A_573 = vector.broadcast %broadcast_in_dim3A : i32 to vector<16xi32>
        %broadcast_in_dim3A_574 = arith.constant 0 : i32
        %broadcast_in_dim3A_575 = vector.broadcast %broadcast_in_dim3A_574 : i32 to vector<16xi32>
        %gather3A = tpu.vector_load_idx %arg10[%add3A_572, %broadcast_in_dim3A_575] : memref<512x8xf32, #tpu.memory_space<vmem>>[vector<16xi32>, vector<16xi32>], vector<16xf32>,
        %lt3A_576 = arith.cmpf olt, %gather3A, %get3A_564 : vector<16xf32>
        %jit3A = arith.constant 1 : i32
        %jit3A_577 = arith.constant 0 : i32
        %broadcast_in_dim3A_578 = vector.broadcast %jit3A : i32 to vector<16xi32>
        %broadcast_in_dim3A_579 = vector.broadcast %jit3A_577 : i32 to vector<16xi32>
        %select_n3A = arith.select %lt3A_576, %broadcast_in_dim3A_578, %broadcast_in_dim3A_579 : vector<16xi1>, vector<16xi32>
        %add3A_580 = arith.addi %broadcast_in_dim3A_573, %select_n3A : vector<16xi32>
        %broadcast_in_dim3A_581 = arith.constant 1 : i32
        %broadcast_in_dim3A_582 = vector.broadcast %broadcast_in_dim3A_581 : i32 to vector<16xi32>
        %gather3A_583 = tpu.vector_load_idx %arg10[%add3A_572, %broadcast_in_dim3A_582] : memref<512x8xf32, #tpu.memory_space<vmem>>[vector<16xi32>, vector<16xi32>], vector<16xf32>,
        %lt3A_584 = arith.cmpf olt, %gather3A_583, %get3A_564 : vector<16xf32>
        %jit3A_585 = arith.constant 1 : i32
        %jit3A_586 = arith.constant 0 : i32
        %broadcast_in_dim3A_587 = vector.broadcast %jit3A_585 : i32 to vector<16xi32>
        %broadcast_in_dim3A_588 = vector.broadcast %jit3A_586 : i32 to vector<16xi32>
        %select_n3A_589 = arith.select %lt3A_584, %broadcast_in_dim3A_587, %broadcast_in_dim3A_588 : vector<16xi1>, vector<16xi32>
        %add3A_590 = arith.addi %add3A_580, %select_n3A_589 : vector<16xi32>
        %broadcast_in_dim3A_591 = arith.constant 2 : i32
        %broadcast_in_dim3A_592 = vector.broadcast %broadcast_in_dim3A_591 : i32 to vector<16xi32>
        %gather3A_593 = tpu.vector_load_idx %arg10[%add3A_572, %broadcast_in_dim3A_592] : memref<512x8xf32, #tpu.memory_space<vmem>>[vector<16xi32>, vector<16xi32>], vector<16xf32>,
        %lt3A_594 = arith.cmpf olt, %gather3A_593, %get3A_564 : vector<16xf32>
        %jit3A_595 = arith.constant 1 : i32
        %jit3A_596 = arith.constant 0 : i32
        %broadcast_in_dim3A_597 = vector.broadcast %jit3A_595 : i32 to vector<16xi32>
        %broadcast_in_dim3A_598 = vector.broadcast %jit3A_596 : i32 to vector<16xi32>
        %select_n3A_599 = arith.select %lt3A_594, %broadcast_in_dim3A_597, %broadcast_in_dim3A_598 : vector<16xi1>, vector<16xi32>
        %add3A_600 = arith.addi %add3A_590, %select_n3A_599 : vector<16xi32>
        %broadcast_in_dim3A_601 = arith.constant 3 : i32
        %broadcast_in_dim3A_602 = vector.broadcast %broadcast_in_dim3A_601 : i32 to vector<16xi32>
        %gather3A_603 = tpu.vector_load_idx %arg10[%add3A_572, %broadcast_in_dim3A_602] : memref<512x8xf32, #tpu.memory_space<vmem>>[vector<16xi32>, vector<16xi32>], vector<16xf32>,
        %lt3A_604 = arith.cmpf olt, %gather3A_603, %get3A_564 : vector<16xf32>
        %jit3A_605 = arith.constant 1 : i32
        %jit3A_606 = arith.constant 0 : i32
        %broadcast_in_dim3A_607 = vector.broadcast %jit3A_605 : i32 to vector<16xi32>
        %broadcast_in_dim3A_608 = vector.broadcast %jit3A_606 : i32 to vector<16xi32>
        %select_n3A_609 = arith.select %lt3A_604, %broadcast_in_dim3A_607, %broadcast_in_dim3A_608 : vector<16xi1>, vector<16xi32>
        %add3A_610 = arith.addi %add3A_600, %select_n3A_609 : vector<16xi32>
        %broadcast_in_dim3A_611 = arith.constant 4 : i32
        %broadcast_in_dim3A_612 = vector.broadcast %broadcast_in_dim3A_611 : i32 to vector<16xi32>
        %gather3A_613 = tpu.vector_load_idx %arg10[%add3A_572, %broadcast_in_dim3A_612] : memref<512x8xf32, #tpu.memory_space<vmem>>[vector<16xi32>, vector<16xi32>], vector<16xf32>,
        %lt3A_614 = arith.cmpf olt, %gather3A_613, %get3A_564 : vector<16xf32>
        %jit3A_615 = arith.constant 1 : i32
        %jit3A_616 = arith.constant 0 : i32
        %broadcast_in_dim3A_617 = vector.broadcast %jit3A_615 : i32 to vector<16xi32>
        %broadcast_in_dim3A_618 = vector.broadcast %jit3A_616 : i32 to vector<16xi32>
        %select_n3A_619 = arith.select %lt3A_614, %broadcast_in_dim3A_617, %broadcast_in_dim3A_618 : vector<16xi1>, vector<16xi32>
        %add3A_620 = arith.addi %add3A_610, %select_n3A_619 : vector<16xi32>
        %broadcast_in_dim3A_621 = arith.constant 5 : i32
        %broadcast_in_dim3A_622 = vector.broadcast %broadcast_in_dim3A_621 : i32 to vector<16xi32>
        %gather3A_623 = tpu.vector_load_idx %arg10[%add3A_572, %broadcast_in_dim3A_622] : memref<512x8xf32, #tpu.memory_space<vmem>>[vector<16xi32>, vector<16xi32>], vector<16xf32>,
        %lt3A_624 = arith.cmpf olt, %gather3A_623, %get3A_564 : vector<16xf32>
        %jit3A_625 = arith.constant 1 : i32
        %jit3A_626 = arith.constant 0 : i32
        %broadcast_in_dim3A_627 = vector.broadcast %jit3A_625 : i32 to vector<16xi32>
        %broadcast_in_dim3A_628 = vector.broadcast %jit3A_626 : i32 to vector<16xi32>
        %select_n3A_629 = arith.select %lt3A_624, %broadcast_in_dim3A_627, %broadcast_in_dim3A_628 : vector<16xi1>, vector<16xi32>
        %add3A_630 = arith.addi %add3A_620, %select_n3A_629 : vector<16xi32>
        %broadcast_in_dim3A_631 = arith.constant 6 : i32
        %broadcast_in_dim3A_632 = vector.broadcast %broadcast_in_dim3A_631 : i32 to vector<16xi32>
        %gather3A_633 = tpu.vector_load_idx %arg10[%add3A_572, %broadcast_in_dim3A_632] : memref<512x8xf32, #tpu.memory_space<vmem>>[vector<16xi32>, vector<16xi32>], vector<16xf32>,
        %lt3A_634 = arith.cmpf olt, %gather3A_633, %get3A_564 : vector<16xf32>
        %jit3A_635 = arith.constant 1 : i32
        %jit3A_636 = arith.constant 0 : i32
        %broadcast_in_dim3A_637 = vector.broadcast %jit3A_635 : i32 to vector<16xi32>
        %broadcast_in_dim3A_638 = vector.broadcast %jit3A_636 : i32 to vector<16xi32>
        %select_n3A_639 = arith.select %lt3A_634, %broadcast_in_dim3A_637, %broadcast_in_dim3A_638 : vector<16xi1>, vector<16xi32>
        %add3A_640 = arith.addi %add3A_630, %select_n3A_639 : vector<16xi32>
        %mul3A_641 = arith.constant 8 : i32
        %mul3A_642 = vector.broadcast %mul3A_641 : i32 to vector<16xi32>
        %mul3A_643 = arith.muli %get3A_568, %mul3A_642 : vector<16xi32>
        %add3A_644 = arith.addi %mul3A_643, %add3A_640 : vector<16xi32>
        %min3A = arith.constant 524287 : i32
        %min3A_645 = vector.broadcast %min3A : i32 to vector<16xi32>
        %min3A_646 = arith.minsi %add3A_644, %min3A_645 : vector<16xi32>
        %swap3A = arith.constant 3 : i32
        %swap3A_647 = arith.index_cast %swap3A : i32 to index
        %swap3A_648 = arith.index_cast %add3A_559 : i32 to index
        %swap3A_649 = tpu.vector_load %arg11[%swap3A_647, %swap3A_648] {strides = array<i32>} : memref<4x128xi32, #tpu.memory_space<vmem>>, vector<16xi32>,
        tpu.vector_store %arg11[%swap3A_647, %swap3A_648], %min3A_646 {strides = array<i32>} : memref<4x128xi32, #tpu.memory_space<vmem>>, vector<16xi32>,
      }
      %scan3A_224 = arith.constant 8 : i32
      %dma_start3A_225 = arith.constant 3 : i32
      %dma_start3A_226 = arith.constant 0 : i32
      %dma_start3A_227 = arith.constant 384 : i32
      %dma_start3A_228 = arith.constant 0 : i32
      %dma_start3A_229 = tpu.memref_slice %arg12[%dma_start3A_226, %dma_start3A_227, %dma_start3A_228] : memref<2x512x8xf32, #tpu.memory_space<vmem>> -> memref<1x128x8xf32, #tpu.memory_space<vmem>>
      %dma_start3A_230 = tpu.memref_squeeze %dma_start3A_229 : memref<1x128x8xf32, #tpu.memory_space<vmem>> -> memref<128x8xf32, #tpu.memory_space<vmem>>
      %dma_start3A_231 = arith.constant 0 : i32
      %dma_start3A_232 = tpu.memref_slice %arg11[%dma_start3A_225, %dma_start3A_231] : memref<4x128xi32, #tpu.memory_space<vmem>> -> memref<1x128xi32, #tpu.memory_space<vmem>>
      %dma_start3A_233 = tpu.memref_squeeze %dma_start3A_232 : memref<1x128xi32, #tpu.memory_space<vmem>> -> memref<128xi32, #tpu.memory_space<vmem>>
      %dma_start3A_234 = arith.constant 0 : i32
      %dma_start3A_235 = arith.constant 0 : i32
      %dma_start3A_236 = tpu.memref_slice %arg5[%dma_start3A_234, %dma_start3A_235] : memref<524288x8xf32, #tpu.memory_space<hbm>> -> memref<524288x8xf32, #tpu.memory_space<hbm>>
      tpu.enqueue_indirect_dma source(%dma_start3A_236 : memref<524288x8xf32, #tpu.memory_space<hbm>>) target(%dma_start3A_230 : memref<128x8xf32, #tpu.memory_space<vmem>>) offsets(%dma_start3A_233 : memref<128xi32, #tpu.memory_space<vmem>>) semaphore(%arg16 : memref<!tpu.dma_semaphore, #tpu.memory_space<semaphore_mem>>)
      %dma_wait3A_237 = arith.constant 0 : i32
      %dma_wait3A_238 = arith.constant 0 : i32
      %dma_wait3A_239 = arith.constant 0 : i32
      %dma_wait3A_240 = arith.constant 0 : i32
      %dma_wait3A_241 = tpu.memref_slice %arg12[%dma_wait3A_238, %dma_wait3A_239, %dma_wait3A_240] : memref<2x512x8xf32, #tpu.memory_space<vmem>> -> memref<1x128x8xf32, #tpu.memory_space<vmem>>
      %dma_wait3A_242 = tpu.memref_squeeze %dma_wait3A_241 : memref<1x128x8xf32, #tpu.memory_space<vmem>> -> memref<128x8xf32, #tpu.memory_space<vmem>>
      %dma_wait3A_243 = arith.constant 0 : i32
      %dma_wait3A_244 = tpu.memref_slice %arg11[%dma_wait3A_237, %dma_wait3A_243] : memref<4x128xi32, #tpu.memory_space<vmem>> -> memref<1x128xi32, #tpu.memory_space<vmem>>
      %dma_wait3A_245 = tpu.memref_squeeze %dma_wait3A_244 : memref<1x128xi32, #tpu.memory_space<vmem>> -> memref<128xi32, #tpu.memory_space<vmem>>
      %dma_wait3A_246 = arith.constant 0 : i32
      %dma_wait3A_247 = arith.constant 0 : i32
      %dma_wait3A_248 = tpu.memref_slice %arg5[%dma_wait3A_246, %dma_wait3A_247] : memref<524288x8xf32, #tpu.memory_space<hbm>> -> memref<524288x8xf32, #tpu.memory_space<hbm>>
      tpu.wait_indirect_dma semaphore(%arg16 : memref<!tpu.dma_semaphore, #tpu.memory_space<semaphore_mem>>) src(%dma_wait3A_248 : memref<524288x8xf32, #tpu.memory_space<hbm>>) dst(%dma_wait3A_242 : memref<128x8xf32, #tpu.memory_space<vmem>>)
      %dma_wait3A_249 = arith.constant 1 : i32
      %dma_wait3A_250 = arith.constant 0 : i32
      %dma_wait3A_251 = arith.constant 128 : i32
      %dma_wait3A_252 = arith.constant 0 : i32
      %dma_wait3A_253 = tpu.memref_slice %arg12[%dma_wait3A_250, %dma_wait3A_251, %dma_wait3A_252] : memref<2x512x8xf32, #tpu.memory_space<vmem>> -> memref<1x128x8xf32, #tpu.memory_space<vmem>>
      %dma_wait3A_254 = tpu.memref_squeeze %dma_wait3A_253 : memref<1x128x8xf32, #tpu.memory_space<vmem>> -> memref<128x8xf32, #tpu.memory_space<vmem>>
      %dma_wait3A_255 = arith.constant 0 : i32
      %dma_wait3A_256 = tpu.memref_slice %arg11[%dma_wait3A_249, %dma_wait3A_255] : memref<4x128xi32, #tpu.memory_space<vmem>> -> memref<1x128xi32, #tpu.memory_space<vmem>>
      %dma_wait3A_257 = tpu.memref_squeeze %dma_wait3A_256 : memref<1x128xi32, #tpu.memory_space<vmem>> -> memref<128xi32, #tpu.memory_space<vmem>>
      %dma_wait3A_258 = arith.constant 0 : i32
      %dma_wait3A_259 = arith.constant 0 : i32
      %dma_wait3A_260 = tpu.memref_slice %arg5[%dma_wait3A_258, %dma_wait3A_259] : memref<524288x8xf32, #tpu.memory_space<hbm>> -> memref<524288x8xf32, #tpu.memory_space<hbm>>
      tpu.wait_indirect_dma semaphore(%arg16 : memref<!tpu.dma_semaphore, #tpu.memory_space<semaphore_mem>>) src(%dma_wait3A_260 : memref<524288x8xf32, #tpu.memory_space<hbm>>) dst(%dma_wait3A_254 : memref<128x8xf32, #tpu.memory_space<vmem>>)
      %dma_wait3A_261 = arith.constant 2 : i32
      %dma_wait3A_262 = arith.constant 0 : i32
      %dma_wait3A_263 = arith.constant 256 : i32
      %dma_wait3A_264 = arith.constant 0 : i32
      %dma_wait3A_265 = tpu.memref_slice %arg12[%dma_wait3A_262, %dma_wait3A_263, %dma_wait3A_264] : memref<2x512x8xf32, #tpu.memory_space<vmem>> -> memref<1x128x8xf32, #tpu.memory_space<vmem>>
      %dma_wait3A_266 = tpu.memref_squeeze %dma_wait3A_265 : memref<1x128x8xf32, #tpu.memory_space<vmem>> -> memref<128x8xf32, #tpu.memory_space<vmem>>
      %dma_wait3A_267 = arith.constant 0 : i32
      %dma_wait3A_268 = tpu.memref_slice %arg11[%dma_wait3A_261, %dma_wait3A_267] : memref<4x128xi32, #tpu.memory_space<vmem>> -> memref<1x128xi32, #tpu.memory_space<vmem>>
      %dma_wait3A_269 = tpu.memref_squeeze %dma_wait3A_268 : memref<1x128xi32, #tpu.memory_space<vmem>> -> memref<128xi32, #tpu.memory_space<vmem>>
      %dma_wait3A_270 = arith.constant 0 : i32
      %dma_wait3A_271 = arith.constant 0 : i32
      %dma_wait3A_272 = tpu.memref_slice %arg5[%dma_wait3A_270, %dma_wait3A_271] : memref<524288x8xf32, #tpu.memory_space<hbm>> -> memref<524288x8xf32, #tpu.memory_space<hbm>>
      tpu.wait_indirect_dma semaphore(%arg16 : memref<!tpu.dma_semaphore, #tpu.memory_space<semaphore_mem>>) src(%dma_wait3A_272 : memref<524288x8xf32, #tpu.memory_space<hbm>>) dst(%dma_wait3A_266 : memref<128x8xf32, #tpu.memory_space<vmem>>)
      %dma_wait3A_273 = arith.constant 3 : i32
      %dma_wait3A_274 = arith.constant 0 : i32
      %dma_wait3A_275 = arith.constant 384 : i32
      %dma_wait3A_276 = arith.constant 0 : i32
      %dma_wait3A_277 = tpu.memref_slice %arg12[%dma_wait3A_274, %dma_wait3A_275, %dma_wait3A_276] : memref<2x512x8xf32, #tpu.memory_space<vmem>> -> memref<1x128x8xf32, #tpu.memory_space<vmem>>
      %dma_wait3A_278 = tpu.memref_squeeze %dma_wait3A_277 : memref<1x128x8xf32, #tpu.memory_space<vmem>> -> memref<128x8xf32, #tpu.memory_space<vmem>>
      %dma_wait3A_279 = arith.constant 0 : i32
      %dma_wait3A_280 = tpu.memref_slice %arg11[%dma_wait3A_273, %dma_wait3A_279] : memref<4x128xi32, #tpu.memory_space<vmem>> -> memref<1x128xi32, #tpu.memory_space<vmem>>
      %dma_wait3A_281 = tpu.memref_squeeze %dma_wait3A_280 : memref<1x128xi32, #tpu.memory_space<vmem>> -> memref<128xi32, #tpu.memory_space<vmem>>
      %dma_wait3A_282 = arith.constant 0 : i32
      %dma_wait3A_283 = arith.constant 0 : i32
      %dma_wait3A_284 = tpu.memref_slice %arg5[%dma_wait3A_282, %dma_wait3A_283] : memref<524288x8xf32, #tpu.memory_space<hbm>> -> memref<524288x8xf32, #tpu.memory_space<hbm>>
      tpu.wait_indirect_dma semaphore(%arg16 : memref<!tpu.dma_semaphore, #tpu.memory_space<semaphore_mem>>) src(%dma_wait3A_284 : memref<524288x8xf32, #tpu.memory_space<hbm>>) dst(%dma_wait3A_278 : memref<128x8xf32, #tpu.memory_space<vmem>>)
      %dma_start3A_285 = arith.constant 0 : i32
      %dma_start3A_286 = arith.constant 0 : i32
      %dma_start3A_287 = arith.constant 0 : i32
      %dma_start3A_288 = tpu.memref_slice %arg12[%dma_start3A_285, %dma_start3A_286, %dma_start3A_287] : memref<2x512x8xf32, #tpu.memory_space<vmem>> -> memref<1x512x8xf32, #tpu.memory_space<vmem>>
      %dma_start3A_289 = tpu.memref_squeeze %dma_start3A_288 : memref<1x512x8xf32, #tpu.memory_space<vmem>> -> memref<512x8xf32, #tpu.memory_space<vmem>>
      %dma_start3A_290 = arith.constant 0 : i32
      %dma_start3A_291 = tpu.memref_slice %arg6[%add3A_51, %dma_start3A_290] : memref<524288x8xf32, #tpu.memory_space<hbm>> -> memref<512x8xf32, #tpu.memory_space<hbm>>
      %dma_start3A_292 = arith.constant 0 : i32
      %dma_start3A_293 = tpu.memref_slice %arg6[%add3A_51, %dma_start3A_292] : memref<524288x8xf32, #tpu.memory_space<hbm>> -> memref<512x8xf32, #tpu.memory_space<hbm>>
      %dma_start3A_294 = arith.constant 0 : i32
      %dma_start3A_295 = arith.constant 0 : i32
      %dma_start3A_296 = tpu.memref_slice %arg12[%dma_start3A_285, %dma_start3A_294, %dma_start3A_295] : memref<2x512x8xf32, #tpu.memory_space<vmem>> -> memref<1x512x8xf32, #tpu.memory_space<vmem>>
      %dma_start3A_297 = tpu.memref_squeeze %dma_start3A_296 : memref<1x512x8xf32, #tpu.memory_space<vmem>> -> memref<512x8xf32, #tpu.memory_space<vmem>>
      tpu.enqueue_dma source(%dma_start3A_297 : memref<512x8xf32, #tpu.memory_space<vmem>>) target(%dma_start3A_293 : memref<512x8xf32, #tpu.memory_space<hbm>>) target_semaphore(%arg17 : memref<!tpu.dma_semaphore, #tpu.memory_space<semaphore_mem>>)
      %mul3A_298 = arith.constant 2 : i32
      %mul3A_299 = arith.muli %add3A_44, %mul3A_298 : i32
      %add3A_300 = arith.constant 1 : i32
      %add3A_301 = arith.addi %mul3A_299, %add3A_300 : i32
      %mul3A_302 = arith.constant 512 : i32
      %mul3A_303 = arith.muli %add3A_301, %mul3A_302 : i32
      %add3A_304 = arith.addi %mul3A_2, %mul3A_303 : i32
      %ge3A_305 = arith.constant 1 : i32
      %ge3A_306 = arith.cmpi sge, %add3A_44, %ge3A_305 : i32
      %convert_element_type3A_307 = arith.extui %ge3A_306 : i1 to i32
      %cond3A_308 = arith.constant 0 : i32
      %cond3A_309 = arith.cmpi ne, %convert_element_type3A_307, %cond3A_308 : i32
      scf.if %cond3A_309 {
        %dma_wait3A_555 = arith.constant 1 : i32
        %dma_wait3A_556 = arith.constant 0 : i32
        %dma_wait3A_557 = arith.constant 0 : i32
        %dma_wait3A_558 = tpu.memref_slice %arg12[%dma_wait3A_555, %dma_wait3A_556, %dma_wait3A_557] : memref<2x512x8xf32, #tpu.memory_space<vmem>> -> memref<1x512x8xf32, #tpu.memory_space<vmem>>
        %dma_wait3A_559 = tpu.memref_squeeze %dma_wait3A_558 : memref<1x512x8xf32, #tpu.memory_space<vmem>> -> memref<512x8xf32, #tpu.memory_space<vmem>>
        %dma_wait3A_560 = arith.constant 0 : i32
        %dma_wait3A_561 = tpu.memref_slice %arg6[%mul3A_2, %dma_wait3A_560] : memref<524288x8xf32, #tpu.memory_space<hbm>> -> memref<512x8xf32, #tpu.memory_space<hbm>>
        %dma_wait3A_562 = arith.constant 0 : i32
        %dma_wait3A_563 = tpu.memref_slice %arg6[%mul3A_2, %dma_wait3A_562] : memref<524288x8xf32, #tpu.memory_space<hbm>> -> memref<512x8xf32, #tpu.memory_space<hbm>>
        %dma_wait3A_564 = arith.constant 0 : i32
        %dma_wait3A_565 = arith.constant 0 : i32
        %dma_wait3A_566 = tpu.memref_slice %arg12[%dma_wait3A_555, %dma_wait3A_564, %dma_wait3A_565] : memref<2x512x8xf32, #tpu.memory_space<vmem>> -> memref<1x512x8xf32, #tpu.memory_space<vmem>>
        %dma_wait3A_567 = tpu.memref_squeeze %dma_wait3A_566 : memref<1x512x8xf32, #tpu.memory_space<vmem>> -> memref<512x8xf32, #tpu.memory_space<vmem>>
        tpu.wait_dma2 semaphore(%arg18 : memref<!tpu.dma_semaphore, #tpu.memory_space<semaphore_mem>>) src(%dma_wait3A_567 : memref<512x8xf32, #tpu.memory_space<vmem>>) dst(%dma_wait3A_563 : memref<512x8xf32, #tpu.memory_space<hbm>>)
      } else {
      }
      %dma_wait3A_310 = arith.constant 1 : i32
      %dma_wait3A_311 = arith.constant 0 : i32
      %dma_wait3A_312 = tpu.memref_slice %arg8[%dma_wait3A_310, %dma_wait3A_311] : memref<2x512xf32, #tpu.memory_space<vmem>> -> memref<1x512xf32, #tpu.memory_space<vmem>>
      %dma_wait3A_313 = tpu.memref_squeeze %dma_wait3A_312 : memref<1x512xf32, #tpu.memory_space<vmem>> -> memref<512xf32, #tpu.memory_space<vmem>>
      %dma_wait3A_314 = tpu.memref_slice %arg4[%mul3A_2] : memref<524288xf32, #tpu.memory_space<hbm>> -> memref<512xf32, #tpu.memory_space<hbm>>
      %dma_wait3A_315 = arith.constant 0 : i32
      %dma_wait3A_316 = tpu.memref_slice %arg8[%dma_wait3A_310, %dma_wait3A_315] : memref<2x512xf32, #tpu.memory_space<vmem>> -> memref<1x512xf32, #tpu.memory_space<vmem>>
      %dma_wait3A_317 = tpu.memref_squeeze %dma_wait3A_316 : memref<1x512xf32, #tpu.memory_space<vmem>> -> memref<512xf32, #tpu.memory_space<vmem>>
      %dma_wait3A_318 = tpu.memref_slice %arg4[%mul3A_2] : memref<524288xf32, #tpu.memory_space<hbm>> -> memref<512xf32, #tpu.memory_space<hbm>>
      tpu.wait_dma2 semaphore(%arg14 : memref<!tpu.dma_semaphore, #tpu.memory_space<semaphore_mem>>) src(%dma_wait3A_318 : memref<512xf32, #tpu.memory_space<hbm>>) dst(%dma_wait3A_317 : memref<512xf32, #tpu.memory_space<vmem>>)
      %add3A_319 = arith.constant 1 : i32
      %add3A_320 = arith.addi %add3A_301, %add3A_319 : i32
      %lt3A_321 = arith.constant 32 : i32
      %lt3A_322 = arith.cmpi slt, %add3A_320, %lt3A_321 : i32
      %convert_element_type3A_323 = arith.extui %lt3A_322 : i1 to i32
      %cond3A_324 = arith.constant 0 : i32
      %cond3A_325 = arith.cmpi ne, %convert_element_type3A_323, %cond3A_324 : i32
      scf.if %cond3A_325 {
        %add3A_555 = arith.constant 512 : i32
        %add3A_556 = arith.addi %add3A_304, %add3A_555 : i32
        %dma_start3A_557 = arith.constant 0 : i32
        %dma_start3A_558 = arith.constant 0 : i32
        %dma_start3A_559 = tpu.memref_slice %arg8[%dma_start3A_557, %dma_start3A_558] : memref<2x512xf32, #tpu.memory_space<vmem>> -> memref<1x512xf32, #tpu.memory_space<vmem>>
        %dma_start3A_560 = tpu.memref_squeeze %dma_start3A_559 : memref<1x512xf32, #tpu.memory_space<vmem>> -> memref<512xf32, #tpu.memory_space<vmem>>
        %dma_start3A_561 = tpu.memref_slice %arg4[%add3A_556] : memref<524288xf32, #tpu.memory_space<hbm>> -> memref<512xf32, #tpu.memory_space<hbm>>
        %dma_start3A_562 = arith.constant 0 : i32
        %dma_start3A_563 = tpu.memref_slice %arg8[%dma_start3A_557, %dma_start3A_562] : memref<2x512xf32, #tpu.memory_space<vmem>> -> memref<1x512xf32, #tpu.memory_space<vmem>>
        %dma_start3A_564 = tpu.memref_squeeze %dma_start3A_563 : memref<1x512xf32, #tpu.memory_space<vmem>> -> memref<512xf32, #tpu.memory_space<vmem>>
        %dma_start3A_565 = tpu.memref_slice %arg4[%add3A_556] : memref<524288xf32, #tpu.memory_space<hbm>> -> memref<512xf32, #tpu.memory_space<hbm>>
        tpu.enqueue_dma source(%dma_start3A_565 : memref<512xf32, #tpu.memory_space<hbm>>) target(%dma_start3A_564 : memref<512xf32, #tpu.memory_space<vmem>>) target_semaphore(%arg13 : memref<!tpu.dma_semaphore, #tpu.memory_space<semaphore_mem>>)
      } else {
      }
      %scan3A_326 = arith.constant 0 : i32
      %scan3A_327 = arith.constant 8 : i32
      %scan3A_328 = arith.addi %scan3A_326, %scan3A_327 : i32
      %scan3A_329 = arith.constant 1 : i32
      scf.for %scan3A_555 = %scan3A_326 to %scan3A_328 step %scan3A_329  : i32 {
        %mul3A_556 = arith.constant 16 : i32
        %mul3A_557 = arith.muli %scan3A_555, %mul3A_556 : i32
        %add3A_558 = arith.constant 0 : i32
        %add3A_559 = arith.addi %add3A_558, %mul3A_557 : i32
        %add3A_560 = arith.constant 0 : i32
        %add3A_561 = arith.addi %add3A_560, %add3A_559 : i32
        %get3A = arith.constant 1 : i32
        %get3A_562 = arith.index_cast %get3A : i32 to index
        %get3A_563 = arith.index_cast %add3A_561 : i32 to index
        %get3A_564 = tpu.vector_load %arg8[%get3A_562, %get3A_563] {strides = array<i32>} : memref<2x512xf32, #tpu.memory_space<vmem>>, vector<16xf32>,
        %broadcast_in_dim3A = arith.constant 0 : i32
        %broadcast_in_dim3A_565 = vector.broadcast %broadcast_in_dim3A : i32 to vector<16xi32>
        %add3A_566 = arith.constant 32767 : i32
        %add3A_567 = vector.broadcast %add3A_566 : i32 to vector<16xi32>
        %add3A_568 = arith.addi %broadcast_in_dim3A_565, %add3A_567 : vector<16xi32>
        %gather3A = tpu.vector_load_idx %arg7[%add3A_568] : memref<65536xf32, #tpu.memory_space<vmem>>[vector<16xi32>], vector<16xf32>,
        %lt3A_569 = arith.cmpf olt, %gather3A, %get3A_564 : vector<16xf32>
        %jit3A = arith.constant 32768 : i32
        %jit3A_570 = arith.constant 0 : i32
        %broadcast_in_dim3A_571 = vector.broadcast %jit3A : i32 to vector<16xi32>
        %broadcast_in_dim3A_572 = vector.broadcast %jit3A_570 : i32 to vector<16xi32>
        %select_n3A = arith.select %lt3A_569, %broadcast_in_dim3A_571, %broadcast_in_dim3A_572 : vector<16xi1>, vector<16xi32>
        %add3A_573 = arith.addi %broadcast_in_dim3A_565, %select_n3A : vector<16xi32>
        %add3A_574 = arith.constant 16383 : i32
        %add3A_575 = vector.broadcast %add3A_574 : i32 to vector<16xi32>
        %add3A_576 = arith.addi %add3A_573, %add3A_575 : vector<16xi32>
        %gather3A_577 = tpu.vector_load_idx %arg7[%add3A_576] : memref<65536xf32, #tpu.memory_space<vmem>>[vector<16xi32>], vector<16xf32>,
        %lt3A_578 = arith.cmpf olt, %gather3A_577, %get3A_564 : vector<16xf32>
        %jit3A_579 = arith.constant 16384 : i32
        %jit3A_580 = arith.constant 0 : i32
        %broadcast_in_dim3A_581 = vector.broadcast %jit3A_579 : i32 to vector<16xi32>
        %broadcast_in_dim3A_582 = vector.broadcast %jit3A_580 : i32 to vector<16xi32>
        %select_n3A_583 = arith.select %lt3A_578, %broadcast_in_dim3A_581, %broadcast_in_dim3A_582 : vector<16xi1>, vector<16xi32>
        %add3A_584 = arith.addi %add3A_573, %select_n3A_583 : vector<16xi32>
        %add3A_585 = arith.constant 8191 : i32
        %add3A_586 = vector.broadcast %add3A_585 : i32 to vector<16xi32>
        %add3A_587 = arith.addi %add3A_584, %add3A_586 : vector<16xi32>
        %gather3A_588 = tpu.vector_load_idx %arg7[%add3A_587] : memref<65536xf32, #tpu.memory_space<vmem>>[vector<16xi32>], vector<16xf32>,
        %lt3A_589 = arith.cmpf olt, %gather3A_588, %get3A_564 : vector<16xf32>
        %jit3A_590 = arith.constant 8192 : i32
        %jit3A_591 = arith.constant 0 : i32
        %broadcast_in_dim3A_592 = vector.broadcast %jit3A_590 : i32 to vector<16xi32>
        %broadcast_in_dim3A_593 = vector.broadcast %jit3A_591 : i32 to vector<16xi32>
        %select_n3A_594 = arith.select %lt3A_589, %broadcast_in_dim3A_592, %broadcast_in_dim3A_593 : vector<16xi1>, vector<16xi32>
        %add3A_595 = arith.addi %add3A_584, %select_n3A_594 : vector<16xi32>
        %add3A_596 = arith.constant 4095 : i32
        %add3A_597 = vector.broadcast %add3A_596 : i32 to vector<16xi32>
        %add3A_598 = arith.addi %add3A_595, %add3A_597 : vector<16xi32>
        %gather3A_599 = tpu.vector_load_idx %arg7[%add3A_598] : memref<65536xf32, #tpu.memory_space<vmem>>[vector<16xi32>], vector<16xf32>,
        %lt3A_600 = arith.cmpf olt, %gather3A_599, %get3A_564 : vector<16xf32>
        %jit3A_601 = arith.constant 4096 : i32
        %jit3A_602 = arith.constant 0 : i32
        %broadcast_in_dim3A_603 = vector.broadcast %jit3A_601 : i32 to vector<16xi32>
        %broadcast_in_dim3A_604 = vector.broadcast %jit3A_602 : i32 to vector<16xi32>
        %select_n3A_605 = arith.select %lt3A_600, %broadcast_in_dim3A_603, %broadcast_in_dim3A_604 : vector<16xi1>, vector<16xi32>
        %add3A_606 = arith.addi %add3A_595, %select_n3A_605 : vector<16xi32>
        %add3A_607 = arith.constant 2047 : i32
        %add3A_608 = vector.broadcast %add3A_607 : i32 to vector<16xi32>
        %add3A_609 = arith.addi %add3A_606, %add3A_608 : vector<16xi32>
        %gather3A_610 = tpu.vector_load_idx %arg7[%add3A_609] : memref<65536xf32, #tpu.memory_space<vmem>>[vector<16xi32>], vector<16xf32>,
        %lt3A_611 = arith.cmpf olt, %gather3A_610, %get3A_564 : vector<16xf32>
        %jit3A_612 = arith.constant 2048 : i32
        %jit3A_613 = arith.constant 0 : i32
        %broadcast_in_dim3A_614 = vector.broadcast %jit3A_612 : i32 to vector<16xi32>
        %broadcast_in_dim3A_615 = vector.broadcast %jit3A_613 : i32 to vector<16xi32>
        %select_n3A_616 = arith.select %lt3A_611, %broadcast_in_dim3A_614, %broadcast_in_dim3A_615 : vector<16xi1>, vector<16xi32>
        %add3A_617 = arith.addi %add3A_606, %select_n3A_616 : vector<16xi32>
        %add3A_618 = arith.constant 1023 : i32
        %add3A_619 = vector.broadcast %add3A_618 : i32 to vector<16xi32>
        %add3A_620 = arith.addi %add3A_617, %add3A_619 : vector<16xi32>
        %gather3A_621 = tpu.vector_load_idx %arg7[%add3A_620] : memref<65536xf32, #tpu.memory_space<vmem>>[vector<16xi32>], vector<16xf32>,
        %lt3A_622 = arith.cmpf olt, %gather3A_621, %get3A_564 : vector<16xf32>
        %jit3A_623 = arith.constant 1024 : i32
        %jit3A_624 = arith.constant 0 : i32
        %broadcast_in_dim3A_625 = vector.broadcast %jit3A_623 : i32 to vector<16xi32>
        %broadcast_in_dim3A_626 = vector.broadcast %jit3A_624 : i32 to vector<16xi32>
        %select_n3A_627 = arith.select %lt3A_622, %broadcast_in_dim3A_625, %broadcast_in_dim3A_626 : vector<16xi1>, vector<16xi32>
        %add3A_628 = arith.addi %add3A_617, %select_n3A_627 : vector<16xi32>
        %add3A_629 = arith.constant 511 : i32
        %add3A_630 = vector.broadcast %add3A_629 : i32 to vector<16xi32>
        %add3A_631 = arith.addi %add3A_628, %add3A_630 : vector<16xi32>
        %gather3A_632 = tpu.vector_load_idx %arg7[%add3A_631] : memref<65536xf32, #tpu.memory_space<vmem>>[vector<16xi32>], vector<16xf32>,
        %lt3A_633 = arith.cmpf olt, %gather3A_632, %get3A_564 : vector<16xf32>
        %jit3A_634 = arith.constant 512 : i32
        %jit3A_635 = arith.constant 0 : i32
        %broadcast_in_dim3A_636 = vector.broadcast %jit3A_634 : i32 to vector<16xi32>
        %broadcast_in_dim3A_637 = vector.broadcast %jit3A_635 : i32 to vector<16xi32>
        %select_n3A_638 = arith.select %lt3A_633, %broadcast_in_dim3A_636, %broadcast_in_dim3A_637 : vector<16xi1>, vector<16xi32>
        %add3A_639 = arith.addi %add3A_628, %select_n3A_638 : vector<16xi32>
        %add3A_640 = arith.constant 255 : i32
        %add3A_641 = vector.broadcast %add3A_640 : i32 to vector<16xi32>
        %add3A_642 = arith.addi %add3A_639, %add3A_641 : vector<16xi32>
        %gather3A_643 = tpu.vector_load_idx %arg7[%add3A_642] : memref<65536xf32, #tpu.memory_space<vmem>>[vector<16xi32>], vector<16xf32>,
        %lt3A_644 = arith.cmpf olt, %gather3A_643, %get3A_564 : vector<16xf32>
        %jit3A_645 = arith.constant 256 : i32
        %jit3A_646 = arith.constant 0 : i32
        %broadcast_in_dim3A_647 = vector.broadcast %jit3A_645 : i32 to vector<16xi32>
        %broadcast_in_dim3A_648 = vector.broadcast %jit3A_646 : i32 to vector<16xi32>
        %select_n3A_649 = arith.select %lt3A_644, %broadcast_in_dim3A_647, %broadcast_in_dim3A_648 : vector<16xi1>, vector<16xi32>
        %add3A_650 = arith.addi %add3A_639, %select_n3A_649 : vector<16xi32>
        %add3A_651 = arith.constant 127 : i32
        %add3A_652 = vector.broadcast %add3A_651 : i32 to vector<16xi32>
        %add3A_653 = arith.addi %add3A_650, %add3A_652 : vector<16xi32>
        %gather3A_654 = tpu.vector_load_idx %arg7[%add3A_653] : memref<65536xf32, #tpu.memory_space<vmem>>[vector<16xi32>], vector<16xf32>,
        %lt3A_655 = arith.cmpf olt, %gather3A_654, %get3A_564 : vector<16xf32>
        %jit3A_656 = arith.constant 128 : i32
        %jit3A_657 = arith.constant 0 : i32
        %broadcast_in_dim3A_658 = vector.broadcast %jit3A_656 : i32 to vector<16xi32>
        %broadcast_in_dim3A_659 = vector.broadcast %jit3A_657 : i32 to vector<16xi32>
        %select_n3A_660 = arith.select %lt3A_655, %broadcast_in_dim3A_658, %broadcast_in_dim3A_659 : vector<16xi1>, vector<16xi32>
        %add3A_661 = arith.addi %add3A_650, %select_n3A_660 : vector<16xi32>
        %add3A_662 = arith.constant 63 : i32
        %add3A_663 = vector.broadcast %add3A_662 : i32 to vector<16xi32>
        %add3A_664 = arith.addi %add3A_661, %add3A_663 : vector<16xi32>
        %gather3A_665 = tpu.vector_load_idx %arg7[%add3A_664] : memref<65536xf32, #tpu.memory_space<vmem>>[vector<16xi32>], vector<16xf32>,
        %lt3A_666 = arith.cmpf olt, %gather3A_665, %get3A_564 : vector<16xf32>
        %jit3A_667 = arith.constant 64 : i32
        %jit3A_668 = arith.constant 0 : i32
        %broadcast_in_dim3A_669 = vector.broadcast %jit3A_667 : i32 to vector<16xi32>
        %broadcast_in_dim3A_670 = vector.broadcast %jit3A_668 : i32 to vector<16xi32>
        %select_n3A_671 = arith.select %lt3A_666, %broadcast_in_dim3A_669, %broadcast_in_dim3A_670 : vector<16xi1>, vector<16xi32>
        %add3A_672 = arith.addi %add3A_661, %select_n3A_671 : vector<16xi32>
        %add3A_673 = arith.constant 31 : i32
        %add3A_674 = vector.broadcast %add3A_673 : i32 to vector<16xi32>
        %add3A_675 = arith.addi %add3A_672, %add3A_674 : vector<16xi32>
        %gather3A_676 = tpu.vector_load_idx %arg7[%add3A_675] : memref<65536xf32, #tpu.memory_space<vmem>>[vector<16xi32>], vector<16xf32>,
        %lt3A_677 = arith.cmpf olt, %gather3A_676, %get3A_564 : vector<16xf32>
        %jit3A_678 = arith.constant 32 : i32
        %jit3A_679 = arith.constant 0 : i32
        %broadcast_in_dim3A_680 = vector.broadcast %jit3A_678 : i32 to vector<16xi32>
        %broadcast_in_dim3A_681 = vector.broadcast %jit3A_679 : i32 to vector<16xi32>
        %select_n3A_682 = arith.select %lt3A_677, %broadcast_in_dim3A_680, %broadcast_in_dim3A_681 : vector<16xi1>, vector<16xi32>
        %add3A_683 = arith.addi %add3A_672, %select_n3A_682 : vector<16xi32>
        %add3A_684 = arith.constant 15 : i32
        %add3A_685 = vector.broadcast %add3A_684 : i32 to vector<16xi32>
        %add3A_686 = arith.addi %add3A_683, %add3A_685 : vector<16xi32>
        %gather3A_687 = tpu.vector_load_idx %arg7[%add3A_686] : memref<65536xf32, #tpu.memory_space<vmem>>[vector<16xi32>], vector<16xf32>,
        %lt3A_688 = arith.cmpf olt, %gather3A_687, %get3A_564 : vector<16xf32>
        %jit3A_689 = arith.constant 16 : i32
        %jit3A_690 = arith.constant 0 : i32
        %broadcast_in_dim3A_691 = vector.broadcast %jit3A_689 : i32 to vector<16xi32>
        %broadcast_in_dim3A_692 = vector.broadcast %jit3A_690 : i32 to vector<16xi32>
        %select_n3A_693 = arith.select %lt3A_688, %broadcast_in_dim3A_691, %broadcast_in_dim3A_692 : vector<16xi1>, vector<16xi32>
        %add3A_694 = arith.addi %add3A_683, %select_n3A_693 : vector<16xi32>
        %add3A_695 = arith.constant 7 : i32
        %add3A_696 = vector.broadcast %add3A_695 : i32 to vector<16xi32>
        %add3A_697 = arith.addi %add3A_694, %add3A_696 : vector<16xi32>
        %gather3A_698 = tpu.vector_load_idx %arg7[%add3A_697] : memref<65536xf32, #tpu.memory_space<vmem>>[vector<16xi32>], vector<16xf32>,
        %lt3A_699 = arith.cmpf olt, %gather3A_698, %get3A_564 : vector<16xf32>
        %jit3A_700 = arith.constant 8 : i32
        %jit3A_701 = arith.constant 0 : i32
        %broadcast_in_dim3A_702 = vector.broadcast %jit3A_700 : i32 to vector<16xi32>
        %broadcast_in_dim3A_703 = vector.broadcast %jit3A_701 : i32 to vector<16xi32>
        %select_n3A_704 = arith.select %lt3A_699, %broadcast_in_dim3A_702, %broadcast_in_dim3A_703 : vector<16xi1>, vector<16xi32>
        %add3A_705 = arith.addi %add3A_694, %select_n3A_704 : vector<16xi32>
        %add3A_706 = arith.constant 3 : i32
        %add3A_707 = vector.broadcast %add3A_706 : i32 to vector<16xi32>
        %add3A_708 = arith.addi %add3A_705, %add3A_707 : vector<16xi32>
        %gather3A_709 = tpu.vector_load_idx %arg7[%add3A_708] : memref<65536xf32, #tpu.memory_space<vmem>>[vector<16xi32>], vector<16xf32>,
        %lt3A_710 = arith.cmpf olt, %gather3A_709, %get3A_564 : vector<16xf32>
        %jit3A_711 = arith.constant 4 : i32
        %jit3A_712 = arith.constant 0 : i32
        %broadcast_in_dim3A_713 = vector.broadcast %jit3A_711 : i32 to vector<16xi32>
        %broadcast_in_dim3A_714 = vector.broadcast %jit3A_712 : i32 to vector<16xi32>
        %select_n3A_715 = arith.select %lt3A_710, %broadcast_in_dim3A_713, %broadcast_in_dim3A_714 : vector<16xi1>, vector<16xi32>
        %add3A_716 = arith.addi %add3A_705, %select_n3A_715 : vector<16xi32>
        %add3A_717 = arith.constant 1 : i32
        %add3A_718 = vector.broadcast %add3A_717 : i32 to vector<16xi32>
        %add3A_719 = arith.addi %add3A_716, %add3A_718 : vector<16xi32>
        %gather3A_720 = tpu.vector_load_idx %arg7[%add3A_719] : memref<65536xf32, #tpu.memory_space<vmem>>[vector<16xi32>], vector<16xf32>,
        %lt3A_721 = arith.cmpf olt, %gather3A_720, %get3A_564 : vector<16xf32>
        %jit3A_722 = arith.constant 2 : i32
        %jit3A_723 = arith.constant 0 : i32
        %broadcast_in_dim3A_724 = vector.broadcast %jit3A_722 : i32 to vector<16xi32>
        %broadcast_in_dim3A_725 = vector.broadcast %jit3A_723 : i32 to vector<16xi32>
        %select_n3A_726 = arith.select %lt3A_721, %broadcast_in_dim3A_724, %broadcast_in_dim3A_725 : vector<16xi1>, vector<16xi32>
        %add3A_727 = arith.addi %add3A_716, %select_n3A_726 : vector<16xi32>
        %add3A_728 = arith.constant 0 : i32
        %add3A_729 = vector.broadcast %add3A_728 : i32 to vector<16xi32>
        %add3A_730 = arith.addi %add3A_727, %add3A_729 : vector<16xi32>
        %gather3A_731 = tpu.vector_load_idx %arg7[%add3A_730] : memref<65536xf32, #tpu.memory_space<vmem>>[vector<16xi32>], vector<16xf32>,
        %lt3A_732 = arith.cmpf olt, %gather3A_731, %get3A_564 : vector<16xf32>
        %jit3A_733 = arith.constant 1 : i32
        %jit3A_734 = arith.constant 0 : i32
        %broadcast_in_dim3A_735 = vector.broadcast %jit3A_733 : i32 to vector<16xi32>
        %broadcast_in_dim3A_736 = vector.broadcast %jit3A_734 : i32 to vector<16xi32>
        %select_n3A_737 = arith.select %lt3A_732, %broadcast_in_dim3A_735, %broadcast_in_dim3A_736 : vector<16xi1>, vector<16xi32>
        %add3A_738 = arith.addi %add3A_727, %select_n3A_737 : vector<16xi32>
        %swap3A = arith.constant 0 : i32
        %swap3A_739 = arith.index_cast %swap3A : i32 to index
        %swap3A_740 = arith.index_cast %add3A_559 : i32 to index
        %swap3A_741 = tpu.vector_load %arg9[%swap3A_739, %swap3A_740] {strides = array<i32>} : memref<4x128xi32, #tpu.memory_space<vmem>>, vector<16xi32>,
        tpu.vector_store %arg9[%swap3A_739, %swap3A_740], %add3A_738 {strides = array<i32>} : memref<4x128xi32, #tpu.memory_space<vmem>>, vector<16xi32>,
      }
      %scan3A_330 = arith.constant 8 : i32
      %dma_start3A_331 = arith.constant 0 : i32
      %dma_start3A_332 = arith.constant 0 : i32
      %dma_start3A_333 = arith.constant 0 : i32
      %dma_start3A_334 = tpu.memref_slice %arg10[%dma_start3A_332, %dma_start3A_333] : memref<512x8xf32, #tpu.memory_space<vmem>> -> memref<128x8xf32, #tpu.memory_space<vmem>>
      %dma_start3A_335 = arith.constant 0 : i32
      %dma_start3A_336 = tpu.memref_slice %arg9[%dma_start3A_331, %dma_start3A_335] : memref<4x128xi32, #tpu.memory_space<vmem>> -> memref<1x128xi32, #tpu.memory_space<vmem>>
      %dma_start3A_337 = tpu.memref_squeeze %dma_start3A_336 : memref<1x128xi32, #tpu.memory_space<vmem>> -> memref<128xi32, #tpu.memory_space<vmem>>
      %dma_start3A_338 = arith.constant 0 : i32
      %dma_start3A_339 = arith.constant 0 : i32
      %dma_start3A_340 = tpu.memref_slice %arg2[%dma_start3A_338, %dma_start3A_339] : memref<65536x8xf32, #tpu.memory_space<hbm>> -> memref<65536x8xf32, #tpu.memory_space<hbm>>
      tpu.enqueue_indirect_dma source(%dma_start3A_340 : memref<65536x8xf32, #tpu.memory_space<hbm>>) target(%dma_start3A_334 : memref<128x8xf32, #tpu.memory_space<vmem>>) offsets(%dma_start3A_337 : memref<128xi32, #tpu.memory_space<vmem>>) semaphore(%arg15 : memref<!tpu.dma_semaphore, #tpu.memory_space<semaphore_mem>>)
      %scan3A_341 = arith.constant 0 : i32
      %scan3A_342 = arith.constant 8 : i32
      %scan3A_343 = arith.addi %scan3A_341, %scan3A_342 : i32
      %scan3A_344 = arith.constant 1 : i32
      scf.for %scan3A_555 = %scan3A_341 to %scan3A_343 step %scan3A_344  : i32 {
        %mul3A_556 = arith.constant 16 : i32
        %mul3A_557 = arith.muli %scan3A_555, %mul3A_556 : i32
        %add3A_558 = arith.constant 0 : i32
        %add3A_559 = arith.addi %add3A_558, %mul3A_557 : i32
        %add3A_560 = arith.constant 128 : i32
        %add3A_561 = arith.addi %add3A_560, %add3A_559 : i32
        %get3A = arith.constant 1 : i32
        %get3A_562 = arith.index_cast %get3A : i32 to index
        %get3A_563 = arith.index_cast %add3A_561 : i32 to index
        %get3A_564 = tpu.vector_load %arg8[%get3A_562, %get3A_563] {strides = array<i32>} : memref<2x512xf32, #tpu.memory_space<vmem>>, vector<16xf32>,
        %broadcast_in_dim3A = arith.constant 0 : i32
        %broadcast_in_dim3A_565 = vector.broadcast %broadcast_in_dim3A : i32 to vector<16xi32>
        %add3A_566 = arith.constant 32767 : i32
        %add3A_567 = vector.broadcast %add3A_566 : i32 to vector<16xi32>
        %add3A_568 = arith.addi %broadcast_in_dim3A_565, %add3A_567 : vector<16xi32>
        %gather3A = tpu.vector_load_idx %arg7[%add3A_568] : memref<65536xf32, #tpu.memory_space<vmem>>[vector<16xi32>], vector<16xf32>,
        %lt3A_569 = arith.cmpf olt, %gather3A, %get3A_564 : vector<16xf32>
        %jit3A = arith.constant 32768 : i32
        %jit3A_570 = arith.constant 0 : i32
        %broadcast_in_dim3A_571 = vector.broadcast %jit3A : i32 to vector<16xi32>
        %broadcast_in_dim3A_572 = vector.broadcast %jit3A_570 : i32 to vector<16xi32>
        %select_n3A = arith.select %lt3A_569, %broadcast_in_dim3A_571, %broadcast_in_dim3A_572 : vector<16xi1>, vector<16xi32>
        %add3A_573 = arith.addi %broadcast_in_dim3A_565, %select_n3A : vector<16xi32>
        %add3A_574 = arith.constant 16383 : i32
        %add3A_575 = vector.broadcast %add3A_574 : i32 to vector<16xi32>
        %add3A_576 = arith.addi %add3A_573, %add3A_575 : vector<16xi32>
        %gather3A_577 = tpu.vector_load_idx %arg7[%add3A_576] : memref<65536xf32, #tpu.memory_space<vmem>>[vector<16xi32>], vector<16xf32>,
        %lt3A_578 = arith.cmpf olt, %gather3A_577, %get3A_564 : vector<16xf32>
        %jit3A_579 = arith.constant 16384 : i32
        %jit3A_580 = arith.constant 0 : i32
        %broadcast_in_dim3A_581 = vector.broadcast %jit3A_579 : i32 to vector<16xi32>
        %broadcast_in_dim3A_582 = vector.broadcast %jit3A_580 : i32 to vector<16xi32>
        %select_n3A_583 = arith.select %lt3A_578, %broadcast_in_dim3A_581, %broadcast_in_dim3A_582 : vector<16xi1>, vector<16xi32>
        %add3A_584 = arith.addi %add3A_573, %select_n3A_583 : vector<16xi32>
        %add3A_585 = arith.constant 8191 : i32
        %add3A_586 = vector.broadcast %add3A_585 : i32 to vector<16xi32>
        %add3A_587 = arith.addi %add3A_584, %add3A_586 : vector<16xi32>
        %gather3A_588 = tpu.vector_load_idx %arg7[%add3A_587] : memref<65536xf32, #tpu.memory_space<vmem>>[vector<16xi32>], vector<16xf32>,
        %lt3A_589 = arith.cmpf olt, %gather3A_588, %get3A_564 : vector<16xf32>
        %jit3A_590 = arith.constant 8192 : i32
        %jit3A_591 = arith.constant 0 : i32
        %broadcast_in_dim3A_592 = vector.broadcast %jit3A_590 : i32 to vector<16xi32>
        %broadcast_in_dim3A_593 = vector.broadcast %jit3A_591 : i32 to vector<16xi32>
        %select_n3A_594 = arith.select %lt3A_589, %broadcast_in_dim3A_592, %broadcast_in_dim3A_593 : vector<16xi1>, vector<16xi32>
        %add3A_595 = arith.addi %add3A_584, %select_n3A_594 : vector<16xi32>
        %add3A_596 = arith.constant 4095 : i32
        %add3A_597 = vector.broadcast %add3A_596 : i32 to vector<16xi32>
        %add3A_598 = arith.addi %add3A_595, %add3A_597 : vector<16xi32>
        %gather3A_599 = tpu.vector_load_idx %arg7[%add3A_598] : memref<65536xf32, #tpu.memory_space<vmem>>[vector<16xi32>], vector<16xf32>,
        %lt3A_600 = arith.cmpf olt, %gather3A_599, %get3A_564 : vector<16xf32>
        %jit3A_601 = arith.constant 4096 : i32
        %jit3A_602 = arith.constant 0 : i32
        %broadcast_in_dim3A_603 = vector.broadcast %jit3A_601 : i32 to vector<16xi32>
        %broadcast_in_dim3A_604 = vector.broadcast %jit3A_602 : i32 to vector<16xi32>
        %select_n3A_605 = arith.select %lt3A_600, %broadcast_in_dim3A_603, %broadcast_in_dim3A_604 : vector<16xi1>, vector<16xi32>
        %add3A_606 = arith.addi %add3A_595, %select_n3A_605 : vector<16xi32>
        %add3A_607 = arith.constant 2047 : i32
        %add3A_608 = vector.broadcast %add3A_607 : i32 to vector<16xi32>
        %add3A_609 = arith.addi %add3A_606, %add3A_608 : vector<16xi32>
        %gather3A_610 = tpu.vector_load_idx %arg7[%add3A_609] : memref<65536xf32, #tpu.memory_space<vmem>>[vector<16xi32>], vector<16xf32>,
        %lt3A_611 = arith.cmpf olt, %gather3A_610, %get3A_564 : vector<16xf32>
        %jit3A_612 = arith.constant 2048 : i32
        %jit3A_613 = arith.constant 0 : i32
        %broadcast_in_dim3A_614 = vector.broadcast %jit3A_612 : i32 to vector<16xi32>
        %broadcast_in_dim3A_615 = vector.broadcast %jit3A_613 : i32 to vector<16xi32>
        %select_n3A_616 = arith.select %lt3A_611, %broadcast_in_dim3A_614, %broadcast_in_dim3A_615 : vector<16xi1>, vector<16xi32>
        %add3A_617 = arith.addi %add3A_606, %select_n3A_616 : vector<16xi32>
        %add3A_618 = arith.constant 1023 : i32
        %add3A_619 = vector.broadcast %add3A_618 : i32 to vector<16xi32>
        %add3A_620 = arith.addi %add3A_617, %add3A_619 : vector<16xi32>
        %gather3A_621 = tpu.vector_load_idx %arg7[%add3A_620] : memref<65536xf32, #tpu.memory_space<vmem>>[vector<16xi32>], vector<16xf32>,
        %lt3A_622 = arith.cmpf olt, %gather3A_621, %get3A_564 : vector<16xf32>
        %jit3A_623 = arith.constant 1024 : i32
        %jit3A_624 = arith.constant 0 : i32
        %broadcast_in_dim3A_625 = vector.broadcast %jit3A_623 : i32 to vector<16xi32>
        %broadcast_in_dim3A_626 = vector.broadcast %jit3A_624 : i32 to vector<16xi32>
        %select_n3A_627 = arith.select %lt3A_622, %broadcast_in_dim3A_625, %broadcast_in_dim3A_626 : vector<16xi1>, vector<16xi32>
        %add3A_628 = arith.addi %add3A_617, %select_n3A_627 : vector<16xi32>
        %add3A_629 = arith.constant 511 : i32
        %add3A_630 = vector.broadcast %add3A_629 : i32 to vector<16xi32>
        %add3A_631 = arith.addi %add3A_628, %add3A_630 : vector<16xi32>
        %gather3A_632 = tpu.vector_load_idx %arg7[%add3A_631] : memref<65536xf32, #tpu.memory_space<vmem>>[vector<16xi32>], vector<16xf32>,
        %lt3A_633 = arith.cmpf olt, %gather3A_632, %get3A_564 : vector<16xf32>
        %jit3A_634 = arith.constant 512 : i32
        %jit3A_635 = arith.constant 0 : i32
        %broadcast_in_dim3A_636 = vector.broadcast %jit3A_634 : i32 to vector<16xi32>
        %broadcast_in_dim3A_637 = vector.broadcast %jit3A_635 : i32 to vector<16xi32>
        %select_n3A_638 = arith.select %lt3A_633, %broadcast_in_dim3A_636, %broadcast_in_dim3A_637 : vector<16xi1>, vector<16xi32>
        %add3A_639 = arith.addi %add3A_628, %select_n3A_638 : vector<16xi32>
        %add3A_640 = arith.constant 255 : i32
        %add3A_641 = vector.broadcast %add3A_640 : i32 to vector<16xi32>
        %add3A_642 = arith.addi %add3A_639, %add3A_641 : vector<16xi32>
        %gather3A_643 = tpu.vector_load_idx %arg7[%add3A_642] : memref<65536xf32, #tpu.memory_space<vmem>>[vector<16xi32>], vector<16xf32>,
        %lt3A_644 = arith.cmpf olt, %gather3A_643, %get3A_564 : vector<16xf32>
        %jit3A_645 = arith.constant 256 : i32
        %jit3A_646 = arith.constant 0 : i32
        %broadcast_in_dim3A_647 = vector.broadcast %jit3A_645 : i32 to vector<16xi32>
        %broadcast_in_dim3A_648 = vector.broadcast %jit3A_646 : i32 to vector<16xi32>
        %select_n3A_649 = arith.select %lt3A_644, %broadcast_in_dim3A_647, %broadcast_in_dim3A_648 : vector<16xi1>, vector<16xi32>
        %add3A_650 = arith.addi %add3A_639, %select_n3A_649 : vector<16xi32>
        %add3A_651 = arith.constant 127 : i32
        %add3A_652 = vector.broadcast %add3A_651 : i32 to vector<16xi32>
        %add3A_653 = arith.addi %add3A_650, %add3A_652 : vector<16xi32>
        %gather3A_654 = tpu.vector_load_idx %arg7[%add3A_653] : memref<65536xf32, #tpu.memory_space<vmem>>[vector<16xi32>], vector<16xf32>,
        %lt3A_655 = arith.cmpf olt, %gather3A_654, %get3A_564 : vector<16xf32>
        %jit3A_656 = arith.constant 128 : i32
        %jit3A_657 = arith.constant 0 : i32
        %broadcast_in_dim3A_658 = vector.broadcast %jit3A_656 : i32 to vector<16xi32>
        %broadcast_in_dim3A_659 = vector.broadcast %jit3A_657 : i32 to vector<16xi32>
        %select_n3A_660 = arith.select %lt3A_655, %broadcast_in_dim3A_658, %broadcast_in_dim3A_659 : vector<16xi1>, vector<16xi32>
        %add3A_661 = arith.addi %add3A_650, %select_n3A_660 : vector<16xi32>
        %add3A_662 = arith.constant 63 : i32
        %add3A_663 = vector.broadcast %add3A_662 : i32 to vector<16xi32>
        %add3A_664 = arith.addi %add3A_661, %add3A_663 : vector<16xi32>
        %gather3A_665 = tpu.vector_load_idx %arg7[%add3A_664] : memref<65536xf32, #tpu.memory_space<vmem>>[vector<16xi32>], vector<16xf32>,
        %lt3A_666 = arith.cmpf olt, %gather3A_665, %get3A_564 : vector<16xf32>
        %jit3A_667 = arith.constant 64 : i32
        %jit3A_668 = arith.constant 0 : i32
        %broadcast_in_dim3A_669 = vector.broadcast %jit3A_667 : i32 to vector<16xi32>
        %broadcast_in_dim3A_670 = vector.broadcast %jit3A_668 : i32 to vector<16xi32>
        %select_n3A_671 = arith.select %lt3A_666, %broadcast_in_dim3A_669, %broadcast_in_dim3A_670 : vector<16xi1>, vector<16xi32>
        %add3A_672 = arith.addi %add3A_661, %select_n3A_671 : vector<16xi32>
        %add3A_673 = arith.constant 31 : i32
        %add3A_674 = vector.broadcast %add3A_673 : i32 to vector<16xi32>
        %add3A_675 = arith.addi %add3A_672, %add3A_674 : vector<16xi32>
        %gather3A_676 = tpu.vector_load_idx %arg7[%add3A_675] : memref<65536xf32, #tpu.memory_space<vmem>>[vector<16xi32>], vector<16xf32>,
        %lt3A_677 = arith.cmpf olt, %gather3A_676, %get3A_564 : vector<16xf32>
        %jit3A_678 = arith.constant 32 : i32
        %jit3A_679 = arith.constant 0 : i32
        %broadcast_in_dim3A_680 = vector.broadcast %jit3A_678 : i32 to vector<16xi32>
        %broadcast_in_dim3A_681 = vector.broadcast %jit3A_679 : i32 to vector<16xi32>
        %select_n3A_682 = arith.select %lt3A_677, %broadcast_in_dim3A_680, %broadcast_in_dim3A_681 : vector<16xi1>, vector<16xi32>
        %add3A_683 = arith.addi %add3A_672, %select_n3A_682 : vector<16xi32>
        %add3A_684 = arith.constant 15 : i32
        %add3A_685 = vector.broadcast %add3A_684 : i32 to vector<16xi32>
        %add3A_686 = arith.addi %add3A_683, %add3A_685 : vector<16xi32>
        %gather3A_687 = tpu.vector_load_idx %arg7[%add3A_686] : memref<65536xf32, #tpu.memory_space<vmem>>[vector<16xi32>], vector<16xf32>,
        %lt3A_688 = arith.cmpf olt, %gather3A_687, %get3A_564 : vector<16xf32>
        %jit3A_689 = arith.constant 16 : i32
        %jit3A_690 = arith.constant 0 : i32
        %broadcast_in_dim3A_691 = vector.broadcast %jit3A_689 : i32 to vector<16xi32>
        %broadcast_in_dim3A_692 = vector.broadcast %jit3A_690 : i32 to vector<16xi32>
        %select_n3A_693 = arith.select %lt3A_688, %broadcast_in_dim3A_691, %broadcast_in_dim3A_692 : vector<16xi1>, vector<16xi32>
        %add3A_694 = arith.addi %add3A_683, %select_n3A_693 : vector<16xi32>
        %add3A_695 = arith.constant 7 : i32
        %add3A_696 = vector.broadcast %add3A_695 : i32 to vector<16xi32>
        %add3A_697 = arith.addi %add3A_694, %add3A_696 : vector<16xi32>
        %gather3A_698 = tpu.vector_load_idx %arg7[%add3A_697] : memref<65536xf32, #tpu.memory_space<vmem>>[vector<16xi32>], vector<16xf32>,
        %lt3A_699 = arith.cmpf olt, %gather3A_698, %get3A_564 : vector<16xf32>
        %jit3A_700 = arith.constant 8 : i32
        %jit3A_701 = arith.constant 0 : i32
        %broadcast_in_dim3A_702 = vector.broadcast %jit3A_700 : i32 to vector<16xi32>
        %broadcast_in_dim3A_703 = vector.broadcast %jit3A_701 : i32 to vector<16xi32>
        %select_n3A_704 = arith.select %lt3A_699, %broadcast_in_dim3A_702, %broadcast_in_dim3A_703 : vector<16xi1>, vector<16xi32>
        %add3A_705 = arith.addi %add3A_694, %select_n3A_704 : vector<16xi32>
        %add3A_706 = arith.constant 3 : i32
        %add3A_707 = vector.broadcast %add3A_706 : i32 to vector<16xi32>
        %add3A_708 = arith.addi %add3A_705, %add3A_707 : vector<16xi32>
        %gather3A_709 = tpu.vector_load_idx %arg7[%add3A_708] : memref<65536xf32, #tpu.memory_space<vmem>>[vector<16xi32>], vector<16xf32>,
        %lt3A_710 = arith.cmpf olt, %gather3A_709, %get3A_564 : vector<16xf32>
        %jit3A_711 = arith.constant 4 : i32
        %jit3A_712 = arith.constant 0 : i32
        %broadcast_in_dim3A_713 = vector.broadcast %jit3A_711 : i32 to vector<16xi32>
        %broadcast_in_dim3A_714 = vector.broadcast %jit3A_712 : i32 to vector<16xi32>
        %select_n3A_715 = arith.select %lt3A_710, %broadcast_in_dim3A_713, %broadcast_in_dim3A_714 : vector<16xi1>, vector<16xi32>
        %add3A_716 = arith.addi %add3A_705, %select_n3A_715 : vector<16xi32>
        %add3A_717 = arith.constant 1 : i32
        %add3A_718 = vector.broadcast %add3A_717 : i32 to vector<16xi32>
        %add3A_719 = arith.addi %add3A_716, %add3A_718 : vector<16xi32>
        %gather3A_720 = tpu.vector_load_idx %arg7[%add3A_719] : memref<65536xf32, #tpu.memory_space<vmem>>[vector<16xi32>], vector<16xf32>,
        %lt3A_721 = arith.cmpf olt, %gather3A_720, %get3A_564 : vector<16xf32>
        %jit3A_722 = arith.constant 2 : i32
        %jit3A_723 = arith.constant 0 : i32
        %broadcast_in_dim3A_724 = vector.broadcast %jit3A_722 : i32 to vector<16xi32>
        %broadcast_in_dim3A_725 = vector.broadcast %jit3A_723 : i32 to vector<16xi32>
        %select_n3A_726 = arith.select %lt3A_721, %broadcast_in_dim3A_724, %broadcast_in_dim3A_725 : vector<16xi1>, vector<16xi32>
        %add3A_727 = arith.addi %add3A_716, %select_n3A_726 : vector<16xi32>
        %add3A_728 = arith.constant 0 : i32
        %add3A_729 = vector.broadcast %add3A_728 : i32 to vector<16xi32>
        %add3A_730 = arith.addi %add3A_727, %add3A_729 : vector<16xi32>
        %gather3A_731 = tpu.vector_load_idx %arg7[%add3A_730] : memref<65536xf32, #tpu.memory_space<vmem>>[vector<16xi32>], vector<16xf32>,
        %lt3A_732 = arith.cmpf olt, %gather3A_731, %get3A_564 : vector<16xf32>
        %jit3A_733 = arith.constant 1 : i32
        %jit3A_734 = arith.constant 0 : i32
        %broadcast_in_dim3A_735 = vector.broadcast %jit3A_733 : i32 to vector<16xi32>
        %broadcast_in_dim3A_736 = vector.broadcast %jit3A_734 : i32 to vector<16xi32>
        %select_n3A_737 = arith.select %lt3A_732, %broadcast_in_dim3A_735, %broadcast_in_dim3A_736 : vector<16xi1>, vector<16xi32>
        %add3A_738 = arith.addi %add3A_727, %select_n3A_737 : vector<16xi32>
        %swap3A = arith.constant 1 : i32
        %swap3A_739 = arith.index_cast %swap3A : i32 to index
        %swap3A_740 = arith.index_cast %add3A_559 : i32 to index
        %swap3A_741 = tpu.vector_load %arg9[%swap3A_739, %swap3A_740] {strides = array<i32>} : memref<4x128xi32, #tpu.memory_space<vmem>>, vector<16xi32>,
        tpu.vector_store %arg9[%swap3A_739, %swap3A_740], %add3A_738 {strides = array<i32>} : memref<4x128xi32, #tpu.memory_space<vmem>>, vector<16xi32>,
      }
      %scan3A_345 = arith.constant 8 : i32
      %dma_start3A_346 = arith.constant 1 : i32
      %dma_start3A_347 = arith.constant 128 : i32
      %dma_start3A_348 = arith.constant 0 : i32
      %dma_start3A_349 = tpu.memref_slice %arg10[%dma_start3A_347, %dma_start3A_348] : memref<512x8xf32, #tpu.memory_space<vmem>> -> memref<128x8xf32, #tpu.memory_space<vmem>>
      %dma_start3A_350 = arith.constant 0 : i32
      %dma_start3A_351 = tpu.memref_slice %arg9[%dma_start3A_346, %dma_start3A_350] : memref<4x128xi32, #tpu.memory_space<vmem>> -> memref<1x128xi32, #tpu.memory_space<vmem>>
      %dma_start3A_352 = tpu.memref_squeeze %dma_start3A_351 : memref<1x128xi32, #tpu.memory_space<vmem>> -> memref<128xi32, #tpu.memory_space<vmem>>
      %dma_start3A_353 = arith.constant 0 : i32
      %dma_start3A_354 = arith.constant 0 : i32
      %dma_start3A_355 = tpu.memref_slice %arg2[%dma_start3A_353, %dma_start3A_354] : memref<65536x8xf32, #tpu.memory_space<hbm>> -> memref<65536x8xf32, #tpu.memory_space<hbm>>
      tpu.enqueue_indirect_dma source(%dma_start3A_355 : memref<65536x8xf32, #tpu.memory_space<hbm>>) target(%dma_start3A_349 : memref<128x8xf32, #tpu.memory_space<vmem>>) offsets(%dma_start3A_352 : memref<128xi32, #tpu.memory_space<vmem>>) semaphore(%arg15 : memref<!tpu.dma_semaphore, #tpu.memory_space<semaphore_mem>>)
      %scan3A_356 = arith.constant 0 : i32
      %scan3A_357 = arith.constant 8 : i32
      %scan3A_358 = arith.addi %scan3A_356, %scan3A_357 : i32
      %scan3A_359 = arith.constant 1 : i32
      scf.for %scan3A_555 = %scan3A_356 to %scan3A_358 step %scan3A_359  : i32 {
        %mul3A_556 = arith.constant 16 : i32
        %mul3A_557 = arith.muli %scan3A_555, %mul3A_556 : i32
        %add3A_558 = arith.constant 0 : i32
        %add3A_559 = arith.addi %add3A_558, %mul3A_557 : i32
        %add3A_560 = arith.constant 256 : i32
        %add3A_561 = arith.addi %add3A_560, %add3A_559 : i32
        %get3A = arith.constant 1 : i32
        %get3A_562 = arith.index_cast %get3A : i32 to index
        %get3A_563 = arith.index_cast %add3A_561 : i32 to index
        %get3A_564 = tpu.vector_load %arg8[%get3A_562, %get3A_563] {strides = array<i32>} : memref<2x512xf32, #tpu.memory_space<vmem>>, vector<16xf32>,
        %broadcast_in_dim3A = arith.constant 0 : i32
        %broadcast_in_dim3A_565 = vector.broadcast %broadcast_in_dim3A : i32 to vector<16xi32>
        %add3A_566 = arith.constant 32767 : i32
        %add3A_567 = vector.broadcast %add3A_566 : i32 to vector<16xi32>
        %add3A_568 = arith.addi %broadcast_in_dim3A_565, %add3A_567 : vector<16xi32>
        %gather3A = tpu.vector_load_idx %arg7[%add3A_568] : memref<65536xf32, #tpu.memory_space<vmem>>[vector<16xi32>], vector<16xf32>,
        %lt3A_569 = arith.cmpf olt, %gather3A, %get3A_564 : vector<16xf32>
        %jit3A = arith.constant 32768 : i32
        %jit3A_570 = arith.constant 0 : i32
        %broadcast_in_dim3A_571 = vector.broadcast %jit3A : i32 to vector<16xi32>
        %broadcast_in_dim3A_572 = vector.broadcast %jit3A_570 : i32 to vector<16xi32>
        %select_n3A = arith.select %lt3A_569, %broadcast_in_dim3A_571, %broadcast_in_dim3A_572 : vector<16xi1>, vector<16xi32>
        %add3A_573 = arith.addi %broadcast_in_dim3A_565, %select_n3A : vector<16xi32>
        %add3A_574 = arith.constant 16383 : i32
        %add3A_575 = vector.broadcast %add3A_574 : i32 to vector<16xi32>
        %add3A_576 = arith.addi %add3A_573, %add3A_575 : vector<16xi32>
        %gather3A_577 = tpu.vector_load_idx %arg7[%add3A_576] : memref<65536xf32, #tpu.memory_space<vmem>>[vector<16xi32>], vector<16xf32>,
        %lt3A_578 = arith.cmpf olt, %gather3A_577, %get3A_564 : vector<16xf32>
        %jit3A_579 = arith.constant 16384 : i32
        %jit3A_580 = arith.constant 0 : i32
        %broadcast_in_dim3A_581 = vector.broadcast %jit3A_579 : i32 to vector<16xi32>
        %broadcast_in_dim3A_582 = vector.broadcast %jit3A_580 : i32 to vector<16xi32>
        %select_n3A_583 = arith.select %lt3A_578, %broadcast_in_dim3A_581, %broadcast_in_dim3A_582 : vector<16xi1>, vector<16xi32>
        %add3A_584 = arith.addi %add3A_573, %select_n3A_583 : vector<16xi32>
        %add3A_585 = arith.constant 8191 : i32
        %add3A_586 = vector.broadcast %add3A_585 : i32 to vector<16xi32>
        %add3A_587 = arith.addi %add3A_584, %add3A_586 : vector<16xi32>
        %gather3A_588 = tpu.vector_load_idx %arg7[%add3A_587] : memref<65536xf32, #tpu.memory_space<vmem>>[vector<16xi32>], vector<16xf32>,
        %lt3A_589 = arith.cmpf olt, %gather3A_588, %get3A_564 : vector<16xf32>
        %jit3A_590 = arith.constant 8192 : i32
        %jit3A_591 = arith.constant 0 : i32
        %broadcast_in_dim3A_592 = vector.broadcast %jit3A_590 : i32 to vector<16xi32>
        %broadcast_in_dim3A_593 = vector.broadcast %jit3A_591 : i32 to vector<16xi32>
        %select_n3A_594 = arith.select %lt3A_589, %broadcast_in_dim3A_592, %broadcast_in_dim3A_593 : vector<16xi1>, vector<16xi32>
        %add3A_595 = arith.addi %add3A_584, %select_n3A_594 : vector<16xi32>
        %add3A_596 = arith.constant 4095 : i32
        %add3A_597 = vector.broadcast %add3A_596 : i32 to vector<16xi32>
        %add3A_598 = arith.addi %add3A_595, %add3A_597 : vector<16xi32>
        %gather3A_599 = tpu.vector_load_idx %arg7[%add3A_598] : memref<65536xf32, #tpu.memory_space<vmem>>[vector<16xi32>], vector<16xf32>,
        %lt3A_600 = arith.cmpf olt, %gather3A_599, %get3A_564 : vector<16xf32>
        %jit3A_601 = arith.constant 4096 : i32
        %jit3A_602 = arith.constant 0 : i32
        %broadcast_in_dim3A_603 = vector.broadcast %jit3A_601 : i32 to vector<16xi32>
        %broadcast_in_dim3A_604 = vector.broadcast %jit3A_602 : i32 to vector<16xi32>
        %select_n3A_605 = arith.select %lt3A_600, %broadcast_in_dim3A_603, %broadcast_in_dim3A_604 : vector<16xi1>, vector<16xi32>
        %add3A_606 = arith.addi %add3A_595, %select_n3A_605 : vector<16xi32>
        %add3A_607 = arith.constant 2047 : i32
        %add3A_608 = vector.broadcast %add3A_607 : i32 to vector<16xi32>
        %add3A_609 = arith.addi %add3A_606, %add3A_608 : vector<16xi32>
        %gather3A_610 = tpu.vector_load_idx %arg7[%add3A_609] : memref<65536xf32, #tpu.memory_space<vmem>>[vector<16xi32>], vector<16xf32>,
        %lt3A_611 = arith.cmpf olt, %gather3A_610, %get3A_564 : vector<16xf32>
        %jit3A_612 = arith.constant 2048 : i32
        %jit3A_613 = arith.constant 0 : i32
        %broadcast_in_dim3A_614 = vector.broadcast %jit3A_612 : i32 to vector<16xi32>
        %broadcast_in_dim3A_615 = vector.broadcast %jit3A_613 : i32 to vector<16xi32>
        %select_n3A_616 = arith.select %lt3A_611, %broadcast_in_dim3A_614, %broadcast_in_dim3A_615 : vector<16xi1>, vector<16xi32>
        %add3A_617 = arith.addi %add3A_606, %select_n3A_616 : vector<16xi32>
        %add3A_618 = arith.constant 1023 : i32
        %add3A_619 = vector.broadcast %add3A_618 : i32 to vector<16xi32>
        %add3A_620 = arith.addi %add3A_617, %add3A_619 : vector<16xi32>
        %gather3A_621 = tpu.vector_load_idx %arg7[%add3A_620] : memref<65536xf32, #tpu.memory_space<vmem>>[vector<16xi32>], vector<16xf32>,
        %lt3A_622 = arith.cmpf olt, %gather3A_621, %get3A_564 : vector<16xf32>
        %jit3A_623 = arith.constant 1024 : i32
        %jit3A_624 = arith.constant 0 : i32
        %broadcast_in_dim3A_625 = vector.broadcast %jit3A_623 : i32 to vector<16xi32>
        %broadcast_in_dim3A_626 = vector.broadcast %jit3A_624 : i32 to vector<16xi32>
        %select_n3A_627 = arith.select %lt3A_622, %broadcast_in_dim3A_625, %broadcast_in_dim3A_626 : vector<16xi1>, vector<16xi32>
        %add3A_628 = arith.addi %add3A_617, %select_n3A_627 : vector<16xi32>
        %add3A_629 = arith.constant 511 : i32
        %add3A_630 = vector.broadcast %add3A_629 : i32 to vector<16xi32>
        %add3A_631 = arith.addi %add3A_628, %add3A_630 : vector<16xi32>
        %gather3A_632 = tpu.vector_load_idx %arg7[%add3A_631] : memref<65536xf32, #tpu.memory_space<vmem>>[vector<16xi32>], vector<16xf32>,
        %lt3A_633 = arith.cmpf olt, %gather3A_632, %get3A_564 : vector<16xf32>
        %jit3A_634 = arith.constant 512 : i32
        %jit3A_635 = arith.constant 0 : i32
        %broadcast_in_dim3A_636 = vector.broadcast %jit3A_634 : i32 to vector<16xi32>
        %broadcast_in_dim3A_637 = vector.broadcast %jit3A_635 : i32 to vector<16xi32>
        %select_n3A_638 = arith.select %lt3A_633, %broadcast_in_dim3A_636, %broadcast_in_dim3A_637 : vector<16xi1>, vector<16xi32>
        %add3A_639 = arith.addi %add3A_628, %select_n3A_638 : vector<16xi32>
        %add3A_640 = arith.constant 255 : i32
        %add3A_641 = vector.broadcast %add3A_640 : i32 to vector<16xi32>
        %add3A_642 = arith.addi %add3A_639, %add3A_641 : vector<16xi32>
        %gather3A_643 = tpu.vector_load_idx %arg7[%add3A_642] : memref<65536xf32, #tpu.memory_space<vmem>>[vector<16xi32>], vector<16xf32>,
        %lt3A_644 = arith.cmpf olt, %gather3A_643, %get3A_564 : vector<16xf32>
        %jit3A_645 = arith.constant 256 : i32
        %jit3A_646 = arith.constant 0 : i32
        %broadcast_in_dim3A_647 = vector.broadcast %jit3A_645 : i32 to vector<16xi32>
        %broadcast_in_dim3A_648 = vector.broadcast %jit3A_646 : i32 to vector<16xi32>
        %select_n3A_649 = arith.select %lt3A_644, %broadcast_in_dim3A_647, %broadcast_in_dim3A_648 : vector<16xi1>, vector<16xi32>
        %add3A_650 = arith.addi %add3A_639, %select_n3A_649 : vector<16xi32>
        %add3A_651 = arith.constant 127 : i32
        %add3A_652 = vector.broadcast %add3A_651 : i32 to vector<16xi32>
        %add3A_653 = arith.addi %add3A_650, %add3A_652 : vector<16xi32>
        %gather3A_654 = tpu.vector_load_idx %arg7[%add3A_653] : memref<65536xf32, #tpu.memory_space<vmem>>[vector<16xi32>], vector<16xf32>,
        %lt3A_655 = arith.cmpf olt, %gather3A_654, %get3A_564 : vector<16xf32>
        %jit3A_656 = arith.constant 128 : i32
        %jit3A_657 = arith.constant 0 : i32
        %broadcast_in_dim3A_658 = vector.broadcast %jit3A_656 : i32 to vector<16xi32>
        %broadcast_in_dim3A_659 = vector.broadcast %jit3A_657 : i32 to vector<16xi32>
        %select_n3A_660 = arith.select %lt3A_655, %broadcast_in_dim3A_658, %broadcast_in_dim3A_659 : vector<16xi1>, vector<16xi32>
        %add3A_661 = arith.addi %add3A_650, %select_n3A_660 : vector<16xi32>
        %add3A_662 = arith.constant 63 : i32
        %add3A_663 = vector.broadcast %add3A_662 : i32 to vector<16xi32>
        %add3A_664 = arith.addi %add3A_661, %add3A_663 : vector<16xi32>
        %gather3A_665 = tpu.vector_load_idx %arg7[%add3A_664] : memref<65536xf32, #tpu.memory_space<vmem>>[vector<16xi32>], vector<16xf32>,
        %lt3A_666 = arith.cmpf olt, %gather3A_665, %get3A_564 : vector<16xf32>
        %jit3A_667 = arith.constant 64 : i32
        %jit3A_668 = arith.constant 0 : i32
        %broadcast_in_dim3A_669 = vector.broadcast %jit3A_667 : i32 to vector<16xi32>
        %broadcast_in_dim3A_670 = vector.broadcast %jit3A_668 : i32 to vector<16xi32>
        %select_n3A_671 = arith.select %lt3A_666, %broadcast_in_dim3A_669, %broadcast_in_dim3A_670 : vector<16xi1>, vector<16xi32>
        %add3A_672 = arith.addi %add3A_661, %select_n3A_671 : vector<16xi32>
        %add3A_673 = arith.constant 31 : i32
        %add3A_674 = vector.broadcast %add3A_673 : i32 to vector<16xi32>
        %add3A_675 = arith.addi %add3A_672, %add3A_674 : vector<16xi32>
        %gather3A_676 = tpu.vector_load_idx %arg7[%add3A_675] : memref<65536xf32, #tpu.memory_space<vmem>>[vector<16xi32>], vector<16xf32>,
        %lt3A_677 = arith.cmpf olt, %gather3A_676, %get3A_564 : vector<16xf32>
        %jit3A_678 = arith.constant 32 : i32
        %jit3A_679 = arith.constant 0 : i32
        %broadcast_in_dim3A_680 = vector.broadcast %jit3A_678 : i32 to vector<16xi32>
        %broadcast_in_dim3A_681 = vector.broadcast %jit3A_679 : i32 to vector<16xi32>
        %select_n3A_682 = arith.select %lt3A_677, %broadcast_in_dim3A_680, %broadcast_in_dim3A_681 : vector<16xi1>, vector<16xi32>
        %add3A_683 = arith.addi %add3A_672, %select_n3A_682 : vector<16xi32>
        %add3A_684 = arith.constant 15 : i32
        %add3A_685 = vector.broadcast %add3A_684 : i32 to vector<16xi32>
        %add3A_686 = arith.addi %add3A_683, %add3A_685 : vector<16xi32>
        %gather3A_687 = tpu.vector_load_idx %arg7[%add3A_686] : memref<65536xf32, #tpu.memory_space<vmem>>[vector<16xi32>], vector<16xf32>,
        %lt3A_688 = arith.cmpf olt, %gather3A_687, %get3A_564 : vector<16xf32>
        %jit3A_689 = arith.constant 16 : i32
        %jit3A_690 = arith.constant 0 : i32
        %broadcast_in_dim3A_691 = vector.broadcast %jit3A_689 : i32 to vector<16xi32>
        %broadcast_in_dim3A_692 = vector.broadcast %jit3A_690 : i32 to vector<16xi32>
        %select_n3A_693 = arith.select %lt3A_688, %broadcast_in_dim3A_691, %broadcast_in_dim3A_692 : vector<16xi1>, vector<16xi32>
        %add3A_694 = arith.addi %add3A_683, %select_n3A_693 : vector<16xi32>
        %add3A_695 = arith.constant 7 : i32
        %add3A_696 = vector.broadcast %add3A_695 : i32 to vector<16xi32>
        %add3A_697 = arith.addi %add3A_694, %add3A_696 : vector<16xi32>
        %gather3A_698 = tpu.vector_load_idx %arg7[%add3A_697] : memref<65536xf32, #tpu.memory_space<vmem>>[vector<16xi32>], vector<16xf32>,
        %lt3A_699 = arith.cmpf olt, %gather3A_698, %get3A_564 : vector<16xf32>
        %jit3A_700 = arith.constant 8 : i32
        %jit3A_701 = arith.constant 0 : i32
        %broadcast_in_dim3A_702 = vector.broadcast %jit3A_700 : i32 to vector<16xi32>
        %broadcast_in_dim3A_703 = vector.broadcast %jit3A_701 : i32 to vector<16xi32>
        %select_n3A_704 = arith.select %lt3A_699, %broadcast_in_dim3A_702, %broadcast_in_dim3A_703 : vector<16xi1>, vector<16xi32>
        %add3A_705 = arith.addi %add3A_694, %select_n3A_704 : vector<16xi32>
        %add3A_706 = arith.constant 3 : i32
        %add3A_707 = vector.broadcast %add3A_706 : i32 to vector<16xi32>
        %add3A_708 = arith.addi %add3A_705, %add3A_707 : vector<16xi32>
        %gather3A_709 = tpu.vector_load_idx %arg7[%add3A_708] : memref<65536xf32, #tpu.memory_space<vmem>>[vector<16xi32>], vector<16xf32>,
        %lt3A_710 = arith.cmpf olt, %gather3A_709, %get3A_564 : vector<16xf32>
        %jit3A_711 = arith.constant 4 : i32
        %jit3A_712 = arith.constant 0 : i32
        %broadcast_in_dim3A_713 = vector.broadcast %jit3A_711 : i32 to vector<16xi32>
        %broadcast_in_dim3A_714 = vector.broadcast %jit3A_712 : i32 to vector<16xi32>
        %select_n3A_715 = arith.select %lt3A_710, %broadcast_in_dim3A_713, %broadcast_in_dim3A_714 : vector<16xi1>, vector<16xi32>
        %add3A_716 = arith.addi %add3A_705, %select_n3A_715 : vector<16xi32>
        %add3A_717 = arith.constant 1 : i32
        %add3A_718 = vector.broadcast %add3A_717 : i32 to vector<16xi32>
        %add3A_719 = arith.addi %add3A_716, %add3A_718 : vector<16xi32>
        %gather3A_720 = tpu.vector_load_idx %arg7[%add3A_719] : memref<65536xf32, #tpu.memory_space<vmem>>[vector<16xi32>], vector<16xf32>,
        %lt3A_721 = arith.cmpf olt, %gather3A_720, %get3A_564 : vector<16xf32>
        %jit3A_722 = arith.constant 2 : i32
        %jit3A_723 = arith.constant 0 : i32
        %broadcast_in_dim3A_724 = vector.broadcast %jit3A_722 : i32 to vector<16xi32>
        %broadcast_in_dim3A_725 = vector.broadcast %jit3A_723 : i32 to vector<16xi32>
        %select_n3A_726 = arith.select %lt3A_721, %broadcast_in_dim3A_724, %broadcast_in_dim3A_725 : vector<16xi1>, vector<16xi32>
        %add3A_727 = arith.addi %add3A_716, %select_n3A_726 : vector<16xi32>
        %add3A_728 = arith.constant 0 : i32
        %add3A_729 = vector.broadcast %add3A_728 : i32 to vector<16xi32>
        %add3A_730 = arith.addi %add3A_727, %add3A_729 : vector<16xi32>
        %gather3A_731 = tpu.vector_load_idx %arg7[%add3A_730] : memref<65536xf32, #tpu.memory_space<vmem>>[vector<16xi32>], vector<16xf32>,
        %lt3A_732 = arith.cmpf olt, %gather3A_731, %get3A_564 : vector<16xf32>
        %jit3A_733 = arith.constant 1 : i32
        %jit3A_734 = arith.constant 0 : i32
        %broadcast_in_dim3A_735 = vector.broadcast %jit3A_733 : i32 to vector<16xi32>
        %broadcast_in_dim3A_736 = vector.broadcast %jit3A_734 : i32 to vector<16xi32>
        %select_n3A_737 = arith.select %lt3A_732, %broadcast_in_dim3A_735, %broadcast_in_dim3A_736 : vector<16xi1>, vector<16xi32>
        %add3A_738 = arith.addi %add3A_727, %select_n3A_737 : vector<16xi32>
        %swap3A = arith.constant 2 : i32
        %swap3A_739 = arith.index_cast %swap3A : i32 to index
        %swap3A_740 = arith.index_cast %add3A_559 : i32 to index
        %swap3A_741 = tpu.vector_load %arg9[%swap3A_739, %swap3A_740] {strides = array<i32>} : memref<4x128xi32, #tpu.memory_space<vmem>>, vector<16xi32>,
        tpu.vector_store %arg9[%swap3A_739, %swap3A_740], %add3A_738 {strides = array<i32>} : memref<4x128xi32, #tpu.memory_space<vmem>>, vector<16xi32>,
      }
      %scan3A_360 = arith.constant 8 : i32
      %dma_start3A_361 = arith.constant 2 : i32
      %dma_start3A_362 = arith.constant 256 : i32
      %dma_start3A_363 = arith.constant 0 : i32
      %dma_start3A_364 = tpu.memref_slice %arg10[%dma_start3A_362, %dma_start3A_363] : memref<512x8xf32, #tpu.memory_space<vmem>> -> memref<128x8xf32, #tpu.memory_space<vmem>>
      %dma_start3A_365 = arith.constant 0 : i32
      %dma_start3A_366 = tpu.memref_slice %arg9[%dma_start3A_361, %dma_start3A_365] : memref<4x128xi32, #tpu.memory_space<vmem>> -> memref<1x128xi32, #tpu.memory_space<vmem>>
      %dma_start3A_367 = tpu.memref_squeeze %dma_start3A_366 : memref<1x128xi32, #tpu.memory_space<vmem>> -> memref<128xi32, #tpu.memory_space<vmem>>
      %dma_start3A_368 = arith.constant 0 : i32
      %dma_start3A_369 = arith.constant 0 : i32
      %dma_start3A_370 = tpu.memref_slice %arg2[%dma_start3A_368, %dma_start3A_369] : memref<65536x8xf32, #tpu.memory_space<hbm>> -> memref<65536x8xf32, #tpu.memory_space<hbm>>
      tpu.enqueue_indirect_dma source(%dma_start3A_370 : memref<65536x8xf32, #tpu.memory_space<hbm>>) target(%dma_start3A_364 : memref<128x8xf32, #tpu.memory_space<vmem>>) offsets(%dma_start3A_367 : memref<128xi32, #tpu.memory_space<vmem>>) semaphore(%arg15 : memref<!tpu.dma_semaphore, #tpu.memory_space<semaphore_mem>>)
      %scan3A_371 = arith.constant 0 : i32
      %scan3A_372 = arith.constant 8 : i32
      %scan3A_373 = arith.addi %scan3A_371, %scan3A_372 : i32
      %scan3A_374 = arith.constant 1 : i32
      scf.for %scan3A_555 = %scan3A_371 to %scan3A_373 step %scan3A_374  : i32 {
        %mul3A_556 = arith.constant 16 : i32
        %mul3A_557 = arith.muli %scan3A_555, %mul3A_556 : i32
        %add3A_558 = arith.constant 0 : i32
        %add3A_559 = arith.addi %add3A_558, %mul3A_557 : i32
        %add3A_560 = arith.constant 384 : i32
        %add3A_561 = arith.addi %add3A_560, %add3A_559 : i32
        %get3A = arith.constant 1 : i32
        %get3A_562 = arith.index_cast %get3A : i32 to index
        %get3A_563 = arith.index_cast %add3A_561 : i32 to index
        %get3A_564 = tpu.vector_load %arg8[%get3A_562, %get3A_563] {strides = array<i32>} : memref<2x512xf32, #tpu.memory_space<vmem>>, vector<16xf32>,
        %broadcast_in_dim3A = arith.constant 0 : i32
        %broadcast_in_dim3A_565 = vector.broadcast %broadcast_in_dim3A : i32 to vector<16xi32>
        %add3A_566 = arith.constant 32767 : i32
        %add3A_567 = vector.broadcast %add3A_566 : i32 to vector<16xi32>
        %add3A_568 = arith.addi %broadcast_in_dim3A_565, %add3A_567 : vector<16xi32>
        %gather3A = tpu.vector_load_idx %arg7[%add3A_568] : memref<65536xf32, #tpu.memory_space<vmem>>[vector<16xi32>], vector<16xf32>,
        %lt3A_569 = arith.cmpf olt, %gather3A, %get3A_564 : vector<16xf32>
        %jit3A = arith.constant 32768 : i32
        %jit3A_570 = arith.constant 0 : i32
        %broadcast_in_dim3A_571 = vector.broadcast %jit3A : i32 to vector<16xi32>
        %broadcast_in_dim3A_572 = vector.broadcast %jit3A_570 : i32 to vector<16xi32>
        %select_n3A = arith.select %lt3A_569, %broadcast_in_dim3A_571, %broadcast_in_dim3A_572 : vector<16xi1>, vector<16xi32>
        %add3A_573 = arith.addi %broadcast_in_dim3A_565, %select_n3A : vector<16xi32>
        %add3A_574 = arith.constant 16383 : i32
        %add3A_575 = vector.broadcast %add3A_574 : i32 to vector<16xi32>
        %add3A_576 = arith.addi %add3A_573, %add3A_575 : vector<16xi32>
        %gather3A_577 = tpu.vector_load_idx %arg7[%add3A_576] : memref<65536xf32, #tpu.memory_space<vmem>>[vector<16xi32>], vector<16xf32>,
        %lt3A_578 = arith.cmpf olt, %gather3A_577, %get3A_564 : vector<16xf32>
        %jit3A_579 = arith.constant 16384 : i32
        %jit3A_580 = arith.constant 0 : i32
        %broadcast_in_dim3A_581 = vector.broadcast %jit3A_579 : i32 to vector<16xi32>
        %broadcast_in_dim3A_582 = vector.broadcast %jit3A_580 : i32 to vector<16xi32>
        %select_n3A_583 = arith.select %lt3A_578, %broadcast_in_dim3A_581, %broadcast_in_dim3A_582 : vector<16xi1>, vector<16xi32>
        %add3A_584 = arith.addi %add3A_573, %select_n3A_583 : vector<16xi32>
        %add3A_585 = arith.constant 8191 : i32
        %add3A_586 = vector.broadcast %add3A_585 : i32 to vector<16xi32>
        %add3A_587 = arith.addi %add3A_584, %add3A_586 : vector<16xi32>
        %gather3A_588 = tpu.vector_load_idx %arg7[%add3A_587] : memref<65536xf32, #tpu.memory_space<vmem>>[vector<16xi32>], vector<16xf32>,
        %lt3A_589 = arith.cmpf olt, %gather3A_588, %get3A_564 : vector<16xf32>
        %jit3A_590 = arith.constant 8192 : i32
        %jit3A_591 = arith.constant 0 : i32
        %broadcast_in_dim3A_592 = vector.broadcast %jit3A_590 : i32 to vector<16xi32>
        %broadcast_in_dim3A_593 = vector.broadcast %jit3A_591 : i32 to vector<16xi32>
        %select_n3A_594 = arith.select %lt3A_589, %broadcast_in_dim3A_592, %broadcast_in_dim3A_593 : vector<16xi1>, vector<16xi32>
        %add3A_595 = arith.addi %add3A_584, %select_n3A_594 : vector<16xi32>
        %add3A_596 = arith.constant 4095 : i32
        %add3A_597 = vector.broadcast %add3A_596 : i32 to vector<16xi32>
        %add3A_598 = arith.addi %add3A_595, %add3A_597 : vector<16xi32>
        %gather3A_599 = tpu.vector_load_idx %arg7[%add3A_598] : memref<65536xf32, #tpu.memory_space<vmem>>[vector<16xi32>], vector<16xf32>,
        %lt3A_600 = arith.cmpf olt, %gather3A_599, %get3A_564 : vector<16xf32>
        %jit3A_601 = arith.constant 4096 : i32
        %jit3A_602 = arith.constant 0 : i32
        %broadcast_in_dim3A_603 = vector.broadcast %jit3A_601 : i32 to vector<16xi32>
        %broadcast_in_dim3A_604 = vector.broadcast %jit3A_602 : i32 to vector<16xi32>
        %select_n3A_605 = arith.select %lt3A_600, %broadcast_in_dim3A_603, %broadcast_in_dim3A_604 : vector<16xi1>, vector<16xi32>
        %add3A_606 = arith.addi %add3A_595, %select_n3A_605 : vector<16xi32>
        %add3A_607 = arith.constant 2047 : i32
        %add3A_608 = vector.broadcast %add3A_607 : i32 to vector<16xi32>
        %add3A_609 = arith.addi %add3A_606, %add3A_608 : vector<16xi32>
        %gather3A_610 = tpu.vector_load_idx %arg7[%add3A_609] : memref<65536xf32, #tpu.memory_space<vmem>>[vector<16xi32>], vector<16xf32>,
        %lt3A_611 = arith.cmpf olt, %gather3A_610, %get3A_564 : vector<16xf32>
        %jit3A_612 = arith.constant 2048 : i32
        %jit3A_613 = arith.constant 0 : i32
        %broadcast_in_dim3A_614 = vector.broadcast %jit3A_612 : i32 to vector<16xi32>
        %broadcast_in_dim3A_615 = vector.broadcast %jit3A_613 : i32 to vector<16xi32>
        %select_n3A_616 = arith.select %lt3A_611, %broadcast_in_dim3A_614, %broadcast_in_dim3A_615 : vector<16xi1>, vector<16xi32>
        %add3A_617 = arith.addi %add3A_606, %select_n3A_616 : vector<16xi32>
        %add3A_618 = arith.constant 1023 : i32
        %add3A_619 = vector.broadcast %add3A_618 : i32 to vector<16xi32>
        %add3A_620 = arith.addi %add3A_617, %add3A_619 : vector<16xi32>
        %gather3A_621 = tpu.vector_load_idx %arg7[%add3A_620] : memref<65536xf32, #tpu.memory_space<vmem>>[vector<16xi32>], vector<16xf32>,
        %lt3A_622 = arith.cmpf olt, %gather3A_621, %get3A_564 : vector<16xf32>
        %jit3A_623 = arith.constant 1024 : i32
        %jit3A_624 = arith.constant 0 : i32
        %broadcast_in_dim3A_625 = vector.broadcast %jit3A_623 : i32 to vector<16xi32>
        %broadcast_in_dim3A_626 = vector.broadcast %jit3A_624 : i32 to vector<16xi32>
        %select_n3A_627 = arith.select %lt3A_622, %broadcast_in_dim3A_625, %broadcast_in_dim3A_626 : vector<16xi1>, vector<16xi32>
        %add3A_628 = arith.addi %add3A_617, %select_n3A_627 : vector<16xi32>
        %add3A_629 = arith.constant 511 : i32
        %add3A_630 = vector.broadcast %add3A_629 : i32 to vector<16xi32>
        %add3A_631 = arith.addi %add3A_628, %add3A_630 : vector<16xi32>
        %gather3A_632 = tpu.vector_load_idx %arg7[%add3A_631] : memref<65536xf32, #tpu.memory_space<vmem>>[vector<16xi32>], vector<16xf32>,
        %lt3A_633 = arith.cmpf olt, %gather3A_632, %get3A_564 : vector<16xf32>
        %jit3A_634 = arith.constant 512 : i32
        %jit3A_635 = arith.constant 0 : i32
        %broadcast_in_dim3A_636 = vector.broadcast %jit3A_634 : i32 to vector<16xi32>
        %broadcast_in_dim3A_637 = vector.broadcast %jit3A_635 : i32 to vector<16xi32>
        %select_n3A_638 = arith.select %lt3A_633, %broadcast_in_dim3A_636, %broadcast_in_dim3A_637 : vector<16xi1>, vector<16xi32>
        %add3A_639 = arith.addi %add3A_628, %select_n3A_638 : vector<16xi32>
        %add3A_640 = arith.constant 255 : i32
        %add3A_641 = vector.broadcast %add3A_640 : i32 to vector<16xi32>
        %add3A_642 = arith.addi %add3A_639, %add3A_641 : vector<16xi32>
        %gather3A_643 = tpu.vector_load_idx %arg7[%add3A_642] : memref<65536xf32, #tpu.memory_space<vmem>>[vector<16xi32>], vector<16xf32>,
        %lt3A_644 = arith.cmpf olt, %gather3A_643, %get3A_564 : vector<16xf32>
        %jit3A_645 = arith.constant 256 : i32
        %jit3A_646 = arith.constant 0 : i32
        %broadcast_in_dim3A_647 = vector.broadcast %jit3A_645 : i32 to vector<16xi32>
        %broadcast_in_dim3A_648 = vector.broadcast %jit3A_646 : i32 to vector<16xi32>
        %select_n3A_649 = arith.select %lt3A_644, %broadcast_in_dim3A_647, %broadcast_in_dim3A_648 : vector<16xi1>, vector<16xi32>
        %add3A_650 = arith.addi %add3A_639, %select_n3A_649 : vector<16xi32>
        %add3A_651 = arith.constant 127 : i32
        %add3A_652 = vector.broadcast %add3A_651 : i32 to vector<16xi32>
        %add3A_653 = arith.addi %add3A_650, %add3A_652 : vector<16xi32>
        %gather3A_654 = tpu.vector_load_idx %arg7[%add3A_653] : memref<65536xf32, #tpu.memory_space<vmem>>[vector<16xi32>], vector<16xf32>,
        %lt3A_655 = arith.cmpf olt, %gather3A_654, %get3A_564 : vector<16xf32>
        %jit3A_656 = arith.constant 128 : i32
        %jit3A_657 = arith.constant 0 : i32
        %broadcast_in_dim3A_658 = vector.broadcast %jit3A_656 : i32 to vector<16xi32>
        %broadcast_in_dim3A_659 = vector.broadcast %jit3A_657 : i32 to vector<16xi32>
        %select_n3A_660 = arith.select %lt3A_655, %broadcast_in_dim3A_658, %broadcast_in_dim3A_659 : vector<16xi1>, vector<16xi32>
        %add3A_661 = arith.addi %add3A_650, %select_n3A_660 : vector<16xi32>
        %add3A_662 = arith.constant 63 : i32
        %add3A_663 = vector.broadcast %add3A_662 : i32 to vector<16xi32>
        %add3A_664 = arith.addi %add3A_661, %add3A_663 : vector<16xi32>
        %gather3A_665 = tpu.vector_load_idx %arg7[%add3A_664] : memref<65536xf32, #tpu.memory_space<vmem>>[vector<16xi32>], vector<16xf32>,
        %lt3A_666 = arith.cmpf olt, %gather3A_665, %get3A_564 : vector<16xf32>
        %jit3A_667 = arith.constant 64 : i32
        %jit3A_668 = arith.constant 0 : i32
        %broadcast_in_dim3A_669 = vector.broadcast %jit3A_667 : i32 to vector<16xi32>
        %broadcast_in_dim3A_670 = vector.broadcast %jit3A_668 : i32 to vector<16xi32>
        %select_n3A_671 = arith.select %lt3A_666, %broadcast_in_dim3A_669, %broadcast_in_dim3A_670 : vector<16xi1>, vector<16xi32>
        %add3A_672 = arith.addi %add3A_661, %select_n3A_671 : vector<16xi32>
        %add3A_673 = arith.constant 31 : i32
        %add3A_674 = vector.broadcast %add3A_673 : i32 to vector<16xi32>
        %add3A_675 = arith.addi %add3A_672, %add3A_674 : vector<16xi32>
        %gather3A_676 = tpu.vector_load_idx %arg7[%add3A_675] : memref<65536xf32, #tpu.memory_space<vmem>>[vector<16xi32>], vector<16xf32>,
        %lt3A_677 = arith.cmpf olt, %gather3A_676, %get3A_564 : vector<16xf32>
        %jit3A_678 = arith.constant 32 : i32
        %jit3A_679 = arith.constant 0 : i32
        %broadcast_in_dim3A_680 = vector.broadcast %jit3A_678 : i32 to vector<16xi32>
        %broadcast_in_dim3A_681 = vector.broadcast %jit3A_679 : i32 to vector<16xi32>
        %select_n3A_682 = arith.select %lt3A_677, %broadcast_in_dim3A_680, %broadcast_in_dim3A_681 : vector<16xi1>, vector<16xi32>
        %add3A_683 = arith.addi %add3A_672, %select_n3A_682 : vector<16xi32>
        %add3A_684 = arith.constant 15 : i32
        %add3A_685 = vector.broadcast %add3A_684 : i32 to vector<16xi32>
        %add3A_686 = arith.addi %add3A_683, %add3A_685 : vector<16xi32>
        %gather3A_687 = tpu.vector_load_idx %arg7[%add3A_686] : memref<65536xf32, #tpu.memory_space<vmem>>[vector<16xi32>], vector<16xf32>,
        %lt3A_688 = arith.cmpf olt, %gather3A_687, %get3A_564 : vector<16xf32>
        %jit3A_689 = arith.constant 16 : i32
        %jit3A_690 = arith.constant 0 : i32
        %broadcast_in_dim3A_691 = vector.broadcast %jit3A_689 : i32 to vector<16xi32>
        %broadcast_in_dim3A_692 = vector.broadcast %jit3A_690 : i32 to vector<16xi32>
        %select_n3A_693 = arith.select %lt3A_688, %broadcast_in_dim3A_691, %broadcast_in_dim3A_692 : vector<16xi1>, vector<16xi32>
        %add3A_694 = arith.addi %add3A_683, %select_n3A_693 : vector<16xi32>
        %add3A_695 = arith.constant 7 : i32
        %add3A_696 = vector.broadcast %add3A_695 : i32 to vector<16xi32>
        %add3A_697 = arith.addi %add3A_694, %add3A_696 : vector<16xi32>
        %gather3A_698 = tpu.vector_load_idx %arg7[%add3A_697] : memref<65536xf32, #tpu.memory_space<vmem>>[vector<16xi32>], vector<16xf32>,
        %lt3A_699 = arith.cmpf olt, %gather3A_698, %get3A_564 : vector<16xf32>
        %jit3A_700 = arith.constant 8 : i32
        %jit3A_701 = arith.constant 0 : i32
        %broadcast_in_dim3A_702 = vector.broadcast %jit3A_700 : i32 to vector<16xi32>
        %broadcast_in_dim3A_703 = vector.broadcast %jit3A_701 : i32 to vector<16xi32>
        %select_n3A_704 = arith.select %lt3A_699, %broadcast_in_dim3A_702, %broadcast_in_dim3A_703 : vector<16xi1>, vector<16xi32>
        %add3A_705 = arith.addi %add3A_694, %select_n3A_704 : vector<16xi32>
        %add3A_706 = arith.constant 3 : i32
        %add3A_707 = vector.broadcast %add3A_706 : i32 to vector<16xi32>
        %add3A_708 = arith.addi %add3A_705, %add3A_707 : vector<16xi32>
        %gather3A_709 = tpu.vector_load_idx %arg7[%add3A_708] : memref<65536xf32, #tpu.memory_space<vmem>>[vector<16xi32>], vector<16xf32>,
        %lt3A_710 = arith.cmpf olt, %gather3A_709, %get3A_564 : vector<16xf32>
        %jit3A_711 = arith.constant 4 : i32
        %jit3A_712 = arith.constant 0 : i32
        %broadcast_in_dim3A_713 = vector.broadcast %jit3A_711 : i32 to vector<16xi32>
        %broadcast_in_dim3A_714 = vector.broadcast %jit3A_712 : i32 to vector<16xi32>
        %select_n3A_715 = arith.select %lt3A_710, %broadcast_in_dim3A_713, %broadcast_in_dim3A_714 : vector<16xi1>, vector<16xi32>
        %add3A_716 = arith.addi %add3A_705, %select_n3A_715 : vector<16xi32>
        %add3A_717 = arith.constant 1 : i32
        %add3A_718 = vector.broadcast %add3A_717 : i32 to vector<16xi32>
        %add3A_719 = arith.addi %add3A_716, %add3A_718 : vector<16xi32>
        %gather3A_720 = tpu.vector_load_idx %arg7[%add3A_719] : memref<65536xf32, #tpu.memory_space<vmem>>[vector<16xi32>], vector<16xf32>,
        %lt3A_721 = arith.cmpf olt, %gather3A_720, %get3A_564 : vector<16xf32>
        %jit3A_722 = arith.constant 2 : i32
        %jit3A_723 = arith.constant 0 : i32
        %broadcast_in_dim3A_724 = vector.broadcast %jit3A_722 : i32 to vector<16xi32>
        %broadcast_in_dim3A_725 = vector.broadcast %jit3A_723 : i32 to vector<16xi32>
        %select_n3A_726 = arith.select %lt3A_721, %broadcast_in_dim3A_724, %broadcast_in_dim3A_725 : vector<16xi1>, vector<16xi32>
        %add3A_727 = arith.addi %add3A_716, %select_n3A_726 : vector<16xi32>
        %add3A_728 = arith.constant 0 : i32
        %add3A_729 = vector.broadcast %add3A_728 : i32 to vector<16xi32>
        %add3A_730 = arith.addi %add3A_727, %add3A_729 : vector<16xi32>
        %gather3A_731 = tpu.vector_load_idx %arg7[%add3A_730] : memref<65536xf32, #tpu.memory_space<vmem>>[vector<16xi32>], vector<16xf32>,
        %lt3A_732 = arith.cmpf olt, %gather3A_731, %get3A_564 : vector<16xf32>
        %jit3A_733 = arith.constant 1 : i32
        %jit3A_734 = arith.constant 0 : i32
        %broadcast_in_dim3A_735 = vector.broadcast %jit3A_733 : i32 to vector<16xi32>
        %broadcast_in_dim3A_736 = vector.broadcast %jit3A_734 : i32 to vector<16xi32>
        %select_n3A_737 = arith.select %lt3A_732, %broadcast_in_dim3A_735, %broadcast_in_dim3A_736 : vector<16xi1>, vector<16xi32>
        %add3A_738 = arith.addi %add3A_727, %select_n3A_737 : vector<16xi32>
        %swap3A = arith.constant 3 : i32
        %swap3A_739 = arith.index_cast %swap3A : i32 to index
        %swap3A_740 = arith.index_cast %add3A_559 : i32 to index
        %swap3A_741 = tpu.vector_load %arg9[%swap3A_739, %swap3A_740] {strides = array<i32>} : memref<4x128xi32, #tpu.memory_space<vmem>>, vector<16xi32>,
        tpu.vector_store %arg9[%swap3A_739, %swap3A_740], %add3A_738 {strides = array<i32>} : memref<4x128xi32, #tpu.memory_space<vmem>>, vector<16xi32>,
      }
      %scan3A_375 = arith.constant 8 : i32
      %dma_start3A_376 = arith.constant 3 : i32
      %dma_start3A_377 = arith.constant 384 : i32
      %dma_start3A_378 = arith.constant 0 : i32
      %dma_start3A_379 = tpu.memref_slice %arg10[%dma_start3A_377, %dma_start3A_378] : memref<512x8xf32, #tpu.memory_space<vmem>> -> memref<128x8xf32, #tpu.memory_space<vmem>>
      %dma_start3A_380 = arith.constant 0 : i32
      %dma_start3A_381 = tpu.memref_slice %arg9[%dma_start3A_376, %dma_start3A_380] : memref<4x128xi32, #tpu.memory_space<vmem>> -> memref<1x128xi32, #tpu.memory_space<vmem>>
      %dma_start3A_382 = tpu.memref_squeeze %dma_start3A_381 : memref<1x128xi32, #tpu.memory_space<vmem>> -> memref<128xi32, #tpu.memory_space<vmem>>
      %dma_start3A_383 = arith.constant 0 : i32
      %dma_start3A_384 = arith.constant 0 : i32
      %dma_start3A_385 = tpu.memref_slice %arg2[%dma_start3A_383, %dma_start3A_384] : memref<65536x8xf32, #tpu.memory_space<hbm>> -> memref<65536x8xf32, #tpu.memory_space<hbm>>
      tpu.enqueue_indirect_dma source(%dma_start3A_385 : memref<65536x8xf32, #tpu.memory_space<hbm>>) target(%dma_start3A_379 : memref<128x8xf32, #tpu.memory_space<vmem>>) offsets(%dma_start3A_382 : memref<128xi32, #tpu.memory_space<vmem>>) semaphore(%arg15 : memref<!tpu.dma_semaphore, #tpu.memory_space<semaphore_mem>>)
      %dma_wait3A_386 = arith.constant 0 : i32
      %dma_wait3A_387 = arith.constant 0 : i32
      %dma_wait3A_388 = arith.constant 0 : i32
      %dma_wait3A_389 = tpu.memref_slice %arg10[%dma_wait3A_387, %dma_wait3A_388] : memref<512x8xf32, #tpu.memory_space<vmem>> -> memref<128x8xf32, #tpu.memory_space<vmem>>
      %dma_wait3A_390 = arith.constant 0 : i32
      %dma_wait3A_391 = tpu.memref_slice %arg9[%dma_wait3A_386, %dma_wait3A_390] : memref<4x128xi32, #tpu.memory_space<vmem>> -> memref<1x128xi32, #tpu.memory_space<vmem>>
      %dma_wait3A_392 = tpu.memref_squeeze %dma_wait3A_391 : memref<1x128xi32, #tpu.memory_space<vmem>> -> memref<128xi32, #tpu.memory_space<vmem>>
      %dma_wait3A_393 = arith.constant 0 : i32
      %dma_wait3A_394 = arith.constant 0 : i32
      %dma_wait3A_395 = tpu.memref_slice %arg2[%dma_wait3A_393, %dma_wait3A_394] : memref<65536x8xf32, #tpu.memory_space<hbm>> -> memref<65536x8xf32, #tpu.memory_space<hbm>>
      tpu.wait_indirect_dma semaphore(%arg15 : memref<!tpu.dma_semaphore, #tpu.memory_space<semaphore_mem>>) src(%dma_wait3A_395 : memref<65536x8xf32, #tpu.memory_space<hbm>>) dst(%dma_wait3A_389 : memref<128x8xf32, #tpu.memory_space<vmem>>)
      %scan3A_396 = arith.constant 0 : i32
      %scan3A_397 = arith.constant 8 : i32
      %scan3A_398 = arith.addi %scan3A_396, %scan3A_397 : i32
      %scan3A_399 = arith.constant 1 : i32
      scf.for %scan3A_555 = %scan3A_396 to %scan3A_398 step %scan3A_399  : i32 {
        %mul3A_556 = arith.constant 16 : i32
        %mul3A_557 = arith.muli %scan3A_555, %mul3A_556 : i32
        %add3A_558 = arith.constant 0 : i32
        %add3A_559 = arith.addi %add3A_558, %mul3A_557 : i32
        %add3A_560 = arith.constant 0 : i32
        %add3A_561 = arith.addi %add3A_560, %add3A_559 : i32
        %get3A = arith.constant 1 : i32
        %get3A_562 = arith.index_cast %get3A : i32 to index
        %get3A_563 = arith.index_cast %add3A_561 : i32 to index
        %get3A_564 = tpu.vector_load %arg8[%get3A_562, %get3A_563] {strides = array<i32>} : memref<2x512xf32, #tpu.memory_space<vmem>>, vector<16xf32>,
        %get3A_565 = arith.constant 0 : i32
        %get3A_566 = arith.index_cast %get3A_565 : i32 to index
        %get3A_567 = arith.index_cast %add3A_559 : i32 to index
        %get3A_568 = tpu.vector_load %arg9[%get3A_566, %get3A_567] {strides = array<i32>} : memref<4x128xi32, #tpu.memory_space<vmem>>, vector<16xi32>,
        %add3A_569 = arith.constant 0 : i32
        %add3A_570 = arith.addi %add3A_569, %add3A_559 : i32
        %iota3A = tpu.iota {dimensions = array<i32: 0>} : vector<16xi32>
        %add3A_571 = vector.broadcast %add3A_570 : i32 to vector<16xi32>
        %add3A_572 = arith.addi %add3A_571, %iota3A : vector<16xi32>
        %broadcast_in_dim3A = arith.constant 0 : i32
        %broadcast_in_dim3A_573 = vector.broadcast %broadcast_in_dim3A : i32 to vector<16xi32>
        %broadcast_in_dim3A_574 = arith.constant 0 : i32
        %broadcast_in_dim3A_575 = vector.broadcast %broadcast_in_dim3A_574 : i32 to vector<16xi32>
        %gather3A = tpu.vector_load_idx %arg10[%add3A_572, %broadcast_in_dim3A_575] : memref<512x8xf32, #tpu.memory_space<vmem>>[vector<16xi32>, vector<16xi32>], vector<16xf32>,
        %lt3A_576 = arith.cmpf olt, %gather3A, %get3A_564 : vector<16xf32>
        %jit3A = arith.constant 1 : i32
        %jit3A_577 = arith.constant 0 : i32
        %broadcast_in_dim3A_578 = vector.broadcast %jit3A : i32 to vector<16xi32>
        %broadcast_in_dim3A_579 = vector.broadcast %jit3A_577 : i32 to vector<16xi32>
        %select_n3A = arith.select %lt3A_576, %broadcast_in_dim3A_578, %broadcast_in_dim3A_579 : vector<16xi1>, vector<16xi32>
        %add3A_580 = arith.addi %broadcast_in_dim3A_573, %select_n3A : vector<16xi32>
        %broadcast_in_dim3A_581 = arith.constant 1 : i32
        %broadcast_in_dim3A_582 = vector.broadcast %broadcast_in_dim3A_581 : i32 to vector<16xi32>
        %gather3A_583 = tpu.vector_load_idx %arg10[%add3A_572, %broadcast_in_dim3A_582] : memref<512x8xf32, #tpu.memory_space<vmem>>[vector<16xi32>, vector<16xi32>], vector<16xf32>,
        %lt3A_584 = arith.cmpf olt, %gather3A_583, %get3A_564 : vector<16xf32>
        %jit3A_585 = arith.constant 1 : i32
        %jit3A_586 = arith.constant 0 : i32
        %broadcast_in_dim3A_587 = vector.broadcast %jit3A_585 : i32 to vector<16xi32>
        %broadcast_in_dim3A_588 = vector.broadcast %jit3A_586 : i32 to vector<16xi32>
        %select_n3A_589 = arith.select %lt3A_584, %broadcast_in_dim3A_587, %broadcast_in_dim3A_588 : vector<16xi1>, vector<16xi32>
        %add3A_590 = arith.addi %add3A_580, %select_n3A_589 : vector<16xi32>
        %broadcast_in_dim3A_591 = arith.constant 2 : i32
        %broadcast_in_dim3A_592 = vector.broadcast %broadcast_in_dim3A_591 : i32 to vector<16xi32>
        %gather3A_593 = tpu.vector_load_idx %arg10[%add3A_572, %broadcast_in_dim3A_592] : memref<512x8xf32, #tpu.memory_space<vmem>>[vector<16xi32>, vector<16xi32>], vector<16xf32>,
        %lt3A_594 = arith.cmpf olt, %gather3A_593, %get3A_564 : vector<16xf32>
        %jit3A_595 = arith.constant 1 : i32
        %jit3A_596 = arith.constant 0 : i32
        %broadcast_in_dim3A_597 = vector.broadcast %jit3A_595 : i32 to vector<16xi32>
        %broadcast_in_dim3A_598 = vector.broadcast %jit3A_596 : i32 to vector<16xi32>
        %select_n3A_599 = arith.select %lt3A_594, %broadcast_in_dim3A_597, %broadcast_in_dim3A_598 : vector<16xi1>, vector<16xi32>
        %add3A_600 = arith.addi %add3A_590, %select_n3A_599 : vector<16xi32>
        %broadcast_in_dim3A_601 = arith.constant 3 : i32
        %broadcast_in_dim3A_602 = vector.broadcast %broadcast_in_dim3A_601 : i32 to vector<16xi32>
        %gather3A_603 = tpu.vector_load_idx %arg10[%add3A_572, %broadcast_in_dim3A_602] : memref<512x8xf32, #tpu.memory_space<vmem>>[vector<16xi32>, vector<16xi32>], vector<16xf32>,
        %lt3A_604 = arith.cmpf olt, %gather3A_603, %get3A_564 : vector<16xf32>
        %jit3A_605 = arith.constant 1 : i32
        %jit3A_606 = arith.constant 0 : i32
        %broadcast_in_dim3A_607 = vector.broadcast %jit3A_605 : i32 to vector<16xi32>
        %broadcast_in_dim3A_608 = vector.broadcast %jit3A_606 : i32 to vector<16xi32>
        %select_n3A_609 = arith.select %lt3A_604, %broadcast_in_dim3A_607, %broadcast_in_dim3A_608 : vector<16xi1>, vector<16xi32>
        %add3A_610 = arith.addi %add3A_600, %select_n3A_609 : vector<16xi32>
        %broadcast_in_dim3A_611 = arith.constant 4 : i32
        %broadcast_in_dim3A_612 = vector.broadcast %broadcast_in_dim3A_611 : i32 to vector<16xi32>
        %gather3A_613 = tpu.vector_load_idx %arg10[%add3A_572, %broadcast_in_dim3A_612] : memref<512x8xf32, #tpu.memory_space<vmem>>[vector<16xi32>, vector<16xi32>], vector<16xf32>,
        %lt3A_614 = arith.cmpf olt, %gather3A_613, %get3A_564 : vector<16xf32>
        %jit3A_615 = arith.constant 1 : i32
        %jit3A_616 = arith.constant 0 : i32
        %broadcast_in_dim3A_617 = vector.broadcast %jit3A_615 : i32 to vector<16xi32>
        %broadcast_in_dim3A_618 = vector.broadcast %jit3A_616 : i32 to vector<16xi32>
        %select_n3A_619 = arith.select %lt3A_614, %broadcast_in_dim3A_617, %broadcast_in_dim3A_618 : vector<16xi1>, vector<16xi32>
        %add3A_620 = arith.addi %add3A_610, %select_n3A_619 : vector<16xi32>
        %broadcast_in_dim3A_621 = arith.constant 5 : i32
        %broadcast_in_dim3A_622 = vector.broadcast %broadcast_in_dim3A_621 : i32 to vector<16xi32>
        %gather3A_623 = tpu.vector_load_idx %arg10[%add3A_572, %broadcast_in_dim3A_622] : memref<512x8xf32, #tpu.memory_space<vmem>>[vector<16xi32>, vector<16xi32>], vector<16xf32>,
        %lt3A_624 = arith.cmpf olt, %gather3A_623, %get3A_564 : vector<16xf32>
        %jit3A_625 = arith.constant 1 : i32
        %jit3A_626 = arith.constant 0 : i32
        %broadcast_in_dim3A_627 = vector.broadcast %jit3A_625 : i32 to vector<16xi32>
        %broadcast_in_dim3A_628 = vector.broadcast %jit3A_626 : i32 to vector<16xi32>
        %select_n3A_629 = arith.select %lt3A_624, %broadcast_in_dim3A_627, %broadcast_in_dim3A_628 : vector<16xi1>, vector<16xi32>
        %add3A_630 = arith.addi %add3A_620, %select_n3A_629 : vector<16xi32>
        %broadcast_in_dim3A_631 = arith.constant 6 : i32
        %broadcast_in_dim3A_632 = vector.broadcast %broadcast_in_dim3A_631 : i32 to vector<16xi32>
        %gather3A_633 = tpu.vector_load_idx %arg10[%add3A_572, %broadcast_in_dim3A_632] : memref<512x8xf32, #tpu.memory_space<vmem>>[vector<16xi32>, vector<16xi32>], vector<16xf32>,
        %lt3A_634 = arith.cmpf olt, %gather3A_633, %get3A_564 : vector<16xf32>
        %jit3A_635 = arith.constant 1 : i32
        %jit3A_636 = arith.constant 0 : i32
        %broadcast_in_dim3A_637 = vector.broadcast %jit3A_635 : i32 to vector<16xi32>
        %broadcast_in_dim3A_638 = vector.broadcast %jit3A_636 : i32 to vector<16xi32>
        %select_n3A_639 = arith.select %lt3A_634, %broadcast_in_dim3A_637, %broadcast_in_dim3A_638 : vector<16xi1>, vector<16xi32>
        %add3A_640 = arith.addi %add3A_630, %select_n3A_639 : vector<16xi32>
        %mul3A_641 = arith.constant 8 : i32
        %mul3A_642 = vector.broadcast %mul3A_641 : i32 to vector<16xi32>
        %mul3A_643 = arith.muli %get3A_568, %mul3A_642 : vector<16xi32>
        %add3A_644 = arith.addi %mul3A_643, %add3A_640 : vector<16xi32>
        %min3A = arith.constant 524287 : i32
        %min3A_645 = vector.broadcast %min3A : i32 to vector<16xi32>
        %min3A_646 = arith.minsi %add3A_644, %min3A_645 : vector<16xi32>
        %swap3A = arith.constant 0 : i32
        %swap3A_647 = arith.index_cast %swap3A : i32 to index
        %swap3A_648 = arith.index_cast %add3A_559 : i32 to index
        %swap3A_649 = tpu.vector_load %arg11[%swap3A_647, %swap3A_648] {strides = array<i32>} : memref<4x128xi32, #tpu.memory_space<vmem>>, vector<16xi32>,
        tpu.vector_store %arg11[%swap3A_647, %swap3A_648], %min3A_646 {strides = array<i32>} : memref<4x128xi32, #tpu.memory_space<vmem>>, vector<16xi32>,
      }
      %scan3A_400 = arith.constant 8 : i32
      %dma_start3A_401 = arith.constant 0 : i32
      %dma_start3A_402 = arith.constant 1 : i32
      %dma_start3A_403 = arith.constant 0 : i32
      %dma_start3A_404 = arith.constant 0 : i32
      %dma_start3A_405 = tpu.memref_slice %arg12[%dma_start3A_402, %dma_start3A_403, %dma_start3A_404] : memref<2x512x8xf32, #tpu.memory_space<vmem>> -> memref<1x128x8xf32, #tpu.memory_space<vmem>>
      %dma_start3A_406 = tpu.memref_squeeze %dma_start3A_405 : memref<1x128x8xf32, #tpu.memory_space<vmem>> -> memref<128x8xf32, #tpu.memory_space<vmem>>
      %dma_start3A_407 = arith.constant 0 : i32
      %dma_start3A_408 = tpu.memref_slice %arg11[%dma_start3A_401, %dma_start3A_407] : memref<4x128xi32, #tpu.memory_space<vmem>> -> memref<1x128xi32, #tpu.memory_space<vmem>>
      %dma_start3A_409 = tpu.memref_squeeze %dma_start3A_408 : memref<1x128xi32, #tpu.memory_space<vmem>> -> memref<128xi32, #tpu.memory_space<vmem>>
      %dma_start3A_410 = arith.constant 0 : i32
      %dma_start3A_411 = arith.constant 0 : i32
      %dma_start3A_412 = tpu.memref_slice %arg5[%dma_start3A_410, %dma_start3A_411] : memref<524288x8xf32, #tpu.memory_space<hbm>> -> memref<524288x8xf32, #tpu.memory_space<hbm>>
      tpu.enqueue_indirect_dma source(%dma_start3A_412 : memref<524288x8xf32, #tpu.memory_space<hbm>>) target(%dma_start3A_406 : memref<128x8xf32, #tpu.memory_space<vmem>>) offsets(%dma_start3A_409 : memref<128xi32, #tpu.memory_space<vmem>>) semaphore(%arg16 : memref<!tpu.dma_semaphore, #tpu.memory_space<semaphore_mem>>)
      %dma_wait3A_413 = arith.constant 1 : i32
      %dma_wait3A_414 = arith.constant 128 : i32
      %dma_wait3A_415 = arith.constant 0 : i32
      %dma_wait3A_416 = tpu.memref_slice %arg10[%dma_wait3A_414, %dma_wait3A_415] : memref<512x8xf32, #tpu.memory_space<vmem>> -> memref<128x8xf32, #tpu.memory_space<vmem>>
      %dma_wait3A_417 = arith.constant 0 : i32
      %dma_wait3A_418 = tpu.memref_slice %arg9[%dma_wait3A_413, %dma_wait3A_417] : memref<4x128xi32, #tpu.memory_space<vmem>> -> memref<1x128xi32, #tpu.memory_space<vmem>>
      %dma_wait3A_419 = tpu.memref_squeeze %dma_wait3A_418 : memref<1x128xi32, #tpu.memory_space<vmem>> -> memref<128xi32, #tpu.memory_space<vmem>>
      %dma_wait3A_420 = arith.constant 0 : i32
      %dma_wait3A_421 = arith.constant 0 : i32
      %dma_wait3A_422 = tpu.memref_slice %arg2[%dma_wait3A_420, %dma_wait3A_421] : memref<65536x8xf32, #tpu.memory_space<hbm>> -> memref<65536x8xf32, #tpu.memory_space<hbm>>
      tpu.wait_indirect_dma semaphore(%arg15 : memref<!tpu.dma_semaphore, #tpu.memory_space<semaphore_mem>>) src(%dma_wait3A_422 : memref<65536x8xf32, #tpu.memory_space<hbm>>) dst(%dma_wait3A_416 : memref<128x8xf32, #tpu.memory_space<vmem>>)
      %scan3A_423 = arith.constant 0 : i32
      %scan3A_424 = arith.constant 8 : i32
      %scan3A_425 = arith.addi %scan3A_423, %scan3A_424 : i32
      %scan3A_426 = arith.constant 1 : i32
      scf.for %scan3A_555 = %scan3A_423 to %scan3A_425 step %scan3A_426  : i32 {
        %mul3A_556 = arith.constant 16 : i32
        %mul3A_557 = arith.muli %scan3A_555, %mul3A_556 : i32
        %add3A_558 = arith.constant 0 : i32
        %add3A_559 = arith.addi %add3A_558, %mul3A_557 : i32
        %add3A_560 = arith.constant 128 : i32
        %add3A_561 = arith.addi %add3A_560, %add3A_559 : i32
        %get3A = arith.constant 1 : i32
        %get3A_562 = arith.index_cast %get3A : i32 to index
        %get3A_563 = arith.index_cast %add3A_561 : i32 to index
        %get3A_564 = tpu.vector_load %arg8[%get3A_562, %get3A_563] {strides = array<i32>} : memref<2x512xf32, #tpu.memory_space<vmem>>, vector<16xf32>,
        %get3A_565 = arith.constant 1 : i32
        %get3A_566 = arith.index_cast %get3A_565 : i32 to index
        %get3A_567 = arith.index_cast %add3A_559 : i32 to index
        %get3A_568 = tpu.vector_load %arg9[%get3A_566, %get3A_567] {strides = array<i32>} : memref<4x128xi32, #tpu.memory_space<vmem>>, vector<16xi32>,
        %add3A_569 = arith.constant 128 : i32
        %add3A_570 = arith.addi %add3A_569, %add3A_559 : i32
        %iota3A = tpu.iota {dimensions = array<i32: 0>} : vector<16xi32>
        %add3A_571 = vector.broadcast %add3A_570 : i32 to vector<16xi32>
        %add3A_572 = arith.addi %add3A_571, %iota3A : vector<16xi32>
        %broadcast_in_dim3A = arith.constant 0 : i32
        %broadcast_in_dim3A_573 = vector.broadcast %broadcast_in_dim3A : i32 to vector<16xi32>
        %broadcast_in_dim3A_574 = arith.constant 0 : i32
        %broadcast_in_dim3A_575 = vector.broadcast %broadcast_in_dim3A_574 : i32 to vector<16xi32>
        %gather3A = tpu.vector_load_idx %arg10[%add3A_572, %broadcast_in_dim3A_575] : memref<512x8xf32, #tpu.memory_space<vmem>>[vector<16xi32>, vector<16xi32>], vector<16xf32>,
        %lt3A_576 = arith.cmpf olt, %gather3A, %get3A_564 : vector<16xf32>
        %jit3A = arith.constant 1 : i32
        %jit3A_577 = arith.constant 0 : i32
        %broadcast_in_dim3A_578 = vector.broadcast %jit3A : i32 to vector<16xi32>
        %broadcast_in_dim3A_579 = vector.broadcast %jit3A_577 : i32 to vector<16xi32>
        %select_n3A = arith.select %lt3A_576, %broadcast_in_dim3A_578, %broadcast_in_dim3A_579 : vector<16xi1>, vector<16xi32>
        %add3A_580 = arith.addi %broadcast_in_dim3A_573, %select_n3A : vector<16xi32>
        %broadcast_in_dim3A_581 = arith.constant 1 : i32
        %broadcast_in_dim3A_582 = vector.broadcast %broadcast_in_dim3A_581 : i32 to vector<16xi32>
        %gather3A_583 = tpu.vector_load_idx %arg10[%add3A_572, %broadcast_in_dim3A_582] : memref<512x8xf32, #tpu.memory_space<vmem>>[vector<16xi32>, vector<16xi32>], vector<16xf32>,
        %lt3A_584 = arith.cmpf olt, %gather3A_583, %get3A_564 : vector<16xf32>
        %jit3A_585 = arith.constant 1 : i32
        %jit3A_586 = arith.constant 0 : i32
        %broadcast_in_dim3A_587 = vector.broadcast %jit3A_585 : i32 to vector<16xi32>
        %broadcast_in_dim3A_588 = vector.broadcast %jit3A_586 : i32 to vector<16xi32>
        %select_n3A_589 = arith.select %lt3A_584, %broadcast_in_dim3A_587, %broadcast_in_dim3A_588 : vector<16xi1>, vector<16xi32>
        %add3A_590 = arith.addi %add3A_580, %select_n3A_589 : vector<16xi32>
        %broadcast_in_dim3A_591 = arith.constant 2 : i32
        %broadcast_in_dim3A_592 = vector.broadcast %broadcast_in_dim3A_591 : i32 to vector<16xi32>
        %gather3A_593 = tpu.vector_load_idx %arg10[%add3A_572, %broadcast_in_dim3A_592] : memref<512x8xf32, #tpu.memory_space<vmem>>[vector<16xi32>, vector<16xi32>], vector<16xf32>,
        %lt3A_594 = arith.cmpf olt, %gather3A_593, %get3A_564 : vector<16xf32>
        %jit3A_595 = arith.constant 1 : i32
        %jit3A_596 = arith.constant 0 : i32
        %broadcast_in_dim3A_597 = vector.broadcast %jit3A_595 : i32 to vector<16xi32>
        %broadcast_in_dim3A_598 = vector.broadcast %jit3A_596 : i32 to vector<16xi32>
        %select_n3A_599 = arith.select %lt3A_594, %broadcast_in_dim3A_597, %broadcast_in_dim3A_598 : vector<16xi1>, vector<16xi32>
        %add3A_600 = arith.addi %add3A_590, %select_n3A_599 : vector<16xi32>
        %broadcast_in_dim3A_601 = arith.constant 3 : i32
        %broadcast_in_dim3A_602 = vector.broadcast %broadcast_in_dim3A_601 : i32 to vector<16xi32>
        %gather3A_603 = tpu.vector_load_idx %arg10[%add3A_572, %broadcast_in_dim3A_602] : memref<512x8xf32, #tpu.memory_space<vmem>>[vector<16xi32>, vector<16xi32>], vector<16xf32>,
        %lt3A_604 = arith.cmpf olt, %gather3A_603, %get3A_564 : vector<16xf32>
        %jit3A_605 = arith.constant 1 : i32
        %jit3A_606 = arith.constant 0 : i32
        %broadcast_in_dim3A_607 = vector.broadcast %jit3A_605 : i32 to vector<16xi32>
        %broadcast_in_dim3A_608 = vector.broadcast %jit3A_606 : i32 to vector<16xi32>
        %select_n3A_609 = arith.select %lt3A_604, %broadcast_in_dim3A_607, %broadcast_in_dim3A_608 : vector<16xi1>, vector<16xi32>
        %add3A_610 = arith.addi %add3A_600, %select_n3A_609 : vector<16xi32>
        %broadcast_in_dim3A_611 = arith.constant 4 : i32
        %broadcast_in_dim3A_612 = vector.broadcast %broadcast_in_dim3A_611 : i32 to vector<16xi32>
        %gather3A_613 = tpu.vector_load_idx %arg10[%add3A_572, %broadcast_in_dim3A_612] : memref<512x8xf32, #tpu.memory_space<vmem>>[vector<16xi32>, vector<16xi32>], vector<16xf32>,
        %lt3A_614 = arith.cmpf olt, %gather3A_613, %get3A_564 : vector<16xf32>
        %jit3A_615 = arith.constant 1 : i32
        %jit3A_616 = arith.constant 0 : i32
        %broadcast_in_dim3A_617 = vector.broadcast %jit3A_615 : i32 to vector<16xi32>
        %broadcast_in_dim3A_618 = vector.broadcast %jit3A_616 : i32 to vector<16xi32>
        %select_n3A_619 = arith.select %lt3A_614, %broadcast_in_dim3A_617, %broadcast_in_dim3A_618 : vector<16xi1>, vector<16xi32>
        %add3A_620 = arith.addi %add3A_610, %select_n3A_619 : vector<16xi32>
        %broadcast_in_dim3A_621 = arith.constant 5 : i32
        %broadcast_in_dim3A_622 = vector.broadcast %broadcast_in_dim3A_621 : i32 to vector<16xi32>
        %gather3A_623 = tpu.vector_load_idx %arg10[%add3A_572, %broadcast_in_dim3A_622] : memref<512x8xf32, #tpu.memory_space<vmem>>[vector<16xi32>, vector<16xi32>], vector<16xf32>,
        %lt3A_624 = arith.cmpf olt, %gather3A_623, %get3A_564 : vector<16xf32>
        %jit3A_625 = arith.constant 1 : i32
        %jit3A_626 = arith.constant 0 : i32
        %broadcast_in_dim3A_627 = vector.broadcast %jit3A_625 : i32 to vector<16xi32>
        %broadcast_in_dim3A_628 = vector.broadcast %jit3A_626 : i32 to vector<16xi32>
        %select_n3A_629 = arith.select %lt3A_624, %broadcast_in_dim3A_627, %broadcast_in_dim3A_628 : vector<16xi1>, vector<16xi32>
        %add3A_630 = arith.addi %add3A_620, %select_n3A_629 : vector<16xi32>
        %broadcast_in_dim3A_631 = arith.constant 6 : i32
        %broadcast_in_dim3A_632 = vector.broadcast %broadcast_in_dim3A_631 : i32 to vector<16xi32>
        %gather3A_633 = tpu.vector_load_idx %arg10[%add3A_572, %broadcast_in_dim3A_632] : memref<512x8xf32, #tpu.memory_space<vmem>>[vector<16xi32>, vector<16xi32>], vector<16xf32>,
        %lt3A_634 = arith.cmpf olt, %gather3A_633, %get3A_564 : vector<16xf32>
        %jit3A_635 = arith.constant 1 : i32
        %jit3A_636 = arith.constant 0 : i32
        %broadcast_in_dim3A_637 = vector.broadcast %jit3A_635 : i32 to vector<16xi32>
        %broadcast_in_dim3A_638 = vector.broadcast %jit3A_636 : i32 to vector<16xi32>
        %select_n3A_639 = arith.select %lt3A_634, %broadcast_in_dim3A_637, %broadcast_in_dim3A_638 : vector<16xi1>, vector<16xi32>
        %add3A_640 = arith.addi %add3A_630, %select_n3A_639 : vector<16xi32>
        %mul3A_641 = arith.constant 8 : i32
        %mul3A_642 = vector.broadcast %mul3A_641 : i32 to vector<16xi32>
        %mul3A_643 = arith.muli %get3A_568, %mul3A_642 : vector<16xi32>
        %add3A_644 = arith.addi %mul3A_643, %add3A_640 : vector<16xi32>
        %min3A = arith.constant 524287 : i32
        %min3A_645 = vector.broadcast %min3A : i32 to vector<16xi32>
        %min3A_646 = arith.minsi %add3A_644, %min3A_645 : vector<16xi32>
        %swap3A = arith.constant 1 : i32
        %swap3A_647 = arith.index_cast %swap3A : i32 to index
        %swap3A_648 = arith.index_cast %add3A_559 : i32 to index
        %swap3A_649 = tpu.vector_load %arg11[%swap3A_647, %swap3A_648] {strides = array<i32>} : memref<4x128xi32, #tpu.memory_space<vmem>>, vector<16xi32>,
        tpu.vector_store %arg11[%swap3A_647, %swap3A_648], %min3A_646 {strides = array<i32>} : memref<4x128xi32, #tpu.memory_space<vmem>>, vector<16xi32>,
      }
      %scan3A_427 = arith.constant 8 : i32
      %dma_start3A_428 = arith.constant 1 : i32
      %dma_start3A_429 = arith.constant 1 : i32
      %dma_start3A_430 = arith.constant 128 : i32
      %dma_start3A_431 = arith.constant 0 : i32
      %dma_start3A_432 = tpu.memref_slice %arg12[%dma_start3A_429, %dma_start3A_430, %dma_start3A_431] : memref<2x512x8xf32, #tpu.memory_space<vmem>> -> memref<1x128x8xf32, #tpu.memory_space<vmem>>
      %dma_start3A_433 = tpu.memref_squeeze %dma_start3A_432 : memref<1x128x8xf32, #tpu.memory_space<vmem>> -> memref<128x8xf32, #tpu.memory_space<vmem>>
      %dma_start3A_434 = arith.constant 0 : i32
      %dma_start3A_435 = tpu.memref_slice %arg11[%dma_start3A_428, %dma_start3A_434] : memref<4x128xi32, #tpu.memory_space<vmem>> -> memref<1x128xi32, #tpu.memory_space<vmem>>
      %dma_start3A_436 = tpu.memref_squeeze %dma_start3A_435 : memref<1x128xi32, #tpu.memory_space<vmem>> -> memref<128xi32, #tpu.memory_space<vmem>>
      %dma_start3A_437 = arith.constant 0 : i32
      %dma_start3A_438 = arith.constant 0 : i32
      %dma_start3A_439 = tpu.memref_slice %arg5[%dma_start3A_437, %dma_start3A_438] : memref<524288x8xf32, #tpu.memory_space<hbm>> -> memref<524288x8xf32, #tpu.memory_space<hbm>>
      tpu.enqueue_indirect_dma source(%dma_start3A_439 : memref<524288x8xf32, #tpu.memory_space<hbm>>) target(%dma_start3A_433 : memref<128x8xf32, #tpu.memory_space<vmem>>) offsets(%dma_start3A_436 : memref<128xi32, #tpu.memory_space<vmem>>) semaphore(%arg16 : memref<!tpu.dma_semaphore, #tpu.memory_space<semaphore_mem>>)
      %dma_wait3A_440 = arith.constant 2 : i32
      %dma_wait3A_441 = arith.constant 256 : i32
      %dma_wait3A_442 = arith.constant 0 : i32
      %dma_wait3A_443 = tpu.memref_slice %arg10[%dma_wait3A_441, %dma_wait3A_442] : memref<512x8xf32, #tpu.memory_space<vmem>> -> memref<128x8xf32, #tpu.memory_space<vmem>>
      %dma_wait3A_444 = arith.constant 0 : i32
      %dma_wait3A_445 = tpu.memref_slice %arg9[%dma_wait3A_440, %dma_wait3A_444] : memref<4x128xi32, #tpu.memory_space<vmem>> -> memref<1x128xi32, #tpu.memory_space<vmem>>
      %dma_wait3A_446 = tpu.memref_squeeze %dma_wait3A_445 : memref<1x128xi32, #tpu.memory_space<vmem>> -> memref<128xi32, #tpu.memory_space<vmem>>
      %dma_wait3A_447 = arith.constant 0 : i32
      %dma_wait3A_448 = arith.constant 0 : i32
      %dma_wait3A_449 = tpu.memref_slice %arg2[%dma_wait3A_447, %dma_wait3A_448] : memref<65536x8xf32, #tpu.memory_space<hbm>> -> memref<65536x8xf32, #tpu.memory_space<hbm>>
      tpu.wait_indirect_dma semaphore(%arg15 : memref<!tpu.dma_semaphore, #tpu.memory_space<semaphore_mem>>) src(%dma_wait3A_449 : memref<65536x8xf32, #tpu.memory_space<hbm>>) dst(%dma_wait3A_443 : memref<128x8xf32, #tpu.memory_space<vmem>>)
      %scan3A_450 = arith.constant 0 : i32
      %scan3A_451 = arith.constant 8 : i32
      %scan3A_452 = arith.addi %scan3A_450, %scan3A_451 : i32
      %scan3A_453 = arith.constant 1 : i32
      scf.for %scan3A_555 = %scan3A_450 to %scan3A_452 step %scan3A_453  : i32 {
        %mul3A_556 = arith.constant 16 : i32
        %mul3A_557 = arith.muli %scan3A_555, %mul3A_556 : i32
        %add3A_558 = arith.constant 0 : i32
        %add3A_559 = arith.addi %add3A_558, %mul3A_557 : i32
        %add3A_560 = arith.constant 256 : i32
        %add3A_561 = arith.addi %add3A_560, %add3A_559 : i32
        %get3A = arith.constant 1 : i32
        %get3A_562 = arith.index_cast %get3A : i32 to index
        %get3A_563 = arith.index_cast %add3A_561 : i32 to index
        %get3A_564 = tpu.vector_load %arg8[%get3A_562, %get3A_563] {strides = array<i32>} : memref<2x512xf32, #tpu.memory_space<vmem>>, vector<16xf32>,
        %get3A_565 = arith.constant 2 : i32
        %get3A_566 = arith.index_cast %get3A_565 : i32 to index
        %get3A_567 = arith.index_cast %add3A_559 : i32 to index
        %get3A_568 = tpu.vector_load %arg9[%get3A_566, %get3A_567] {strides = array<i32>} : memref<4x128xi32, #tpu.memory_space<vmem>>, vector<16xi32>,
        %add3A_569 = arith.constant 256 : i32
        %add3A_570 = arith.addi %add3A_569, %add3A_559 : i32
        %iota3A = tpu.iota {dimensions = array<i32: 0>} : vector<16xi32>
        %add3A_571 = vector.broadcast %add3A_570 : i32 to vector<16xi32>
        %add3A_572 = arith.addi %add3A_571, %iota3A : vector<16xi32>
        %broadcast_in_dim3A = arith.constant 0 : i32
        %broadcast_in_dim3A_573 = vector.broadcast %broadcast_in_dim3A : i32 to vector<16xi32>
        %broadcast_in_dim3A_574 = arith.constant 0 : i32
        %broadcast_in_dim3A_575 = vector.broadcast %broadcast_in_dim3A_574 : i32 to vector<16xi32>
        %gather3A = tpu.vector_load_idx %arg10[%add3A_572, %broadcast_in_dim3A_575] : memref<512x8xf32, #tpu.memory_space<vmem>>[vector<16xi32>, vector<16xi32>], vector<16xf32>,
        %lt3A_576 = arith.cmpf olt, %gather3A, %get3A_564 : vector<16xf32>
        %jit3A = arith.constant 1 : i32
        %jit3A_577 = arith.constant 0 : i32
        %broadcast_in_dim3A_578 = vector.broadcast %jit3A : i32 to vector<16xi32>
        %broadcast_in_dim3A_579 = vector.broadcast %jit3A_577 : i32 to vector<16xi32>
        %select_n3A = arith.select %lt3A_576, %broadcast_in_dim3A_578, %broadcast_in_dim3A_579 : vector<16xi1>, vector<16xi32>
        %add3A_580 = arith.addi %broadcast_in_dim3A_573, %select_n3A : vector<16xi32>
        %broadcast_in_dim3A_581 = arith.constant 1 : i32
        %broadcast_in_dim3A_582 = vector.broadcast %broadcast_in_dim3A_581 : i32 to vector<16xi32>
        %gather3A_583 = tpu.vector_load_idx %arg10[%add3A_572, %broadcast_in_dim3A_582] : memref<512x8xf32, #tpu.memory_space<vmem>>[vector<16xi32>, vector<16xi32>], vector<16xf32>,
        %lt3A_584 = arith.cmpf olt, %gather3A_583, %get3A_564 : vector<16xf32>
        %jit3A_585 = arith.constant 1 : i32
        %jit3A_586 = arith.constant 0 : i32
        %broadcast_in_dim3A_587 = vector.broadcast %jit3A_585 : i32 to vector<16xi32>
        %broadcast_in_dim3A_588 = vector.broadcast %jit3A_586 : i32 to vector<16xi32>
        %select_n3A_589 = arith.select %lt3A_584, %broadcast_in_dim3A_587, %broadcast_in_dim3A_588 : vector<16xi1>, vector<16xi32>
        %add3A_590 = arith.addi %add3A_580, %select_n3A_589 : vector<16xi32>
        %broadcast_in_dim3A_591 = arith.constant 2 : i32
        %broadcast_in_dim3A_592 = vector.broadcast %broadcast_in_dim3A_591 : i32 to vector<16xi32>
        %gather3A_593 = tpu.vector_load_idx %arg10[%add3A_572, %broadcast_in_dim3A_592] : memref<512x8xf32, #tpu.memory_space<vmem>>[vector<16xi32>, vector<16xi32>], vector<16xf32>,
        %lt3A_594 = arith.cmpf olt, %gather3A_593, %get3A_564 : vector<16xf32>
        %jit3A_595 = arith.constant 1 : i32
        %jit3A_596 = arith.constant 0 : i32
        %broadcast_in_dim3A_597 = vector.broadcast %jit3A_595 : i32 to vector<16xi32>
        %broadcast_in_dim3A_598 = vector.broadcast %jit3A_596 : i32 to vector<16xi32>
        %select_n3A_599 = arith.select %lt3A_594, %broadcast_in_dim3A_597, %broadcast_in_dim3A_598 : vector<16xi1>, vector<16xi32>
        %add3A_600 = arith.addi %add3A_590, %select_n3A_599 : vector<16xi32>
        %broadcast_in_dim3A_601 = arith.constant 3 : i32
        %broadcast_in_dim3A_602 = vector.broadcast %broadcast_in_dim3A_601 : i32 to vector<16xi32>
        %gather3A_603 = tpu.vector_load_idx %arg10[%add3A_572, %broadcast_in_dim3A_602] : memref<512x8xf32, #tpu.memory_space<vmem>>[vector<16xi32>, vector<16xi32>], vector<16xf32>,
        %lt3A_604 = arith.cmpf olt, %gather3A_603, %get3A_564 : vector<16xf32>
        %jit3A_605 = arith.constant 1 : i32
        %jit3A_606 = arith.constant 0 : i32
        %broadcast_in_dim3A_607 = vector.broadcast %jit3A_605 : i32 to vector<16xi32>
        %broadcast_in_dim3A_608 = vector.broadcast %jit3A_606 : i32 to vector<16xi32>
        %select_n3A_609 = arith.select %lt3A_604, %broadcast_in_dim3A_607, %broadcast_in_dim3A_608 : vector<16xi1>, vector<16xi32>
        %add3A_610 = arith.addi %add3A_600, %select_n3A_609 : vector<16xi32>
        %broadcast_in_dim3A_611 = arith.constant 4 : i32
        %broadcast_in_dim3A_612 = vector.broadcast %broadcast_in_dim3A_611 : i32 to vector<16xi32>
        %gather3A_613 = tpu.vector_load_idx %arg10[%add3A_572, %broadcast_in_dim3A_612] : memref<512x8xf32, #tpu.memory_space<vmem>>[vector<16xi32>, vector<16xi32>], vector<16xf32>,
        %lt3A_614 = arith.cmpf olt, %gather3A_613, %get3A_564 : vector<16xf32>
        %jit3A_615 = arith.constant 1 : i32
        %jit3A_616 = arith.constant 0 : i32
        %broadcast_in_dim3A_617 = vector.broadcast %jit3A_615 : i32 to vector<16xi32>
        %broadcast_in_dim3A_618 = vector.broadcast %jit3A_616 : i32 to vector<16xi32>
        %select_n3A_619 = arith.select %lt3A_614, %broadcast_in_dim3A_617, %broadcast_in_dim3A_618 : vector<16xi1>, vector<16xi32>
        %add3A_620 = arith.addi %add3A_610, %select_n3A_619 : vector<16xi32>
        %broadcast_in_dim3A_621 = arith.constant 5 : i32
        %broadcast_in_dim3A_622 = vector.broadcast %broadcast_in_dim3A_621 : i32 to vector<16xi32>
        %gather3A_623 = tpu.vector_load_idx %arg10[%add3A_572, %broadcast_in_dim3A_622] : memref<512x8xf32, #tpu.memory_space<vmem>>[vector<16xi32>, vector<16xi32>], vector<16xf32>,
        %lt3A_624 = arith.cmpf olt, %gather3A_623, %get3A_564 : vector<16xf32>
        %jit3A_625 = arith.constant 1 : i32
        %jit3A_626 = arith.constant 0 : i32
        %broadcast_in_dim3A_627 = vector.broadcast %jit3A_625 : i32 to vector<16xi32>
        %broadcast_in_dim3A_628 = vector.broadcast %jit3A_626 : i32 to vector<16xi32>
        %select_n3A_629 = arith.select %lt3A_624, %broadcast_in_dim3A_627, %broadcast_in_dim3A_628 : vector<16xi1>, vector<16xi32>
        %add3A_630 = arith.addi %add3A_620, %select_n3A_629 : vector<16xi32>
        %broadcast_in_dim3A_631 = arith.constant 6 : i32
        %broadcast_in_dim3A_632 = vector.broadcast %broadcast_in_dim3A_631 : i32 to vector<16xi32>
        %gather3A_633 = tpu.vector_load_idx %arg10[%add3A_572, %broadcast_in_dim3A_632] : memref<512x8xf32, #tpu.memory_space<vmem>>[vector<16xi32>, vector<16xi32>], vector<16xf32>,
        %lt3A_634 = arith.cmpf olt, %gather3A_633, %get3A_564 : vector<16xf32>
        %jit3A_635 = arith.constant 1 : i32
        %jit3A_636 = arith.constant 0 : i32
        %broadcast_in_dim3A_637 = vector.broadcast %jit3A_635 : i32 to vector<16xi32>
        %broadcast_in_dim3A_638 = vector.broadcast %jit3A_636 : i32 to vector<16xi32>
        %select_n3A_639 = arith.select %lt3A_634, %broadcast_in_dim3A_637, %broadcast_in_dim3A_638 : vector<16xi1>, vector<16xi32>
        %add3A_640 = arith.addi %add3A_630, %select_n3A_639 : vector<16xi32>
        %mul3A_641 = arith.constant 8 : i32
        %mul3A_642 = vector.broadcast %mul3A_641 : i32 to vector<16xi32>
        %mul3A_643 = arith.muli %get3A_568, %mul3A_642 : vector<16xi32>
        %add3A_644 = arith.addi %mul3A_643, %add3A_640 : vector<16xi32>
        %min3A = arith.constant 524287 : i32
        %min3A_645 = vector.broadcast %min3A : i32 to vector<16xi32>
        %min3A_646 = arith.minsi %add3A_644, %min3A_645 : vector<16xi32>
        %swap3A = arith.constant 2 : i32
        %swap3A_647 = arith.index_cast %swap3A : i32 to index
        %swap3A_648 = arith.index_cast %add3A_559 : i32 to index
        %swap3A_649 = tpu.vector_load %arg11[%swap3A_647, %swap3A_648] {strides = array<i32>} : memref<4x128xi32, #tpu.memory_space<vmem>>, vector<16xi32>,
        tpu.vector_store %arg11[%swap3A_647, %swap3A_648], %min3A_646 {strides = array<i32>} : memref<4x128xi32, #tpu.memory_space<vmem>>, vector<16xi32>,
      }
      %scan3A_454 = arith.constant 8 : i32
      %dma_start3A_455 = arith.constant 2 : i32
      %dma_start3A_456 = arith.constant 1 : i32
      %dma_start3A_457 = arith.constant 256 : i32
      %dma_start3A_458 = arith.constant 0 : i32
      %dma_start3A_459 = tpu.memref_slice %arg12[%dma_start3A_456, %dma_start3A_457, %dma_start3A_458] : memref<2x512x8xf32, #tpu.memory_space<vmem>> -> memref<1x128x8xf32, #tpu.memory_space<vmem>>
      %dma_start3A_460 = tpu.memref_squeeze %dma_start3A_459 : memref<1x128x8xf32, #tpu.memory_space<vmem>> -> memref<128x8xf32, #tpu.memory_space<vmem>>
      %dma_start3A_461 = arith.constant 0 : i32
      %dma_start3A_462 = tpu.memref_slice %arg11[%dma_start3A_455, %dma_start3A_461] : memref<4x128xi32, #tpu.memory_space<vmem>> -> memref<1x128xi32, #tpu.memory_space<vmem>>
      %dma_start3A_463 = tpu.memref_squeeze %dma_start3A_462 : memref<1x128xi32, #tpu.memory_space<vmem>> -> memref<128xi32, #tpu.memory_space<vmem>>
      %dma_start3A_464 = arith.constant 0 : i32
      %dma_start3A_465 = arith.constant 0 : i32
      %dma_start3A_466 = tpu.memref_slice %arg5[%dma_start3A_464, %dma_start3A_465] : memref<524288x8xf32, #tpu.memory_space<hbm>> -> memref<524288x8xf32, #tpu.memory_space<hbm>>
      tpu.enqueue_indirect_dma source(%dma_start3A_466 : memref<524288x8xf32, #tpu.memory_space<hbm>>) target(%dma_start3A_460 : memref<128x8xf32, #tpu.memory_space<vmem>>) offsets(%dma_start3A_463 : memref<128xi32, #tpu.memory_space<vmem>>) semaphore(%arg16 : memref<!tpu.dma_semaphore, #tpu.memory_space<semaphore_mem>>)
      %dma_wait3A_467 = arith.constant 3 : i32
      %dma_wait3A_468 = arith.constant 384 : i32
      %dma_wait3A_469 = arith.constant 0 : i32
      %dma_wait3A_470 = tpu.memref_slice %arg10[%dma_wait3A_468, %dma_wait3A_469] : memref<512x8xf32, #tpu.memory_space<vmem>> -> memref<128x8xf32, #tpu.memory_space<vmem>>
      %dma_wait3A_471 = arith.constant 0 : i32
      %dma_wait3A_472 = tpu.memref_slice %arg9[%dma_wait3A_467, %dma_wait3A_471] : memref<4x128xi32, #tpu.memory_space<vmem>> -> memref<1x128xi32, #tpu.memory_space<vmem>>
      %dma_wait3A_473 = tpu.memref_squeeze %dma_wait3A_472 : memref<1x128xi32, #tpu.memory_space<vmem>> -> memref<128xi32, #tpu.memory_space<vmem>>
      %dma_wait3A_474 = arith.constant 0 : i32
      %dma_wait3A_475 = arith.constant 0 : i32
      %dma_wait3A_476 = tpu.memref_slice %arg2[%dma_wait3A_474, %dma_wait3A_475] : memref<65536x8xf32, #tpu.memory_space<hbm>> -> memref<65536x8xf32, #tpu.memory_space<hbm>>
      tpu.wait_indirect_dma semaphore(%arg15 : memref<!tpu.dma_semaphore, #tpu.memory_space<semaphore_mem>>) src(%dma_wait3A_476 : memref<65536x8xf32, #tpu.memory_space<hbm>>) dst(%dma_wait3A_470 : memref<128x8xf32, #tpu.memory_space<vmem>>)
      %scan3A_477 = arith.constant 0 : i32
      %scan3A_478 = arith.constant 8 : i32
      %scan3A_479 = arith.addi %scan3A_477, %scan3A_478 : i32
      %scan3A_480 = arith.constant 1 : i32
      scf.for %scan3A_555 = %scan3A_477 to %scan3A_479 step %scan3A_480  : i32 {
        %mul3A_556 = arith.constant 16 : i32
        %mul3A_557 = arith.muli %scan3A_555, %mul3A_556 : i32
        %add3A_558 = arith.constant 0 : i32
        %add3A_559 = arith.addi %add3A_558, %mul3A_557 : i32
        %add3A_560 = arith.constant 384 : i32
        %add3A_561 = arith.addi %add3A_560, %add3A_559 : i32
        %get3A = arith.constant 1 : i32
        %get3A_562 = arith.index_cast %get3A : i32 to index
        %get3A_563 = arith.index_cast %add3A_561 : i32 to index
        %get3A_564 = tpu.vector_load %arg8[%get3A_562, %get3A_563] {strides = array<i32>} : memref<2x512xf32, #tpu.memory_space<vmem>>, vector<16xf32>,
        %get3A_565 = arith.constant 3 : i32
        %get3A_566 = arith.index_cast %get3A_565 : i32 to index
        %get3A_567 = arith.index_cast %add3A_559 : i32 to index
        %get3A_568 = tpu.vector_load %arg9[%get3A_566, %get3A_567] {strides = array<i32>} : memref<4x128xi32, #tpu.memory_space<vmem>>, vector<16xi32>,
        %add3A_569 = arith.constant 384 : i32
        %add3A_570 = arith.addi %add3A_569, %add3A_559 : i32
        %iota3A = tpu.iota {dimensions = array<i32: 0>} : vector<16xi32>
        %add3A_571 = vector.broadcast %add3A_570 : i32 to vector<16xi32>
        %add3A_572 = arith.addi %add3A_571, %iota3A : vector<16xi32>
        %broadcast_in_dim3A = arith.constant 0 : i32
        %broadcast_in_dim3A_573 = vector.broadcast %broadcast_in_dim3A : i32 to vector<16xi32>
        %broadcast_in_dim3A_574 = arith.constant 0 : i32
        %broadcast_in_dim3A_575 = vector.broadcast %broadcast_in_dim3A_574 : i32 to vector<16xi32>
        %gather3A = tpu.vector_load_idx %arg10[%add3A_572, %broadcast_in_dim3A_575] : memref<512x8xf32, #tpu.memory_space<vmem>>[vector<16xi32>, vector<16xi32>], vector<16xf32>,
        %lt3A_576 = arith.cmpf olt, %gather3A, %get3A_564 : vector<16xf32>
        %jit3A = arith.constant 1 : i32
        %jit3A_577 = arith.constant 0 : i32
        %broadcast_in_dim3A_578 = vector.broadcast %jit3A : i32 to vector<16xi32>
        %broadcast_in_dim3A_579 = vector.broadcast %jit3A_577 : i32 to vector<16xi32>
        %select_n3A = arith.select %lt3A_576, %broadcast_in_dim3A_578, %broadcast_in_dim3A_579 : vector<16xi1>, vector<16xi32>
        %add3A_580 = arith.addi %broadcast_in_dim3A_573, %select_n3A : vector<16xi32>
        %broadcast_in_dim3A_581 = arith.constant 1 : i32
        %broadcast_in_dim3A_582 = vector.broadcast %broadcast_in_dim3A_581 : i32 to vector<16xi32>
        %gather3A_583 = tpu.vector_load_idx %arg10[%add3A_572, %broadcast_in_dim3A_582] : memref<512x8xf32, #tpu.memory_space<vmem>>[vector<16xi32>, vector<16xi32>], vector<16xf32>,
        %lt3A_584 = arith.cmpf olt, %gather3A_583, %get3A_564 : vector<16xf32>
        %jit3A_585 = arith.constant 1 : i32
        %jit3A_586 = arith.constant 0 : i32
        %broadcast_in_dim3A_587 = vector.broadcast %jit3A_585 : i32 to vector<16xi32>
        %broadcast_in_dim3A_588 = vector.broadcast %jit3A_586 : i32 to vector<16xi32>
        %select_n3A_589 = arith.select %lt3A_584, %broadcast_in_dim3A_587, %broadcast_in_dim3A_588 : vector<16xi1>, vector<16xi32>
        %add3A_590 = arith.addi %add3A_580, %select_n3A_589 : vector<16xi32>
        %broadcast_in_dim3A_591 = arith.constant 2 : i32
        %broadcast_in_dim3A_592 = vector.broadcast %broadcast_in_dim3A_591 : i32 to vector<16xi32>
        %gather3A_593 = tpu.vector_load_idx %arg10[%add3A_572, %broadcast_in_dim3A_592] : memref<512x8xf32, #tpu.memory_space<vmem>>[vector<16xi32>, vector<16xi32>], vector<16xf32>,
        %lt3A_594 = arith.cmpf olt, %gather3A_593, %get3A_564 : vector<16xf32>
        %jit3A_595 = arith.constant 1 : i32
        %jit3A_596 = arith.constant 0 : i32
        %broadcast_in_dim3A_597 = vector.broadcast %jit3A_595 : i32 to vector<16xi32>
        %broadcast_in_dim3A_598 = vector.broadcast %jit3A_596 : i32 to vector<16xi32>
        %select_n3A_599 = arith.select %lt3A_594, %broadcast_in_dim3A_597, %broadcast_in_dim3A_598 : vector<16xi1>, vector<16xi32>
        %add3A_600 = arith.addi %add3A_590, %select_n3A_599 : vector<16xi32>
        %broadcast_in_dim3A_601 = arith.constant 3 : i32
        %broadcast_in_dim3A_602 = vector.broadcast %broadcast_in_dim3A_601 : i32 to vector<16xi32>
        %gather3A_603 = tpu.vector_load_idx %arg10[%add3A_572, %broadcast_in_dim3A_602] : memref<512x8xf32, #tpu.memory_space<vmem>>[vector<16xi32>, vector<16xi32>], vector<16xf32>,
        %lt3A_604 = arith.cmpf olt, %gather3A_603, %get3A_564 : vector<16xf32>
        %jit3A_605 = arith.constant 1 : i32
        %jit3A_606 = arith.constant 0 : i32
        %broadcast_in_dim3A_607 = vector.broadcast %jit3A_605 : i32 to vector<16xi32>
        %broadcast_in_dim3A_608 = vector.broadcast %jit3A_606 : i32 to vector<16xi32>
        %select_n3A_609 = arith.select %lt3A_604, %broadcast_in_dim3A_607, %broadcast_in_dim3A_608 : vector<16xi1>, vector<16xi32>
        %add3A_610 = arith.addi %add3A_600, %select_n3A_609 : vector<16xi32>
        %broadcast_in_dim3A_611 = arith.constant 4 : i32
        %broadcast_in_dim3A_612 = vector.broadcast %broadcast_in_dim3A_611 : i32 to vector<16xi32>
        %gather3A_613 = tpu.vector_load_idx %arg10[%add3A_572, %broadcast_in_dim3A_612] : memref<512x8xf32, #tpu.memory_space<vmem>>[vector<16xi32>, vector<16xi32>], vector<16xf32>,
        %lt3A_614 = arith.cmpf olt, %gather3A_613, %get3A_564 : vector<16xf32>
        %jit3A_615 = arith.constant 1 : i32
        %jit3A_616 = arith.constant 0 : i32
        %broadcast_in_dim3A_617 = vector.broadcast %jit3A_615 : i32 to vector<16xi32>
        %broadcast_in_dim3A_618 = vector.broadcast %jit3A_616 : i32 to vector<16xi32>
        %select_n3A_619 = arith.select %lt3A_614, %broadcast_in_dim3A_617, %broadcast_in_dim3A_618 : vector<16xi1>, vector<16xi32>
        %add3A_620 = arith.addi %add3A_610, %select_n3A_619 : vector<16xi32>
        %broadcast_in_dim3A_621 = arith.constant 5 : i32
        %broadcast_in_dim3A_622 = vector.broadcast %broadcast_in_dim3A_621 : i32 to vector<16xi32>
        %gather3A_623 = tpu.vector_load_idx %arg10[%add3A_572, %broadcast_in_dim3A_622] : memref<512x8xf32, #tpu.memory_space<vmem>>[vector<16xi32>, vector<16xi32>], vector<16xf32>,
        %lt3A_624 = arith.cmpf olt, %gather3A_623, %get3A_564 : vector<16xf32>
        %jit3A_625 = arith.constant 1 : i32
        %jit3A_626 = arith.constant 0 : i32
        %broadcast_in_dim3A_627 = vector.broadcast %jit3A_625 : i32 to vector<16xi32>
        %broadcast_in_dim3A_628 = vector.broadcast %jit3A_626 : i32 to vector<16xi32>
        %select_n3A_629 = arith.select %lt3A_624, %broadcast_in_dim3A_627, %broadcast_in_dim3A_628 : vector<16xi1>, vector<16xi32>
        %add3A_630 = arith.addi %add3A_620, %select_n3A_629 : vector<16xi32>
        %broadcast_in_dim3A_631 = arith.constant 6 : i32
        %broadcast_in_dim3A_632 = vector.broadcast %broadcast_in_dim3A_631 : i32 to vector<16xi32>
        %gather3A_633 = tpu.vector_load_idx %arg10[%add3A_572, %broadcast_in_dim3A_632] : memref<512x8xf32, #tpu.memory_space<vmem>>[vector<16xi32>, vector<16xi32>], vector<16xf32>,
        %lt3A_634 = arith.cmpf olt, %gather3A_633, %get3A_564 : vector<16xf32>
        %jit3A_635 = arith.constant 1 : i32
        %jit3A_636 = arith.constant 0 : i32
        %broadcast_in_dim3A_637 = vector.broadcast %jit3A_635 : i32 to vector<16xi32>
        %broadcast_in_dim3A_638 = vector.broadcast %jit3A_636 : i32 to vector<16xi32>
        %select_n3A_639 = arith.select %lt3A_634, %broadcast_in_dim3A_637, %broadcast_in_dim3A_638 : vector<16xi1>, vector<16xi32>
        %add3A_640 = arith.addi %add3A_630, %select_n3A_639 : vector<16xi32>
        %mul3A_641 = arith.constant 8 : i32
        %mul3A_642 = vector.broadcast %mul3A_641 : i32 to vector<16xi32>
        %mul3A_643 = arith.muli %get3A_568, %mul3A_642 : vector<16xi32>
        %add3A_644 = arith.addi %mul3A_643, %add3A_640 : vector<16xi32>
        %min3A = arith.constant 524287 : i32
        %min3A_645 = vector.broadcast %min3A : i32 to vector<16xi32>
        %min3A_646 = arith.minsi %add3A_644, %min3A_645 : vector<16xi32>
        %swap3A = arith.constant 3 : i32
        %swap3A_647 = arith.index_cast %swap3A : i32 to index
        %swap3A_648 = arith.index_cast %add3A_559 : i32 to index
        %swap3A_649 = tpu.vector_load %arg11[%swap3A_647, %swap3A_648] {strides = array<i32>} : memref<4x128xi32, #tpu.memory_space<vmem>>, vector<16xi32>,
        tpu.vector_store %arg11[%swap3A_647, %swap3A_648], %min3A_646 {strides = array<i32>} : memref<4x128xi32, #tpu.memory_space<vmem>>, vector<16xi32>,
      }
      %scan3A_481 = arith.constant 8 : i32
      %dma_start3A_482 = arith.constant 3 : i32
      %dma_start3A_483 = arith.constant 1 : i32
      %dma_start3A_484 = arith.constant 384 : i32
      %dma_start3A_485 = arith.constant 0 : i32
      %dma_start3A_486 = tpu.memref_slice %arg12[%dma_start3A_483, %dma_start3A_484, %dma_start3A_485] : memref<2x512x8xf32, #tpu.memory_space<vmem>> -> memref<1x128x8xf32, #tpu.memory_space<vmem>>
      %dma_start3A_487 = tpu.memref_squeeze %dma_start3A_486 : memref<1x128x8xf32, #tpu.memory_space<vmem>> -> memref<128x8xf32, #tpu.memory_space<vmem>>
      %dma_start3A_488 = arith.constant 0 : i32
      %dma_start3A_489 = tpu.memref_slice %arg11[%dma_start3A_482, %dma_start3A_488] : memref<4x128xi32, #tpu.memory_space<vmem>> -> memref<1x128xi32, #tpu.memory_space<vmem>>
      %dma_start3A_490 = tpu.memref_squeeze %dma_start3A_489 : memref<1x128xi32, #tpu.memory_space<vmem>> -> memref<128xi32, #tpu.memory_space<vmem>>
      %dma_start3A_491 = arith.constant 0 : i32
      %dma_start3A_492 = arith.constant 0 : i32
      %dma_start3A_493 = tpu.memref_slice %arg5[%dma_start3A_491, %dma_start3A_492] : memref<524288x8xf32, #tpu.memory_space<hbm>> -> memref<524288x8xf32, #tpu.memory_space<hbm>>
      tpu.enqueue_indirect_dma source(%dma_start3A_493 : memref<524288x8xf32, #tpu.memory_space<hbm>>) target(%dma_start3A_487 : memref<128x8xf32, #tpu.memory_space<vmem>>) offsets(%dma_start3A_490 : memref<128xi32, #tpu.memory_space<vmem>>) semaphore(%arg16 : memref<!tpu.dma_semaphore, #tpu.memory_space<semaphore_mem>>)
      %dma_wait3A_494 = arith.constant 0 : i32
      %dma_wait3A_495 = arith.constant 1 : i32
      %dma_wait3A_496 = arith.constant 0 : i32
      %dma_wait3A_497 = arith.constant 0 : i32
      %dma_wait3A_498 = tpu.memref_slice %arg12[%dma_wait3A_495, %dma_wait3A_496, %dma_wait3A_497] : memref<2x512x8xf32, #tpu.memory_space<vmem>> -> memref<1x128x8xf32, #tpu.memory_space<vmem>>
      %dma_wait3A_499 = tpu.memref_squeeze %dma_wait3A_498 : memref<1x128x8xf32, #tpu.memory_space<vmem>> -> memref<128x8xf32, #tpu.memory_space<vmem>>
      %dma_wait3A_500 = arith.constant 0 : i32
      %dma_wait3A_501 = tpu.memref_slice %arg11[%dma_wait3A_494, %dma_wait3A_500] : memref<4x128xi32, #tpu.memory_space<vmem>> -> memref<1x128xi32, #tpu.memory_space<vmem>>
      %dma_wait3A_502 = tpu.memref_squeeze %dma_wait3A_501 : memref<1x128xi32, #tpu.memory_space<vmem>> -> memref<128xi32, #tpu.memory_space<vmem>>
      %dma_wait3A_503 = arith.constant 0 : i32
      %dma_wait3A_504 = arith.constant 0 : i32
      %dma_wait3A_505 = tpu.memref_slice %arg5[%dma_wait3A_503, %dma_wait3A_504] : memref<524288x8xf32, #tpu.memory_space<hbm>> -> memref<524288x8xf32, #tpu.memory_space<hbm>>
      tpu.wait_indirect_dma semaphore(%arg16 : memref<!tpu.dma_semaphore, #tpu.memory_space<semaphore_mem>>) src(%dma_wait3A_505 : memref<524288x8xf32, #tpu.memory_space<hbm>>) dst(%dma_wait3A_499 : memref<128x8xf32, #tpu.memory_space<vmem>>)
      %dma_wait3A_506 = arith.constant 1 : i32
      %dma_wait3A_507 = arith.constant 1 : i32
      %dma_wait3A_508 = arith.constant 128 : i32
      %dma_wait3A_509 = arith.constant 0 : i32
      %dma_wait3A_510 = tpu.memref_slice %arg12[%dma_wait3A_507, %dma_wait3A_508, %dma_wait3A_509] : memref<2x512x8xf32, #tpu.memory_space<vmem>> -> memref<1x128x8xf32, #tpu.memory_space<vmem>>
      %dma_wait3A_511 = tpu.memref_squeeze %dma_wait3A_510 : memref<1x128x8xf32, #tpu.memory_space<vmem>> -> memref<128x8xf32, #tpu.memory_space<vmem>>
      %dma_wait3A_512 = arith.constant 0 : i32
      %dma_wait3A_513 = tpu.memref_slice %arg11[%dma_wait3A_506, %dma_wait3A_512] : memref<4x128xi32, #tpu.memory_space<vmem>> -> memref<1x128xi32, #tpu.memory_space<vmem>>
      %dma_wait3A_514 = tpu.memref_squeeze %dma_wait3A_513 : memref<1x128xi32, #tpu.memory_space<vmem>> -> memref<128xi32, #tpu.memory_space<vmem>>
      %dma_wait3A_515 = arith.constant 0 : i32
      %dma_wait3A_516 = arith.constant 0 : i32
      %dma_wait3A_517 = tpu.memref_slice %arg5[%dma_wait3A_515, %dma_wait3A_516] : memref<524288x8xf32, #tpu.memory_space<hbm>> -> memref<524288x8xf32, #tpu.memory_space<hbm>>
      tpu.wait_indirect_dma semaphore(%arg16 : memref<!tpu.dma_semaphore, #tpu.memory_space<semaphore_mem>>) src(%dma_wait3A_517 : memref<524288x8xf32, #tpu.memory_space<hbm>>) dst(%dma_wait3A_511 : memref<128x8xf32, #tpu.memory_space<vmem>>)
      %dma_wait3A_518 = arith.constant 2 : i32
      %dma_wait3A_519 = arith.constant 1 : i32
      %dma_wait3A_520 = arith.constant 256 : i32
      %dma_wait3A_521 = arith.constant 0 : i32
      %dma_wait3A_522 = tpu.memref_slice %arg12[%dma_wait3A_519, %dma_wait3A_520, %dma_wait3A_521] : memref<2x512x8xf32, #tpu.memory_space<vmem>> -> memref<1x128x8xf32, #tpu.memory_space<vmem>>
      %dma_wait3A_523 = tpu.memref_squeeze %dma_wait3A_522 : memref<1x128x8xf32, #tpu.memory_space<vmem>> -> memref<128x8xf32, #tpu.memory_space<vmem>>
      %dma_wait3A_524 = arith.constant 0 : i32
      %dma_wait3A_525 = tpu.memref_slice %arg11[%dma_wait3A_518, %dma_wait3A_524] : memref<4x128xi32, #tpu.memory_space<vmem>> -> memref<1x128xi32, #tpu.memory_space<vmem>>
      %dma_wait3A_526 = tpu.memref_squeeze %dma_wait3A_525 : memref<1x128xi32, #tpu.memory_space<vmem>> -> memref<128xi32, #tpu.memory_space<vmem>>
      %dma_wait3A_527 = arith.constant 0 : i32
      %dma_wait3A_528 = arith.constant 0 : i32
      %dma_wait3A_529 = tpu.memref_slice %arg5[%dma_wait3A_527, %dma_wait3A_528] : memref<524288x8xf32, #tpu.memory_space<hbm>> -> memref<524288x8xf32, #tpu.memory_space<hbm>>
      tpu.wait_indirect_dma semaphore(%arg16 : memref<!tpu.dma_semaphore, #tpu.memory_space<semaphore_mem>>) src(%dma_wait3A_529 : memref<524288x8xf32, #tpu.memory_space<hbm>>) dst(%dma_wait3A_523 : memref<128x8xf32, #tpu.memory_space<vmem>>)
      %dma_wait3A_530 = arith.constant 3 : i32
      %dma_wait3A_531 = arith.constant 1 : i32
      %dma_wait3A_532 = arith.constant 384 : i32
      %dma_wait3A_533 = arith.constant 0 : i32
      %dma_wait3A_534 = tpu.memref_slice %arg12[%dma_wait3A_531, %dma_wait3A_532, %dma_wait3A_533] : memref<2x512x8xf32, #tpu.memory_space<vmem>> -> memref<1x128x8xf32, #tpu.memory_space<vmem>>
      %dma_wait3A_535 = tpu.memref_squeeze %dma_wait3A_534 : memref<1x128x8xf32, #tpu.memory_space<vmem>> -> memref<128x8xf32, #tpu.memory_space<vmem>>
      %dma_wait3A_536 = arith.constant 0 : i32
      %dma_wait3A_537 = tpu.memref_slice %arg11[%dma_wait3A_530, %dma_wait3A_536] : memref<4x128xi32, #tpu.memory_space<vmem>> -> memref<1x128xi32, #tpu.memory_space<vmem>>
      %dma_wait3A_538 = tpu.memref_squeeze %dma_wait3A_537 : memref<1x128xi32, #tpu.memory_space<vmem>> -> memref<128xi32, #tpu.memory_space<vmem>>
      %dma_wait3A_539 = arith.constant 0 : i32
      %dma_wait3A_540 = arith.constant 0 : i32
      %dma_wait3A_541 = tpu.memref_slice %arg5[%dma_wait3A_539, %dma_wait3A_540] : memref<524288x8xf32, #tpu.memory_space<hbm>> -> memref<524288x8xf32, #tpu.memory_space<hbm>>
      tpu.wait_indirect_dma semaphore(%arg16 : memref<!tpu.dma_semaphore, #tpu.memory_space<semaphore_mem>>) src(%dma_wait3A_541 : memref<524288x8xf32, #tpu.memory_space<hbm>>) dst(%dma_wait3A_535 : memref<128x8xf32, #tpu.memory_space<vmem>>)
      %dma_start3A_542 = arith.constant 1 : i32
      %dma_start3A_543 = arith.constant 0 : i32
      %dma_start3A_544 = arith.constant 0 : i32
      %dma_start3A_545 = tpu.memref_slice %arg12[%dma_start3A_542, %dma_start3A_543, %dma_start3A_544] : memref<2x512x8xf32, #tpu.memory_space<vmem>> -> memref<1x512x8xf32, #tpu.memory_space<vmem>>
      %dma_start3A_546 = tpu.memref_squeeze %dma_start3A_545 : memref<1x512x8xf32, #tpu.memory_space<vmem>> -> memref<512x8xf32, #tpu.memory_space<vmem>>
      %dma_start3A_547 = arith.constant 0 : i32
      %dma_start3A_548 = tpu.memref_slice %arg6[%add3A_304, %dma_start3A_547] : memref<524288x8xf32, #tpu.memory_space<hbm>> -> memref<512x8xf32, #tpu.memory_space<hbm>>
      %dma_start3A_549 = arith.constant 0 : i32
      %dma_start3A_550 = tpu.memref_slice %arg6[%add3A_304, %dma_start3A_549] : memref<524288x8xf32, #tpu.memory_space<hbm>> -> memref<512x8xf32, #tpu.memory_space<hbm>>
      %dma_start3A_551 = arith.constant 0 : i32
      %dma_start3A_552 = arith.constant 0 : i32
      %dma_start3A_553 = tpu.memref_slice %arg12[%dma_start3A_542, %dma_start3A_551, %dma_start3A_552] : memref<2x512x8xf32, #tpu.memory_space<vmem>> -> memref<1x512x8xf32, #tpu.memory_space<vmem>>
      %dma_start3A_554 = tpu.memref_squeeze %dma_start3A_553 : memref<1x512x8xf32, #tpu.memory_space<vmem>> -> memref<512x8xf32, #tpu.memory_space<vmem>>
      tpu.enqueue_dma source(%dma_start3A_554 : memref<512x8xf32, #tpu.memory_space<vmem>>) target(%dma_start3A_550 : memref<512x8xf32, #tpu.memory_space<hbm>>) target_semaphore(%arg18 : memref<!tpu.dma_semaphore, #tpu.memory_space<semaphore_mem>>)
    }
    %scan3A_14 = arith.constant 16 : i32
    %dma_wait3A = arith.constant 0 : i32
    %dma_wait3A_15 = arith.constant 0 : i32
    %dma_wait3A_16 = arith.constant 0 : i32
    %dma_wait3A_17 = tpu.memref_slice %arg12[%dma_wait3A, %dma_wait3A_15, %dma_wait3A_16] : memref<2x512x8xf32, #tpu.memory_space<vmem>> -> memref<1x512x8xf32, #tpu.memory_space<vmem>>
    %dma_wait3A_18 = tpu.memref_squeeze %dma_wait3A_17 : memref<1x512x8xf32, #tpu.memory_space<vmem>> -> memref<512x8xf32, #tpu.memory_space<vmem>>
    %dma_wait3A_19 = arith.constant 0 : i32
    %dma_wait3A_20 = tpu.memref_slice %arg6[%mul3A_2, %dma_wait3A_19] : memref<524288x8xf32, #tpu.memory_space<hbm>> -> memref<512x8xf32, #tpu.memory_space<hbm>>
    %dma_wait3A_21 = arith.constant 0 : i32
    %dma_wait3A_22 = tpu.memref_slice %arg6[%mul3A_2, %dma_wait3A_21] : memref<524288x8xf32, #tpu.memory_space<hbm>> -> memref<512x8xf32, #tpu.memory_space<hbm>>
    %dma_wait3A_23 = arith.constant 0 : i32
    %dma_wait3A_24 = arith.constant 0 : i32
    %dma_wait3A_25 = tpu.memref_slice %arg12[%dma_wait3A, %dma_wait3A_23, %dma_wait3A_24] : memref<2x512x8xf32, #tpu.memory_space<vmem>> -> memref<1x512x8xf32, #tpu.memory_space<vmem>>
    %dma_wait3A_26 = tpu.memref_squeeze %dma_wait3A_25 : memref<1x512x8xf32, #tpu.memory_space<vmem>> -> memref<512x8xf32, #tpu.memory_space<vmem>>
    tpu.wait_dma2 semaphore(%arg17 : memref<!tpu.dma_semaphore, #tpu.memory_space<semaphore_mem>>) src(%dma_wait3A_26 : memref<512x8xf32, #tpu.memory_space<vmem>>) dst(%dma_wait3A_22 : memref<512x8xf32, #tpu.memory_space<hbm>>)
    %dma_wait3A_27 = arith.constant 1 : i32
    %dma_wait3A_28 = arith.constant 0 : i32
    %dma_wait3A_29 = arith.constant 0 : i32
    %dma_wait3A_30 = tpu.memref_slice %arg12[%dma_wait3A_27, %dma_wait3A_28, %dma_wait3A_29] : memref<2x512x8xf32, #tpu.memory_space<vmem>> -> memref<1x512x8xf32, #tpu.memory_space<vmem>>
    %dma_wait3A_31 = tpu.memref_squeeze %dma_wait3A_30 : memref<1x512x8xf32, #tpu.memory_space<vmem>> -> memref<512x8xf32, #tpu.memory_space<vmem>>
    %dma_wait3A_32 = arith.constant 0 : i32
    %dma_wait3A_33 = tpu.memref_slice %arg6[%mul3A_2, %dma_wait3A_32] : memref<524288x8xf32, #tpu.memory_space<hbm>> -> memref<512x8xf32, #tpu.memory_space<hbm>>
    %dma_wait3A_34 = arith.constant 0 : i32
    %dma_wait3A_35 = tpu.memref_slice %arg6[%mul3A_2, %dma_wait3A_34] : memref<524288x8xf32, #tpu.memory_space<hbm>> -> memref<512x8xf32, #tpu.memory_space<hbm>>
    %dma_wait3A_36 = arith.constant 0 : i32
    %dma_wait3A_37 = arith.constant 0 : i32
    %dma_wait3A_38 = tpu.memref_slice %arg12[%dma_wait3A_27, %dma_wait3A_36, %dma_wait3A_37] : memref<2x512x8xf32, #tpu.memory_space<vmem>> -> memref<1x512x8xf32, #tpu.memory_space<vmem>>
    %dma_wait3A_39 = tpu.memref_squeeze %dma_wait3A_38 : memref<1x512x8xf32, #tpu.memory_space<vmem>> -> memref<512x8xf32, #tpu.memory_space<vmem>>
    tpu.wait_dma2 semaphore(%arg18 : memref<!tpu.dma_semaphore, #tpu.memory_space<semaphore_mem>>) src(%dma_wait3A_39 : memref<512x8xf32, #tpu.memory_space<vmem>>) dst(%dma_wait3A_35 : memref<512x8xf32, #tpu.memory_space<hbm>>)
    return
  }
}

module attributes {stable_mosaic.version = 14 : i64} {
  func.func @_front_body(%arg0: i32, %arg1: memref<8x16384xf32, #tpu.memory_space<vmem>>, %arg2: memref<8x16384xf32, #tpu.memory_space<vmem>>, %arg3: memref<1x16384xf32, #tpu.memory_space<vmem>>, %arg4: memref<1x16384xf32, #tpu.memory_space<vmem>>, %arg5: memref<32x1xf32, #tpu.memory_space<vmem>>, %arg6: memref<32x1xf32, #tpu.memory_space<vmem>>, %arg7: memref<8x1xf32, #tpu.memory_space<vmem>>, %arg8: memref<8x1xf32, #tpu.memory_space<vmem>>, %arg9: memref<8x1xf32, #tpu.memory_space<vmem>>, %arg10: memref<8x1xf32, #tpu.memory_space<vmem>>, %arg11: memref<1x1xf32, #tpu.memory_space<vmem>>, %arg12: memref<1x1xf32, #tpu.memory_space<vmem>>, %arg13: memref<8x16384xf32, #tpu.memory_space<vmem>>, %arg14: memref<1x16384xf32, #tpu.memory_space<vmem>>) attributes {dimension_semantics = [#tpu.dimension_semantics<arbitrary>], iteration_bounds = array<i64: 32>, scalar_prefetch = 0 : i64, scratch_operands = 0 : i64, tpu.core_type = #tpu.core_type<tc>, window_params = [{transform_indices = @transform_0, window_bounds = array<i64: 8, 16384>}, {transform_indices = @transform_1, window_bounds = array<i64: 8, 16384>}, {transform_indices = @transform_2, window_bounds = array<i64: 1, 16384>}, {transform_indices = @transform_3, window_bounds = array<i64: 1, 16384>}, {pipeline_mode = #tpu.pipeline_mode<synchronous>, transform_indices = @transform_4, window_bounds = array<i64: 32, 1>}, {pipeline_mode = #tpu.pipeline_mode<synchronous>, transform_indices = @transform_5, window_bounds = array<i64: 32, 1>}, {pipeline_mode = #tpu.pipeline_mode<synchronous>, transform_indices = @transform_6, window_bounds = array<i64: 8, 1>}, {pipeline_mode = #tpu.pipeline_mode<synchronous>, transform_indices = @transform_7, window_bounds = array<i64: 8, 1>}, {pipeline_mode = #tpu.pipeline_mode<synchronous>, transform_indices = @transform_8, window_bounds = array<i64: 8, 1>}, {pipeline_mode = #tpu.pipeline_mode<synchronous>, transform_indices = @transform_9, window_bounds = array<i64: 8, 1>}, {pipeline_mode = #tpu.pipeline_mode<synchronous>, transform_indices = @transform_10, window_bounds = array<i64: 1, 1>}, {pipeline_mode = #tpu.pipeline_mode<synchronous>, transform_indices = @transform_11, window_bounds = array<i64: 1, 1>}, {transform_indices = @transform_12, window_bounds = array<i64: 8, 16384>}, {transform_indices = @transform_13, window_bounds = array<i64: 1, 16384>}]} {
    %get3A = arith.constant 0 : index
    %get3A_0 = arith.constant 0 : index
    %get3A_1 = vector.load %arg1[%get3A, %get3A_0] : memref<8x16384xf32, #tpu.memory_space<vmem>>, vector<8x16384xf32>
    %get3A_2 = arith.constant 0 : index
    %get3A_3 = arith.constant 0 : index
    %get3A_4 = vector.load %arg2[%get3A_2, %get3A_3] : memref<8x16384xf32, #tpu.memory_space<vmem>>, vector<8x16384xf32>
    %get3A_5 = arith.constant 0 : index
    %get3A_6 = arith.constant 0 : index
    %get3A_7 = vector.load %arg8[%get3A_5, %get3A_6] : memref<8x1xf32, #tpu.memory_space<vmem>>, vector<8x1xf32>
    %mul3A = vector.broadcast %get3A_7 : vector<8x1xf32> to vector<8x16384xf32>
    %mul3A_8 = arith.mulf %get3A_4, %mul3A : vector<8x16384xf32>
    %get3A_9 = arith.constant 0 : index
    %get3A_10 = arith.constant 0 : index
    %get3A_11 = vector.load %arg7[%get3A_9, %get3A_10] : memref<8x1xf32, #tpu.memory_space<vmem>>, vector<8x1xf32>
    %mul3A_12 = vector.broadcast %get3A_11 : vector<8x1xf32> to vector<8x16384xf32>
    %mul3A_13 = arith.mulf %mul3A_8, %mul3A_12 : vector<8x16384xf32>
    %add3A = arith.addf %get3A_1, %mul3A_13 : vector<8x16384xf32>
    %get3A_14 = arith.constant 0 : index
    %get3A_15 = arith.constant 0 : index
    %get3A_16 = vector.load %arg9[%get3A_14, %get3A_15] : memref<8x1xf32, #tpu.memory_space<vmem>>, vector<8x1xf32>
    %sub3A = vector.broadcast %get3A_16 : vector<8x1xf32> to vector<8x16384xf32>
    %sub3A_17 = arith.subf %add3A, %sub3A : vector<8x16384xf32>
    %get3A_18 = arith.constant 0 : index
    %get3A_19 = arith.constant 0 : index
    %get3A_20 = vector.load %arg10[%get3A_18, %get3A_19] : memref<8x1xf32, #tpu.memory_space<vmem>>, vector<8x1xf32>
    %mul3A_21 = arith.mulf %sub3A_17, %sub3A_17 : vector<8x16384xf32>
    %mul3A_22 = vector.broadcast %get3A_20 : vector<8x1xf32> to vector<8x16384xf32>
    %mul3A_23 = arith.mulf %mul3A_22, %mul3A_21 : vector<8x16384xf32>
    %slice3A = vector.extract_strided_slice %add3A {offsets = [0, 0], sizes = [1, 16384], strides = [1, 1]} : vector<8x16384xf32> to vector<1x16384xf32>
    %ne3A = arith.cmpf one, %slice3A, %slice3A : vector<1x16384xf32>
    %max3A = arith.constant 0.000000e+00 : f32
    %max3A_24 = vector.broadcast %max3A : f32 to vector<1x16384xf32>
    %max3A_25 = arith.maximumf %slice3A, %max3A_24 : vector<1x16384xf32>
    %abs3A = math.absf %slice3A : vector<1x16384xf32>
    %neg3A = arith.constant 0.000000e+00 : f32
    %neg3A_26 = vector.broadcast %neg3A : f32 to vector<1x16384xf32>
    %neg3A_27 = arith.subf %neg3A_26, %abs3A : vector<1x16384xf32>
    %exp3A = math.exp %neg3A_27 : vector<1x16384xf32>
    %log1p3A = math.log1p %exp3A : vector<1x16384xf32>
    %add3A_28 = arith.addf %max3A_25, %log1p3A : vector<1x16384xf32>
    %select_n3A = arith.select %ne3A, %slice3A, %add3A_28 : vector<1x16384xi1>, vector<1x16384xf32>
    %neg3A_29 = arith.constant 0.000000e+00 : f32
    %neg3A_30 = vector.broadcast %neg3A_29 : f32 to vector<1x16384xf32>
    %neg3A_31 = arith.subf %neg3A_30, %select_n3A : vector<1x16384xf32>
    %get3A_32 = arith.constant 0 : index
    %get3A_33 = arith.constant 0 : index
    %get3A_34 = vector.load %arg5[%get3A_32, %get3A_33] : memref<32x1xf32, #tpu.memory_space<vmem>>, vector<32x1xf32>
    %get3A_35 = arith.constant 0 : index
    %get3A_36 = arith.constant 0 : index
    %get3A_37 = vector.load %arg3[%get3A_35, %get3A_36] : memref<1x16384xf32, #tpu.memory_space<vmem>>, vector<1x16384xf32>
    %sub3A_38 = vector.broadcast %get3A_34 : vector<32x1xf32> to vector<32x16384xf32>
    %sub3A_39 = vector.broadcast %get3A_37 : vector<1x16384xf32> to vector<32x16384xf32>
    %sub3A_40 = arith.subf %sub3A_38, %sub3A_39 : vector<32x16384xf32>
    %max3A_41 = arith.constant 0.000000e+00 : f32
    %max3A_42 = vector.broadcast %max3A_41 : f32 to vector<32x16384xf32>
    %max3A_43 = arith.maximumf %sub3A_40, %max3A_42 : vector<32x16384xf32>
    %mul3A_44 = vector.broadcast %neg3A_31 : vector<1x16384xf32> to vector<32x16384xf32>
    %mul3A_45 = arith.mulf %mul3A_44, %max3A_43 : vector<32x16384xf32>
    %exp3A_46 = math.exp %mul3A_45 : vector<32x16384xf32>
    %get3A_47 = arith.constant 0 : index
    %get3A_48 = arith.constant 0 : index
    %get3A_49 = vector.load %arg6[%get3A_47, %get3A_48] : memref<32x1xf32, #tpu.memory_space<vmem>>, vector<32x1xf32>
    %sub3A_50 = vector.broadcast %get3A_49 : vector<32x1xf32> to vector<32x16384xf32>
    %sub3A_51 = arith.subf %sub3A_50, %exp3A_46 : vector<32x16384xf32>
    %mul3A_52 = arith.mulf %sub3A_51, %sub3A_51 : vector<32x16384xf32>
    %reduce_sum3A = arith.constant dense<0.000000e+00> : vector<16384xf32>
    %reduce_sum3A_53 = vector.multi_reduction <add>, %mul3A_23, %reduce_sum3A [0] : vector<8x16384xf32> to vector<16384xf32>
    %broadcast_in_dim3A = vector.shape_cast %reduce_sum3A_53 : vector<16384xf32> to vector<1x16384xf32>
    %reduce_sum3A_54 = arith.constant dense<0.000000e+00> : vector<16384xf32>
    %reduce_sum3A_55 = vector.multi_reduction <add>, %mul3A_52, %reduce_sum3A_54 [0] : vector<32x16384xf32> to vector<16384xf32>
    %broadcast_in_dim3A_56 = vector.shape_cast %reduce_sum3A_55 : vector<16384xf32> to vector<1x16384xf32>
    %get3A_57 = arith.constant 0 : index
    %get3A_58 = arith.constant 0 : index
    %get3A_59 = vector.load %arg12[%get3A_57, %get3A_58] : memref<1x1xf32, #tpu.memory_space<vmem>>, vector<1x1xf32>
    %get3A_60 = vector.extract %get3A_59[0, 0] : f32 from vector<1x1xf32>
    %get3A_61 = arith.constant 0 : index
    %get3A_62 = arith.constant 0 : index
    %get3A_63 = vector.load %arg4[%get3A_61, %get3A_62] : memref<1x16384xf32, #tpu.memory_space<vmem>>, vector<1x16384xf32>
    %mul3A_64 = vector.broadcast %get3A_60 : f32 to vector<1x16384xf32>
    %mul3A_65 = arith.mulf %mul3A_64, %get3A_63 : vector<1x16384xf32>
    %get3A_66 = arith.constant 0 : index
    %get3A_67 = arith.constant 0 : index
    %get3A_68 = vector.load %arg11[%get3A_66, %get3A_67] : memref<1x1xf32, #tpu.memory_space<vmem>>, vector<1x1xf32>
    %get3A_69 = vector.extract %get3A_68[0, 0] : f32 from vector<1x1xf32>
    %mul3A_70 = vector.broadcast %get3A_69 : f32 to vector<1x16384xf32>
    %mul3A_71 = arith.mulf %broadcast_in_dim3A_56, %mul3A_70 : vector<1x16384xf32>
    %add3A_72 = arith.addf %mul3A_65, %mul3A_71 : vector<1x16384xf32>
    %mul3A_73 = arith.constant -5.000000e-01 : f32
    %mul3A_74 = vector.broadcast %mul3A_73 : f32 to vector<1x16384xf32>
    %mul3A_75 = arith.mulf %broadcast_in_dim3A, %mul3A_74 : vector<1x16384xf32>
    %add3A_76 = arith.addf %add3A_72, %mul3A_75 : vector<1x16384xf32>
    %swap3A = arith.constant 0 : index
    %swap3A_77 = arith.constant 0 : index
    %swap3A_78 = vector.load %arg13[%swap3A, %swap3A_77] : memref<8x16384xf32, #tpu.memory_space<vmem>>, vector<8x16384xf32>
    tpu.vector_store %arg13[%swap3A, %swap3A_77], %add3A {strides = array<i32>} : memref<8x16384xf32, #tpu.memory_space<vmem>>, vector<8x16384xf32>,
    %swap3A_79 = arith.constant 0 : index
    %swap3A_80 = arith.constant 0 : index
    %swap3A_81 = vector.load %arg14[%swap3A_79, %swap3A_80] : memref<1x16384xf32, #tpu.memory_space<vmem>>, vector<1x16384xf32>
    tpu.vector_store %arg14[%swap3A_79, %swap3A_80], %add3A_76 {strides = array<i32>} : memref<1x16384xf32, #tpu.memory_space<vmem>>, vector<1x16384xf32>,
    return
  }
  func.func @transform_0(%arg0: i32) -> (i32, i32) {
    %c0_i32 = arith.constant 0 : i32
    %c0_i32_0 = arith.constant 0 : i32
    return %c0_i32, %arg0 : i32, i32
  }
  func.func @transform_1(%arg0: i32) -> (i32, i32) {
    %c0_i32 = arith.constant 0 : i32
    %c0_i32_0 = arith.constant 0 : i32
    return %c0_i32, %arg0 : i32, i32
  }
  func.func @transform_2(%arg0: i32) -> (i32, i32) {
    %c0_i32 = arith.constant 0 : i32
    %c0_i32_0 = arith.constant 0 : i32
    return %c0_i32, %arg0 : i32, i32
  }
  func.func @transform_3(%arg0: i32) -> (i32, i32) {
    %c0_i32 = arith.constant 0 : i32
    %c0_i32_0 = arith.constant 0 : i32
    return %c0_i32, %arg0 : i32, i32
  }
  func.func @transform_4(%arg0: i32) -> (i32, i32) {
    %c0_i32 = arith.constant 0 : i32
    %c0_i32_0 = arith.constant 0 : i32
    %c0_i32_1 = arith.constant 0 : i32
    return %c0_i32, %c0_i32_0 : i32, i32
  }
  func.func @transform_5(%arg0: i32) -> (i32, i32) {
    %c0_i32 = arith.constant 0 : i32
    %c0_i32_0 = arith.constant 0 : i32
    %c0_i32_1 = arith.constant 0 : i32
    return %c0_i32, %c0_i32_0 : i32, i32
  }
  func.func @transform_6(%arg0: i32) -> (i32, i32) {
    %c0_i32 = arith.constant 0 : i32
    %c0_i32_0 = arith.constant 0 : i32
    %c0_i32_1 = arith.constant 0 : i32
    return %c0_i32, %c0_i32_0 : i32, i32
  }
  func.func @transform_7(%arg0: i32) -> (i32, i32) {
    %c0_i32 = arith.constant 0 : i32
    %c0_i32_0 = arith.constant 0 : i32
    %c0_i32_1 = arith.constant 0 : i32
    return %c0_i32, %c0_i32_0 : i32, i32
  }
  func.func @transform_8(%arg0: i32) -> (i32, i32) {
    %c0_i32 = arith.constant 0 : i32
    %c0_i32_0 = arith.constant 0 : i32
    %c0_i32_1 = arith.constant 0 : i32
    return %c0_i32, %c0_i32_0 : i32, i32
  }
  func.func @transform_9(%arg0: i32) -> (i32, i32) {
    %c0_i32 = arith.constant 0 : i32
    %c0_i32_0 = arith.constant 0 : i32
    %c0_i32_1 = arith.constant 0 : i32
    return %c0_i32, %c0_i32_0 : i32, i32
  }
  func.func @transform_10(%arg0: i32) -> (i32, i32) {
    %c0_i32 = arith.constant 0 : i32
    %c0_i32_0 = arith.constant 0 : i32
    %c0_i32_1 = arith.constant 0 : i32
    return %c0_i32, %c0_i32_0 : i32, i32
  }
  func.func @transform_11(%arg0: i32) -> (i32, i32) {
    %c0_i32 = arith.constant 0 : i32
    %c0_i32_0 = arith.constant 0 : i32
    %c0_i32_1 = arith.constant 0 : i32
    return %c0_i32, %c0_i32_0 : i32, i32
  }
  func.func @transform_12(%arg0: i32) -> (i32, i32) {
    %c0_i32 = arith.constant 0 : i32
    %c0_i32_0 = arith.constant 0 : i32
    return %c0_i32, %arg0 : i32, i32
  }
  func.func @transform_13(%arg0: i32) -> (i32, i32) {
    %c0_i32 = arith.constant 0 : i32
    %c0_i32_0 = arith.constant 0 : i32
    return %c0_i32, %arg0 : i32, i32
  }
}

</mosaic_0001>

<sc_bundles>
// kernel: kernel.4.cloned.1.call-start
scs
__scs_entry_jumppad:
0x0: {  	(pc) =	sbr.rel $0x88, $3  }
0x1: {  	(tag) =	ssettag $0x0;
	lr =	simm.s32 $0x1  }
0x2: {  	[smem:$0x3F93] =	sst lr;
	_ =	strace $0xD0000000  }
0x3: {  	_ = 	snop  }
0x4: {  	_ = 	snop  }
0x5: {  	_ = 	snop  }
0x6: {  	_ = 	snop  }
0x7: {  	_ = 	snop  }
__scs_overlays_trampoline_lowered:
0x8: {  	[smem:$0x3FA2] =	sst s0  }
0x9: {  	[smem:$0x3FA3] =	sst s1  }
0xa: {  	[smem:$0x3FA4] =	sst s2  }
0xb: {  	[smem:$0x3FA5] =	sst s3  }
0xc: {  	[smem:$0x3FA6] =	sst s4  }
0xd: {  	[smem:$0x3FA7] =	sst s5  }
0xe: {  	[smem:$0x3FA8] =	sst s6  }
0xf: {  	[smem:$0x3FA9] =	sst s7  }
0x10: {  	[smem:$0x3FAA] =	sst s8  }
0x11: {  	[smem:$0x3FAB] =	sst s9;
	s0 =	simm.s32 @!p0 $0x0  }
0x12: {  	s1 =	sld [smem:$0x3F91];
	s0 =	simm.s32 @p0 $0x1  }
0x13: {  	[smem:$0x3FAC] =	sst s0;
	s0 =	simm.s32 @!p1 $0x0  }
0x14: {  	s2 =	sld [smem:$0x3F90];
	s0 =	simm.s32 @p1 $0x1  }
0x15: {  	[smem:$0x3FAD] =	sst s0;
	s0 =	simm.s32 @!p2 $0x0  }
0x16: {  	s3 =	sld [smem:$0x3FDB];
	s0 =	simm.s32 @p2 $0x1  }
0x17: {  	s4 =	simm.s32 $0x1BF5;
	[smem:$0x3FAF] =	sst s0  }
0x18: {  	s0 =	sld [smem:$0x3F92];
	_ =	swait.ge [sflag:s4], $0x0  }
0x19: {  	s7 =	sld [smem:$0x3F93]  }
0x1a: {  	s8 =	sadd.s32 $0xFFFFE003, lr  }
0x1b: {  	s9 =	sadd.s32 $0xFFFFFEF7, lr;
	s5 =	simm.s32 $0xFFFFFFFF;
	p2 =	slt.u32 s8, $0xFFFFF086  }
0x1c: {  	p1 =	slt.u32 s9, $0xF7A;
	s5 =	simm.s32 @!p2 $0x0  }
0x1d: {  	s5 =	simm.s32 @p1 $0x1;
	p0 =	seq.s32 s7, s2  }
0x1e: {  	s7 =	smul.u32 @!p0 $0xF7A, s2;
	p2 =	seq.s32 @!p0 s5, $0x0  }
0x1f: {  	s9 =	smul.u32 $0xF7A, s1;
	s8 =	simm.s32 @!p0 $0x1BF5;
	p2 =	por !p2, p0  }
0x20: {  	[sflag:s8] =	ssyncset.s32 @!p0 $0xFFFFF086;
	s6 =	sadd.s32 @!p0 s3, s7;
	s7 =	simm.s32 @!p0 $0x108  }
0x21: {  	s3 =	sadd.s32 s3, s9;
	s6 =	sadd.s32 @!p0 $0x88, s6;
	s7 =	simm.s32 @p2 $0x1082  }
0x22: {  	[simem:s7], [sflag:s8] =	dma.local @!p0 [hbm:s6], $0xF7A  }
0x23: {  	s9 =	sor.u32 $0xD0000000, s2;
	s6 =	simm.s32 $0x108;
	_ =	swait.ge @!p0 [sflag:s8], $0x0  }
0x24: {  	s3 =	sadd.s32 $0x88, s3;
	s6 =	simm.s32 @!p1 $0x1082;
	[sflag:s4] =	ssyncset.s32 $0xFFFFF086  }
0x25: {  	[simem:s6], [sflag:s4] =	dma.local [hbm:s3], $0xF7A  }
0x26: {  	[smem:$0x3F93] =	sst s1;
	(tag) =	ssettag s2;
	_ =	strace s9  }
0x27: {  	s1 =	sld [smem:$0x3FA3]  }
0x28: {  	s2 =	sld [smem:$0x3FA4]  }
0x29: {  	s4 =	sld [smem:$0x3FA6]  }
0x2a: {  	p0 =	seq.s32 s5, $0x0;
	s5 =	sld [smem:$0x3FA7]  }
0x2b: {  	s6 =	sld [smem:$0x3FA8]  }
0x2c: {  	s7 =	sld [smem:$0x3FA9]  }
0x2d: {  	s3 =	simm.s32 $0x108;
	s8 =	sld [smem:$0x3FAA]  }
0x2e: {  	s3 =	simm.s32 @!p0 $0x1082;
	s9 =	sld [smem:$0x3FAB]  }
0x2f: {  	lr =	sadd.s32 s0, s3;
	s0 =	sld [smem:$0x3FA2]  }
0x30: {  	s3 =	sld [smem:$0x3FA5]  }
0x31: {  	[smem:$0x3FAE] =	sst s10  }
0x32: {  	s10 =	sld [smem:$0x3FAC];
	_ =	sdelay $0x3  }
0x33: {  	p0 =	seq.s32 s10, $0x1;
	s10 =	sld [smem:$0x3FAE];
	_ =	sdelay $0x3  }
0x34: {  	[smem:$0x3FAE] =	sst s10  }
0x35: {  	s10 =	sld [smem:$0x3FAD];
	_ =	sdelay $0x3  }
0x36: {  	p1 =	seq.s32 s10, $0x1;
	s10 =	sld [smem:$0x3FAE];
	_ =	sdelay $0x3  }
0x37: {  	[smem:$0x3FAE] =	sst s10  }
0x38: {  	s10 =	sld [smem:$0x3FAF]  }
0x39: {  	_ = 	snop;
	(pc) =	sbr.ind lr, $3  }
0x3a: {  	_ = 	snop  }
0x3b: {  	_ = 	snop  }
0x3c: {  	p2 =	seq.s32 s10, $0x1;
	s10 =	sld [smem:$0x3FAE]  }
0x3d: {  	_ =	shalt  }
0x3e: {  	_ =	shalt  }
0x3f: {  	_ =	shalt  }
0x40: {  	_ =	shalt  }
0x41: {  	_ =	shalt  }
0x42: {  	_ =	shalt  }
0x43: {  	_ =	shalt  }
0x44: {  	_ =	shalt  }
0x45: {  	_ =	shalt  }
0x46: {  	_ =	shalt  }
0x47: {  	_ =	shalt  }
0x48: {  	_ =	shalt  }
0x49: {  	_ =	shalt  }
0x4a: {  	_ =	shalt  }
0x4b: {  	_ =	shalt  }
0x4c: {  	_ =	shalt  }
0x4d: {  	_ =	shalt  }
0x4e: {  	_ =	shalt  }
0x4f: {  	_ =	shalt  }
0x50: {  	_ =	shalt  }
0x51: {  	_ =	shalt  }
0x52: {  	_ =	shalt  }
0x53: {  	_ =	shalt  }
0x54: {  	_ =	shalt  }
0x55: {  	_ =	shalt  }
0x56: {  	_ =	shalt  }
0x57: {  	_ =	shalt  }
0x58: {  	_ =	shalt  }
0x59: {  	_ =	shalt  }
0x5a: {  	_ =	shalt  }
0x5b: {  	_ =	shalt  }
0x5c: {  	_ =	shalt  }
0x5d: {  	_ =	shalt  }
0x5e: {  	_ =	shalt  }
0x5f: {  	_ =	shalt  }
0x60: {  	_ =	shalt  }
0x61: {  	_ =	shalt  }
0x62: {  	_ =	shalt  }
0x63: {  	_ =	shalt  }
0x64: {  	_ =	shalt  }
0x65: {  	_ =	shalt  }
0x66: {  	_ =	shalt  }
0x67: {  	_ =	shalt  }
0x68: {  	_ =	shalt  }
0x69: {  	_ =	shalt  }
0x6a: {  	_ =	shalt  }
0x6b: {  	_ =	shalt  }
0x6c: {  	_ =	shalt  }
0x6d: {  	_ =	shalt  }
0x6e: {  	_ =	shalt  }
0x6f: {  	_ =	shalt  }
0x70: {  	_ =	shalt  }
0x71: {  	_ =	shalt  }
0x72: {  	_ =	shalt  }
0x73: {  	_ =	shalt  }
0x74: {  	_ =	shalt  }
0x75: {  	_ =	shalt  }
0x76: {  	_ =	shalt  }
0x77: {  	_ =	shalt  }
0x78: {  	_ =	shalt  }
0x79: {  	_ =	shalt  }
0x7a: {  	_ =	shalt  }
0x7b: {  	_ =	shalt  }
0x7c: {  	_ =	shalt  }
0x7d: {  	_ =	shalt  }
0x7e: {  	_ =	shalt  }
0x7f: {  	_ =	shalt  }
0x80: {  	_ =	shalt  }
0x81: {  	_ =	shalt  }
0x82: {  	_ =	shalt  }
0x83: {  	_ =	shalt  }
0x84: {  	_ =	shalt  }
0x85: {  	_ =	shalt  }
0x86: {  	_ =	shalt  }
0x87: {  	_ =	shalt  }
.Lfunc_end0:
.L_simem_size_0:
called_computation_lowered:
.L_overlay_start_0:
0x88: {  	s2 =	sld [smem:$0x3FD9]  }
0x89: {  	s3 =	sld [smem:$0x3FFE];
	_ =	sdelay $0x1  }
0x8a: {  	s1 =	srdreg.scid  }
0x8b: {  	s0 =	sand.u32 $0x1, s1  }
0x8c: {  	s17 =	sshll.u32 s0, $0xA;
	s2 =	sadd.s32 s3, s2  }
0x8d: {  	s2 =	sadd.s32 s2, s17  }
0x8e: {  	[smem:$0x3FBA] =	sst s2  }
0x8f: {  	_ = 	snop  }
0x90: {  	s2 =	sld [smem:$0x3FC2]  }
0x91: {  	s18 =	sld [smem:$0x3FD0];
	(tm) =	ssettm $0x1  }
0x92: {  	s4 =	sld [smem:$0x3FFB];
	_ =	sdelay $0x3  }
0x93: {  	_ =	strace s4  }
0x94: {  	s4 =	sld [smem:$0x3FFC];
	_ =	sdelay $0x3  }
0x95: {  	_ =	strace s4  }
0x96: {  	s4 =	sld [smem:$0x3FFD];
	_ =	sdelay $0x3  }
0x97: {  	_ =	strace s4  }
0x98: {  	_ =	strace $0x8FFFFFFF  }
0x99: {  	s19 =	sld [smem:$0x3FDB];
	_ =	sdelay $0x1  }
0x9a: {  	s5 =	simm.s32 $_scs_section_size  }
0x9b: {  	s6 =	simm.s32 $_size__tile_overlayer_lowered;
	s7 =	simm.s32 $_tile_overlayer_lowered  }
0x9c: {  	s22 =	simm.s32 $0x1BFF;
	s21 =	sshll.u32 s7, $0x1;
	s4 =	sadd.s32 s5, s19  }
0x9d: {  	s8 =	simm.s32 $0x0;
	s20 =	sshll.u32 s6, $0x1;
	s6 =	sadd.s32 s21, s4  }
0x9e: {  	[timem:s8], [sflag:s22] =	dma.local [hbm:s6], s20  }
0x9f: {  	_ =	swait.ge [sflag:s22], s20  }
0xa0: {  	s5 =	ssub.s32 $0x0, s20;
	[sflag:s22] =	ssyncset.done $0x0  }
0xa1: {  	[sflag:s22] =	ssyncadd.s32 s5;
	_ =	sdelay $0x1  }
0xa2: {  	s23 =	simm.s32 $0x1B8B  }
0xa3: {  	_ =	swait.ge [sflag:s23], $0x1  }
0xa4: {  	[sflag:s23] =	ssyncset.done $0x0  }
0xa5: {  	s25 =	simm.s32 $0x1B8E;
	s24 =	sld [smem:$0x3FFE];
	[sflag:s23] =	ssyncadd.s32 $0xFFFFFFFF  }
0xa6: {  	s26 =	simm.s32 $execute0_lowered;
	[smem:$0x3FD2] =	sst s25  }
0xa7: {  	s6 =	sshll.u32 s26, $0x1;
	_ =	strace $0x80000046;
	[dreg:$0x1] =	wrdreg $0xFFFFFFFF  }
0xa8: {  	s28 =	simm.s32 $_size_execute0_lowered;
	s4 =	sadd.s32 s4, s6;
	[dreg:$0x0] =	wrdreg $0x0  }
0xa9: {  	s6 =	sshll.u32 s28, $0x1;
	[dreg:$0x2] =	wrdreg s4  }
0xaa: {  	[dreg:$0x3] =	wrdreg s6  }
0xab: {  	[dreg:$0x4] =	wrdreg $0xC0  }
0xac: {  	_ =	task [dreg:s8], $0x5FFFF  }
0xad: {  	[dreg:$0x1] =	wrdreg $0xFFFFFFFF  }
0xae: {  	[dreg:$0x0] =	wrdreg $0x60  }
0xaf: {  	[dreg:$0x2] =	wrdreg s24  }
0xb0: {  	[dreg:$0x3] =	wrdreg s2  }
0xb1: {  	[dreg:$0x4] =	wrdreg s18  }
0xb2: {  	[dreg:$0x5] =	wrdreg $0x9  }
0xb3: {  	_ =	task.clear_ibuf [dreg:s8], $0x6FFFF;
	_ =	strace $0x90000046  }
0xb4: {  	s29 =	simm.s32 $0x9;
	_ =	strace $0x80000048  }
0xb5: {  	_ =	swait.ge [sflag:s29], $0x1  }
0xb6: {  	[sflag:s29] =	ssyncadd.s32 $0xFFFFFFFF  }
0xb7: {  	_ =	strace $0x90000048  }
0xb8: {  	_ =	sfence  }
0xb9: {  	s30 =	sld [smem:$0x0];
	_ =	sdelay $0x2  }
0xba: {  	s31 =	sshll.u32 s1, $0xD;
	s1 =	sshrl.u32 s1, $0x2  }
0xbb: {  	s3 =	sand.u32 $0x4000, s31;
	s1 =	sadd.s32 s1, s30  }
0xbc: {  	s0 =	sor.u32 s3, s0;
	s1 =	sshll.u32 s1, $0x11  }
0xbd: {  	s0 =	sor.u32 s1, s0  }
0xbe: {  	s0 =	sadd.s32 $0x8F2B, s0  }
0xbf: {  	[sflag:s0] =	ssyncadd.remote.s32 $0x1  }
0xc0: {  	_ =	sfence.sel $0xFFFF  }
0xc1: {  	[dreg:$0x0] =	wrdreg $0xFFFFFFFF;
	(pc) =	sbr.abs _section_cstart, $3  }
0xc2: {  	[dreg:$0x1] =	wrdreg $0xFFFFFFFF  }
0xc3: {  	_ =	task.clear_ibuf [dreg:s8], $0x2FFFF;
	_ =	strace $0x9FFFFFFF  }
0xc4: {  	(tm) =	ssettm $0x7FFFFFFF  }
0xc5: {  	_ =	shalt  }
tec
execute0_lowered:
.L_overlay_start_1:
0x0: {  	(tag) =	ssettag $0x1  }
0x1: {  	s1 =	rddreg [dreg:$0x0]  }
0x2: {  	s8 =	rddreg [dreg:$0x1]  }
0x3: {  	s4 =	rddreg [dreg:$0x2];
	s0 =	srdreg.scid;
	s5 =	simm.s32 $0x0  }
0x4: {  	s2 =	stileid.u32;
	s14 =	simm.s32 $0x1;
	s16 =	simm.s32 $0x80  }
0x5: {  	s17 =	simm.s32 $0x10400;
	s18 =	simm.s32 $0x10600;
	s19 =	simm.s32 $0x10480  }
0x6: {  	s20 =	simm.s32 $0x10A00;
	s21 =	simm.s32 $0x10500;
	s22 =	simm.s32 $0x10E00  }
0x7: {  	s23 =	simm.s32 $0x10580;
	s24 =	simm.s32 $0x11200;
	s25 =	simm.s32 $0x3  }
0x8: {  	s28 =	simm.s32 $0x11800;
	s29 =	simm.s32 $0x11680;
	s31 =	simm.s32 $0x11700  }
0x9: {  	s11 =	simm.s32 $0x12800;
	s12 =	simm.s32 $0x0;
	s0 =	sand.u32 $0x1, s0  }
0xa: {  	[smem:$0x7FF] =	sst s5;
	s2 =	sshll.u32 s2, $0xF;
	s7 =	sadd.s32 $0x102000, s1  }
0xb: {  	s9 =	sadd.s32 $0x100000, s1;
	s10 =	sadd.s32 $0x40, s8;
	s3 =	sshll.u32 s0, $0xE  }
0xc: {  	v0 =	vimm.s32 $0x7FFF;
	_ =	strace $0x80000047;
	s0 =	ssub.s32 $0x2, s0;
	s6 =	sor.u32 s3, s2  }
0xd: {  	[dreg:$0x4] =	wrdreg s9;
	s26 =	sshrl.u32 s0, $0x1;
	s3 =	sshrl.u32 s6, $0x3  }
0xe: {  	s9 =	simm.s32 $0x2;
	s0 =	ssub.s32 s0, s26;
	s30 =	sadd.s32 s8, s3  }
0xf: {  	v2 =	vlaneseq.u32;
	s26 =	simm.s32 $0x11600;
	s0 =	smax.u32 s0, $0x1;
	[dreg:$0x5] =	wrdreg s30  }
0x10: {  	v1 =	vimm.s32 $0x0;
	v2 =	vmul.u32 $0x8, v2;
	s3 =	simm.s32 $0x11780;
	s8 =	simm.s32 $0x4;
	[dreg:$0x6] =	wrdreg s0  }
.LBB2_1:
0x11: {  	[dreg:$0x7] =	wrdreg s12  }
0x12: {  	s0 =	rddreg [dreg:$0x4];
	s13 =	simm.s32 $0x7  }
0x13: {  	[tilespmem:s5], [sflag:$0x7] =	stream.linear.gather [hbm4b:s0+s5], $0x10000, $0x38;
	[tilespmem:$0x13800] =	vst v63  }
0x14: {  	_ =	swait.ge [sflag:s13], $0x10000  }
0x15: {  	s2 =	simm.s32 $0x10000;
	[sflag:s13] =	ssyncset.done $0x0  }
0x16: {  	s30 =	simm.s32 $0x0;
	s15 =	rddreg [dreg:$0x5];
	[sflag:s13] =	ssyncadd.s32 $0xFFFF0000  }
0x17: {  	[tilespmem:s2], [sflag:$0x1] =	stream.linear.gather [hbm4b:s15+s5], $0x200, $0x38;
	[tilespmem:$0x13800] =	vst v63  }
.LBB2_2:
0x18: {  	p0 =	seq.s32 s30, $0x0  }
0x19: {  	s0 =	simm.s32 @!p0 $0x5  }
0x1a: {  	_ =	swait.ge @!p0 [sflag:s0], $0x1000  }
0x1b: {  	[sflag:s0] =	ssyncset.done @!p0 $0x0  }
0x1c: {  	s2 =	sshll.u32 s30, $0xA;
	[sflag:s0] =	ssyncadd.s32 @!p0 $0xFFFFF000  }
0x1d: {  	s0 =	sor.u32 s6, s2;
	_ =	swait.ge [sflag:s14], $0x200  }
0x1e: {  	s13 =	simm.s32 $0x10200;
	s2 =	sshrl.u32 s0, $0x3;
	[sflag:s14] =	ssyncset.done $0x0  }
0x1f: {  	s12 =	sadd.s32 s2, s10;
	s2 =	simm.s32 $0x0;
	[sflag:s14] =	ssyncadd.s32 $0xFFFFFE00  }
0x20: {  	[tilespmem:s13], [sflag:$0x2] =	stream.linear.gather [hbm4b:s12+s2], $0x200, $0x38;
	[tilespmem:$0x13800] =	vst v63  }
.LBB2_3:
0x21: {  	s12 =	sshra.s32 s2, $0x2;
	v4 =	vld.idx.msk [tilespmem:v0+s5+$0x0], $0xffff  }
0x22: {  	v3 =	vld [tilespmem:s12+$0x10000];
	_ =	sdelay $0x4  }
0x23: {  	vm0 =	vlt.f32 v4, v3  }
0x24: {  	v4 =	vsel vm0, $0x8000, v1  }
0x25: {  	v5 =	vor.u32 $0x3FFF, v4;
	_ =	sdelay $0x4  }
0x26: {  	v5 =	vld.idx.msk [tilespmem:v5+s5+$0x0], $0xffff;
	_ =	sdelay $0x4  }
0x27: {  	vm13 =	vlt.f32 v5, v3  }
0x28: {  	v5 =	vsel vm13, $0x4000, v1  }
0x29: {  	v4 =	vor.u32 v4, v5  }
0x2a: {  	v5 =	vor.u32 $0x1FFF, v4;
	_ =	sdelay $0x4  }
0x2b: {  	v5 =	vld.idx.msk [tilespmem:v5+s5+$0x0], $0xffff;
	_ =	sdelay $0x4  }
0x2c: {  	vm14 =	vlt.f32 v5, v3  }
0x2d: {  	v5 =	vsel vm14, $0x2000, v1  }
0x2e: {  	v4 =	vor.u32 v5, v4  }
0x2f: {  	v5 =	vor.u32 $0xFFF, v4;
	_ =	sdelay $0x4  }
0x30: {  	v5 =	vld.idx.msk [tilespmem:v5+s5+$0x0], $0xffff;
	_ =	sdelay $0x4  }
0x31: {  	vm15 =	vlt.f32 v5, v3  }
0x32: {  	v5 =	vsel vm15, $0x1000, v1  }
0x33: {  	v4 =	vor.u32 v5, v4  }
0x34: {  	v5 =	vor.u32 $0x7FF, v4;
	_ =	sdelay $0x4  }
0x35: {  	v5 =	vld.idx.msk [tilespmem:v5+s5+$0x0], $0xffff;
	_ =	sdelay $0x4  }
0x36: {  	vm4 =	vlt.f32 v5, v3  }
0x37: {  	v5 =	vsel vm4, $0x800, v1  }
0x38: {  	v4 =	vor.u32 v5, v4  }
0x39: {  	v5 =	vor.u32 $0x3FF, v4;
	_ =	sdelay $0x4  }
0x3a: {  	v5 =	vld.idx.msk [tilespmem:v5+s5+$0x0], $0xffff;
	_ =	sdelay $0x4  }
0x3b: {  	vm5 =	vlt.f32 v5, v3  }
0x3c: {  	v5 =	vsel vm5, $0x400, v1  }
0x3d: {  	v4 =	vor.u32 v5, v4  }
0x3e: {  	v5 =	vor.u32 $0x1FF, v4;
	_ =	sdelay $0x4  }
0x3f: {  	v5 =	vld.idx.msk [tilespmem:v5+s5+$0x0], $0xffff;
	_ =	sdelay $0x4  }
0x40: {  	vm6 =	vlt.f32 v5, v3  }
0x41: {  	v5 =	vsel vm6, $0x200, v1  }
0x42: {  	v4 =	vor.u32 v5, v4  }
0x43: {  	v5 =	vadd.s32 $0xFF, v4;
	_ =	sdelay $0x4  }
0x44: {  	v5 =	vld.idx.msk [tilespmem:v5+s5+$0x0], $0xffff;
	_ =	sdelay $0x4  }
0x45: {  	vm7 =	vlt.f32 v5, v3  }
0x46: {  	v5 =	vsel vm7, $0x100, v1  }
0x47: {  	v4 =	vadd.s32 v5, v4  }
0x48: {  	v5 =	vadd.s32 $0x7F, v4;
	_ =	sdelay $0x4  }
0x49: {  	v5 =	vld.idx.msk [tilespmem:v5+s5+$0x0], $0xffff;
	_ =	sdelay $0x4  }
0x4a: {  	vm8 =	vlt.f32 v5, v3  }
0x4b: {  	v5 =	vsel vm8, $0x80, v1  }
0x4c: {  	v4 =	vadd.s32 v5, v4  }
0x4d: {  	v5 =	vadd.s32 $0x3F, v4;
	_ =	sdelay $0x4  }
0x4e: {  	v5 =	vld.idx.msk [tilespmem:v5+s5+$0x0], $0xffff;
	_ =	sdelay $0x4  }
0x4f: {  	vm9 =	vlt.f32 v5, v3  }
0x50: {  	v5 =	vsel vm9, $0x40, v1  }
0x51: {  	v4 =	vadd.s32 v5, v4  }
0x52: {  	v5 =	vadd.s32 $0x1F, v4;
	_ =	sdelay $0x4  }
0x53: {  	v5 =	vld.idx.msk [tilespmem:v5+s5+$0x0], $0xffff;
	_ =	sdelay $0x4  }
0x54: {  	vm10 =	vlt.f32 v5, v3  }
0x55: {  	v5 =	vsel vm10, $0x20, v1  }
0x56: {  	v4 =	vadd.s32 v5, v4  }
0x57: {  	v5 =	vadd.s32 $0xF, v4;
	_ =	sdelay $0x4  }
0x58: {  	v5 =	vld.idx.msk [tilespmem:v5+s5+$0x0], $0xffff;
	_ =	sdelay $0x4  }
0x59: {  	vm11 =	vlt.f32 v5, v3  }
0x5a: {  	v5 =	vsel vm11, $0x10, v1  }
0x5b: {  	v4 =	vadd.s32 v5, v4  }
0x5c: {  	v5 =	vadd.s32 $0x7, v4;
	_ =	sdelay $0x4  }
0x5d: {  	v5 =	vld.idx.msk [tilespmem:v5+s5+$0x0], $0xffff;
	_ =	sdelay $0x4  }
0x5e: {  	vm12 =	vlt.f32 v5, v3  }
0x5f: {  	v5 =	vsel vm12, $0x8, v1  }
0x60: {  	v4 =	vadd.s32 v5, v4  }
0x61: {  	v5 =	vadd.s32 $0x3, v4;
	_ =	sdelay $0x4  }
0x62: {  	v5 =	vld.idx.msk [tilespmem:v5+s5+$0x0], $0xffff;
	_ =	sdelay $0x4  }
0x63: {  	vm13 =	vlt.f32 v5, v3  }
0x64: {  	v5 =	vsel vm13, $0x4, v1  }
0x65: {  	v4 =	vadd.s32 v5, v4  }
0x66: {  	v5 =	vadd.s32 $0x1, v4;
	_ =	sdelay $0x4  }
0x67: {  	v5 =	vld.idx.msk [tilespmem:v5+s5+$0x0], $0xffff;
	_ =	sdelay $0x4  }
0x68: {  	vm14 =	vlt.f32 v5, v3  }
0x69: {  	v5 =	vsel vm14, $0x2, v1  }
0x6a: {  	v4 =	vadd.s32 v5, v4;
	_ =	sdelay $0x4  }
0x6b: {  	v5 =	vld.idx.msk [tilespmem:v4+s5+$0x0], $0xffff;
	_ =	sdelay $0x2  }
0x6c: {  	p1 =	sne.s32 s2, $0x1C0  }
.Ltmp0:
0x6d: {  	_ = 	snop;
	(pc) =	sbr.rel @p1 .LBB2_3-.Ltmp0, $4  }
0x6e: {  	vm15 =	vlt.f32 v5, v3  }
0x6f: {  	v3 =	vsel vm15, $0x1, v1  }
0x70: {  	v3 =	vadd.s32 v3, v4  }
0x71: {  	s2 =	sadd.s32 $0x40, s2;
	[tilespmem:s12+$0x10400] =	vst v3  }
0x72: {  	[tilespmem:s18], [sflag:$0x3] =	stream.indirect.gather [hbm4b:s7+s16], $0x8, s17, s16, $0xb8;
	[tilespmem:$0x13800] =	vst v63  }
0x73: {  	s2 =	simm.s32 $0x0  }
.LBB2_5:
0x74: {  	s12 =	sshra.s32 s2, $0x2;
	v4 =	vld.idx.msk [tilespmem:v0+s5+$0x0], $0xffff  }
0x75: {  	v3 =	vld [tilespmem:s12+$0x10080];
	_ =	sdelay $0x4  }
0x76: {  	vm0 =	vlt.f32 v4, v3  }
0x77: {  	v4 =	vsel vm0, $0x8000, v1  }
0x78: {  	v5 =	vor.u32 $0x3FFF, v4;
	_ =	sdelay $0x4  }
0x79: {  	v5 =	vld.idx.msk [tilespmem:v5+s5+$0x0], $0xffff;
	_ =	sdelay $0x4  }
0x7a: {  	vm13 =	vlt.f32 v5, v3  }
0x7b: {  	v5 =	vsel vm13, $0x4000, v1  }
0x7c: {  	v4 =	vor.u32 v4, v5  }
0x7d: {  	v5 =	vor.u32 $0x1FFF, v4;
	_ =	sdelay $0x4  }
0x7e: {  	v5 =	vld.idx.msk [tilespmem:v5+s5+$0x0], $0xffff;
	_ =	sdelay $0x4  }
0x7f: {  	vm14 =	vlt.f32 v5, v3  }
0x80: {  	v5 =	vsel vm14, $0x2000, v1  }
0x81: {  	v4 =	vor.u32 v5, v4  }
0x82: {  	v5 =	vor.u32 $0xFFF, v4;
	_ =	sdelay $0x4  }
0x83: {  	v5 =	vld.idx.msk [tilespmem:v5+s5+$0x0], $0xffff;
	_ =	sdelay $0x4  }
0x84: {  	vm15 =	vlt.f32 v5, v3  }
0x85: {  	v5 =	vsel vm15, $0x1000, v1  }
0x86: {  	v4 =	vor.u32 v5, v4  }
0x87: {  	v5 =	vor.u32 $0x7FF, v4;
	_ =	sdelay $0x4  }
0x88: {  	v5 =	vld.idx.msk [tilespmem:v5+s5+$0x0], $0xffff;
	_ =	sdelay $0x4  }
0x89: {  	vm4 =	vlt.f32 v5, v3  }
0x8a: {  	v5 =	vsel vm4, $0x800, v1  }
0x8b: {  	v4 =	vor.u32 v5, v4  }
0x8c: {  	v5 =	vor.u32 $0x3FF, v4;
	_ =	sdelay $0x4  }
0x8d: {  	v5 =	vld.idx.msk [tilespmem:v5+s5+$0x0], $0xffff;
	_ =	sdelay $0x4  }
0x8e: {  	vm5 =	vlt.f32 v5, v3  }
0x8f: {  	v5 =	vsel vm5, $0x400, v1  }
0x90: {  	v4 =	vor.u32 v5, v4  }
0x91: {  	v5 =	vor.u32 $0x1FF, v4;
	_ =	sdelay $0x4  }
0x92: {  	v5 =	vld.idx.msk [tilespmem:v5+s5+$0x0], $0xffff;
	_ =	sdelay $0x4  }
0x93: {  	vm6 =	vlt.f32 v5, v3  }
0x94: {  	v5 =	vsel vm6, $0x200, v1  }
0x95: {  	v4 =	vor.u32 v5, v4  }
0x96: {  	v5 =	vadd.s32 $0xFF, v4;
	_ =	sdelay $0x4  }
0x97: {  	v5 =	vld.idx.msk [tilespmem:v5+s5+$0x0], $0xffff;
	_ =	sdelay $0x4  }
0x98: {  	vm7 =	vlt.f32 v5, v3  }
0x99: {  	v5 =	vsel vm7, $0x100, v1  }
0x9a: {  	v4 =	vadd.s32 v5, v4  }
0x9b: {  	v5 =	vadd.s32 $0x7F, v4;
	_ =	sdelay $0x4  }
0x9c: {  	v5 =	vld.idx.msk [tilespmem:v5+s5+$0x0], $0xffff;
	_ =	sdelay $0x4  }
0x9d: {  	vm8 =	vlt.f32 v5, v3  }
0x9e: {  	v5 =	vsel vm8, $0x80, v1  }
0x9f: {  	v4 =	vadd.s32 v5, v4  }
0xa0: {  	v5 =	vadd.s32 $0x3F, v4;
	_ =	sdelay $0x4  }
0xa1: {  	v5 =	vld.idx.msk [tilespmem:v5+s5+$0x0], $0xffff;
	_ =	sdelay $0x4  }
0xa2: {  	vm9 =	vlt.f32 v5, v3  }
0xa3: {  	v5 =	vsel vm9, $0x40, v1  }
0xa4: {  	v4 =	vadd.s32 v5, v4  }
0xa5: {  	v5 =	vadd.s32 $0x1F, v4;
	_ =	sdelay $0x4  }
0xa6: {  	v5 =	vld.idx.msk [tilespmem:v5+s5+$0x0], $0xffff;
	_ =	sdelay $0x4  }
0xa7: {  	vm10 =	vlt.f32 v5, v3  }
0xa8: {  	v5 =	vsel vm10, $0x20, v1  }
0xa9: {  	v4 =	vadd.s32 v5, v4  }
0xaa: {  	v5 =	vadd.s32 $0xF, v4;
	_ =	sdelay $0x4  }
0xab: {  	v5 =	vld.idx.msk [tilespmem:v5+s5+$0x0], $0xffff;
	_ =	sdelay $0x4  }
0xac: {  	vm11 =	vlt.f32 v5, v3  }
0xad: {  	v5 =	vsel vm11, $0x10, v1  }
0xae: {  	v4 =	vadd.s32 v5, v4  }
0xaf: {  	v5 =	vadd.s32 $0x7, v4;
	_ =	sdelay $0x4  }
0xb0: {  	v5 =	vld.idx.msk [tilespmem:v5+s5+$0x0], $0xffff;
	_ =	sdelay $0x4  }
0xb1: {  	vm12 =	vlt.f32 v5, v3  }
0xb2: {  	v5 =	vsel vm12, $0x8, v1  }
0xb3: {  	v4 =	vadd.s32 v5, v4  }
0xb4: {  	v5 =	vadd.s32 $0x3, v4;
	_ =	sdelay $0x4  }
0xb5: {  	v5 =	vld.idx.msk [tilespmem:v5+s5+$0x0], $0xffff;
	_ =	sdelay $0x4  }
0xb6: {  	vm13 =	vlt.f32 v5, v3  }
0xb7: {  	v5 =	vsel vm13, $0x4, v1  }
0xb8: {  	v4 =	vadd.s32 v5, v4  }
0xb9: {  	v5 =	vadd.s32 $0x1, v4;
	_ =	sdelay $0x4  }
0xba: {  	v5 =	vld.idx.msk [tilespmem:v5+s5+$0x0], $0xffff;
	_ =	sdelay $0x4  }
0xbb: {  	vm14 =	vlt.f32 v5, v3  }
0xbc: {  	v5 =	vsel vm14, $0x2, v1  }
0xbd: {  	v4 =	vadd.s32 v5, v4;
	_ =	sdelay $0x4  }
0xbe: {  	v5 =	vld.idx.msk [tilespmem:v4+s5+$0x0], $0xffff;
	_ =	sdelay $0x2  }
0xbf: {  	p1 =	sne.s32 s2, $0x1C0  }
.Ltmp1:
0xc0: {  	_ = 	snop;
	(pc) =	sbr.rel @p1 .LBB2_5-.Ltmp1, $4  }
0xc1: {  	vm15 =	vlt.f32 v5, v3  }
0xc2: {  	v3 =	vsel vm15, $0x1, v1  }
0xc3: {  	v3 =	vadd.s32 v3, v4  }
0xc4: {  	s2 =	sadd.s32 $0x40, s2;
	[tilespmem:s12+$0x10480] =	vst v3  }
0xc5: {  	[tilespmem:s20], [sflag:$0x3] =	stream.indirect.gather [hbm4b:s7+s16], $0x8, s19, s16, $0xb8;
	[tilespmem:$0x13800] =	vst v63  }
0xc6: {  	s2 =	simm.s32 $0x0  }
.LBB2_7:
0xc7: {  	s12 =	sshra.s32 s2, $0x2;
	v4 =	vld.idx.msk [tilespmem:v0+s5+$0x0], $0xffff  }
0xc8: {  	v3 =	vld [tilespmem:s12+$0x10100];
	_ =	sdelay $0x4  }
0xc9: {  	vm0 =	vlt.f32 v4, v3  }
0xca: {  	v4 =	vsel vm0, $0x8000, v1  }
0xcb: {  	v5 =	vor.u32 $0x3FFF, v4;
	_ =	sdelay $0x4  }
0xcc: {  	v5 =	vld.idx.msk [tilespmem:v5+s5+$0x0], $0xffff;
	_ =	sdelay $0x4  }
0xcd: {  	vm13 =	vlt.f32 v5, v3  }
0xce: {  	v5 =	vsel vm13, $0x4000, v1  }
0xcf: {  	v4 =	vor.u32 v4, v5  }
0xd0: {  	v5 =	vor.u32 $0x1FFF, v4;
	_ =	sdelay $0x4  }
0xd1: {  	v5 =	vld.idx.msk [tilespmem:v5+s5+$0x0], $0xffff;
	_ =	sdelay $0x4  }
0xd2: {  	vm14 =	vlt.f32 v5, v3  }
0xd3: {  	v5 =	vsel vm14, $0x2000, v1  }
0xd4: {  	v4 =	vor.u32 v5, v4  }
0xd5: {  	v5 =	vor.u32 $0xFFF, v4;
	_ =	sdelay $0x4  }
0xd6: {  	v5 =	vld.idx.msk [tilespmem:v5+s5+$0x0], $0xffff;
	_ =	sdelay $0x4  }
0xd7: {  	vm15 =	vlt.f32 v5, v3  }
0xd8: {  	v5 =	vsel vm15, $0x1000, v1  }
0xd9: {  	v4 =	vor.u32 v5, v4  }
0xda: {  	v5 =	vor.u32 $0x7FF, v4;
	_ =	sdelay $0x4  }
0xdb: {  	v5 =	vld.idx.msk [tilespmem:v5+s5+$0x0], $0xffff;
	_ =	sdelay $0x4  }
0xdc: {  	vm4 =	vlt.f32 v5, v3  }
0xdd: {  	v5 =	vsel vm4, $0x800, v1  }
0xde: {  	v4 =	vor.u32 v5, v4  }
0xdf: {  	v5 =	vor.u32 $0x3FF, v4;
	_ =	sdelay $0x4  }
0xe0: {  	v5 =	vld.idx.msk [tilespmem:v5+s5+$0x0], $0xffff;
	_ =	sdelay $0x4  }
0xe1: {  	vm5 =	vlt.f32 v5, v3  }
0xe2: {  	v5 =	vsel vm5, $0x400, v1  }
0xe3: {  	v4 =	vor.u32 v5, v4  }
0xe4: {  	v5 =	vor.u32 $0x1FF, v4;
	_ =	sdelay $0x4  }
0xe5: {  	v5 =	vld.idx.msk [tilespmem:v5+s5+$0x0], $0xffff;
	_ =	sdelay $0x4  }
0xe6: {  	vm6 =	vlt.f32 v5, v3  }
0xe7: {  	v5 =	vsel vm6, $0x200, v1  }
0xe8: {  	v4 =	vor.u32 v5, v4  }
0xe9: {  	v5 =	vadd.s32 $0xFF, v4;
	_ =	sdelay $0x4  }
0xea: {  	v5 =	vld.idx.msk [tilespmem:v5+s5+$0x0], $0xffff;
	_ =	sdelay $0x4  }
0xeb: {  	vm7 =	vlt.f32 v5, v3  }
0xec: {  	v5 =	vsel vm7, $0x100, v1  }
0xed: {  	v4 =	vadd.s32 v5, v4  }
0xee: {  	v5 =	vadd.s32 $0x7F, v4;
	_ =	sdelay $0x4  }
0xef: {  	v5 =	vld.idx.msk [tilespmem:v5+s5+$0x0], $0xffff;
	_ =	sdelay $0x4  }
0xf0: {  	vm8 =	vlt.f32 v5, v3  }
0xf1: {  	v5 =	vsel vm8, $0x80, v1  }
0xf2: {  	v4 =	vadd.s32 v5, v4  }
0xf3: {  	v5 =	vadd.s32 $0x3F, v4;
	_ =	sdelay $0x4  }
0xf4: {  	v5 =	vld.idx.msk [tilespmem:v5+s5+$0x0], $0xffff;
	_ =	sdelay $0x4  }
0xf5: {  	vm9 =	vlt.f32 v5, v3  }
0xf6: {  	v5 =	vsel vm9, $0x40, v1  }
0xf7: {  	v4 =	vadd.s32 v5, v4  }
0xf8: {  	v5 =	vadd.s32 $0x1F, v4;
	_ =	sdelay $0x4  }
0xf9: {  	v5 =	vld.idx.msk [tilespmem:v5+s5+$0x0], $0xffff;
	_ =	sdelay $0x4  }
0xfa: {  	vm10 =	vlt.f32 v5, v3  }
0xfb: {  	v5 =	vsel vm10, $0x20, v1  }
0xfc: {  	v4 =	vadd.s32 v5, v4  }
0xfd: {  	v5 =	vadd.s32 $0xF, v4;
	_ =	sdelay $0x4  }
0xfe: {  	v5 =	vld.idx.msk [tilespmem:v5+s5+$0x0], $0xffff;
	_ =	sdelay $0x4  }
0xff: {  	vm11 =	vlt.f32 v5, v3  }
0x100: {  	v5 =	vsel vm11, $0x10, v1  }
0x101: {  	v4 =	vadd.s32 v5, v4  }
0x102: {  	v5 =	vadd.s32 $0x7, v4;
	_ =	sdelay $0x4  }
0x103: {  	v5 =	vld.idx.msk [tilespmem:v5+s5+$0x0], $0xffff;
	_ =	sdelay $0x4  }
0x104: {  	vm12 =	vlt.f32 v5, v3  }
0x105: {  	v5 =	vsel vm12, $0x8, v1  }
0x106: {  	v4 =	vadd.s32 v5, v4  }
0x107: {  	v5 =	vadd.s32 $0x3, v4;
	_ =	sdelay $0x4  }
0x108: {  	v5 =	vld.idx.msk [tilespmem:v5+s5+$0x0], $0xffff;
	_ =	sdelay $0x4  }
0x109: {  	vm13 =	vlt.f32 v5, v3  }
0x10a: {  	v5 =	vsel vm13, $0x4, v1  }
0x10b: {  	v4 =	vadd.s32 v5, v4  }
0x10c: {  	v5 =	vadd.s32 $0x1, v4;
	_ =	sdelay $0x4  }
0x10d: {  	v5 =	vld.idx.msk [tilespmem:v5+s5+$0x0], $0xffff;
	_ =	sdelay $0x4  }
0x10e: {  	vm14 =	vlt.f32 v5, v3  }
0x10f: {  	v5 =	vsel vm14, $0x2, v1  }
0x110: {  	v4 =	vadd.s32 v5, v4;
	_ =	sdelay $0x4  }
0x111: {  	v5 =	vld.idx.msk [tilespmem:v4+s5+$0x0], $0xffff;
	_ =	sdelay $0x2  }
0x112: {  	p1 =	sne.s32 s2, $0x1C0  }
.Ltmp2:
0x113: {  	_ = 	snop;
	(pc) =	sbr.rel @p1 .LBB2_7-.Ltmp2, $4  }
0x114: {  	vm15 =	vlt.f32 v5, v3  }
0x115: {  	v3 =	vsel vm15, $0x1, v1  }
0x116: {  	v3 =	vadd.s32 v3, v4  }
0x117: {  	s2 =	sadd.s32 $0x40, s2;
	[tilespmem:s12+$0x10500] =	vst v3  }
0x118: {  	[tilespmem:s22], [sflag:$0x3] =	stream.indirect.gather [hbm4b:s7+s16], $0x8, s21, s16, $0xb8;
	[tilespmem:$0x13800] =	vst v63  }
0x119: {  	s2 =	simm.s32 $0x0  }
.LBB2_9:
0x11a: {  	s12 =	sshra.s32 s2, $0x2;
	v4 =	vld.idx.msk [tilespmem:v0+s5+$0x0], $0xffff  }
0x11b: {  	v3 =	vld [tilespmem:s12+$0x10180];
	_ =	sdelay $0x4  }
0x11c: {  	vm0 =	vlt.f32 v4, v3  }
0x11d: {  	v4 =	vsel vm0, $0x8000, v1  }
0x11e: {  	v5 =	vor.u32 $0x3FFF, v4;
	_ =	sdelay $0x4  }
0x11f: {  	v5 =	vld.idx.msk [tilespmem:v5+s5+$0x0], $0xffff;
	_ =	sdelay $0x4  }
0x120: {  	vm13 =	vlt.f32 v5, v3  }
0x121: {  	v5 =	vsel vm13, $0x4000, v1  }
0x122: {  	v4 =	vor.u32 v4, v5  }
0x123: {  	v5 =	vor.u32 $0x1FFF, v4;
	_ =	sdelay $0x4  }
0x124: {  	v5 =	vld.idx.msk [tilespmem:v5+s5+$0x0], $0xffff;
	_ =	sdelay $0x4  }
0x125: {  	vm14 =	vlt.f32 v5, v3  }
0x126: {  	v5 =	vsel vm14, $0x2000, v1  }
0x127: {  	v4 =	vor.u32 v5, v4  }
0x128: {  	v5 =	vor.u32 $0xFFF, v4;
	_ =	sdelay $0x4  }
0x129: {  	v5 =	vld.idx.msk [tilespmem:v5+s5+$0x0], $0xffff;
	_ =	sdelay $0x4  }
0x12a: {  	vm15 =	vlt.f32 v5, v3  }
0x12b: {  	v5 =	vsel vm15, $0x1000, v1  }
0x12c: {  	v4 =	vor.u32 v5, v4  }
0x12d: {  	v5 =	vor.u32 $0x7FF, v4;
	_ =	sdelay $0x4  }
0x12e: {  	v5 =	vld.idx.msk [tilespmem:v5+s5+$0x0], $0xffff;
	_ =	sdelay $0x4  }
0x12f: {  	vm4 =	vlt.f32 v5, v3  }
0x130: {  	v5 =	vsel vm4, $0x800, v1  }
0x131: {  	v4 =	vor.u32 v5, v4  }
0x132: {  	v5 =	vor.u32 $0x3FF, v4;
	_ =	sdelay $0x4  }
0x133: {  	v5 =	vld.idx.msk [tilespmem:v5+s5+$0x0], $0xffff;
	_ =	sdelay $0x4  }
0x134: {  	vm5 =	vlt.f32 v5, v3  }
0x135: {  	v5 =	vsel vm5, $0x400, v1  }
0x136: {  	v4 =	vor.u32 v5, v4  }
0x137: {  	v5 =	vor.u32 $0x1FF, v4;
	_ =	sdelay $0x4  }
0x138: {  	v5 =	vld.idx.msk [tilespmem:v5+s5+$0x0], $0xffff;
	_ =	sdelay $0x4  }
0x139: {  	vm6 =	vlt.f32 v5, v3  }
0x13a: {  	v5 =	vsel vm6, $0x200, v1  }
0x13b: {  	v4 =	vor.u32 v5, v4  }
0x13c: {  	v5 =	vadd.s32 $0xFF, v4;
	_ =	sdelay $0x4  }
0x13d: {  	v5 =	vld.idx.msk [tilespmem:v5+s5+$0x0], $0xffff;
	_ =	sdelay $0x4  }
0x13e: {  	vm7 =	vlt.f32 v5, v3  }
0x13f: {  	v5 =	vsel vm7, $0x100, v1  }
0x140: {  	v4 =	vadd.s32 v5, v4  }
0x141: {  	v5 =	vadd.s32 $0x7F, v4;
	_ =	sdelay $0x4  }
0x142: {  	v5 =	vld.idx.msk [tilespmem:v5+s5+$0x0], $0xffff;
	_ =	sdelay $0x4  }
0x143: {  	vm8 =	vlt.f32 v5, v3  }
0x144: {  	v5 =	vsel vm8, $0x80, v1  }
0x145: {  	v4 =	vadd.s32 v5, v4  }
0x146: {  	v5 =	vadd.s32 $0x3F, v4;
	_ =	sdelay $0x4  }
0x147: {  	v5 =	vld.idx.msk [tilespmem:v5+s5+$0x0], $0xffff;
	_ =	sdelay $0x4  }
0x148: {  	vm9 =	vlt.f32 v5, v3  }
0x149: {  	v5 =	vsel vm9, $0x40, v1  }
0x14a: {  	v4 =	vadd.s32 v5, v4  }
0x14b: {  	v5 =	vadd.s32 $0x1F, v4;
	_ =	sdelay $0x4  }
0x14c: {  	v5 =	vld.idx.msk [tilespmem:v5+s5+$0x0], $0xffff;
	_ =	sdelay $0x4  }
0x14d: {  	vm10 =	vlt.f32 v5, v3  }
0x14e: {  	v5 =	vsel vm10, $0x20, v1  }
0x14f: {  	v4 =	vadd.s32 v5, v4  }
0x150: {  	v5 =	vadd.s32 $0xF, v4;
	_ =	sdelay $0x4  }
0x151: {  	v5 =	vld.idx.msk [tilespmem:v5+s5+$0x0], $0xffff;
	_ =	sdelay $0x4  }
0x152: {  	vm11 =	vlt.f32 v5, v3  }
0x153: {  	v5 =	vsel vm11, $0x10, v1  }
0x154: {  	v4 =	vadd.s32 v5, v4  }
0x155: {  	v5 =	vadd.s32 $0x7, v4;
	_ =	sdelay $0x4  }
0x156: {  	v5 =	vld.idx.msk [tilespmem:v5+s5+$0x0], $0xffff;
	_ =	sdelay $0x4  }
0x157: {  	vm12 =	vlt.f32 v5, v3  }
0x158: {  	v5 =	vsel vm12, $0x8, v1  }
0x159: {  	v4 =	vadd.s32 v5, v4  }
0x15a: {  	v5 =	vadd.s32 $0x3, v4;
	_ =	sdelay $0x4  }
0x15b: {  	v5 =	vld.idx.msk [tilespmem:v5+s5+$0x0], $0xffff;
	_ =	sdelay $0x4  }
0x15c: {  	vm13 =	vlt.f32 v5, v3  }
0x15d: {  	v5 =	vsel vm13, $0x4, v1  }
0x15e: {  	v4 =	vadd.s32 v5, v4  }
0x15f: {  	v5 =	vadd.s32 $0x1, v4;
	_ =	sdelay $0x4  }
0x160: {  	v5 =	vld.idx.msk [tilespmem:v5+s5+$0x0], $0xffff;
	_ =	sdelay $0x4  }
0x161: {  	vm14 =	vlt.f32 v5, v3  }
0x162: {  	v5 =	vsel vm14, $0x2, v1  }
0x163: {  	v4 =	vadd.s32 v5, v4;
	_ =	sdelay $0x4  }
0x164: {  	v5 =	vld.idx.msk [tilespmem:v4+s5+$0x0], $0xffff;
	_ =	sdelay $0x2  }
0x165: {  	p1 =	sne.s32 s2, $0x1C0  }
.Ltmp3:
0x166: {  	_ = 	snop;
	(pc) =	sbr.rel @p1 .LBB2_9-.Ltmp3, $4  }
0x167: {  	vm15 =	vlt.f32 v5, v3  }
0x168: {  	v3 =	vsel vm15, $0x1, v1  }
0x169: {  	v3 =	vadd.s32 v3, v4  }
0x16a: {  	s2 =	sadd.s32 $0x40, s2;
	[tilespmem:s12+$0x10580] =	vst v3  }
0x16b: {  	s2 =	simm.s32 $0x0  }
0x16c: {  	v3 =	vmov s2  }
0x16d: {  	[tilespmem:s24], [sflag:$0x3] =	stream.indirect.gather [hbm4b:s7+s16], $0x8, s23, s16, $0xb8;
	v3 =	vshll.u32 v3, $0x3;
	[tilespmem:$0x13800] =	vst v63  }
0x16e: {  	_ =	swait.ge [sflag:s25], $0x400;
	v3 =	vor.u32 v2, v3  }
0x16f: {  	[sflag:s25] =	ssyncset.done $0x0;
	v4 =	vor.u32 $0x1, v3  }
0x170: {  	s13 =	simm.s32 $0x10000;
	[sflag:s25] =	ssyncadd.s32 $0xFFFFFC00;
	v5 =	vor.u32 $0x2, v3  }
0x171: {  	s12 =	simm.s32 $0x10400;
	v6 =	vor.u32 $0x3, v3;
	v10 =	vld [tilespmem:s13+$0x0]  }
0x172: {  	v7 =	vor.u32 $0x4, v3;
	v11 =	vld [tilespmem:s12+$0x0]  }
0x173: {  	v9 =	vor.u32 $0x5, v3;
	v8 =	vld.idx.msk [tilespmem:v3+s18+$0x0], $0xffff  }
0x174: {  	v3 =	vor.u32 $0x6, v3;
	v4 =	vld.idx.msk [tilespmem:v4+s18+$0x0], $0xffff  }
0x175: {  	s15 =	simm.s32 $0x10;
	v5 =	vld.idx.msk [tilespmem:v5+s18+$0x0], $0xffff  }
0x176: {  	v12 =	vmov s15;
	v6 =	vld.idx.msk [tilespmem:v6+s18+$0x0], $0xffff  }
0x177: {  	v12 =	vshll.u32 v12, $0x3;
	v7 =	vld.idx.msk [tilespmem:v7+s18+$0x0], $0xffff  }
0x178: {  	v12 =	vor.u32 v2, v12;
	v9 =	vld.idx.msk [tilespmem:v9+s18+$0x0], $0xffff;
	vm0 =	vlt.f32 v8, v10  }
0x179: {  	v3 =	vld.idx.msk [tilespmem:v3+s18+$0x0], $0xffff;
	v8 =	vsel vm0, $0x1, v1;
	vm14 =	vlt.f32 v4, v10;
	v4 =	vshll.u32 v11, $0x3  }
0x17a: {  	vm15 =	vlt.f32 v5, v10;
	v56 =	vsel vm14, $0x1, v1;
	v4 =	vor.u32 v8, v4  }
0x17b: {  	vm4 =	vlt.f32 v6, v10;
	v5 =	vsel vm15, $0x1, v1;
	v4 =	vadd.s32 v56, v4  }
0x17c: {  	vm5 =	vlt.f32 v7, v10;
	v6 =	vsel vm4, $0x1, v1;
	v4 =	vadd.s32 v5, v4  }
0x17d: {  	vm6 =	vlt.f32 v9, v10;
	v5 =	vsel vm5, $0x1, v1;
	v4 =	vadd.s32 v6, v4  }
0x17e: {  	v6 =	vsel vm6, $0x1, v1;
	vm7 =	vlt.f32 v3, v10;
	v3 =	vadd.s32 v5, v4  }
0x17f: {  	v4 =	vsel vm7, $0x1, v1;
	v5 =	vor.u32 $0x1, v12;
	v3 =	vadd.s32 v6, v3  }
0x180: {  	v3 =	vadd.s32 v4, v3  }
0x181: {  	vm8 =	vlt.s32 v3, $0x7FFFF  }
0x182: {  	s13 =	simm.s32 $0x11600;
	v3 =	vnsel vm8, $0x7FFFF, v3  }
0x183: {  	v6 =	vor.u32 $0x4, v12;
	[tilespmem:s13+$0x0] =	vst v3  }
0x184: {  	v4 =	vor.u32 $0x2, v12;
	v5 =	vld.idx.msk [tilespmem:v5+s18+$0x0], $0xffff  }
0x185: {  	s12 =	simm.s32 $0x10010;
	v3 =	vor.u32 $0x3, v12;
	v7 =	vld.idx.msk [tilespmem:v12+s18+$0x0], $0xffff  }
0x186: {  	s2 =	simm.s32 $0x10410;
	v8 =	vor.u32 $0x5, v12;
	v57 =	vld [tilespmem:s12+$0x0]  }
0x187: {  	v59 =	vld [tilespmem:s2+$0x0]  }
0x188: {  	v58 =	vor.u32 $0x6, v12;
	v6 =	vld.idx.msk [tilespmem:v6+s18+$0x0], $0xffff  }
0x189: {  	v4 =	vld.idx.msk [tilespmem:v4+s18+$0x0], $0xffff  }
0x18a: {  	s15 =	simm.s32 $0x20;
	v60 =	vld.idx.msk [tilespmem:v3+s18+$0x0], $0xffff  }
0x18b: {  	v8 =	vld.idx.msk [tilespmem:v8+s18+$0x0], $0xffff;
	v3 =	vmov s15  }
0x18c: {  	v3 =	vshll.u32 v3, $0x3;
	vm9 =	vlt.f32 v7, v57;
	vm10 =	vlt.f32 v5, v57  }
0x18d: {  	v7 =	vld.idx.msk [tilespmem:v58+s18+$0x0], $0xffff;
	v5 =	vshll.u32 v59, $0x3;
	vm13 =	vlt.f32 v6, v57;
	v61 =	vsel vm9, $0x1, v1  }
0x18e: {  	v62 =	vsel vm10, $0x1, v1;
	vm11 =	vlt.f32 v4, v57;
	v4 =	vor.u32 v61, v5  }
0x18f: {  	v5 =	vsel vm11, $0x1, v1;
	v4 =	vadd.s32 v62, v4;
	vm12 =	vlt.f32 v60, v57  }
0x190: {  	vm14 =	vlt.f32 v8, v57;
	v4 =	vadd.s32 v5, v4;
	v63 =	vsel vm12, $0x1, v1  }
0x191: {  	v3 =	vor.u32 v2, v3;
	v5 =	vsel vm13, $0x1, v1;
	v4 =	vadd.s32 v63, v4  }
0x192: {  	v6 =	vsel vm14, $0x1, v1;
	vm15 =	vlt.f32 v7, v57;
	v7 =	vadd.s32 v5, v4  }
0x193: {  	s15 =	simm.s32 $0x30;
	v4 =	vor.u32 $0x2, v3;
	v5 =	vsel vm15, $0x1, v1;
	v6 =	vadd.s32 v6, v7  }
.LBB2_11:
0x194: {  	p1 =	sne.s32 s15, $0x70;
	v7 =	vor.u32 $0x1, v3;
	v5 =	vadd.s32 v5, v6  }
0x195: {  	vm0 =	vlt.s32 v5, $0x7FFFF  }
0x196: {  	s13 =	sadd.s32 $0x10, s13;
	v5 =	vnsel vm0, $0x7FFFF, v5  }
0x197: {  	[tilespmem:s13+$0x0] =	vst v5  }
0x198: {  	v5 =	vor.u32 $0x3, v3;
	v4 =	vld.idx.msk [tilespmem:v4+s18+$0x0], $0xffff  }
0x199: {  	v6 =	vld.idx.msk [tilespmem:v7+s18+$0x0], $0xffff;
	v7 =	vor.u32 $0x4, v3  }
0x19a: {  	v9 =	vor.u32 $0x5, v3;
	s12 =	sadd.s32 $0x10, s12;
	v8 =	vld.idx.msk [tilespmem:v3+s18+$0x0], $0xffff  }
0x19b: {  	v11 =	vor.u32 $0x6, v3;
	s2 =	sadd.s32 $0x10, s2;
	v10 =	vld [tilespmem:s12+$0x0]  }
0x19c: {  	v12 =	vld [tilespmem:s2+$0x0]  }
0x19d: {  	v5 =	vld.idx.msk [tilespmem:v5+s18+$0x0], $0xffff  }
0x19e: {  	v3 =	vmov s15;
	v7 =	vld.idx.msk [tilespmem:v7+s18+$0x0], $0xffff  }
0x19f: {  	v3 =	vshll.u32 v3, $0x3;
	v9 =	vld.idx.msk [tilespmem:v9+s18+$0x0], $0xffff  }
0x1a0: {  	v3 =	vor.u32 v2, v3;
	vm0 =	vlt.f32 v8, v10;
	v8 =	vld.idx.msk [tilespmem:v11+s18+$0x0], $0xffff  }
0x1a1: {  	v11 =	vsel vm0, $0x1, v1;
	vm0 =	vlt.f32 v6, v10;
	v6 =	vshll.u32 v12, $0x3  }
0x1a2: {  	v12 =	vsel vm0, $0x1, v1;
	vm0 =	vlt.f32 v4, v10;
	v4 =	vor.u32 v11, v6  }
.Ltmp4:
0x1a3: {  	v6 =	vsel vm0, $0x1, v1;
	vm0 =	vlt.f32 v5, v10;
	v4 =	vadd.s32 v12, v4;
	(pc) =	sbr.rel @p1 .LBB2_11-.Ltmp4, $4  }
0x1a4: {  	v5 =	vsel vm0, $0x1, v1;
	vm0 =	vlt.f32 v7, v10;
	v4 =	vadd.s32 v6, v4  }
0x1a5: {  	v6 =	vsel vm0, $0x1, v1;
	vm0 =	vlt.f32 v9, v10;
	v4 =	vadd.s32 v5, v4  }
0x1a6: {  	v7 =	vsel vm0, $0x1, v1;
	vm0 =	vlt.f32 v8, v10;
	v6 =	vadd.s32 v6, v4  }
0x1a7: {  	s15 =	sadd.s32 $0x10, s15;
	v4 =	vor.u32 $0x2, v3;
	v5 =	vsel vm0, $0x1, v1;
	v6 =	vadd.s32 v7, v6  }
0x1a8: {  	v7 =	vor.u32 $0x1, v3;
	v5 =	vadd.s32 v5, v6  }
0x1a9: {  	vm0 =	vlt.s32 v5, $0x7FFFF  }
0x1aa: {  	s13 =	sadd.s32 $0x10, s13;
	v5 =	vnsel vm0, $0x7FFFF, v5  }
0x1ab: {  	[tilespmem:s13+$0x0] =	vst v5  }
0x1ac: {  	v5 =	vor.u32 $0x3, v3;
	v8 =	vld.idx.msk [tilespmem:v3+s18+$0x0], $0xffff  }
0x1ad: {  	s12 =	sadd.s32 $0x10, s12;
	v6 =	vld.idx.msk [tilespmem:v7+s18+$0x0], $0xffff;
	v7 =	vor.u32 $0x4, v3  }
0x1ae: {  	v9 =	vor.u32 $0x5, v3;
	s2 =	sadd.s32 $0x10, s2;
	v10 =	vld [tilespmem:s12+$0x0]  }
0x1af: {  	v11 =	vld [tilespmem:s2+$0x0];
	v3 =	vor.u32 $0x6, v3  }
0x1b0: {  	v4 =	vld.idx.msk [tilespmem:v4+s18+$0x0], $0xffff  }
0x1b1: {  	v5 =	vld.idx.msk [tilespmem:v5+s18+$0x0], $0xffff  }
0x1b2: {  	v7 =	vld.idx.msk [tilespmem:v7+s18+$0x0], $0xffff  }
0x1b3: {  	v9 =	vld.idx.msk [tilespmem:v9+s18+$0x0], $0xffff;
	vm5 =	vlt.f32 v8, v10  }
0x1b4: {  	v3 =	vld.idx.msk [tilespmem:v3+s18+$0x0], $0xffff;
	v8 =	vsel vm5, $0x1, v1;
	vm6 =	vlt.f32 v6, v10;
	v6 =	vshll.u32 v11, $0x3  }
0x1b5: {  	vm7 =	vlt.f32 v4, v10;
	v52 =	vsel vm6, $0x1, v1;
	v4 =	vor.u32 v8, v6  }
0x1b6: {  	v6 =	vsel vm7, $0x1, v1;
	v4 =	vadd.s32 v52, v4;
	vm8 =	vlt.f32 v5, v10  }
0x1b7: {  	v4 =	vadd.s32 v6, v4;
	v5 =	vsel vm8, $0x1, v1;
	vm9 =	vlt.f32 v7, v10  }
0x1b8: {  	vm10 =	vlt.f32 v9, v10;
	v4 =	vadd.s32 v5, v4;
	v6 =	vsel vm9, $0x1, v1  }
0x1b9: {  	v5 =	vsel vm10, $0x1, v1;
	vm11 =	vlt.f32 v3, v10;
	v3 =	vadd.s32 v6, v4  }
0x1ba: {  	s2 =	simm.s32 $0x80;
	v4 =	vsel vm11, $0x1, v1;
	v3 =	vadd.s32 v5, v3  }
0x1bb: {  	v3 =	vadd.s32 v4, v3;
	v4 =	vmov s2  }
0x1bc: {  	vm12 =	vlt.s32 v3, $0x7FFFF;
	v4 =	vshll.u32 v4, $0x3  }
0x1bd: {  	s15 =	sadd.s32 $0x10, s13;
	v3 =	vnsel vm12, $0x7FFFF, v3;
	v4 =	vor.u32 v2, v4  }
0x1be: {  	[tilespmem:s15+$0x0] =	vst v3;
	v3 =	vor.u32 $0x1, v4  }
0x1bf: {  	[tilespmem:s28], [sflag:$0x4] =	stream.indirect.gather [hbm4b:s4+s2], $0x8, s26, s2, $0xb8;
	[tilespmem:$0x13800] =	vst v63  }
0x1c0: {  	_ =	swait.ge [sflag:s25], $0x400  }
0x1c1: {  	[sflag:s25] =	ssyncset.done $0x0  }
0x1c2: {  	v5 =	vor.u32 $0x2, v4;
	[sflag:s25] =	ssyncadd.s32 $0xFFFFFC00  }
0x1c3: {  	v6 =	vor.u32 $0x3, v4;
	v3 =	vld.idx.msk [tilespmem:v3+s18+$0x0], $0xffff  }
0x1c4: {  	s12 =	simm.s32 $0x10080;
	v7 =	vor.u32 $0x4, v4;
	v8 =	vld.idx.msk [tilespmem:v4+s18+$0x0], $0xffff  }
0x1c5: {  	s13 =	simm.s32 $0x10480;
	v53 =	vor.u32 $0x5, v4;
	v54 =	vld [tilespmem:s12+$0x0]  }
0x1c6: {  	v4 =	vor.u32 $0x6, v4;
	v55 =	vld [tilespmem:s13+$0x0]  }
0x1c7: {  	s15 =	simm.s32 $0x90;
	v5 =	vld.idx.msk [tilespmem:v5+s18+$0x0], $0xffff  }
0x1c8: {  	v12 =	vmov s15;
	v6 =	vld.idx.msk [tilespmem:v6+s18+$0x0], $0xffff  }
0x1c9: {  	v12 =	vshll.u32 v12, $0x3;
	v7 =	vld.idx.msk [tilespmem:v7+s18+$0x0], $0xffff  }
0x1ca: {  	v12 =	vor.u32 v2, v12;
	v9 =	vld.idx.msk [tilespmem:v53+s18+$0x0], $0xffff;
	vm13 =	vlt.f32 v8, v54  }
0x1cb: {  	v4 =	vld.idx.msk [tilespmem:v4+s18+$0x0], $0xffff;
	vm14 =	vlt.f32 v3, v54;
	v3 =	vshll.u32 v55, $0x3;
	v8 =	vsel vm13, $0x1, v1  }
0x1cc: {  	vm15 =	vlt.f32 v5, v54;
	v56 =	vsel vm14, $0x1, v1;
	v3 =	vor.u32 v8, v3  }
0x1cd: {  	vm4 =	vlt.f32 v6, v54;
	v5 =	vsel vm15, $0x1, v1;
	v3 =	vadd.s32 v56, v3  }
0x1ce: {  	vm5 =	vlt.f32 v7, v54;
	v6 =	vsel vm4, $0x1, v1;
	v3 =	vadd.s32 v5, v3  }
0x1cf: {  	vm6 =	vlt.f32 v9, v54;
	v5 =	vsel vm5, $0x1, v1;
	v3 =	vadd.s32 v6, v3  }
0x1d0: {  	v6 =	vsel vm6, $0x1, v1;
	vm7 =	vlt.f32 v4, v54;
	v3 =	vadd.s32 v5, v3  }
0x1d1: {  	v4 =	vsel vm7, $0x1, v1;
	v5 =	vor.u32 $0x1, v12;
	v3 =	vadd.s32 v6, v3  }
0x1d2: {  	v3 =	vadd.s32 v4, v3  }
0x1d3: {  	vm8 =	vlt.s32 v3, $0x7FFFF  }
0x1d4: {  	s13 =	simm.s32 $0x11680;
	v3 =	vnsel vm8, $0x7FFFF, v3  }
0x1d5: {  	v6 =	vor.u32 $0x4, v12;
	[tilespmem:s13+$0x0] =	vst v3  }
0x1d6: {  	v4 =	vor.u32 $0x2, v12;
	v5 =	vld.idx.msk [tilespmem:v5+s18+$0x0], $0xffff  }
0x1d7: {  	s2 =	simm.s32 $0x10090;
	v3 =	vor.u32 $0x3, v12;
	v7 =	vld.idx.msk [tilespmem:v12+s18+$0x0], $0xffff  }
0x1d8: {  	s12 =	simm.s32 $0x10490;
	v8 =	vor.u32 $0x5, v12;
	v57 =	vld [tilespmem:s2+$0x0]  }
0x1d9: {  	v59 =	vld [tilespmem:s12+$0x0]  }
0x1da: {  	v58 =	vor.u32 $0x6, v12;
	v6 =	vld.idx.msk [tilespmem:v6+s18+$0x0], $0xffff  }
0x1db: {  	v4 =	vld.idx.msk [tilespmem:v4+s18+$0x0], $0xffff  }
0x1dc: {  	s15 =	simm.s32 $0xA0;
	v60 =	vld.idx.msk [tilespmem:v3+s18+$0x0], $0xffff  }
0x1dd: {  	v8 =	vld.idx.msk [tilespmem:v8+s18+$0x0], $0xffff;
	v3 =	vmov s15  }
0x1de: {  	v3 =	vshll.u32 v3, $0x3;
	vm9 =	vlt.f32 v7, v57;
	vm10 =	vlt.f32 v5, v57  }
0x1df: {  	v7 =	vld.idx.msk [tilespmem:v58+s18+$0x0], $0xffff;
	v5 =	vshll.u32 v59, $0x3;
	vm13 =	vlt.f32 v6, v57;
	v61 =	vsel vm9, $0x1, v1  }
0x1e0: {  	v62 =	vsel vm10, $0x1, v1;
	vm11 =	vlt.f32 v4, v57;
	v4 =	vor.u32 v61, v5  }
0x1e1: {  	v5 =	vsel vm11, $0x1, v1;
	v4 =	vadd.s32 v62, v4;
	vm12 =	vlt.f32 v60, v57  }
0x1e2: {  	vm14 =	vlt.f32 v8, v57;
	v4 =	vadd.s32 v5, v4;
	v63 =	vsel vm12, $0x1, v1  }
0x1e3: {  	v3 =	vor.u32 v2, v3;
	v5 =	vsel vm13, $0x1, v1;
	v4 =	vadd.s32 v63, v4  }
0x1e4: {  	v6 =	vsel vm14, $0x1, v1;
	vm15 =	vlt.f32 v7, v57;
	v7 =	vadd.s32 v5, v4  }
0x1e5: {  	s15 =	simm.s32 $0xB0;
	v4 =	vor.u32 $0x2, v3;
	v5 =	vsel vm15, $0x1, v1;
	v6 =	vadd.s32 v6, v7  }
.LBB2_13:
0x1e6: {  	p1 =	sne.s32 s15, $0xF0;
	v7 =	vor.u32 $0x1, v3;
	v5 =	vadd.s32 v5, v6  }
0x1e7: {  	vm0 =	vlt.s32 v5, $0x7FFFF  }
0x1e8: {  	s13 =	sadd.s32 $0x10, s13;
	v5 =	vnsel vm0, $0x7FFFF, v5  }
0x1e9: {  	[tilespmem:s13+$0x0] =	vst v5  }
0x1ea: {  	v5 =	vor.u32 $0x3, v3;
	v4 =	vld.idx.msk [tilespmem:v4+s18+$0x0], $0xffff  }
0x1eb: {  	v6 =	vld.idx.msk [tilespmem:v7+s18+$0x0], $0xffff;
	v7 =	vor.u32 $0x4, v3  }
0x1ec: {  	v9 =	vor.u32 $0x5, v3;
	s2 =	sadd.s32 $0x10, s2;
	v8 =	vld.idx.msk [tilespmem:v3+s18+$0x0], $0xffff  }
0x1ed: {  	v11 =	vor.u32 $0x6, v3;
	s12 =	sadd.s32 $0x10, s12;
	v10 =	vld [tilespmem:s2+$0x0]  }
0x1ee: {  	v12 =	vld [tilespmem:s12+$0x0]  }
0x1ef: {  	v5 =	vld.idx.msk [tilespmem:v5+s18+$0x0], $0xffff  }
0x1f0: {  	v3 =	vmov s15;
	v7 =	vld.idx.msk [tilespmem:v7+s18+$0x0], $0xffff  }
0x1f1: {  	v3 =	vshll.u32 v3, $0x3;
	v9 =	vld.idx.msk [tilespmem:v9+s18+$0x0], $0xffff  }
0x1f2: {  	v3 =	vor.u32 v2, v3;
	vm0 =	vlt.f32 v8, v10;
	v8 =	vld.idx.msk [tilespmem:v11+s18+$0x0], $0xffff  }
0x1f3: {  	v11 =	vsel vm0, $0x1, v1;
	vm0 =	vlt.f32 v6, v10;
	v6 =	vshll.u32 v12, $0x3  }
0x1f4: {  	v12 =	vsel vm0, $0x1, v1;
	vm0 =	vlt.f32 v4, v10;
	v4 =	vor.u32 v11, v6  }
.Ltmp5:
0x1f5: {  	v6 =	vsel vm0, $0x1, v1;
	vm0 =	vlt.f32 v5, v10;
	v4 =	vadd.s32 v12, v4;
	(pc) =	sbr.rel @p1 .LBB2_13-.Ltmp5, $4  }
0x1f6: {  	v5 =	vsel vm0, $0x1, v1;
	vm0 =	vlt.f32 v7, v10;
	v4 =	vadd.s32 v6, v4  }
0x1f7: {  	v6 =	vsel vm0, $0x1, v1;
	vm0 =	vlt.f32 v9, v10;
	v4 =	vadd.s32 v5, v4  }
0x1f8: {  	v7 =	vsel vm0, $0x1, v1;
	vm0 =	vlt.f32 v8, v10;
	v6 =	vadd.s32 v6, v4  }
0x1f9: {  	s15 =	sadd.s32 $0x10, s15;
	v4 =	vor.u32 $0x2, v3;
	v5 =	vsel vm0, $0x1, v1;
	v6 =	vadd.s32 v7, v6  }
0x1fa: {  	v7 =	vor.u32 $0x1, v3;
	v5 =	vadd.s32 v5, v6  }
0x1fb: {  	vm0 =	vlt.s32 v5, $0x7FFFF  }
0x1fc: {  	s13 =	sadd.s32 $0x10, s13;
	v5 =	vnsel vm0, $0x7FFFF, v5  }
0x1fd: {  	[tilespmem:s13+$0x0] =	vst v5  }
0x1fe: {  	v5 =	vor.u32 $0x3, v3;
	v8 =	vld.idx.msk [tilespmem:v3+s18+$0x0], $0xffff  }
0x1ff: {  	s2 =	sadd.s32 $0x10, s2;
	v6 =	vld.idx.msk [tilespmem:v7+s18+$0x0], $0xffff;
	v7 =	vor.u32 $0x4, v3  }
0x200: {  	v9 =	vor.u32 $0x5, v3;
	s15 =	sadd.s32 $0x10, s12;
	v10 =	vld [tilespmem:s2+$0x0]  }
0x201: {  	v11 =	vld [tilespmem:s15+$0x0];
	v3 =	vor.u32 $0x6, v3  }
0x202: {  	v4 =	vld.idx.msk [tilespmem:v4+s18+$0x0], $0xffff  }
0x203: {  	v5 =	vld.idx.msk [tilespmem:v5+s18+$0x0], $0xffff  }
0x204: {  	v7 =	vld.idx.msk [tilespmem:v7+s18+$0x0], $0xffff  }
0x205: {  	v9 =	vld.idx.msk [tilespmem:v9+s18+$0x0], $0xffff;
	vm5 =	vlt.f32 v8, v10  }
0x206: {  	v3 =	vld.idx.msk [tilespmem:v3+s18+$0x0], $0xffff;
	v8 =	vsel vm5, $0x1, v1;
	vm6 =	vlt.f32 v6, v10;
	v6 =	vshll.u32 v11, $0x3  }
0x207: {  	vm7 =	vlt.f32 v4, v10;
	v52 =	vsel vm6, $0x1, v1;
	v4 =	vor.u32 v8, v6  }
0x208: {  	v6 =	vsel vm7, $0x1, v1;
	v4 =	vadd.s32 v52, v4;
	vm8 =	vlt.f32 v5, v10  }
0x209: {  	v4 =	vadd.s32 v6, v4;
	v5 =	vsel vm8, $0x1, v1;
	vm9 =	vlt.f32 v7, v10  }
0x20a: {  	vm10 =	vlt.f32 v9, v10;
	v4 =	vadd.s32 v5, v4;
	v6 =	vsel vm9, $0x1, v1  }
0x20b: {  	v5 =	vsel vm10, $0x1, v1;
	vm11 =	vlt.f32 v3, v10;
	v3 =	vadd.s32 v6, v4  }
0x20c: {  	s12 =	simm.s32 $0x100;
	v4 =	vsel vm11, $0x1, v1;
	v3 =	vadd.s32 v5, v3  }
0x20d: {  	v3 =	vadd.s32 v4, v3;
	v4 =	vmov s12  }
0x20e: {  	vm12 =	vlt.s32 v3, $0x7FFFF;
	v4 =	vshll.u32 v4, $0x3  }
0x20f: {  	s13 =	sadd.s32 $0x10, s13;
	v3 =	vnsel vm12, $0x7FFFF, v3;
	v4 =	vor.u32 v2, v4  }
0x210: {  	s15 =	simm.s32 $0x11C00;
	[tilespmem:s13+$0x0] =	vst v3;
	v3 =	vor.u32 $0x1, v4  }
0x211: {  	[tilespmem:s15], [sflag:$0x4] =	stream.indirect.gather [hbm4b:s4+s16], $0x8, s29, s16, $0xb8;
	[tilespmem:$0x13800] =	vst v63  }
0x212: {  	_ =	swait.ge [sflag:s25], $0x400  }
0x213: {  	[sflag:s25] =	ssyncset.done $0x0  }
0x214: {  	v5 =	vor.u32 $0x2, v4;
	[sflag:s25] =	ssyncadd.s32 $0xFFFFFC00  }
0x215: {  	v6 =	vor.u32 $0x3, v4;
	v3 =	vld.idx.msk [tilespmem:v3+s18+$0x0], $0xffff  }
0x216: {  	s12 =	simm.s32 $0x10100;
	v7 =	vor.u32 $0x4, v4;
	v8 =	vld.idx.msk [tilespmem:v4+s18+$0x0], $0xffff  }
0x217: {  	s13 =	simm.s32 $0x10500;
	v53 =	vor.u32 $0x5, v4;
	v54 =	vld [tilespmem:s12+$0x0]  }
0x218: {  	v4 =	vor.u32 $0x6, v4;
	v55 =	vld [tilespmem:s13+$0x0]  }
0x219: {  	s15 =	simm.s32 $0x110;
	v5 =	vld.idx.msk [tilespmem:v5+s18+$0x0], $0xffff  }
0x21a: {  	v12 =	vmov s15;
	v6 =	vld.idx.msk [tilespmem:v6+s18+$0x0], $0xffff  }
0x21b: {  	v12 =	vshll.u32 v12, $0x3;
	v7 =	vld.idx.msk [tilespmem:v7+s18+$0x0], $0xffff  }
0x21c: {  	v12 =	vor.u32 v2, v12;
	v9 =	vld.idx.msk [tilespmem:v53+s18+$0x0], $0xffff;
	vm13 =	vlt.f32 v8, v54  }
0x21d: {  	v4 =	vld.idx.msk [tilespmem:v4+s18+$0x0], $0xffff;
	vm14 =	vlt.f32 v3, v54;
	v3 =	vshll.u32 v55, $0x3;
	v8 =	vsel vm13, $0x1, v1  }
0x21e: {  	vm15 =	vlt.f32 v5, v54;
	v56 =	vsel vm14, $0x1, v1;
	v3 =	vor.u32 v8, v3  }
0x21f: {  	vm4 =	vlt.f32 v6, v54;
	v5 =	vsel vm15, $0x1, v1;
	v3 =	vadd.s32 v56, v3  }
0x220: {  	vm5 =	vlt.f32 v7, v54;
	v6 =	vsel vm4, $0x1, v1;
	v3 =	vadd.s32 v5, v3  }
0x221: {  	vm6 =	vlt.f32 v9, v54;
	v5 =	vsel vm5, $0x1, v1;
	v3 =	vadd.s32 v6, v3  }
0x222: {  	v6 =	vsel vm6, $0x1, v1;
	vm7 =	vlt.f32 v4, v54;
	v3 =	vadd.s32 v5, v3  }
0x223: {  	v4 =	vsel vm7, $0x1, v1;
	v5 =	vor.u32 $0x1, v12;
	v3 =	vadd.s32 v6, v3  }
0x224: {  	v3 =	vadd.s32 v4, v3  }
0x225: {  	vm8 =	vlt.s32 v3, $0x7FFFF  }
0x226: {  	s13 =	simm.s32 $0x11700;
	v3 =	vnsel vm8, $0x7FFFF, v3  }
0x227: {  	v6 =	vor.u32 $0x4, v12;
	[tilespmem:s13+$0x0] =	vst v3  }
0x228: {  	v4 =	vor.u32 $0x2, v12;
	v5 =	vld.idx.msk [tilespmem:v5+s18+$0x0], $0xffff  }
0x229: {  	s2 =	simm.s32 $0x10110;
	v3 =	vor.u32 $0x3, v12;
	v7 =	vld.idx.msk [tilespmem:v12+s18+$0x0], $0xffff  }
0x22a: {  	s12 =	simm.s32 $0x10510;
	v8 =	vor.u32 $0x5, v12;
	v57 =	vld [tilespmem:s2+$0x0]  }
0x22b: {  	v59 =	vld [tilespmem:s12+$0x0]  }
0x22c: {  	v58 =	vor.u32 $0x6, v12;
	v6 =	vld.idx.msk [tilespmem:v6+s18+$0x0], $0xffff  }
0x22d: {  	v4 =	vld.idx.msk [tilespmem:v4+s18+$0x0], $0xffff  }
0x22e: {  	s15 =	simm.s32 $0x120;
	v60 =	vld.idx.msk [tilespmem:v3+s18+$0x0], $0xffff  }
0x22f: {  	v8 =	vld.idx.msk [tilespmem:v8+s18+$0x0], $0xffff;
	v3 =	vmov s15  }
0x230: {  	v3 =	vshll.u32 v3, $0x3;
	vm9 =	vlt.f32 v7, v57;
	vm10 =	vlt.f32 v5, v57  }
0x231: {  	v7 =	vld.idx.msk [tilespmem:v58+s18+$0x0], $0xffff;
	v5 =	vshll.u32 v59, $0x3;
	vm13 =	vlt.f32 v6, v57;
	v61 =	vsel vm9, $0x1, v1  }
0x232: {  	v62 =	vsel vm10, $0x1, v1;
	vm11 =	vlt.f32 v4, v57;
	v4 =	vor.u32 v61, v5  }
0x233: {  	v5 =	vsel vm11, $0x1, v1;
	v4 =	vadd.s32 v62, v4;
	vm12 =	vlt.f32 v60, v57  }
0x234: {  	vm14 =	vlt.f32 v8, v57;
	v4 =	vadd.s32 v5, v4;
	v63 =	vsel vm12, $0x1, v1  }
0x235: {  	v3 =	vor.u32 v2, v3;
	v5 =	vsel vm13, $0x1, v1;
	v4 =	vadd.s32 v63, v4  }
0x236: {  	v6 =	vsel vm14, $0x1, v1;
	vm15 =	vlt.f32 v7, v57;
	v7 =	vadd.s32 v5, v4  }
0x237: {  	s15 =	simm.s32 $0x130;
	v4 =	vor.u32 $0x2, v3;
	v5 =	vsel vm15, $0x1, v1;
	v6 =	vadd.s32 v6, v7  }
.LBB2_15:
0x238: {  	p1 =	sne.s32 s15, $0x170;
	v7 =	vor.u32 $0x1, v3;
	v5 =	vadd.s32 v5, v6  }
0x239: {  	vm0 =	vlt.s32 v5, $0x7FFFF  }
0x23a: {  	s13 =	sadd.s32 $0x10, s13;
	v5 =	vnsel vm0, $0x7FFFF, v5  }
0x23b: {  	[tilespmem:s13+$0x0] =	vst v5  }
0x23c: {  	v5 =	vor.u32 $0x3, v3;
	v4 =	vld.idx.msk [tilespmem:v4+s18+$0x0], $0xffff  }
0x23d: {  	v6 =	vld.idx.msk [tilespmem:v7+s18+$0x0], $0xffff;
	v7 =	vor.u32 $0x4, v3  }
0x23e: {  	v9 =	vor.u32 $0x5, v3;
	s2 =	sadd.s32 $0x10, s2;
	v8 =	vld.idx.msk [tilespmem:v3+s18+$0x0], $0xffff  }
0x23f: {  	v11 =	vor.u32 $0x6, v3;
	s12 =	sadd.s32 $0x10, s12;
	v10 =	vld [tilespmem:s2+$0x0]  }
0x240: {  	v12 =	vld [tilespmem:s12+$0x0]  }
0x241: {  	v5 =	vld.idx.msk [tilespmem:v5+s18+$0x0], $0xffff  }
0x242: {  	v3 =	vmov s15;
	v7 =	vld.idx.msk [tilespmem:v7+s18+$0x0], $0xffff  }
0x243: {  	v3 =	vshll.u32 v3, $0x3;
	v9 =	vld.idx.msk [tilespmem:v9+s18+$0x0], $0xffff  }
0x244: {  	v3 =	vor.u32 v2, v3;
	vm0 =	vlt.f32 v8, v10;
	v8 =	vld.idx.msk [tilespmem:v11+s18+$0x0], $0xffff  }
0x245: {  	v11 =	vsel vm0, $0x1, v1;
	vm0 =	vlt.f32 v6, v10;
	v6 =	vshll.u32 v12, $0x3  }
0x246: {  	v12 =	vsel vm0, $0x1, v1;
	vm0 =	vlt.f32 v4, v10;
	v4 =	vor.u32 v11, v6  }
.Ltmp6:
0x247: {  	v6 =	vsel vm0, $0x1, v1;
	vm0 =	vlt.f32 v5, v10;
	v4 =	vadd.s32 v12, v4;
	(pc) =	sbr.rel @p1 .LBB2_15-.Ltmp6, $4  }
0x248: {  	v5 =	vsel vm0, $0x1, v1;
	vm0 =	vlt.f32 v7, v10;
	v4 =	vadd.s32 v6, v4  }
0x249: {  	v6 =	vsel vm0, $0x1, v1;
	vm0 =	vlt.f32 v9, v10;
	v4 =	vadd.s32 v5, v4  }
0x24a: {  	v7 =	vsel vm0, $0x1, v1;
	vm0 =	vlt.f32 v8, v10;
	v6 =	vadd.s32 v6, v4  }
0x24b: {  	s15 =	sadd.s32 $0x10, s15;
	v4 =	vor.u32 $0x2, v3;
	v5 =	vsel vm0, $0x1, v1;
	v6 =	vadd.s32 v7, v6  }
0x24c: {  	v7 =	vor.u32 $0x1, v3;
	v5 =	vadd.s32 v5, v6  }
0x24d: {  	vm0 =	vlt.s32 v5, $0x7FFFF  }
0x24e: {  	s13 =	sadd.s32 $0x10, s13;
	v5 =	vnsel vm0, $0x7FFFF, v5  }
0x24f: {  	[tilespmem:s13+$0x0] =	vst v5  }
0x250: {  	v5 =	vor.u32 $0x3, v3;
	v8 =	vld.idx.msk [tilespmem:v3+s18+$0x0], $0xffff  }
0x251: {  	s2 =	sadd.s32 $0x10, s2;
	v6 =	vld.idx.msk [tilespmem:v7+s18+$0x0], $0xffff;
	v7 =	vor.u32 $0x4, v3  }
0x252: {  	v9 =	vor.u32 $0x5, v3;
	s15 =	sadd.s32 $0x10, s12;
	v10 =	vld [tilespmem:s2+$0x0]  }
0x253: {  	v11 =	vld [tilespmem:s15+$0x0];
	v3 =	vor.u32 $0x6, v3  }
0x254: {  	v4 =	vld.idx.msk [tilespmem:v4+s18+$0x0], $0xffff  }
0x255: {  	v5 =	vld.idx.msk [tilespmem:v5+s18+$0x0], $0xffff  }
0x256: {  	v7 =	vld.idx.msk [tilespmem:v7+s18+$0x0], $0xffff  }
0x257: {  	v9 =	vld.idx.msk [tilespmem:v9+s18+$0x0], $0xffff;
	vm5 =	vlt.f32 v8, v10  }
0x258: {  	v3 =	vld.idx.msk [tilespmem:v3+s18+$0x0], $0xffff;
	v8 =	vsel vm5, $0x1, v1;
	vm6 =	vlt.f32 v6, v10;
	v6 =	vshll.u32 v11, $0x3  }
0x259: {  	vm7 =	vlt.f32 v4, v10;
	v52 =	vsel vm6, $0x1, v1;
	v4 =	vor.u32 v8, v6  }
0x25a: {  	v6 =	vsel vm7, $0x1, v1;
	v4 =	vadd.s32 v52, v4;
	vm8 =	vlt.f32 v5, v10  }
0x25b: {  	v4 =	vadd.s32 v6, v4;
	v5 =	vsel vm8, $0x1, v1;
	vm9 =	vlt.f32 v7, v10  }
0x25c: {  	vm10 =	vlt.f32 v9, v10;
	v4 =	vadd.s32 v5, v4;
	v6 =	vsel vm9, $0x1, v1  }
0x25d: {  	v5 =	vsel vm10, $0x1, v1;
	vm11 =	vlt.f32 v3, v10;
	v3 =	vadd.s32 v6, v4  }
0x25e: {  	s12 =	simm.s32 $0x180;
	v4 =	vsel vm11, $0x1, v1;
	v3 =	vadd.s32 v5, v3  }
0x25f: {  	v3 =	vadd.s32 v4, v3;
	v4 =	vmov s12  }
0x260: {  	vm12 =	vlt.s32 v3, $0x7FFFF;
	v4 =	vshll.u32 v4, $0x3  }
0x261: {  	s13 =	sadd.s32 $0x10, s13;
	v3 =	vnsel vm12, $0x7FFFF, v3;
	v4 =	vor.u32 v2, v4  }
0x262: {  	s15 =	simm.s32 $0x12000;
	[tilespmem:s13+$0x0] =	vst v3;
	v3 =	vor.u32 $0x1, v4  }
0x263: {  	[tilespmem:s15], [sflag:$0x4] =	stream.indirect.gather [hbm4b:s4+s16], $0x8, s31, s16, $0xb8;
	[tilespmem:$0x13800] =	vst v63  }
0x264: {  	_ =	swait.ge [sflag:s25], $0x400  }
0x265: {  	[sflag:s25] =	ssyncset.done $0x0  }
0x266: {  	v5 =	vor.u32 $0x2, v4;
	[sflag:s25] =	ssyncadd.s32 $0xFFFFFC00  }
0x267: {  	v6 =	vor.u32 $0x3, v4;
	v3 =	vld.idx.msk [tilespmem:v3+s18+$0x0], $0xffff  }
0x268: {  	s12 =	simm.s32 $0x10180;
	v7 =	vor.u32 $0x4, v4;
	v8 =	vld.idx.msk [tilespmem:v4+s18+$0x0], $0xffff  }
0x269: {  	s13 =	simm.s32 $0x10580;
	v53 =	vor.u32 $0x5, v4;
	v54 =	vld [tilespmem:s12+$0x0]  }
0x26a: {  	v4 =	vor.u32 $0x6, v4;
	v55 =	vld [tilespmem:s13+$0x0]  }
0x26b: {  	s15 =	simm.s32 $0x190;
	v5 =	vld.idx.msk [tilespmem:v5+s18+$0x0], $0xffff  }
0x26c: {  	v12 =	vmov s15;
	v6 =	vld.idx.msk [tilespmem:v6+s18+$0x0], $0xffff  }
0x26d: {  	v12 =	vshll.u32 v12, $0x3;
	v7 =	vld.idx.msk [tilespmem:v7+s18+$0x0], $0xffff  }
0x26e: {  	v12 =	vor.u32 v2, v12;
	v9 =	vld.idx.msk [tilespmem:v53+s18+$0x0], $0xffff;
	vm13 =	vlt.f32 v8, v54  }
0x26f: {  	v4 =	vld.idx.msk [tilespmem:v4+s18+$0x0], $0xffff;
	vm14 =	vlt.f32 v3, v54;
	v3 =	vshll.u32 v55, $0x3;
	v8 =	vsel vm13, $0x1, v1  }
0x270: {  	vm15 =	vlt.f32 v5, v54;
	v56 =	vsel vm14, $0x1, v1;
	v3 =	vor.u32 v8, v3  }
0x271: {  	vm4 =	vlt.f32 v6, v54;
	v5 =	vsel vm15, $0x1, v1;
	v3 =	vadd.s32 v56, v3  }
0x272: {  	vm5 =	vlt.f32 v7, v54;
	v6 =	vsel vm4, $0x1, v1;
	v3 =	vadd.s32 v5, v3  }
0x273: {  	vm6 =	vlt.f32 v9, v54;
	v5 =	vsel vm5, $0x1, v1;
	v3 =	vadd.s32 v6, v3  }
0x274: {  	v6 =	vsel vm6, $0x1, v1;
	vm7 =	vlt.f32 v4, v54;
	v3 =	vadd.s32 v5, v3  }
0x275: {  	v4 =	vsel vm7, $0x1, v1;
	v5 =	vor.u32 $0x1, v12;
	v3 =	vadd.s32 v6, v3  }
0x276: {  	v3 =	vadd.s32 v4, v3  }
0x277: {  	vm8 =	vlt.s32 v3, $0x7FFFF  }
0x278: {  	s13 =	simm.s32 $0x11780;
	v3 =	vnsel vm8, $0x7FFFF, v3  }
0x279: {  	v6 =	vor.u32 $0x4, v12;
	[tilespmem:s13+$0x0] =	vst v3  }
0x27a: {  	v4 =	vor.u32 $0x2, v12;
	v5 =	vld.idx.msk [tilespmem:v5+s18+$0x0], $0xffff  }
0x27b: {  	s2 =	simm.s32 $0x10190;
	v3 =	vor.u32 $0x3, v12;
	v7 =	vld.idx.msk [tilespmem:v12+s18+$0x0], $0xffff  }
0x27c: {  	s12 =	simm.s32 $0x10590;
	v8 =	vor.u32 $0x5, v12;
	v57 =	vld [tilespmem:s2+$0x0]  }
0x27d: {  	v59 =	vld [tilespmem:s12+$0x0]  }
0x27e: {  	v58 =	vor.u32 $0x6, v12;
	v6 =	vld.idx.msk [tilespmem:v6+s18+$0x0], $0xffff  }
0x27f: {  	v4 =	vld.idx.msk [tilespmem:v4+s18+$0x0], $0xffff  }
0x280: {  	s15 =	simm.s32 $0x1A0;
	v60 =	vld.idx.msk [tilespmem:v3+s18+$0x0], $0xffff  }
0x281: {  	v8 =	vld.idx.msk [tilespmem:v8+s18+$0x0], $0xffff;
	v3 =	vmov s15  }
0x282: {  	v3 =	vshll.u32 v3, $0x3;
	vm9 =	vlt.f32 v7, v57;
	vm10 =	vlt.f32 v5, v57  }
0x283: {  	v7 =	vld.idx.msk [tilespmem:v58+s18+$0x0], $0xffff;
	v5 =	vshll.u32 v59, $0x3;
	vm13 =	vlt.f32 v6, v57;
	v61 =	vsel vm9, $0x1, v1  }
0x284: {  	v62 =	vsel vm10, $0x1, v1;
	vm11 =	vlt.f32 v4, v57;
	v4 =	vor.u32 v61, v5  }
0x285: {  	v5 =	vsel vm11, $0x1, v1;
	v4 =	vadd.s32 v62, v4;
	vm12 =	vlt.f32 v60, v57  }
0x286: {  	vm14 =	vlt.f32 v8, v57;
	v4 =	vadd.s32 v5, v4;
	v63 =	vsel vm12, $0x1, v1  }
0x287: {  	v3 =	vor.u32 v2, v3;
	v5 =	vsel vm13, $0x1, v1;
	v4 =	vadd.s32 v63, v4  }
0x288: {  	v6 =	vsel vm14, $0x1, v1;
	vm15 =	vlt.f32 v7, v57;
	v7 =	vadd.s32 v5, v4  }
0x289: {  	s15 =	simm.s32 $0x1B0;
	v4 =	vor.u32 $0x2, v3;
	v5 =	vsel vm15, $0x1, v1;
	v6 =	vadd.s32 v6, v7  }
.LBB2_17:
0x28a: {  	p1 =	sne.s32 s15, $0x1F0;
	v7 =	vor.u32 $0x1, v3;
	v5 =	vadd.s32 v5, v6  }
0x28b: {  	vm0 =	vlt.s32 v5, $0x7FFFF  }
0x28c: {  	s13 =	sadd.s32 $0x10, s13;
	v5 =	vnsel vm0, $0x7FFFF, v5  }
0x28d: {  	[tilespmem:s13+$0x0] =	vst v5  }
0x28e: {  	v5 =	vor.u32 $0x3, v3;
	v4 =	vld.idx.msk [tilespmem:v4+s18+$0x0], $0xffff  }
0x28f: {  	v6 =	vld.idx.msk [tilespmem:v7+s18+$0x0], $0xffff;
	v7 =	vor.u32 $0x4, v3  }
0x290: {  	v9 =	vor.u32 $0x5, v3;
	s2 =	sadd.s32 $0x10, s2;
	v8 =	vld.idx.msk [tilespmem:v3+s18+$0x0], $0xffff  }
0x291: {  	v11 =	vor.u32 $0x6, v3;
	s12 =	sadd.s32 $0x10, s12;
	v10 =	vld [tilespmem:s2+$0x0]  }
0x292: {  	v12 =	vld [tilespmem:s12+$0x0]  }
0x293: {  	v5 =	vld.idx.msk [tilespmem:v5+s18+$0x0], $0xffff  }
0x294: {  	v3 =	vmov s15;
	v7 =	vld.idx.msk [tilespmem:v7+s18+$0x0], $0xffff  }
0x295: {  	v3 =	vshll.u32 v3, $0x3;
	v9 =	vld.idx.msk [tilespmem:v9+s18+$0x0], $0xffff  }
0x296: {  	v3 =	vor.u32 v2, v3;
	vm0 =	vlt.f32 v8, v10;
	v8 =	vld.idx.msk [tilespmem:v11+s18+$0x0], $0xffff  }
0x297: {  	v11 =	vsel vm0, $0x1, v1;
	vm0 =	vlt.f32 v6, v10;
	v6 =	vshll.u32 v12, $0x3  }
0x298: {  	v12 =	vsel vm0, $0x1, v1;
	vm0 =	vlt.f32 v4, v10;
	v4 =	vor.u32 v11, v6  }
.Ltmp7:
0x299: {  	v6 =	vsel vm0, $0x1, v1;
	vm0 =	vlt.f32 v5, v10;
	v4 =	vadd.s32 v12, v4;
	(pc) =	sbr.rel @p1 .LBB2_17-.Ltmp7, $4  }
0x29a: {  	v5 =	vsel vm0, $0x1, v1;
	vm0 =	vlt.f32 v7, v10;
	v4 =	vadd.s32 v6, v4  }
0x29b: {  	v6 =	vsel vm0, $0x1, v1;
	vm0 =	vlt.f32 v9, v10;
	v4 =	vadd.s32 v5, v4  }
0x29c: {  	v7 =	vsel vm0, $0x1, v1;
	vm0 =	vlt.f32 v8, v10;
	v6 =	vadd.s32 v6, v4  }
0x29d: {  	s15 =	sadd.s32 $0x10, s15;
	v4 =	vor.u32 $0x2, v3;
	v5 =	vsel vm0, $0x1, v1;
	v6 =	vadd.s32 v7, v6  }
0x29e: {  	v5 =	vadd.s32 v5, v6  }
0x29f: {  	vm0 =	vlt.s32 v5, $0x7FFFF  }
0x2a0: {  	v7 =	vor.u32 $0x1, v3;
	s13 =	sadd.s32 $0x10, s13;
	v5 =	vnsel vm0, $0x7FFFF, v5  }
0x2a1: {  	[tilespmem:s13+$0x0] =	vst v5  }
0x2a2: {  	v54 =	vor.u32 $0x3, v3;
	s2 =	sadd.s32 $0x10, s2;
	v8 =	vld.idx.msk [tilespmem:v3+s18+$0x0], $0xffff  }
0x2a3: {  	v56 =	vor.u32 $0x4, v3;
	s15 =	sadd.s32 $0x10, s12;
	v10 =	vld [tilespmem:s2+$0x0]  }
0x2a4: {  	v9 =	vor.u32 $0x5, v3;
	v11 =	vld [tilespmem:s15+$0x0]  }
0x2a5: {  	v3 =	vor.u32 $0x6, v3;
	v55 =	vld.idx.msk [tilespmem:v7+s18+$0x0], $0xffff  }
0x2a6: {  	v4 =	vld.idx.msk [tilespmem:v4+s18+$0x0], $0xffff  }
0x2a7: {  	v5 =	vld.idx.msk [tilespmem:v54+s18+$0x0], $0xffff  }
0x2a8: {  	v7 =	vld.idx.msk [tilespmem:v56+s18+$0x0], $0xffff  }
0x2a9: {  	v9 =	vld.idx.msk [tilespmem:v9+s18+$0x0], $0xffff;
	vm8 =	vlt.f32 v8, v10  }
0x2aa: {  	v3 =	vld.idx.msk [tilespmem:v3+s18+$0x0], $0xffff;
	v57 =	vshll.u32 v11, $0x3;
	v8 =	vsel vm8, $0x1, v1;
	vm9 =	vlt.f32 v55, v10  }
0x2ab: {  	vm10 =	vlt.f32 v4, v10;
	v58 =	vsel vm9, $0x1, v1;
	v59 =	vor.u32 v8, v57  }
0x2ac: {  	v60 =	vsel vm10, $0x1, v1;
	vm11 =	vlt.f32 v5, v10;
	v4 =	vadd.s32 v58, v59  }
0x2ad: {  	vm12 =	vlt.f32 v7, v10;
	v5 =	vsel vm11, $0x1, v1;
	v4 =	vadd.s32 v60, v4  }
0x2ae: {  	vm13 =	vlt.f32 v9, v10;
	v61 =	vsel vm12, $0x1, v1;
	v4 =	vadd.s32 v5, v4  }
0x2af: {  	v62 =	vsel vm13, $0x1, v1;
	vm14 =	vlt.f32 v3, v10;
	v3 =	vadd.s32 v61, v4  }
0x2b0: {  	v63 =	vsel vm14, $0x1, v1;
	v3 =	vadd.s32 v62, v3  }
0x2b1: {  	v3 =	vadd.s32 v63, v3  }
0x2b2: {  	vm15 =	vlt.s32 v3, $0x7FFFF  }
0x2b3: {  	s12 =	sadd.s32 $0x10, s13;
	v3 =	vnsel vm15, $0x7FFFF, v3  }
0x2b4: {  	s13 =	simm.s32 $0x12400;
	[tilespmem:s12+$0x0] =	vst v3  }
0x2b5: {  	[tilespmem:s13], [sflag:$0x4] =	stream.indirect.gather [hbm4b:s4+s16], $0x8, s3, s16, $0xb8;
	[tilespmem:$0x13800] =	vst v63  }
0x2b6: {  	_ =	swait.ge [sflag:s8], $0x400  }
0x2b7: {  	[sflag:s8] =	ssyncset.done $0x0  }
0x2b8: {  	[sflag:s8] =	ssyncadd.s32 $0xFFFFFC00  }
0x2b9: {  	_ =	swait.ge [sflag:s8], $0x400  }
0x2ba: {  	[sflag:s8] =	ssyncset.done $0x0  }
0x2bb: {  	[sflag:s8] =	ssyncadd.s32 $0xFFFFFC00  }
0x2bc: {  	_ =	swait.ge [sflag:s8], $0x400  }
0x2bd: {  	[sflag:s8] =	ssyncset.done $0x0  }
0x2be: {  	[sflag:s8] =	ssyncadd.s32 $0xFFFFFC00  }
0x2bf: {  	_ =	swait.ge [sflag:s8], $0x400  }
0x2c0: {  	[sflag:s8] =	ssyncset.done $0x0  }
0x2c1: {  	s15 =	sadd.s32 s1, s0;
	s2 =	simm.s32 @!p0 $0x6;
	[sflag:s8] =	ssyncadd.s32 $0xFFFFFC00  }
0x2c2: {  	[hbm4b:s15+s5] =	stream.linear.scatter [tilespmem:s28], [sflag:$0x5], $0x1000, $0x38;
	[tilespmem:$0x13800] =	vst v63  }
0x2c3: {  	_ =	swait.ge @!p0 [sflag:s2], $0x1000  }
0x2c4: {  	[sflag:s2] =	ssyncset.done @!p0 $0x0  }
0x2c5: {  	[sflag:s2] =	ssyncadd.s32 @!p0 $0xFFFFF000  }
0x2c6: {  	_ =	swait.ge [sflag:s9], $0x200  }
0x2c7: {  	[sflag:s9] =	ssyncset.done $0x0  }
0x2c8: {  	p0 =	seq.s32 s30, $0xF;
	[sflag:s9] =	ssyncadd.s32 $0xFFFFFE00  }
0x2c9: {  	s2 =	sshrl.u32 @!p0 s0, $0x3;
	s12 =	rddreg [dreg:$0x1]  }
0x2ca: {  	s2 =	sadd.s32 @!p0 s12, s2  }
0x2cb: {  	s13 =	simm.s32 @!p0 $0x10000;
	s12 =	simm.s32 @!p0 $0x0;
	s2 =	sadd.s32 @!p0 $0x80, s2  }
0x2cc: {  	[tilespmem:s13], [sflag:$0x1] =	stream.linear.gather @!p0 [hbm4b:s2+s12], $0x200, $0x38;
	[tilespmem:$0x13800] =	vst v63  }
0x2cd: {  	s0 =	sor.u32 $0x200, s0;
	s2 =	simm.s32 $0x0  }
.LBB2_19:
0x2ce: {  	s12 =	sshra.s32 s2, $0x2;
	v4 =	vld.idx.msk [tilespmem:v0+s5+$0x0], $0xffff  }
0x2cf: {  	v3 =	vld [tilespmem:s12+$0x10200];
	_ =	sdelay $0x4  }
0x2d0: {  	vm0 =	vlt.f32 v4, v3  }
0x2d1: {  	v4 =	vsel vm0, $0x8000, v1  }
0x2d2: {  	v5 =	vor.u32 $0x3FFF, v4;
	_ =	sdelay $0x4  }
0x2d3: {  	v5 =	vld.idx.msk [tilespmem:v5+s5+$0x0], $0xffff;
	_ =	sdelay $0x4  }
0x2d4: {  	vm13 =	vlt.f32 v5, v3  }
0x2d5: {  	v5 =	vsel vm13, $0x4000, v1  }
0x2d6: {  	v4 =	vor.u32 v4, v5  }
0x2d7: {  	v5 =	vor.u32 $0x1FFF, v4;
	_ =	sdelay $0x4  }
0x2d8: {  	v5 =	vld.idx.msk [tilespmem:v5+s5+$0x0], $0xffff;
	_ =	sdelay $0x4  }
0x2d9: {  	vm14 =	vlt.f32 v5, v3  }
0x2da: {  	v5 =	vsel vm14, $0x2000, v1  }
0x2db: {  	v4 =	vor.u32 v5, v4  }
0x2dc: {  	v5 =	vor.u32 $0xFFF, v4;
	_ =	sdelay $0x4  }
0x2dd: {  	v5 =	vld.idx.msk [tilespmem:v5+s5+$0x0], $0xffff;
	_ =	sdelay $0x4  }
0x2de: {  	vm15 =	vlt.f32 v5, v3  }
0x2df: {  	v5 =	vsel vm15, $0x1000, v1  }
0x2e0: {  	v4 =	vor.u32 v5, v4  }
0x2e1: {  	v5 =	vor.u32 $0x7FF, v4;
	_ =	sdelay $0x4  }
0x2e2: {  	v5 =	vld.idx.msk [tilespmem:v5+s5+$0x0], $0xffff;
	_ =	sdelay $0x4  }
0x2e3: {  	vm4 =	vlt.f32 v5, v3  }
0x2e4: {  	v5 =	vsel vm4, $0x800, v1  }
0x2e5: {  	v4 =	vor.u32 v5, v4  }
0x2e6: {  	v5 =	vor.u32 $0x3FF, v4;
	_ =	sdelay $0x4  }
0x2e7: {  	v5 =	vld.idx.msk [tilespmem:v5+s5+$0x0], $0xffff;
	_ =	sdelay $0x4  }
0x2e8: {  	vm5 =	vlt.f32 v5, v3  }
0x2e9: {  	v5 =	vsel vm5, $0x400, v1  }
0x2ea: {  	v4 =	vor.u32 v5, v4  }
0x2eb: {  	v5 =	vor.u32 $0x1FF, v4;
	_ =	sdelay $0x4  }
0x2ec: {  	v5 =	vld.idx.msk [tilespmem:v5+s5+$0x0], $0xffff;
	_ =	sdelay $0x4  }
0x2ed: {  	vm6 =	vlt.f32 v5, v3  }
0x2ee: {  	v5 =	vsel vm6, $0x200, v1  }
0x2ef: {  	v4 =	vor.u32 v5, v4  }
0x2f0: {  	v5 =	vadd.s32 $0xFF, v4;
	_ =	sdelay $0x4  }
0x2f1: {  	v5 =	vld.idx.msk [tilespmem:v5+s5+$0x0], $0xffff;
	_ =	sdelay $0x4  }
0x2f2: {  	vm7 =	vlt.f32 v5, v3  }
0x2f3: {  	v5 =	vsel vm7, $0x100, v1  }
0x2f4: {  	v4 =	vadd.s32 v5, v4  }
0x2f5: {  	v5 =	vadd.s32 $0x7F, v4;
	_ =	sdelay $0x4  }
0x2f6: {  	v5 =	vld.idx.msk [tilespmem:v5+s5+$0x0], $0xffff;
	_ =	sdelay $0x4  }
0x2f7: {  	vm8 =	vlt.f32 v5, v3  }
0x2f8: {  	v5 =	vsel vm8, $0x80, v1  }
0x2f9: {  	v4 =	vadd.s32 v5, v4  }
0x2fa: {  	v5 =	vadd.s32 $0x3F, v4;
	_ =	sdelay $0x4  }
0x2fb: {  	v5 =	vld.idx.msk [tilespmem:v5+s5+$0x0], $0xffff;
	_ =	sdelay $0x4  }
0x2fc: {  	vm9 =	vlt.f32 v5, v3  }
0x2fd: {  	v5 =	vsel vm9, $0x40, v1  }
0x2fe: {  	v4 =	vadd.s32 v5, v4  }
0x2ff: {  	v5 =	vadd.s32 $0x1F, v4;
	_ =	sdelay $0x4  }
0x300: {  	v5 =	vld.idx.msk [tilespmem:v5+s5+$0x0], $0xffff;
	_ =	sdelay $0x4  }
0x301: {  	vm10 =	vlt.f32 v5, v3  }
0x302: {  	v5 =	vsel vm10, $0x20, v1  }
0x303: {  	v4 =	vadd.s32 v5, v4  }
0x304: {  	v5 =	vadd.s32 $0xF, v4;
	_ =	sdelay $0x4  }
0x305: {  	v5 =	vld.idx.msk [tilespmem:v5+s5+$0x0], $0xffff;
	_ =	sdelay $0x4  }
0x306: {  	vm11 =	vlt.f32 v5, v3  }
0x307: {  	v5 =	vsel vm11, $0x10, v1  }
0x308: {  	v4 =	vadd.s32 v5, v4  }
0x309: {  	v5 =	vadd.s32 $0x7, v4;
	_ =	sdelay $0x4  }
0x30a: {  	v5 =	vld.idx.msk [tilespmem:v5+s5+$0x0], $0xffff;
	_ =	sdelay $0x4  }
0x30b: {  	vm12 =	vlt.f32 v5, v3  }
0x30c: {  	v5 =	vsel vm12, $0x8, v1  }
0x30d: {  	v4 =	vadd.s32 v5, v4  }
0x30e: {  	v5 =	vadd.s32 $0x3, v4;
	_ =	sdelay $0x4  }
0x30f: {  	v5 =	vld.idx.msk [tilespmem:v5+s5+$0x0], $0xffff;
	_ =	sdelay $0x4  }
0x310: {  	vm13 =	vlt.f32 v5, v3  }
0x311: {  	v5 =	vsel vm13, $0x4, v1  }
0x312: {  	v4 =	vadd.s32 v5, v4  }
0x313: {  	v5 =	vadd.s32 $0x1, v4;
	_ =	sdelay $0x4  }
0x314: {  	v5 =	vld.idx.msk [tilespmem:v5+s5+$0x0], $0xffff;
	_ =	sdelay $0x4  }
0x315: {  	vm14 =	vlt.f32 v5, v3  }
0x316: {  	v5 =	vsel vm14, $0x2, v1  }
0x317: {  	v4 =	vadd.s32 v5, v4;
	_ =	sdelay $0x4  }
0x318: {  	v5 =	vld.idx.msk [tilespmem:v4+s5+$0x0], $0xffff;
	_ =	sdelay $0x2  }
0x319: {  	p0 =	sne.s32 s2, $0x1C0  }
.Ltmp8:
0x31a: {  	_ = 	snop;
	(pc) =	sbr.rel @p0 .LBB2_19-.Ltmp8, $4  }
0x31b: {  	vm15 =	vlt.f32 v5, v3  }
0x31c: {  	v3 =	vsel vm15, $0x1, v1  }
0x31d: {  	v3 =	vadd.s32 v3, v4  }
0x31e: {  	s2 =	sadd.s32 $0x40, s2;
	[tilespmem:s12+$0x10400] =	vst v3  }
0x31f: {  	[tilespmem:s18], [sflag:$0x3] =	stream.indirect.gather [hbm4b:s7+s16], $0x8, s17, s16, $0xb8;
	[tilespmem:$0x13800] =	vst v63  }
0x320: {  	s2 =	simm.s32 $0x0  }
.LBB2_21:
0x321: {  	s12 =	sshra.s32 s2, $0x2;
	v4 =	vld.idx.msk [tilespmem:v0+s5+$0x0], $0xffff  }
0x322: {  	v3 =	vld [tilespmem:s12+$0x10280];
	_ =	sdelay $0x4  }
0x323: {  	vm0 =	vlt.f32 v4, v3  }
0x324: {  	v4 =	vsel vm0, $0x8000, v1  }
0x325: {  	v5 =	vor.u32 $0x3FFF, v4;
	_ =	sdelay $0x4  }
0x326: {  	v5 =	vld.idx.msk [tilespmem:v5+s5+$0x0], $0xffff;
	_ =	sdelay $0x4  }
0x327: {  	vm13 =	vlt.f32 v5, v3  }
0x328: {  	v5 =	vsel vm13, $0x4000, v1  }
0x329: {  	v4 =	vor.u32 v4, v5  }
0x32a: {  	v5 =	vor.u32 $0x1FFF, v4;
	_ =	sdelay $0x4  }
0x32b: {  	v5 =	vld.idx.msk [tilespmem:v5+s5+$0x0], $0xffff;
	_ =	sdelay $0x4  }
0x32c: {  	vm14 =	vlt.f32 v5, v3  }
0x32d: {  	v5 =	vsel vm14, $0x2000, v1  }
0x32e: {  	v4 =	vor.u32 v5, v4  }
0x32f: {  	v5 =	vor.u32 $0xFFF, v4;
	_ =	sdelay $0x4  }
0x330: {  	v5 =	vld.idx.msk [tilespmem:v5+s5+$0x0], $0xffff;
	_ =	sdelay $0x4  }
0x331: {  	vm15 =	vlt.f32 v5, v3  }
0x332: {  	v5 =	vsel vm15, $0x1000, v1  }
0x333: {  	v4 =	vor.u32 v5, v4  }
0x334: {  	v5 =	vor.u32 $0x7FF, v4;
	_ =	sdelay $0x4  }
0x335: {  	v5 =	vld.idx.msk [tilespmem:v5+s5+$0x0], $0xffff;
	_ =	sdelay $0x4  }
0x336: {  	vm4 =	vlt.f32 v5, v3  }
0x337: {  	v5 =	vsel vm4, $0x800, v1  }
0x338: {  	v4 =	vor.u32 v5, v4  }
0x339: {  	v5 =	vor.u32 $0x3FF, v4;
	_ =	sdelay $0x4  }
0x33a: {  	v5 =	vld.idx.msk [tilespmem:v5+s5+$0x0], $0xffff;
	_ =	sdelay $0x4  }
0x33b: {  	vm5 =	vlt.f32 v5, v3  }
0x33c: {  	v5 =	vsel vm5, $0x400, v1  }
0x33d: {  	v4 =	vor.u32 v5, v4  }
0x33e: {  	v5 =	vor.u32 $0x1FF, v4;
	_ =	sdelay $0x4  }
0x33f: {  	v5 =	vld.idx.msk [tilespmem:v5+s5+$0x0], $0xffff;
	_ =	sdelay $0x4  }
0x340: {  	vm6 =	vlt.f32 v5, v3  }
0x341: {  	v5 =	vsel vm6, $0x200, v1  }
0x342: {  	v4 =	vor.u32 v5, v4  }
0x343: {  	v5 =	vadd.s32 $0xFF, v4;
	_ =	sdelay $0x4  }
0x344: {  	v5 =	vld.idx.msk [tilespmem:v5+s5+$0x0], $0xffff;
	_ =	sdelay $0x4  }
0x345: {  	vm7 =	vlt.f32 v5, v3  }
0x346: {  	v5 =	vsel vm7, $0x100, v1  }
0x347: {  	v4 =	vadd.s32 v5, v4  }
0x348: {  	v5 =	vadd.s32 $0x7F, v4;
	_ =	sdelay $0x4  }
0x349: {  	v5 =	vld.idx.msk [tilespmem:v5+s5+$0x0], $0xffff;
	_ =	sdelay $0x4  }
0x34a: {  	vm8 =	vlt.f32 v5, v3  }
0x34b: {  	v5 =	vsel vm8, $0x80, v1  }
0x34c: {  	v4 =	vadd.s32 v5, v4  }
0x34d: {  	v5 =	vadd.s32 $0x3F, v4;
	_ =	sdelay $0x4  }
0x34e: {  	v5 =	vld.idx.msk [tilespmem:v5+s5+$0x0], $0xffff;
	_ =	sdelay $0x4  }
0x34f: {  	vm9 =	vlt.f32 v5, v3  }
0x350: {  	v5 =	vsel vm9, $0x40, v1  }
0x351: {  	v4 =	vadd.s32 v5, v4  }
0x352: {  	v5 =	vadd.s32 $0x1F, v4;
	_ =	sdelay $0x4  }
0x353: {  	v5 =	vld.idx.msk [tilespmem:v5+s5+$0x0], $0xffff;
	_ =	sdelay $0x4  }
0x354: {  	vm10 =	vlt.f32 v5, v3  }
0x355: {  	v5 =	vsel vm10, $0x20, v1  }
0x356: {  	v4 =	vadd.s32 v5, v4  }
0x357: {  	v5 =	vadd.s32 $0xF, v4;
	_ =	sdelay $0x4  }
0x358: {  	v5 =	vld.idx.msk [tilespmem:v5+s5+$0x0], $0xffff;
	_ =	sdelay $0x4  }
0x359: {  	vm11 =	vlt.f32 v5, v3  }
0x35a: {  	v5 =	vsel vm11, $0x10, v1  }
0x35b: {  	v4 =	vadd.s32 v5, v4  }
0x35c: {  	v5 =	vadd.s32 $0x7, v4;
	_ =	sdelay $0x4  }
0x35d: {  	v5 =	vld.idx.msk [tilespmem:v5+s5+$0x0], $0xffff;
	_ =	sdelay $0x4  }
0x35e: {  	vm12 =	vlt.f32 v5, v3  }
0x35f: {  	v5 =	vsel vm12, $0x8, v1  }
0x360: {  	v4 =	vadd.s32 v5, v4  }
0x361: {  	v5 =	vadd.s32 $0x3, v4;
	_ =	sdelay $0x4  }
0x362: {  	v5 =	vld.idx.msk [tilespmem:v5+s5+$0x0], $0xffff;
	_ =	sdelay $0x4  }
0x363: {  	vm13 =	vlt.f32 v5, v3  }
0x364: {  	v5 =	vsel vm13, $0x4, v1  }
0x365: {  	v4 =	vadd.s32 v5, v4  }
0x366: {  	v5 =	vadd.s32 $0x1, v4;
	_ =	sdelay $0x4  }
0x367: {  	v5 =	vld.idx.msk [tilespmem:v5+s5+$0x0], $0xffff;
	_ =	sdelay $0x4  }
0x368: {  	vm14 =	vlt.f32 v5, v3  }
0x369: {  	v5 =	vsel vm14, $0x2, v1  }
0x36a: {  	v4 =	vadd.s32 v5, v4;
	_ =	sdelay $0x4  }
0x36b: {  	v5 =	vld.idx.msk [tilespmem:v4+s5+$0x0], $0xffff;
	_ =	sdelay $0x2  }
0x36c: {  	p0 =	sne.s32 s2, $0x1C0  }
.Ltmp9:
0x36d: {  	_ = 	snop;
	(pc) =	sbr.rel @p0 .LBB2_21-.Ltmp9, $4  }
0x36e: {  	vm15 =	vlt.f32 v5, v3  }
0x36f: {  	v3 =	vsel vm15, $0x1, v1  }
0x370: {  	v3 =	vadd.s32 v3, v4  }
0x371: {  	s2 =	sadd.s32 $0x40, s2;
	[tilespmem:s12+$0x10480] =	vst v3  }
0x372: {  	[tilespmem:s20], [sflag:$0x3] =	stream.indirect.gather [hbm4b:s7+s16], $0x8, s19, s16, $0xb8;
	[tilespmem:$0x13800] =	vst v63  }
0x373: {  	s2 =	simm.s32 $0x0  }
.LBB2_23:
0x374: {  	s12 =	sshra.s32 s2, $0x2;
	v4 =	vld.idx.msk [tilespmem:v0+s5+$0x0], $0xffff  }
0x375: {  	v3 =	vld [tilespmem:s12+$0x10300];
	_ =	sdelay $0x4  }
0x376: {  	vm0 =	vlt.f32 v4, v3  }
0x377: {  	v4 =	vsel vm0, $0x8000, v1  }
0x378: {  	v5 =	vor.u32 $0x3FFF, v4;
	_ =	sdelay $0x4  }
0x379: {  	v5 =	vld.idx.msk [tilespmem:v5+s5+$0x0], $0xffff;
	_ =	sdelay $0x4  }
0x37a: {  	vm13 =	vlt.f32 v5, v3  }
0x37b: {  	v5 =	vsel vm13, $0x4000, v1  }
0x37c: {  	v4 =	vor.u32 v4, v5  }
0x37d: {  	v5 =	vor.u32 $0x1FFF, v4;
	_ =	sdelay $0x4  }
0x37e: {  	v5 =	vld.idx.msk [tilespmem:v5+s5+$0x0], $0xffff;
	_ =	sdelay $0x4  }
0x37f: {  	vm14 =	vlt.f32 v5, v3  }
0x380: {  	v5 =	vsel vm14, $0x2000, v1  }
0x381: {  	v4 =	vor.u32 v5, v4  }
0x382: {  	v5 =	vor.u32 $0xFFF, v4;
	_ =	sdelay $0x4  }
0x383: {  	v5 =	vld.idx.msk [tilespmem:v5+s5+$0x0], $0xffff;
	_ =	sdelay $0x4  }
0x384: {  	vm15 =	vlt.f32 v5, v3  }
0x385: {  	v5 =	vsel vm15, $0x1000, v1  }
0x386: {  	v4 =	vor.u32 v5, v4  }
0x387: {  	v5 =	vor.u32 $0x7FF, v4;
	_ =	sdelay $0x4  }
0x388: {  	v5 =	vld.idx.msk [tilespmem:v5+s5+$0x0], $0xffff;
	_ =	sdelay $0x4  }
0x389: {  	vm4 =	vlt.f32 v5, v3  }
0x38a: {  	v5 =	vsel vm4, $0x800, v1  }
0x38b: {  	v4 =	vor.u32 v5, v4  }
0x38c: {  	v5 =	vor.u32 $0x3FF, v4;
	_ =	sdelay $0x4  }
0x38d: {  	v5 =	vld.idx.msk [tilespmem:v5+s5+$0x0], $0xffff;
	_ =	sdelay $0x4  }
0x38e: {  	vm5 =	vlt.f32 v5, v3  }
0x38f: {  	v5 =	vsel vm5, $0x400, v1  }
0x390: {  	v4 =	vor.u32 v5, v4  }
0x391: {  	v5 =	vor.u32 $0x1FF, v4;
	_ =	sdelay $0x4  }
0x392: {  	v5 =	vld.idx.msk [tilespmem:v5+s5+$0x0], $0xffff;
	_ =	sdelay $0x4  }
0x393: {  	vm6 =	vlt.f32 v5, v3  }
0x394: {  	v5 =	vsel vm6, $0x200, v1  }
0x395: {  	v4 =	vor.u32 v5, v4  }
0x396: {  	v5 =	vadd.s32 $0xFF, v4;
	_ =	sdelay $0x4  }
0x397: {  	v5 =	vld.idx.msk [tilespmem:v5+s5+$0x0], $0xffff;
	_ =	sdelay $0x4  }
0x398: {  	vm7 =	vlt.f32 v5, v3  }
0x399: {  	v5 =	vsel vm7, $0x100, v1  }
0x39a: {  	v4 =	vadd.s32 v5, v4  }
0x39b: {  	v5 =	vadd.s32 $0x7F, v4;
	_ =	sdelay $0x4  }
0x39c: {  	v5 =	vld.idx.msk [tilespmem:v5+s5+$0x0], $0xffff;
	_ =	sdelay $0x4  }
0x39d: {  	vm8 =	vlt.f32 v5, v3  }
0x39e: {  	v5 =	vsel vm8, $0x80, v1  }
0x39f: {  	v4 =	vadd.s32 v5, v4  }
0x3a0: {  	v5 =	vadd.s32 $0x3F, v4;
	_ =	sdelay $0x4  }
0x3a1: {  	v5 =	vld.idx.msk [tilespmem:v5+s5+$0x0], $0xffff;
	_ =	sdelay $0x4  }
0x3a2: {  	vm9 =	vlt.f32 v5, v3  }
0x3a3: {  	v5 =	vsel vm9, $0x40, v1  }
0x3a4: {  	v4 =	vadd.s32 v5, v4  }
0x3a5: {  	v5 =	vadd.s32 $0x1F, v4;
	_ =	sdelay $0x4  }
0x3a6: {  	v5 =	vld.idx.msk [tilespmem:v5+s5+$0x0], $0xffff;
	_ =	sdelay $0x4  }
0x3a7: {  	vm10 =	vlt.f32 v5, v3  }
0x3a8: {  	v5 =	vsel vm10, $0x20, v1  }
0x3a9: {  	v4 =	vadd.s32 v5, v4  }
0x3aa: {  	v5 =	vadd.s32 $0xF, v4;
	_ =	sdelay $0x4  }
0x3ab: {  	v5 =	vld.idx.msk [tilespmem:v5+s5+$0x0], $0xffff;
	_ =	sdelay $0x4  }
0x3ac: {  	vm11 =	vlt.f32 v5, v3  }
0x3ad: {  	v5 =	vsel vm11, $0x10, v1  }
0x3ae: {  	v4 =	vadd.s32 v5, v4  }
0x3af: {  	v5 =	vadd.s32 $0x7, v4;
	_ =	sdelay $0x4  }
0x3b0: {  	v5 =	vld.idx.msk [tilespmem:v5+s5+$0x0], $0xffff;
	_ =	sdelay $0x4  }
0x3b1: {  	vm12 =	vlt.f32 v5, v3  }
0x3b2: {  	v5 =	vsel vm12, $0x8, v1  }
0x3b3: {  	v4 =	vadd.s32 v5, v4  }
0x3b4: {  	v5 =	vadd.s32 $0x3, v4;
	_ =	sdelay $0x4  }
0x3b5: {  	v5 =	vld.idx.msk [tilespmem:v5+s5+$0x0], $0xffff;
	_ =	sdelay $0x4  }
0x3b6: {  	vm13 =	vlt.f32 v5, v3  }
0x3b7: {  	v5 =	vsel vm13, $0x4, v1  }
0x3b8: {  	v4 =	vadd.s32 v5, v4  }
0x3b9: {  	v5 =	vadd.s32 $0x1, v4;
	_ =	sdelay $0x4  }
0x3ba: {  	v5 =	vld.idx.msk [tilespmem:v5+s5+$0x0], $0xffff;
	_ =	sdelay $0x4  }
0x3bb: {  	vm14 =	vlt.f32 v5, v3  }
0x3bc: {  	v5 =	vsel vm14, $0x2, v1  }
0x3bd: {  	v4 =	vadd.s32 v5, v4;
	_ =	sdelay $0x4  }
0x3be: {  	v5 =	vld.idx.msk [tilespmem:v4+s5+$0x0], $0xffff;
	_ =	sdelay $0x2  }
0x3bf: {  	p0 =	sne.s32 s2, $0x1C0  }
.Ltmp10:
0x3c0: {  	_ = 	snop;
	(pc) =	sbr.rel @p0 .LBB2_23-.Ltmp10, $4  }
0x3c1: {  	vm15 =	vlt.f32 v5, v3  }
0x3c2: {  	v3 =	vsel vm15, $0x1, v1  }
0x3c3: {  	v3 =	vadd.s32 v3, v4  }
0x3c4: {  	s2 =	sadd.s32 $0x40, s2;
	[tilespmem:s12+$0x10500] =	vst v3  }
0x3c5: {  	[tilespmem:s22], [sflag:$0x3] =	stream.indirect.gather [hbm4b:s7+s16], $0x8, s21, s16, $0xb8;
	[tilespmem:$0x13800] =	vst v63  }
0x3c6: {  	s2 =	simm.s32 $0x0  }
.LBB2_25:
0x3c7: {  	s12 =	sshra.s32 s2, $0x2;
	v4 =	vld.idx.msk [tilespmem:v0+s5+$0x0], $0xffff  }
0x3c8: {  	v3 =	vld [tilespmem:s12+$0x10380];
	_ =	sdelay $0x4  }
0x3c9: {  	vm0 =	vlt.f32 v4, v3  }
0x3ca: {  	v4 =	vsel vm0, $0x8000, v1  }
0x3cb: {  	v5 =	vor.u32 $0x3FFF, v4;
	_ =	sdelay $0x4  }
0x3cc: {  	v5 =	vld.idx.msk [tilespmem:v5+s5+$0x0], $0xffff;
	_ =	sdelay $0x4  }
0x3cd: {  	vm13 =	vlt.f32 v5, v3  }
0x3ce: {  	v5 =	vsel vm13, $0x4000, v1  }
0x3cf: {  	v4 =	vor.u32 v4, v5  }
0x3d0: {  	v5 =	vor.u32 $0x1FFF, v4;
	_ =	sdelay $0x4  }
0x3d1: {  	v5 =	vld.idx.msk [tilespmem:v5+s5+$0x0], $0xffff;
	_ =	sdelay $0x4  }
0x3d2: {  	vm14 =	vlt.f32 v5, v3  }
0x3d3: {  	v5 =	vsel vm14, $0x2000, v1  }
0x3d4: {  	v4 =	vor.u32 v5, v4  }
0x3d5: {  	v5 =	vor.u32 $0xFFF, v4;
	_ =	sdelay $0x4  }
0x3d6: {  	v5 =	vld.idx.msk [tilespmem:v5+s5+$0x0], $0xffff;
	_ =	sdelay $0x4  }
0x3d7: {  	vm15 =	vlt.f32 v5, v3  }
0x3d8: {  	v5 =	vsel vm15, $0x1000, v1  }
0x3d9: {  	v4 =	vor.u32 v5, v4  }
0x3da: {  	v5 =	vor.u32 $0x7FF, v4;
	_ =	sdelay $0x4  }
0x3db: {  	v5 =	vld.idx.msk [tilespmem:v5+s5+$0x0], $0xffff;
	_ =	sdelay $0x4  }
0x3dc: {  	vm4 =	vlt.f32 v5, v3  }
0x3dd: {  	v5 =	vsel vm4, $0x800, v1  }
0x3de: {  	v4 =	vor.u32 v5, v4  }
0x3df: {  	v5 =	vor.u32 $0x3FF, v4;
	_ =	sdelay $0x4  }
0x3e0: {  	v5 =	vld.idx.msk [tilespmem:v5+s5+$0x0], $0xffff;
	_ =	sdelay $0x4  }
0x3e1: {  	vm5 =	vlt.f32 v5, v3  }
0x3e2: {  	v5 =	vsel vm5, $0x400, v1  }
0x3e3: {  	v4 =	vor.u32 v5, v4  }
0x3e4: {  	v5 =	vor.u32 $0x1FF, v4;
	_ =	sdelay $0x4  }
0x3e5: {  	v5 =	vld.idx.msk [tilespmem:v5+s5+$0x0], $0xffff;
	_ =	sdelay $0x4  }
0x3e6: {  	vm6 =	vlt.f32 v5, v3  }
0x3e7: {  	v5 =	vsel vm6, $0x200, v1  }
0x3e8: {  	v4 =	vor.u32 v5, v4  }
0x3e9: {  	v5 =	vadd.s32 $0xFF, v4;
	_ =	sdelay $0x4  }
0x3ea: {  	v5 =	vld.idx.msk [tilespmem:v5+s5+$0x0], $0xffff;
	_ =	sdelay $0x4  }
0x3eb: {  	vm7 =	vlt.f32 v5, v3  }
0x3ec: {  	v5 =	vsel vm7, $0x100, v1  }
0x3ed: {  	v4 =	vadd.s32 v5, v4  }
0x3ee: {  	v5 =	vadd.s32 $0x7F, v4;
	_ =	sdelay $0x4  }
0x3ef: {  	v5 =	vld.idx.msk [tilespmem:v5+s5+$0x0], $0xffff;
	_ =	sdelay $0x4  }
0x3f0: {  	vm8 =	vlt.f32 v5, v3  }
0x3f1: {  	v5 =	vsel vm8, $0x80, v1  }
0x3f2: {  	v4 =	vadd.s32 v5, v4  }
0x3f3: {  	v5 =	vadd.s32 $0x3F, v4;
	_ =	sdelay $0x4  }
0x3f4: {  	v5 =	vld.idx.msk [tilespmem:v5+s5+$0x0], $0xffff;
	_ =	sdelay $0x4  }
0x3f5: {  	vm9 =	vlt.f32 v5, v3  }
0x3f6: {  	v5 =	vsel vm9, $0x40, v1  }
0x3f7: {  	v4 =	vadd.s32 v5, v4  }
0x3f8: {  	v5 =	vadd.s32 $0x1F, v4;
	_ =	sdelay $0x4  }
0x3f9: {  	v5 =	vld.idx.msk [tilespmem:v5+s5+$0x0], $0xffff;
	_ =	sdelay $0x4  }
0x3fa: {  	vm10 =	vlt.f32 v5, v3  }
0x3fb: {  	v5 =	vsel vm10, $0x20, v1  }
0x3fc: {  	v4 =	vadd.s32 v5, v4  }
0x3fd: {  	v5 =	vadd.s32 $0xF, v4;
	_ =	sdelay $0x4  }
0x3fe: {  	v5 =	vld.idx.msk [tilespmem:v5+s5+$0x0], $0xffff;
	_ =	sdelay $0x4  }
0x3ff: {  	vm11 =	vlt.f32 v5, v3  }
0x400: {  	v5 =	vsel vm11, $0x10, v1  }
0x401: {  	v4 =	vadd.s32 v5, v4  }
0x402: {  	v5 =	vadd.s32 $0x7, v4;
	_ =	sdelay $0x4  }
0x403: {  	v5 =	vld.idx.msk [tilespmem:v5+s5+$0x0], $0xffff;
	_ =	sdelay $0x4  }
0x404: {  	vm12 =	vlt.f32 v5, v3  }
0x405: {  	v5 =	vsel vm12, $0x8, v1  }
0x406: {  	v4 =	vadd.s32 v5, v4  }
0x407: {  	v5 =	vadd.s32 $0x3, v4;
	_ =	sdelay $0x4  }
0x408: {  	v5 =	vld.idx.msk [tilespmem:v5+s5+$0x0], $0xffff;
	_ =	sdelay $0x4  }
0x409: {  	vm13 =	vlt.f32 v5, v3  }
0x40a: {  	v5 =	vsel vm13, $0x4, v1  }
0x40b: {  	v4 =	vadd.s32 v5, v4  }
0x40c: {  	v5 =	vadd.s32 $0x1, v4;
	_ =	sdelay $0x4  }
0x40d: {  	v5 =	vld.idx.msk [tilespmem:v5+s5+$0x0], $0xffff;
	_ =	sdelay $0x4  }
0x40e: {  	vm14 =	vlt.f32 v5, v3  }
0x40f: {  	v5 =	vsel vm14, $0x2, v1  }
0x410: {  	v4 =	vadd.s32 v5, v4;
	_ =	sdelay $0x4  }
0x411: {  	v5 =	vld.idx.msk [tilespmem:v4+s5+$0x0], $0xffff;
	_ =	sdelay $0x2  }
0x412: {  	p0 =	sne.s32 s2, $0x1C0  }
.Ltmp11:
0x413: {  	_ = 	snop;
	(pc) =	sbr.rel @p0 .LBB2_25-.Ltmp11, $4  }
0x414: {  	vm15 =	vlt.f32 v5, v3  }
0x415: {  	v3 =	vsel vm15, $0x1, v1  }
0x416: {  	v3 =	vadd.s32 v3, v4  }
0x417: {  	s2 =	sadd.s32 $0x40, s2;
	[tilespmem:s12+$0x10580] =	vst v3  }
0x418: {  	s2 =	simm.s32 $0x0  }
0x419: {  	v3 =	vmov s2  }
0x41a: {  	[tilespmem:s24], [sflag:$0x3] =	stream.indirect.gather [hbm4b:s7+s16], $0x8, s23, s16, $0xb8;
	v3 =	vshll.u32 v3, $0x3;
	[tilespmem:$0x13800] =	vst v63  }
0x41b: {  	_ =	swait.ge [sflag:s25], $0x400;
	v3 =	vor.u32 v2, v3  }
0x41c: {  	[sflag:s25] =	ssyncset.done $0x0;
	v4 =	vor.u32 $0x1, v3  }
0x41d: {  	s13 =	simm.s32 $0x10200;
	[sflag:s25] =	ssyncadd.s32 $0xFFFFFC00;
	v5 =	vor.u32 $0x2, v3  }
0x41e: {  	s12 =	simm.s32 $0x10400;
	v6 =	vor.u32 $0x3, v3;
	v10 =	vld [tilespmem:s13+$0x0]  }
0x41f: {  	v7 =	vor.u32 $0x4, v3;
	v11 =	vld [tilespmem:s12+$0x0]  }
0x420: {  	v9 =	vor.u32 $0x5, v3;
	v8 =	vld.idx.msk [tilespmem:v3+s18+$0x0], $0xffff  }
0x421: {  	v3 =	vor.u32 $0x6, v3;
	v4 =	vld.idx.msk [tilespmem:v4+s18+$0x0], $0xffff  }
0x422: {  	s15 =	simm.s32 $0x10;
	v5 =	vld.idx.msk [tilespmem:v5+s18+$0x0], $0xffff  }
0x423: {  	v12 =	vmov s15;
	v6 =	vld.idx.msk [tilespmem:v6+s18+$0x0], $0xffff  }
0x424: {  	v12 =	vshll.u32 v12, $0x3;
	v7 =	vld.idx.msk [tilespmem:v7+s18+$0x0], $0xffff  }
0x425: {  	v12 =	vor.u32 v2, v12;
	v9 =	vld.idx.msk [tilespmem:v9+s18+$0x0], $0xffff;
	vm0 =	vlt.f32 v8, v10  }
0x426: {  	v3 =	vld.idx.msk [tilespmem:v3+s18+$0x0], $0xffff;
	v8 =	vsel vm0, $0x1, v1;
	vm14 =	vlt.f32 v4, v10;
	v4 =	vshll.u32 v11, $0x3  }
0x427: {  	vm15 =	vlt.f32 v5, v10;
	v56 =	vsel vm14, $0x1, v1;
	v4 =	vor.u32 v8, v4  }
0x428: {  	vm4 =	vlt.f32 v6, v10;
	v5 =	vsel vm15, $0x1, v1;
	v4 =	vadd.s32 v56, v4  }
0x429: {  	vm5 =	vlt.f32 v7, v10;
	v6 =	vsel vm4, $0x1, v1;
	v4 =	vadd.s32 v5, v4  }
0x42a: {  	vm6 =	vlt.f32 v9, v10;
	v5 =	vsel vm5, $0x1, v1;
	v4 =	vadd.s32 v6, v4  }
0x42b: {  	v6 =	vsel vm6, $0x1, v1;
	vm7 =	vlt.f32 v3, v10;
	v3 =	vadd.s32 v5, v4  }
0x42c: {  	v4 =	vsel vm7, $0x1, v1;
	v5 =	vor.u32 $0x1, v12;
	v3 =	vadd.s32 v6, v3  }
0x42d: {  	v3 =	vadd.s32 v4, v3  }
0x42e: {  	vm8 =	vlt.s32 v3, $0x7FFFF  }
0x42f: {  	s13 =	simm.s32 $0x11600;
	v3 =	vnsel vm8, $0x7FFFF, v3  }
0x430: {  	v6 =	vor.u32 $0x4, v12;
	[tilespmem:s13+$0x0] =	vst v3  }
0x431: {  	v4 =	vor.u32 $0x2, v12;
	v5 =	vld.idx.msk [tilespmem:v5+s18+$0x0], $0xffff  }
0x432: {  	s2 =	simm.s32 $0x10210;
	v3 =	vor.u32 $0x3, v12;
	v7 =	vld.idx.msk [tilespmem:v12+s18+$0x0], $0xffff  }
0x433: {  	s12 =	simm.s32 $0x10410;
	v8 =	vor.u32 $0x5, v12;
	v57 =	vld [tilespmem:s2+$0x0]  }
0x434: {  	v59 =	vld [tilespmem:s12+$0x0]  }
0x435: {  	v58 =	vor.u32 $0x6, v12;
	v6 =	vld.idx.msk [tilespmem:v6+s18+$0x0], $0xffff  }
0x436: {  	v4 =	vld.idx.msk [tilespmem:v4+s18+$0x0], $0xffff  }
0x437: {  	s15 =	simm.s32 $0x20;
	v60 =	vld.idx.msk [tilespmem:v3+s18+$0x0], $0xffff  }
0x438: {  	v8 =	vld.idx.msk [tilespmem:v8+s18+$0x0], $0xffff;
	v3 =	vmov s15  }
0x439: {  	v3 =	vshll.u32 v3, $0x3;
	vm9 =	vlt.f32 v7, v57;
	vm10 =	vlt.f32 v5, v57  }
0x43a: {  	v7 =	vld.idx.msk [tilespmem:v58+s18+$0x0], $0xffff;
	v5 =	vshll.u32 v59, $0x3;
	vm13 =	vlt.f32 v6, v57;
	v61 =	vsel vm9, $0x1, v1  }
0x43b: {  	v62 =	vsel vm10, $0x1, v1;
	vm11 =	vlt.f32 v4, v57;
	v4 =	vor.u32 v61, v5  }
0x43c: {  	v5 =	vsel vm11, $0x1, v1;
	v4 =	vadd.s32 v62, v4;
	vm12 =	vlt.f32 v60, v57  }
0x43d: {  	vm14 =	vlt.f32 v8, v57;
	v4 =	vadd.s32 v5, v4;
	v63 =	vsel vm12, $0x1, v1  }
0x43e: {  	v3 =	vor.u32 v2, v3;
	v5 =	vsel vm13, $0x1, v1;
	v4 =	vadd.s32 v63, v4  }
0x43f: {  	v6 =	vsel vm14, $0x1, v1;
	vm15 =	vlt.f32 v7, v57;
	v7 =	vadd.s32 v5, v4  }
0x440: {  	s15 =	simm.s32 $0x30;
	v4 =	vor.u32 $0x2, v3;
	v5 =	vsel vm15, $0x1, v1;
	v6 =	vadd.s32 v6, v7  }
.LBB2_27:
0x441: {  	p0 =	sne.s32 s15, $0x70;
	v7 =	vor.u32 $0x1, v3;
	v5 =	vadd.s32 v5, v6  }
0x442: {  	vm0 =	vlt.s32 v5, $0x7FFFF  }
0x443: {  	s13 =	sadd.s32 $0x10, s13;
	v5 =	vnsel vm0, $0x7FFFF, v5  }
0x444: {  	[tilespmem:s13+$0x0] =	vst v5  }
0x445: {  	v5 =	vor.u32 $0x3, v3;
	v4 =	vld.idx.msk [tilespmem:v4+s18+$0x0], $0xffff  }
0x446: {  	v6 =	vld.idx.msk [tilespmem:v7+s18+$0x0], $0xffff;
	v7 =	vor.u32 $0x4, v3  }
0x447: {  	v9 =	vor.u32 $0x5, v3;
	s2 =	sadd.s32 $0x10, s2;
	v8 =	vld.idx.msk [tilespmem:v3+s18+$0x0], $0xffff  }
0x448: {  	v11 =	vor.u32 $0x6, v3;
	s12 =	sadd.s32 $0x10, s12;
	v10 =	vld [tilespmem:s2+$0x0]  }
0x449: {  	v12 =	vld [tilespmem:s12+$0x0]  }
0x44a: {  	v5 =	vld.idx.msk [tilespmem:v5+s18+$0x0], $0xffff  }
0x44b: {  	v3 =	vmov s15;
	v7 =	vld.idx.msk [tilespmem:v7+s18+$0x0], $0xffff  }
0x44c: {  	v3 =	vshll.u32 v3, $0x3;
	v9 =	vld.idx.msk [tilespmem:v9+s18+$0x0], $0xffff  }
0x44d: {  	v3 =	vor.u32 v2, v3;
	vm0 =	vlt.f32 v8, v10;
	v8 =	vld.idx.msk [tilespmem:v11+s18+$0x0], $0xffff  }
0x44e: {  	v11 =	vsel vm0, $0x1, v1;
	vm0 =	vlt.f32 v6, v10;
	v6 =	vshll.u32 v12, $0x3  }
0x44f: {  	v12 =	vsel vm0, $0x1, v1;
	vm0 =	vlt.f32 v4, v10;
	v4 =	vor.u32 v11, v6  }
.Ltmp12:
0x450: {  	v6 =	vsel vm0, $0x1, v1;
	vm0 =	vlt.f32 v5, v10;
	v4 =	vadd.s32 v12, v4;
	(pc) =	sbr.rel @p0 .LBB2_27-.Ltmp12, $4  }
0x451: {  	v5 =	vsel vm0, $0x1, v1;
	vm0 =	vlt.f32 v7, v10;
	v4 =	vadd.s32 v6, v4  }
0x452: {  	v6 =	vsel vm0, $0x1, v1;
	vm0 =	vlt.f32 v9, v10;
	v4 =	vadd.s32 v5, v4  }
0x453: {  	v7 =	vsel vm0, $0x1, v1;
	vm0 =	vlt.f32 v8, v10;
	v6 =	vadd.s32 v6, v4  }
0x454: {  	s15 =	sadd.s32 $0x10, s15;
	v4 =	vor.u32 $0x2, v3;
	v5 =	vsel vm0, $0x1, v1;
	v6 =	vadd.s32 v7, v6  }
0x455: {  	v7 =	vor.u32 $0x1, v3;
	v5 =	vadd.s32 v5, v6  }
0x456: {  	vm0 =	vlt.s32 v5, $0x7FFFF  }
0x457: {  	s13 =	sadd.s32 $0x10, s13;
	v5 =	vnsel vm0, $0x7FFFF, v5  }
0x458: {  	[tilespmem:s13+$0x0] =	vst v5  }
0x459: {  	v5 =	vor.u32 $0x3, v3;
	v8 =	vld.idx.msk [tilespmem:v3+s18+$0x0], $0xffff  }
0x45a: {  	s2 =	sadd.s32 $0x10, s2;
	v6 =	vld.idx.msk [tilespmem:v7+s18+$0x0], $0xffff;
	v7 =	vor.u32 $0x4, v3  }
0x45b: {  	v9 =	vor.u32 $0x5, v3;
	s12 =	sadd.s32 $0x10, s12;
	v10 =	vld [tilespmem:s2+$0x0]  }
0x45c: {  	v11 =	vld [tilespmem:s12+$0x0];
	v3 =	vor.u32 $0x6, v3  }
0x45d: {  	v4 =	vld.idx.msk [tilespmem:v4+s18+$0x0], $0xffff  }
0x45e: {  	v5 =	vld.idx.msk [tilespmem:v5+s18+$0x0], $0xffff  }
0x45f: {  	v7 =	vld.idx.msk [tilespmem:v7+s18+$0x0], $0xffff  }
0x460: {  	v9 =	vld.idx.msk [tilespmem:v9+s18+$0x0], $0xffff;
	vm5 =	vlt.f32 v8, v10  }
0x461: {  	v3 =	vld.idx.msk [tilespmem:v3+s18+$0x0], $0xffff;
	v8 =	vsel vm5, $0x1, v1;
	vm6 =	vlt.f32 v6, v10;
	v6 =	vshll.u32 v11, $0x3  }
0x462: {  	vm7 =	vlt.f32 v4, v10;
	v52 =	vsel vm6, $0x1, v1;
	v4 =	vor.u32 v8, v6  }
0x463: {  	v6 =	vsel vm7, $0x1, v1;
	v4 =	vadd.s32 v52, v4;
	vm8 =	vlt.f32 v5, v10  }
0x464: {  	v4 =	vadd.s32 v6, v4;
	v5 =	vsel vm8, $0x1, v1;
	vm9 =	vlt.f32 v7, v10  }
0x465: {  	vm10 =	vlt.f32 v9, v10;
	v4 =	vadd.s32 v5, v4;
	v6 =	vsel vm9, $0x1, v1  }
0x466: {  	v5 =	vsel vm10, $0x1, v1;
	vm11 =	vlt.f32 v3, v10;
	v3 =	vadd.s32 v6, v4  }
0x467: {  	s2 =	simm.s32 $0x80;
	v4 =	vsel vm11, $0x1, v1;
	v3 =	vadd.s32 v5, v3  }
0x468: {  	v3 =	vadd.s32 v4, v3;
	v4 =	vmov s2  }
0x469: {  	vm12 =	vlt.s32 v3, $0x7FFFF;
	v4 =	vshll.u32 v4, $0x3  }
0x46a: {  	s15 =	sadd.s32 $0x10, s13;
	v3 =	vnsel vm12, $0x7FFFF, v3;
	v4 =	vor.u32 v2, v4  }
0x46b: {  	[tilespmem:s15+$0x0] =	vst v3;
	v3 =	vor.u32 $0x1, v4  }
0x46c: {  	[tilespmem:s11], [sflag:$0x4] =	stream.indirect.gather [hbm4b:s4+s2], $0x8, s26, s2, $0xb8;
	[tilespmem:$0x13800] =	vst v63  }
0x46d: {  	_ =	swait.ge [sflag:s25], $0x400  }
0x46e: {  	[sflag:s25] =	ssyncset.done $0x0  }
0x46f: {  	v5 =	vor.u32 $0x2, v4;
	[sflag:s25] =	ssyncadd.s32 $0xFFFFFC00  }
0x470: {  	v6 =	vor.u32 $0x3, v4;
	v3 =	vld.idx.msk [tilespmem:v3+s18+$0x0], $0xffff  }
0x471: {  	s12 =	simm.s32 $0x10280;
	v7 =	vor.u32 $0x4, v4;
	v8 =	vld.idx.msk [tilespmem:v4+s18+$0x0], $0xffff  }
0x472: {  	s13 =	simm.s32 $0x10480;
	v53 =	vor.u32 $0x5, v4;
	v54 =	vld [tilespmem:s12+$0x0]  }
0x473: {  	v4 =	vor.u32 $0x6, v4;
	v55 =	vld [tilespmem:s13+$0x0]  }
0x474: {  	s15 =	simm.s32 $0x90;
	v5 =	vld.idx.msk [tilespmem:v5+s18+$0x0], $0xffff  }
0x475: {  	v12 =	vmov s15;
	v6 =	vld.idx.msk [tilespmem:v6+s18+$0x0], $0xffff  }
0x476: {  	v12 =	vshll.u32 v12, $0x3;
	v7 =	vld.idx.msk [tilespmem:v7+s18+$0x0], $0xffff  }
0x477: {  	v12 =	vor.u32 v2, v12;
	v9 =	vld.idx.msk [tilespmem:v53+s18+$0x0], $0xffff;
	vm13 =	vlt.f32 v8, v54  }
0x478: {  	v4 =	vld.idx.msk [tilespmem:v4+s18+$0x0], $0xffff;
	vm14 =	vlt.f32 v3, v54;
	v3 =	vshll.u32 v55, $0x3;
	v8 =	vsel vm13, $0x1, v1  }
0x479: {  	vm15 =	vlt.f32 v5, v54;
	v56 =	vsel vm14, $0x1, v1;
	v3 =	vor.u32 v8, v3  }
0x47a: {  	vm4 =	vlt.f32 v6, v54;
	v5 =	vsel vm15, $0x1, v1;
	v3 =	vadd.s32 v56, v3  }
0x47b: {  	vm5 =	vlt.f32 v7, v54;
	v6 =	vsel vm4, $0x1, v1;
	v3 =	vadd.s32 v5, v3  }
0x47c: {  	vm6 =	vlt.f32 v9, v54;
	v5 =	vsel vm5, $0x1, v1;
	v3 =	vadd.s32 v6, v3  }
0x47d: {  	v6 =	vsel vm6, $0x1, v1;
	vm7 =	vlt.f32 v4, v54;
	v3 =	vadd.s32 v5, v3  }
0x47e: {  	v4 =	vsel vm7, $0x1, v1;
	v5 =	vor.u32 $0x1, v12;
	v3 =	vadd.s32 v6, v3  }
0x47f: {  	v3 =	vadd.s32 v4, v3  }
0x480: {  	vm8 =	vlt.s32 v3, $0x7FFFF  }
0x481: {  	s13 =	simm.s32 $0x11680;
	v3 =	vnsel vm8, $0x7FFFF, v3  }
0x482: {  	v6 =	vor.u32 $0x4, v12;
	[tilespmem:s13+$0x0] =	vst v3  }
0x483: {  	v4 =	vor.u32 $0x2, v12;
	v5 =	vld.idx.msk [tilespmem:v5+s18+$0x0], $0xffff  }
0x484: {  	s2 =	simm.s32 $0x10290;
	v3 =	vor.u32 $0x3, v12;
	v7 =	vld.idx.msk [tilespmem:v12+s18+$0x0], $0xffff  }
0x485: {  	s12 =	simm.s32 $0x10490;
	v8 =	vor.u32 $0x5, v12;
	v57 =	vld [tilespmem:s2+$0x0]  }
0x486: {  	v59 =	vld [tilespmem:s12+$0x0]  }
0x487: {  	v58 =	vor.u32 $0x6, v12;
	v6 =	vld.idx.msk [tilespmem:v6+s18+$0x0], $0xffff  }
0x488: {  	v4 =	vld.idx.msk [tilespmem:v4+s18+$0x0], $0xffff  }
0x489: {  	s15 =	simm.s32 $0xA0;
	v60 =	vld.idx.msk [tilespmem:v3+s18+$0x0], $0xffff  }
0x48a: {  	v8 =	vld.idx.msk [tilespmem:v8+s18+$0x0], $0xffff;
	v3 =	vmov s15  }
0x48b: {  	v3 =	vshll.u32 v3, $0x3;
	vm9 =	vlt.f32 v7, v57;
	vm10 =	vlt.f32 v5, v57  }
0x48c: {  	v7 =	vld.idx.msk [tilespmem:v58+s18+$0x0], $0xffff;
	v5 =	vshll.u32 v59, $0x3;
	vm13 =	vlt.f32 v6, v57;
	v61 =	vsel vm9, $0x1, v1  }
0x48d: {  	v62 =	vsel vm10, $0x1, v1;
	vm11 =	vlt.f32 v4, v57;
	v4 =	vor.u32 v61, v5  }
0x48e: {  	v5 =	vsel vm11, $0x1, v1;
	v4 =	vadd.s32 v62, v4;
	vm12 =	vlt.f32 v60, v57  }
0x48f: {  	vm14 =	vlt.f32 v8, v57;
	v4 =	vadd.s32 v5, v4;
	v63 =	vsel vm12, $0x1, v1  }
0x490: {  	v3 =	vor.u32 v2, v3;
	v5 =	vsel vm13, $0x1, v1;
	v4 =	vadd.s32 v63, v4  }
0x491: {  	v6 =	vsel vm14, $0x1, v1;
	vm15 =	vlt.f32 v7, v57;
	v7 =	vadd.s32 v5, v4  }
0x492: {  	s15 =	simm.s32 $0xB0;
	v4 =	vor.u32 $0x2, v3;
	v5 =	vsel vm15, $0x1, v1;
	v6 =	vadd.s32 v6, v7  }
.LBB2_29:
0x493: {  	p0 =	sne.s32 s15, $0xF0;
	v7 =	vor.u32 $0x1, v3;
	v5 =	vadd.s32 v5, v6  }
0x494: {  	vm0 =	vlt.s32 v5, $0x7FFFF  }
0x495: {  	s13 =	sadd.s32 $0x10, s13;
	v5 =	vnsel vm0, $0x7FFFF, v5  }
0x496: {  	[tilespmem:s13+$0x0] =	vst v5  }
0x497: {  	v5 =	vor.u32 $0x3, v3;
	v4 =	vld.idx.msk [tilespmem:v4+s18+$0x0], $0xffff  }
0x498: {  	v6 =	vld.idx.msk [tilespmem:v7+s18+$0x0], $0xffff;
	v7 =	vor.u32 $0x4, v3  }
0x499: {  	v9 =	vor.u32 $0x5, v3;
	s2 =	sadd.s32 $0x10, s2;
	v8 =	vld.idx.msk [tilespmem:v3+s18+$0x0], $0xffff  }
0x49a: {  	v11 =	vor.u32 $0x6, v3;
	s12 =	sadd.s32 $0x10, s12;
	v10 =	vld [tilespmem:s2+$0x0]  }
0x49b: {  	v12 =	vld [tilespmem:s12+$0x0]  }
0x49c: {  	v5 =	vld.idx.msk [tilespmem:v5+s18+$0x0], $0xffff  }
0x49d: {  	v3 =	vmov s15;
	v7 =	vld.idx.msk [tilespmem:v7+s18+$0x0], $0xffff  }
0x49e: {  	v3 =	vshll.u32 v3, $0x3;
	v9 =	vld.idx.msk [tilespmem:v9+s18+$0x0], $0xffff  }
0x49f: {  	v3 =	vor.u32 v2, v3;
	vm0 =	vlt.f32 v8, v10;
	v8 =	vld.idx.msk [tilespmem:v11+s18+$0x0], $0xffff  }
0x4a0: {  	v11 =	vsel vm0, $0x1, v1;
	vm0 =	vlt.f32 v6, v10;
	v6 =	vshll.u32 v12, $0x3  }
0x4a1: {  	v12 =	vsel vm0, $0x1, v1;
	vm0 =	vlt.f32 v4, v10;
	v4 =	vor.u32 v11, v6  }
.Ltmp13:
0x4a2: {  	v6 =	vsel vm0, $0x1, v1;
	vm0 =	vlt.f32 v5, v10;
	v4 =	vadd.s32 v12, v4;
	(pc) =	sbr.rel @p0 .LBB2_29-.Ltmp13, $4  }
0x4a3: {  	v5 =	vsel vm0, $0x1, v1;
	vm0 =	vlt.f32 v7, v10;
	v4 =	vadd.s32 v6, v4  }
0x4a4: {  	v6 =	vsel vm0, $0x1, v1;
	vm0 =	vlt.f32 v9, v10;
	v4 =	vadd.s32 v5, v4  }
0x4a5: {  	v7 =	vsel vm0, $0x1, v1;
	vm0 =	vlt.f32 v8, v10;
	v6 =	vadd.s32 v6, v4  }
0x4a6: {  	s15 =	sadd.s32 $0x10, s15;
	v4 =	vor.u32 $0x2, v3;
	v5 =	vsel vm0, $0x1, v1;
	v6 =	vadd.s32 v7, v6  }
0x4a7: {  	v7 =	vor.u32 $0x1, v3;
	v5 =	vadd.s32 v5, v6  }
0x4a8: {  	vm0 =	vlt.s32 v5, $0x7FFFF  }
0x4a9: {  	s13 =	sadd.s32 $0x10, s13;
	v5 =	vnsel vm0, $0x7FFFF, v5  }
0x4aa: {  	[tilespmem:s13+$0x0] =	vst v5  }
0x4ab: {  	v5 =	vor.u32 $0x3, v3;
	v8 =	vld.idx.msk [tilespmem:v3+s18+$0x0], $0xffff  }
0x4ac: {  	s2 =	sadd.s32 $0x10, s2;
	v6 =	vld.idx.msk [tilespmem:v7+s18+$0x0], $0xffff;
	v7 =	vor.u32 $0x4, v3  }
0x4ad: {  	v9 =	vor.u32 $0x5, v3;
	s15 =	sadd.s32 $0x10, s12;
	v10 =	vld [tilespmem:s2+$0x0]  }
0x4ae: {  	v11 =	vld [tilespmem:s15+$0x0];
	v3 =	vor.u32 $0x6, v3  }
0x4af: {  	v4 =	vld.idx.msk [tilespmem:v4+s18+$0x0], $0xffff  }
0x4b0: {  	v5 =	vld.idx.msk [tilespmem:v5+s18+$0x0], $0xffff  }
0x4b1: {  	v7 =	vld.idx.msk [tilespmem:v7+s18+$0x0], $0xffff  }
0x4b2: {  	v9 =	vld.idx.msk [tilespmem:v9+s18+$0x0], $0xffff;
	vm5 =	vlt.f32 v8, v10  }
0x4b3: {  	v3 =	vld.idx.msk [tilespmem:v3+s18+$0x0], $0xffff;
	v8 =	vsel vm5, $0x1, v1;
	vm6 =	vlt.f32 v6, v10;
	v6 =	vshll.u32 v11, $0x3  }
0x4b4: {  	vm7 =	vlt.f32 v4, v10;
	v52 =	vsel vm6, $0x1, v1;
	v4 =	vor.u32 v8, v6  }
0x4b5: {  	v6 =	vsel vm7, $0x1, v1;
	v4 =	vadd.s32 v52, v4;
	vm8 =	vlt.f32 v5, v10  }
0x4b6: {  	v4 =	vadd.s32 v6, v4;
	v5 =	vsel vm8, $0x1, v1;
	vm9 =	vlt.f32 v7, v10  }
0x4b7: {  	vm10 =	vlt.f32 v9, v10;
	v4 =	vadd.s32 v5, v4;
	v6 =	vsel vm9, $0x1, v1  }
0x4b8: {  	v5 =	vsel vm10, $0x1, v1;
	vm11 =	vlt.f32 v3, v10;
	v3 =	vadd.s32 v6, v4  }
0x4b9: {  	s12 =	simm.s32 $0x100;
	v4 =	vsel vm11, $0x1, v1;
	v3 =	vadd.s32 v5, v3  }
0x4ba: {  	v3 =	vadd.s32 v4, v3;
	v4 =	vmov s12  }
0x4bb: {  	vm12 =	vlt.s32 v3, $0x7FFFF;
	v4 =	vshll.u32 v4, $0x3  }
0x4bc: {  	s13 =	sadd.s32 $0x10, s13;
	v3 =	vnsel vm12, $0x7FFFF, v3;
	v4 =	vor.u32 v2, v4  }
0x4bd: {  	s15 =	simm.s32 $0x12C00;
	[tilespmem:s13+$0x0] =	vst v3;
	v3 =	vor.u32 $0x1, v4  }
0x4be: {  	[tilespmem:s15], [sflag:$0x4] =	stream.indirect.gather [hbm4b:s4+s16], $0x8, s29, s16, $0xb8;
	[tilespmem:$0x13800] =	vst v63  }
0x4bf: {  	_ =	swait.ge [sflag:s25], $0x400  }
0x4c0: {  	[sflag:s25] =	ssyncset.done $0x0  }
0x4c1: {  	v5 =	vor.u32 $0x2, v4;
	[sflag:s25] =	ssyncadd.s32 $0xFFFFFC00  }
0x4c2: {  	v6 =	vor.u32 $0x3, v4;
	v3 =	vld.idx.msk [tilespmem:v3+s18+$0x0], $0xffff  }
0x4c3: {  	s12 =	simm.s32 $0x10300;
	v7 =	vor.u32 $0x4, v4;
	v8 =	vld.idx.msk [tilespmem:v4+s18+$0x0], $0xffff  }
0x4c4: {  	s13 =	simm.s32 $0x10500;
	v53 =	vor.u32 $0x5, v4;
	v54 =	vld [tilespmem:s12+$0x0]  }
0x4c5: {  	v4 =	vor.u32 $0x6, v4;
	v55 =	vld [tilespmem:s13+$0x0]  }
0x4c6: {  	s15 =	simm.s32 $0x110;
	v5 =	vld.idx.msk [tilespmem:v5+s18+$0x0], $0xffff  }
0x4c7: {  	v12 =	vmov s15;
	v6 =	vld.idx.msk [tilespmem:v6+s18+$0x0], $0xffff  }
0x4c8: {  	v12 =	vshll.u32 v12, $0x3;
	v7 =	vld.idx.msk [tilespmem:v7+s18+$0x0], $0xffff  }
0x4c9: {  	v12 =	vor.u32 v2, v12;
	v9 =	vld.idx.msk [tilespmem:v53+s18+$0x0], $0xffff;
	vm13 =	vlt.f32 v8, v54  }
0x4ca: {  	v4 =	vld.idx.msk [tilespmem:v4+s18+$0x0], $0xffff;
	vm14 =	vlt.f32 v3, v54;
	v3 =	vshll.u32 v55, $0x3;
	v8 =	vsel vm13, $0x1, v1  }
0x4cb: {  	vm15 =	vlt.f32 v5, v54;
	v56 =	vsel vm14, $0x1, v1;
	v3 =	vor.u32 v8, v3  }
0x4cc: {  	vm4 =	vlt.f32 v6, v54;
	v5 =	vsel vm15, $0x1, v1;
	v3 =	vadd.s32 v56, v3  }
0x4cd: {  	vm5 =	vlt.f32 v7, v54;
	v6 =	vsel vm4, $0x1, v1;
	v3 =	vadd.s32 v5, v3  }
0x4ce: {  	vm6 =	vlt.f32 v9, v54;
	v5 =	vsel vm5, $0x1, v1;
	v3 =	vadd.s32 v6, v3  }
0x4cf: {  	v6 =	vsel vm6, $0x1, v1;
	vm7 =	vlt.f32 v4, v54;
	v3 =	vadd.s32 v5, v3  }
0x4d0: {  	v4 =	vsel vm7, $0x1, v1;
	v5 =	vor.u32 $0x1, v12;
	v3 =	vadd.s32 v6, v3  }
0x4d1: {  	v3 =	vadd.s32 v4, v3  }
0x4d2: {  	vm8 =	vlt.s32 v3, $0x7FFFF  }
0x4d3: {  	s13 =	simm.s32 $0x11700;
	v3 =	vnsel vm8, $0x7FFFF, v3  }
0x4d4: {  	v6 =	vor.u32 $0x4, v12;
	[tilespmem:s13+$0x0] =	vst v3  }
0x4d5: {  	v4 =	vor.u32 $0x2, v12;
	v5 =	vld.idx.msk [tilespmem:v5+s18+$0x0], $0xffff  }
0x4d6: {  	s2 =	simm.s32 $0x10310;
	v3 =	vor.u32 $0x3, v12;
	v7 =	vld.idx.msk [tilespmem:v12+s18+$0x0], $0xffff  }
0x4d7: {  	s12 =	simm.s32 $0x10510;
	v8 =	vor.u32 $0x5, v12;
	v57 =	vld [tilespmem:s2+$0x0]  }
0x4d8: {  	v59 =	vld [tilespmem:s12+$0x0]  }
0x4d9: {  	v58 =	vor.u32 $0x6, v12;
	v6 =	vld.idx.msk [tilespmem:v6+s18+$0x0], $0xffff  }
0x4da: {  	v4 =	vld.idx.msk [tilespmem:v4+s18+$0x0], $0xffff  }
0x4db: {  	s15 =	simm.s32 $0x120;
	v60 =	vld.idx.msk [tilespmem:v3+s18+$0x0], $0xffff  }
0x4dc: {  	v8 =	vld.idx.msk [tilespmem:v8+s18+$0x0], $0xffff;
	v3 =	vmov s15  }
0x4dd: {  	v3 =	vshll.u32 v3, $0x3;
	vm9 =	vlt.f32 v7, v57;
	vm10 =	vlt.f32 v5, v57  }
0x4de: {  	v7 =	vld.idx.msk [tilespmem:v58+s18+$0x0], $0xffff;
	v5 =	vshll.u32 v59, $0x3;
	vm13 =	vlt.f32 v6, v57;
	v61 =	vsel vm9, $0x1, v1  }
0x4df: {  	v62 =	vsel vm10, $0x1, v1;
	vm11 =	vlt.f32 v4, v57;
	v4 =	vor.u32 v61, v5  }
0x4e0: {  	v5 =	vsel vm11, $0x1, v1;
	v4 =	vadd.s32 v62, v4;
	vm12 =	vlt.f32 v60, v57  }
0x4e1: {  	vm14 =	vlt.f32 v8, v57;
	v4 =	vadd.s32 v5, v4;
	v63 =	vsel vm12, $0x1, v1  }
0x4e2: {  	v3 =	vor.u32 v2, v3;
	v5 =	vsel vm13, $0x1, v1;
	v4 =	vadd.s32 v63, v4  }
0x4e3: {  	v6 =	vsel vm14, $0x1, v1;
	vm15 =	vlt.f32 v7, v57;
	v7 =	vadd.s32 v5, v4  }
0x4e4: {  	s15 =	simm.s32 $0x130;
	v4 =	vor.u32 $0x2, v3;
	v5 =	vsel vm15, $0x1, v1;
	v6 =	vadd.s32 v6, v7  }
.LBB2_31:
0x4e5: {  	p0 =	sne.s32 s15, $0x170;
	v7 =	vor.u32 $0x1, v3;
	v5 =	vadd.s32 v5, v6  }
0x4e6: {  	vm0 =	vlt.s32 v5, $0x7FFFF  }
0x4e7: {  	s13 =	sadd.s32 $0x10, s13;
	v5 =	vnsel vm0, $0x7FFFF, v5  }
0x4e8: {  	[tilespmem:s13+$0x0] =	vst v5  }
0x4e9: {  	v5 =	vor.u32 $0x3, v3;
	v4 =	vld.idx.msk [tilespmem:v4+s18+$0x0], $0xffff  }
0x4ea: {  	v6 =	vld.idx.msk [tilespmem:v7+s18+$0x0], $0xffff;
	v7 =	vor.u32 $0x4, v3  }
0x4eb: {  	v9 =	vor.u32 $0x5, v3;
	s2 =	sadd.s32 $0x10, s2;
	v8 =	vld.idx.msk [tilespmem:v3+s18+$0x0], $0xffff  }
0x4ec: {  	v11 =	vor.u32 $0x6, v3;
	s12 =	sadd.s32 $0x10, s12;
	v10 =	vld [tilespmem:s2+$0x0]  }
0x4ed: {  	v12 =	vld [tilespmem:s12+$0x0]  }
0x4ee: {  	v5 =	vld.idx.msk [tilespmem:v5+s18+$0x0], $0xffff  }
0x4ef: {  	v3 =	vmov s15;
	v7 =	vld.idx.msk [tilespmem:v7+s18+$0x0], $0xffff  }
0x4f0: {  	v3 =	vshll.u32 v3, $0x3;
	v9 =	vld.idx.msk [tilespmem:v9+s18+$0x0], $0xffff  }
0x4f1: {  	v3 =	vor.u32 v2, v3;
	vm0 =	vlt.f32 v8, v10;
	v8 =	vld.idx.msk [tilespmem:v11+s18+$0x0], $0xffff  }
0x4f2: {  	v11 =	vsel vm0, $0x1, v1;
	vm0 =	vlt.f32 v6, v10;
	v6 =	vshll.u32 v12, $0x3  }
0x4f3: {  	v12 =	vsel vm0, $0x1, v1;
	vm0 =	vlt.f32 v4, v10;
	v4 =	vor.u32 v11, v6  }
.Ltmp14:
0x4f4: {  	v6 =	vsel vm0, $0x1, v1;
	vm0 =	vlt.f32 v5, v10;
	v4 =	vadd.s32 v12, v4;
	(pc) =	sbr.rel @p0 .LBB2_31-.Ltmp14, $4  }
0x4f5: {  	v5 =	vsel vm0, $0x1, v1;
	vm0 =	vlt.f32 v7, v10;
	v4 =	vadd.s32 v6, v4  }
0x4f6: {  	v6 =	vsel vm0, $0x1, v1;
	vm0 =	vlt.f32 v9, v10;
	v4 =	vadd.s32 v5, v4  }
0x4f7: {  	v7 =	vsel vm0, $0x1, v1;
	vm0 =	vlt.f32 v8, v10;
	v6 =	vadd.s32 v6, v4  }
0x4f8: {  	s15 =	sadd.s32 $0x10, s15;
	v4 =	vor.u32 $0x2, v3;
	v5 =	vsel vm0, $0x1, v1;
	v6 =	vadd.s32 v7, v6  }
0x4f9: {  	v7 =	vor.u32 $0x1, v3;
	v5 =	vadd.s32 v5, v6  }
0x4fa: {  	vm0 =	vlt.s32 v5, $0x7FFFF  }
0x4fb: {  	s13 =	sadd.s32 $0x10, s13;
	v5 =	vnsel vm0, $0x7FFFF, v5  }
0x4fc: {  	[tilespmem:s13+$0x0] =	vst v5  }
0x4fd: {  	v5 =	vor.u32 $0x3, v3;
	v8 =	vld.idx.msk [tilespmem:v3+s18+$0x0], $0xffff  }
0x4fe: {  	s2 =	sadd.s32 $0x10, s2;
	v6 =	vld.idx.msk [tilespmem:v7+s18+$0x0], $0xffff;
	v7 =	vor.u32 $0x4, v3  }
0x4ff: {  	v9 =	vor.u32 $0x5, v3;
	s15 =	sadd.s32 $0x10, s12;
	v10 =	vld [tilespmem:s2+$0x0]  }
0x500: {  	v11 =	vld [tilespmem:s15+$0x0];
	v3 =	vor.u32 $0x6, v3  }
0x501: {  	v4 =	vld.idx.msk [tilespmem:v4+s18+$0x0], $0xffff  }
0x502: {  	v5 =	vld.idx.msk [tilespmem:v5+s18+$0x0], $0xffff  }
0x503: {  	v7 =	vld.idx.msk [tilespmem:v7+s18+$0x0], $0xffff  }
0x504: {  	v9 =	vld.idx.msk [tilespmem:v9+s18+$0x0], $0xffff;
	vm5 =	vlt.f32 v8, v10  }
0x505: {  	v3 =	vld.idx.msk [tilespmem:v3+s18+$0x0], $0xffff;
	v8 =	vsel vm5, $0x1, v1;
	vm6 =	vlt.f32 v6, v10;
	v6 =	vshll.u32 v11, $0x3  }
0x506: {  	vm7 =	vlt.f32 v4, v10;
	v52 =	vsel vm6, $0x1, v1;
	v4 =	vor.u32 v8, v6  }
0x507: {  	v6 =	vsel vm7, $0x1, v1;
	v4 =	vadd.s32 v52, v4;
	vm8 =	vlt.f32 v5, v10  }
0x508: {  	v4 =	vadd.s32 v6, v4;
	v5 =	vsel vm8, $0x1, v1;
	vm9 =	vlt.f32 v7, v10  }
0x509: {  	vm10 =	vlt.f32 v9, v10;
	v4 =	vadd.s32 v5, v4;
	v6 =	vsel vm9, $0x1, v1  }
0x50a: {  	v5 =	vsel vm10, $0x1, v1;
	vm11 =	vlt.f32 v3, v10;
	v3 =	vadd.s32 v6, v4  }
0x50b: {  	s12 =	simm.s32 $0x180;
	v4 =	vsel vm11, $0x1, v1;
	v3 =	vadd.s32 v5, v3  }
0x50c: {  	v3 =	vadd.s32 v4, v3;
	v4 =	vmov s12  }
0x50d: {  	vm12 =	vlt.s32 v3, $0x7FFFF;
	v4 =	vshll.u32 v4, $0x3  }
0x50e: {  	s13 =	sadd.s32 $0x10, s13;
	v3 =	vnsel vm12, $0x7FFFF, v3;
	v4 =	vor.u32 v2, v4  }
0x50f: {  	s15 =	simm.s32 $0x13000;
	[tilespmem:s13+$0x0] =	vst v3;
	v3 =	vor.u32 $0x1, v4  }
0x510: {  	[tilespmem:s15], [sflag:$0x4] =	stream.indirect.gather [hbm4b:s4+s16], $0x8, s31, s16, $0xb8;
	[tilespmem:$0x13800] =	vst v63  }
0x511: {  	_ =	swait.ge [sflag:s25], $0x400  }
0x512: {  	[sflag:s25] =	ssyncset.done $0x0  }
0x513: {  	v5 =	vor.u32 $0x2, v4;
	[sflag:s25] =	ssyncadd.s32 $0xFFFFFC00  }
0x514: {  	v6 =	vor.u32 $0x3, v4;
	v3 =	vld.idx.msk [tilespmem:v3+s18+$0x0], $0xffff  }
0x515: {  	s12 =	simm.s32 $0x10380;
	v7 =	vor.u32 $0x4, v4;
	v8 =	vld.idx.msk [tilespmem:v4+s18+$0x0], $0xffff  }
0x516: {  	s13 =	simm.s32 $0x10580;
	v53 =	vor.u32 $0x5, v4;
	v54 =	vld [tilespmem:s12+$0x0]  }
0x517: {  	v4 =	vor.u32 $0x6, v4;
	v55 =	vld [tilespmem:s13+$0x0]  }
0x518: {  	s15 =	simm.s32 $0x190;
	v5 =	vld.idx.msk [tilespmem:v5+s18+$0x0], $0xffff  }
0x519: {  	v12 =	vmov s15;
	v6 =	vld.idx.msk [tilespmem:v6+s18+$0x0], $0xffff  }
0x51a: {  	v12 =	vshll.u32 v12, $0x3;
	v7 =	vld.idx.msk [tilespmem:v7+s18+$0x0], $0xffff  }
0x51b: {  	v12 =	vor.u32 v2, v12;
	v9 =	vld.idx.msk [tilespmem:v53+s18+$0x0], $0xffff;
	vm13 =	vlt.f32 v8, v54  }
0x51c: {  	v4 =	vld.idx.msk [tilespmem:v4+s18+$0x0], $0xffff;
	vm14 =	vlt.f32 v3, v54;
	v3 =	vshll.u32 v55, $0x3;
	v8 =	vsel vm13, $0x1, v1  }
0x51d: {  	vm15 =	vlt.f32 v5, v54;
	v56 =	vsel vm14, $0x1, v1;
	v3 =	vor.u32 v8, v3  }
0x51e: {  	vm4 =	vlt.f32 v6, v54;
	v5 =	vsel vm15, $0x1, v1;
	v3 =	vadd.s32 v56, v3  }
0x51f: {  	vm5 =	vlt.f32 v7, v54;
	v6 =	vsel vm4, $0x1, v1;
	v3 =	vadd.s32 v5, v3  }
0x520: {  	vm6 =	vlt.f32 v9, v54;
	v5 =	vsel vm5, $0x1, v1;
	v3 =	vadd.s32 v6, v3  }
0x521: {  	v6 =	vsel vm6, $0x1, v1;
	vm7 =	vlt.f32 v4, v54;
	v3 =	vadd.s32 v5, v3  }
0x522: {  	v4 =	vsel vm7, $0x1, v1;
	v5 =	vor.u32 $0x1, v12;
	v3 =	vadd.s32 v6, v3  }
0x523: {  	v3 =	vadd.s32 v4, v3  }
0x524: {  	vm8 =	vlt.s32 v3, $0x7FFFF  }
0x525: {  	s13 =	simm.s32 $0x11780;
	v3 =	vnsel vm8, $0x7FFFF, v3  }
0x526: {  	v6 =	vor.u32 $0x4, v12;
	[tilespmem:s13+$0x0] =	vst v3  }
0x527: {  	v4 =	vor.u32 $0x2, v12;
	v5 =	vld.idx.msk [tilespmem:v5+s18+$0x0], $0xffff  }
0x528: {  	s2 =	simm.s32 $0x10390;
	v3 =	vor.u32 $0x3, v12;
	v7 =	vld.idx.msk [tilespmem:v12+s18+$0x0], $0xffff  }
0x529: {  	s12 =	simm.s32 $0x10590;
	v8 =	vor.u32 $0x5, v12;
	v57 =	vld [tilespmem:s2+$0x0]  }
0x52a: {  	v59 =	vld [tilespmem:s12+$0x0]  }
0x52b: {  	v58 =	vor.u32 $0x6, v12;
	v6 =	vld.idx.msk [tilespmem:v6+s18+$0x0], $0xffff  }
0x52c: {  	v4 =	vld.idx.msk [tilespmem:v4+s18+$0x0], $0xffff  }
0x52d: {  	s15 =	simm.s32 $0x1A0;
	v60 =	vld.idx.msk [tilespmem:v3+s18+$0x0], $0xffff  }
0x52e: {  	v8 =	vld.idx.msk [tilespmem:v8+s18+$0x0], $0xffff;
	v3 =	vmov s15  }
0x52f: {  	v3 =	vshll.u32 v3, $0x3;
	vm9 =	vlt.f32 v7, v57;
	vm10 =	vlt.f32 v5, v57  }
0x530: {  	v7 =	vld.idx.msk [tilespmem:v58+s18+$0x0], $0xffff;
	v5 =	vshll.u32 v59, $0x3;
	vm13 =	vlt.f32 v6, v57;
	v61 =	vsel vm9, $0x1, v1  }
0x531: {  	v62 =	vsel vm10, $0x1, v1;
	vm11 =	vlt.f32 v4, v57;
	v4 =	vor.u32 v61, v5  }
0x532: {  	v5 =	vsel vm11, $0x1, v1;
	v4 =	vadd.s32 v62, v4;
	vm12 =	vlt.f32 v60, v57  }
0x533: {  	vm14 =	vlt.f32 v8, v57;
	v4 =	vadd.s32 v5, v4;
	v63 =	vsel vm12, $0x1, v1  }
0x534: {  	v3 =	vor.u32 v2, v3;
	v5 =	vsel vm13, $0x1, v1;
	v4 =	vadd.s32 v63, v4  }
0x535: {  	v6 =	vsel vm14, $0x1, v1;
	vm15 =	vlt.f32 v7, v57;
	v7 =	vadd.s32 v5, v4  }
0x536: {  	s15 =	simm.s32 $0x1B0;
	v4 =	vor.u32 $0x2, v3;
	v5 =	vsel vm15, $0x1, v1;
	v6 =	vadd.s32 v6, v7  }
.LBB2_33:
0x537: {  	p0 =	sne.s32 s15, $0x1F0;
	v7 =	vor.u32 $0x1, v3;
	v5 =	vadd.s32 v5, v6  }
0x538: {  	vm0 =	vlt.s32 v5, $0x7FFFF  }
0x539: {  	s13 =	sadd.s32 $0x10, s13;
	v5 =	vnsel vm0, $0x7FFFF, v5  }
0x53a: {  	[tilespmem:s13+$0x0] =	vst v5  }
0x53b: {  	v5 =	vor.u32 $0x3, v3;
	v4 =	vld.idx.msk [tilespmem:v4+s18+$0x0], $0xffff  }
0x53c: {  	v6 =	vld.idx.msk [tilespmem:v7+s18+$0x0], $0xffff;
	v7 =	vor.u32 $0x4, v3  }
0x53d: {  	v9 =	vor.u32 $0x5, v3;
	s2 =	sadd.s32 $0x10, s2;
	v8 =	vld.idx.msk [tilespmem:v3+s18+$0x0], $0xffff  }
0x53e: {  	v11 =	vor.u32 $0x6, v3;
	s12 =	sadd.s32 $0x10, s12;
	v10 =	vld [tilespmem:s2+$0x0]  }
0x53f: {  	v12 =	vld [tilespmem:s12+$0x0]  }
0x540: {  	v5 =	vld.idx.msk [tilespmem:v5+s18+$0x0], $0xffff  }
0x541: {  	v3 =	vmov s15;
	v7 =	vld.idx.msk [tilespmem:v7+s18+$0x0], $0xffff  }
0x542: {  	v3 =	vshll.u32 v3, $0x3;
	v9 =	vld.idx.msk [tilespmem:v9+s18+$0x0], $0xffff  }
0x543: {  	v3 =	vor.u32 v2, v3;
	vm0 =	vlt.f32 v8, v10;
	v8 =	vld.idx.msk [tilespmem:v11+s18+$0x0], $0xffff  }
0x544: {  	v11 =	vsel vm0, $0x1, v1;
	vm0 =	vlt.f32 v6, v10;
	v6 =	vshll.u32 v12, $0x3  }
0x545: {  	v12 =	vsel vm0, $0x1, v1;
	vm0 =	vlt.f32 v4, v10;
	v4 =	vor.u32 v11, v6  }
.Ltmp15:
0x546: {  	v6 =	vsel vm0, $0x1, v1;
	vm0 =	vlt.f32 v5, v10;
	v4 =	vadd.s32 v12, v4;
	(pc) =	sbr.rel @p0 .LBB2_33-.Ltmp15, $4  }
0x547: {  	v5 =	vsel vm0, $0x1, v1;
	vm0 =	vlt.f32 v7, v10;
	v4 =	vadd.s32 v6, v4  }
0x548: {  	v6 =	vsel vm0, $0x1, v1;
	vm0 =	vlt.f32 v9, v10;
	v4 =	vadd.s32 v5, v4  }
0x549: {  	v7 =	vsel vm0, $0x1, v1;
	vm0 =	vlt.f32 v8, v10;
	v6 =	vadd.s32 v6, v4  }
0x54a: {  	s15 =	sadd.s32 $0x10, s15;
	v4 =	vor.u32 $0x2, v3;
	v5 =	vsel vm0, $0x1, v1;
	v6 =	vadd.s32 v7, v6  }
0x54b: {  	v5 =	vadd.s32 v5, v6  }
0x54c: {  	vm0 =	vlt.s32 v5, $0x7FFFF  }
0x54d: {  	v7 =	vor.u32 $0x1, v3;
	s13 =	sadd.s32 $0x10, s13;
	v5 =	vnsel vm0, $0x7FFFF, v5  }
0x54e: {  	[tilespmem:s13+$0x0] =	vst v5  }
0x54f: {  	v54 =	vor.u32 $0x3, v3;
	s2 =	sadd.s32 $0x10, s2;
	v8 =	vld.idx.msk [tilespmem:v3+s18+$0x0], $0xffff  }
0x550: {  	v56 =	vor.u32 $0x4, v3;
	s12 =	sadd.s32 $0x10, s12;
	v10 =	vld [tilespmem:s2+$0x0]  }
0x551: {  	v9 =	vor.u32 $0x5, v3;
	v11 =	vld [tilespmem:s12+$0x0]  }
0x552: {  	v3 =	vor.u32 $0x6, v3;
	v55 =	vld.idx.msk [tilespmem:v7+s18+$0x0], $0xffff  }
0x553: {  	v4 =	vld.idx.msk [tilespmem:v4+s18+$0x0], $0xffff  }
0x554: {  	v5 =	vld.idx.msk [tilespmem:v54+s18+$0x0], $0xffff  }
0x555: {  	v7 =	vld.idx.msk [tilespmem:v56+s18+$0x0], $0xffff  }
0x556: {  	v9 =	vld.idx.msk [tilespmem:v9+s18+$0x0], $0xffff;
	vm8 =	vlt.f32 v8, v10  }
0x557: {  	v3 =	vld.idx.msk [tilespmem:v3+s18+$0x0], $0xffff;
	v57 =	vshll.u32 v11, $0x3;
	v8 =	vsel vm8, $0x1, v1;
	vm9 =	vlt.f32 v55, v10  }
0x558: {  	vm10 =	vlt.f32 v4, v10;
	v58 =	vsel vm9, $0x1, v1;
	v59 =	vor.u32 v8, v57  }
0x559: {  	v60 =	vsel vm10, $0x1, v1;
	vm11 =	vlt.f32 v5, v10;
	v4 =	vadd.s32 v58, v59  }
0x55a: {  	vm12 =	vlt.f32 v7, v10;
	v5 =	vsel vm11, $0x1, v1;
	v4 =	vadd.s32 v60, v4  }
0x55b: {  	vm13 =	vlt.f32 v9, v10;
	v61 =	vsel vm12, $0x1, v1;
	v4 =	vadd.s32 v5, v4  }
0x55c: {  	v62 =	vsel vm13, $0x1, v1;
	vm14 =	vlt.f32 v3, v10;
	v3 =	vadd.s32 v61, v4  }
0x55d: {  	v63 =	vsel vm14, $0x1, v1;
	v3 =	vadd.s32 v62, v3  }
0x55e: {  	v3 =	vadd.s32 v63, v3  }
0x55f: {  	vm15 =	vlt.s32 v3, $0x7FFFF  }
0x560: {  	s13 =	sadd.s32 $0x10, s13;
	v3 =	vnsel vm15, $0x7FFFF, v3  }
0x561: {  	s15 =	simm.s32 $0x13400;
	[tilespmem:s13+$0x0] =	vst v3  }
0x562: {  	[tilespmem:s15], [sflag:$0x4] =	stream.indirect.gather [hbm4b:s4+s16], $0x8, s3, s16, $0xb8;
	[tilespmem:$0x13800] =	vst v63  }
0x563: {  	_ =	swait.ge [sflag:s8], $0x400  }
0x564: {  	[sflag:s8] =	ssyncset.done $0x0  }
0x565: {  	[sflag:s8] =	ssyncadd.s32 $0xFFFFFC00  }
0x566: {  	_ =	swait.ge [sflag:s8], $0x400  }
0x567: {  	[sflag:s8] =	ssyncset.done $0x0  }
0x568: {  	[sflag:s8] =	ssyncadd.s32 $0xFFFFFC00  }
0x569: {  	s30 =	sadd.s32 $0x1, s30;
	_ =	swait.ge [sflag:s8], $0x400  }
0x56a: {  	p0 =	sne.s32 s30, $0x10;
	[sflag:s8] =	ssyncset.done $0x0  }
.Ltmp16:
0x56b: {  	[sflag:s8] =	ssyncadd.s32 $0xFFFFFC00;
	(pc) =	sbr.rel @p0 .LBB2_2-.Ltmp16, $4  }
0x56c: {  	_ =	swait.ge [sflag:s8], $0x400  }
0x56d: {  	[sflag:s8] =	ssyncset.done $0x0  }
0x56e: {  	s0 =	sadd.s32 s1, s0;
	[sflag:s8] =	ssyncadd.s32 $0xFFFFFC00  }
0x56f: {  	[hbm4b:s0+s5] =	stream.linear.scatter [tilespmem:s11], [sflag:$0x6], $0x1000, $0x38;
	[tilespmem:$0x13800] =	vst v63  }
0x570: {  	s0 =	simm.s32 $0x5  }
0x571: {  	_ =	swait.ge [sflag:s0], $0x1000  }
0x572: {  	[sflag:s0] =	ssyncset.done $0x0  }
0x573: {  	s2 =	simm.s32 $0x6;
	[sflag:s0] =	ssyncadd.s32 $0xFFFFF000  }
0x574: {  	_ =	swait.ge [sflag:s2], $0x1000  }
0x575: {  	s12 =	rddreg [dreg:$0x7]  }
0x576: {  	s30 =	rddreg [dreg:$0x6];
	s12 =	sadd.s32 $0x1, s12  }
0x577: {  	p0 =	sne.s32 s12, s30  }
.Ltmp17:
0x578: {  	_ = 	snop;
	(pc) =	sbr.rel @p0 .LBB2_1-.Ltmp17, $3  }
0x579: {  	_ =	sdelay $0x1  }
0x57a: {  	[sflag:s2] =	ssyncset.done $0x0  }
0x57b: {  	[sflag:s2] =	ssyncadd.s32 $0xFFFFF000  }
0x57c: {  	_ =	sfence.sel $0x180000  }
0x57d: {  	[bflag:$0x0] =	sbarrier.arrive $0xFFFF  }
0x57e: {  	_ =	strace $0x90000047  }
0x57f: {  	s0 =	stileid.u32;
	[bflag:$0x2] =	sbarrier.arrive $0xFFFF  }
0x580: {  	p0 =	sne.s32 s0, $0x0;
	s0 =	rddreg [dreg:$0x3]  }
0x581: {  	s0 =	sadd.s32 @!p0 $0x100000, s0  }
0x582: {  	[sflag:s0] =	ssyncadd.tile.s32 @!p0 $0x1;
	_ =	shalt  }
.Lfunc_end2:
_tile_overlayer_lowered:
.L_overlay_start_2:
0x583: {  	(tag) =	ssettag $0x2  }
0x584: {  	s0 =	rddreg [dreg:$0x0];
	s2 =	stileid.u32  }
0x585: {  	s1 =	rddreg [dreg:$0x1];
	p0 =	sne.s32 s2, $0x0  }
0x586: {  	s3 =	rddreg [dreg:$0x2];
	[bflag:$0x3] =	sbarrier.arrive $0xFFFF;
	s2 =	simm.s32 @!p0 $0x1C07  }
0x587: {  	[timem:s3], [sflag:s2] =	dma.local @!p0 [hbm:s0], s1  }
0x588: {  	s0 =	simm.s32 @!p0 $0x7  }
0x589: {  	_ =	swait.ge @!p0 [sflag:s0], s1  }
0x58a: {  	s1 =	ssub.s32 @!p0 $0x0, s1;
	[sflag:s0] =	ssyncset.done @!p0 $0x0  }
0x58b: {  	[sflag:s0] =	ssyncadd.s32 @!p0 s1  }
0x58c: {  	[bflag:$0x3] =	sbarrier.arrive $0xFFFF  }
0x58d: {  	_ =	shalt  }

</sc_bundles>
